<compile_context>
chip_gen: v7x
topology: tpu7x:2x2x1
jax: 0.10.2.dev20260603
libtpu: 0.0.44.dev20260713+nightly
codegen_flags: <defaults>
</compile_context>

<pallas_src>
import functools

import jax
import jax.numpy as jnp
from jax import lax
from jax.experimental import pallas as pl
from jax.experimental.pallas import tpu as pltpu
from jax.experimental.pallas import tpu_sc as plsc

N = 10000
NPAD = 10112
E = 320000
NW = 32
BLK = 128
NBUF = 8
EPW = 10240
EPAD = NW * EPW
TBLK = EPAD // BLK
NBLK_W = TBLK // 16
ROWS_PT = NPAD // 16

_mesh = plsc.VectorSubcoreMesh(core_axis_name="c", subcore_axis_name="s")



@functools.partial(
    pl.kernel,
    out_type=jax.ShapeDtypeStruct((NW, NPAD), jnp.float32),
    mesh=_mesh,
    scratch_types=[
        pltpu.VMEM((EPW // 16, 16), jnp.int32),
        pltpu.VMEM((NPAD,), jnp.float32),
    ],
    compiler_params=pltpu.CompilerParams(needs_layout_passes=False),
)
def _deg_kernel(dst_hbm, deg_out, dst_v, deg_v):
    cid = lax.axis_index("c")
    sid = lax.axis_index("s")
    wid = sid * 2 + cid
    pltpu.sync_copy(dst_hbm.at[wid], dst_v)
    zeros = jnp.zeros((16,), jnp.float32)

    def zbody(i, carry):
        deg_v[pl.ds(i * 16, 16)] = zeros
        return carry

    lax.fori_loop(0, NPAD // 16, zbody, 0)
    ones = jnp.ones((16,), jnp.float32)

    def body(j, carry):
        plsc.addupdate_scatter(deg_v, [dst_v[j]], ones)
        return carry

    lax.fori_loop(0, EPW // 16, body, 0)
    pltpu.sync_copy(deg_v, deg_out.at[wid])


def _make_agg(f):

    nblk_w = TBLK // NW

    @functools.partial(
        pl.kernel,
        out_type=jax.ShapeDtypeStruct((2, NPAD, f), jnp.float32),
        mesh=_mesh,
        scratch_types=[
            pltpu.VMEM((TBLK // NW, BLK), jnp.int32),
            pltpu.VMEM((TBLK // NW, BLK), jnp.int32),
            [pltpu.VMEM((BLK, f), jnp.float32) for _ in range(NBUF)],
            pltpu.VMEM_SHARED((NPAD, f), jnp.float32),
            pltpu.VMEM_SHARED((NPAD, f), jnp.float32),
            [pltpu.SemaphoreType.DMA for _ in range(NBUF)],
        ],
        compiler_params=pltpu.CompilerParams(
            needs_layout_passes=False, use_tc_tiling_on_sc=False
        ),
    )
    def _agg(src_hbm, dst_hbm, ms_hbm, out_hbm, src_v, dst_v, bufs, tbl_sh, acc_sh, sems):
        cid = lax.axis_index("c")
        sid = lax.axis_index("s")
        base = (sid * 2 + cid) * nblk_w
        pltpu.sync_copy(src_hbm.at[pl.ds(base, nblk_w)], src_v)
        pltpu.sync_copy(dst_hbm.at[pl.ds(base, nblk_w)], dst_v)
        r0 = sid * ROWS_PT
        pltpu.sync_copy(ms_hbm.at[pl.ds(r0, ROWS_PT)], tbl_sh.at[pl.ds(r0, ROWS_PT)])
        pltpu.sync_copy(ms_hbm.at[pl.ds(r0, ROWS_PT)], acc_sh.at[pl.ds(r0, ROWS_PT)])
        plsc.subcore_barrier()

        for b in range(NBUF):
            pltpu.async_copy(tbl_sh.at[src_v.at[b]], bufs[b], sems[b])

        def body(r, carry):
            for b in range(NBUF):
                j = r * NBUF + b
                pltpu.make_async_copy(tbl_sh.at[src_v.at[j]], bufs[b], sems[b]).wait()
                pltpu.sync_copy(bufs[b], acc_sh.at[dst_v.at[j]], add=True)
                pltpu.async_copy(tbl_sh.at[src_v.at[j + NBUF]], bufs[b], sems[b])
            return carry

        lax.fori_loop(0, nblk_w // NBUF - 1, body, 0)
        for b in range(NBUF):
            j = nblk_w - NBUF + b
            pltpu.make_async_copy(tbl_sh.at[src_v.at[j]], bufs[b], sems[b]).wait()
            pltpu.sync_copy(bufs[b], acc_sh.at[dst_v.at[j]], add=True)

        plsc.subcore_barrier()
        pltpu.sync_copy(acc_sh.at[pl.ds(r0, ROWS_PT)], out_hbm.at[cid, pl.ds(r0, ROWS_PT)])

    return _agg


_agg16 = _make_agg(16)



def _tc1_body(degp_ref, x_ref, w1_ref, dinv_ref, ms1_ref):
    deg = jnp.sum(degp_ref[...], axis=1, keepdims=True) + 1.0
    dinv = lax.rsqrt(deg)
    row = lax.broadcasted_iota(jnp.int32, (NPAD, 1), 0)
    dinv = jnp.where(row < N, dinv, 0.0)
    dinv_ref[...] = dinv
    h = jnp.dot(x_ref[...], w1_ref[...], preferred_element_type=jnp.float32)
    ms1_ref[...] = h * dinv


_tc1 = pl.pallas_call(
    _tc1_body,
    out_shape=[
        jax.ShapeDtypeStruct((NPAD, 1), jnp.float32),
        jax.ShapeDtypeStruct((NPAD, 16), jnp.float32),
    ],
)


def _tcmid_body(parts_ref, ms_ref, dinv_ref, b_ref, w_ref, out_ref):
    dinv = dinv_ref[...]
    agg = parts_ref[0] + parts_ref[1] - ms_ref[...]
    o = agg * dinv + b_ref[...]
    h = jnp.maximum(o, 0.0)
    out_ref[...] = jnp.dot(h, w_ref[...], preferred_element_type=jnp.float32) * dinv


def _make_tcmid(fout):
    return pl.pallas_call(
        _tcmid_body,
        out_shape=jax.ShapeDtypeStruct((NPAD, fout), jnp.float32),
    )


_tcmid16 = _make_tcmid(16)


def _tc4_body(parts_ref, ms_ref, dinv_ref, b_ref, out_ref):
    agg = parts_ref[0] + parts_ref[1] - ms_ref[...]
    out_ref[...] = agg * dinv_ref[...] + b_ref[...]


_tc4 = pl.pallas_call(
    _tc4_body,
    out_shape=jax.ShapeDtypeStruct((NPAD, 16), jnp.float32),
)


def _padw(w, b):
    wp = jnp.zeros((16, 16), jnp.float32).at[: w.shape[0], : w.shape[1]].set(w)
    bp = jnp.zeros((1, 16), jnp.float32).at[0, : b.shape[0]].set(b)
    return wp, bp



def kernel(x, edge_index, W1, b1, W2, b2, W3, b3):
    ei = edge_index.astype(jnp.int32)
    npad_e = EPAD - E
    src_p = jnp.concatenate([ei[0], jnp.zeros((npad_e,), jnp.int32)])
    dst_p = jnp.concatenate(
        [ei[1], N + (jnp.arange(npad_e, dtype=jnp.int32) % (NPAD - N))]
    )
    src_blocks = src_p.reshape(TBLK, BLK)
    dst_blocks = dst_p.reshape(TBLK, BLK)
    dst_deg = dst_p.reshape(NW, EPW // 16, 16)
    x_pad = jnp.pad(x, ((0, NPAD - N), (0, 0)))
    W2p, b1p = _padw(W2, b1)
    W3p, b2p = _padw(W3, b2)
    b3p = jnp.zeros((1, 16), jnp.float32).at[0, : b3.shape[0]].set(b3)

    deg_parts = _deg_kernel(dst_deg)
    dinv, ms1 = _tc1(deg_parts.T, x_pad, W1)
    parts1 = _agg16(src_blocks, dst_blocks, ms1)
    ms2 = _tcmid16(parts1, ms1, dinv, b1p, W2p)
    parts2 = _agg16(src_blocks, dst_blocks, ms2)
    ms3 = _tcmid16(parts2, ms2, dinv, b2p, W3p)
    parts3 = _agg16(src_blocks, dst_blocks, ms3)
    out = _tc4(parts3, ms3, dinv, b3p)
    return out[:N, :4]

# --- scband reference (transcript-rebuilt; emitter-appended) ---
"""Pipeline reference for scband-gnnmodel-41618233099000 (READ-ONLY COPY).

The authoritative reference and input builder live on the scoring server;
editing this copy changes nothing except your own understanding.
"""

import jax, jax.numpy as jnp
import numpy as np

N_NODES = 10000


def _glorot(key, shape):
    fan_in, fan_out = shape
    limit = np.sqrt(6.0 / (fan_in + fan_out))
    return jax.random.uniform(key, shape, dtype=jnp.float32, minval=-limit, maxval=limit)


def setup_inputs(seed: int = 0) -> dict:
    key = jax.random.key(seed)
    kx, ke, k1, k2, k3 = jax.random.split(key, 5)
    x = jax.random.normal(kx, (N_NODES, 128), dtype=jnp.float32)
    edge_index = jax.random.randint(ke, (2, 320000), 0, N_NODES, dtype=jnp.int64)
    W1 = _glorot(k1, (128, 16)); b1 = jnp.zeros((16,), dtype=jnp.float32)
    W2 = _glorot(k2, (16, 8)); b2 = jnp.zeros((8,), dtype=jnp.float32)
    W3 = _glorot(k3, (8, 4)); b3 = jnp.zeros((4,), dtype=jnp.float32)
    return {"x": x, "edge_index": edge_index, "W1": W1, "b1": b1, "W2": W2, "b2": b2, "W3": W3, "b3": b3}


def _gcn_conv(x, src, dst, W, b, n_nodes):
    # GCNConv: x' = D^-1/2 (A + I) D^-1/2 (x W) + b, self-loops already in src/dst
    h = x @ W
    ones = jnp.ones(src.shape[0], dtype=x.dtype)
    deg = jax.ops.segment_sum(ones, dst, num_segments=n_nodes)
    deg_inv_sqrt = jnp.where(deg > 0, 1.0 / jnp.sqrt(deg), 0.0)
    norm = deg_inv_sqrt[src] * deg_inv_sqrt[dst]
    msg = h[src] * norm[:, None]
    out = jax.ops.segment_sum(msg, dst, num_segments=n_nodes)
    return out + b


def reference(x, edge_index, W1, b1, W2, b2, W3, b3):
    n_nodes = x.shape[0]
    loop = jnp.arange(n_nodes, dtype=edge_index.dtype)
    src = jnp.concatenate([edge_index[0], loop])
    dst = jnp.concatenate([edge_index[1], loop])
    h = _gcn_conv(x, src, dst, W1, b1, n_nodes)
    h = jax.nn.relu(h)
    h = _gcn_conv(h, src, dst, W2, b2, n_nodes)
    h = jax.nn.relu(h)
    h = _gcn_conv(h, src, dst, W3, b3, n_nodes)
    return h

if __name__ == "__main__":
    import jax
    _d = setup_inputs()
    print(jax.jit(kernel)(*tuple(_d.values())))

</pallas_src>

<mosaic_0001>
#map = affine_map<(d0, d1) -> (0, 0)>
#map1 = affine_map<(d0, d1) -> (0, 0, 0)>
module attributes {stable_mosaic.version = 14 : i64} {
  func.func @_agg(%arg0: i32, %arg1: i32, %arg2: memref<2560x128xi32, #tpu.memory_space<hbm>>, %arg3: memref<2560x128xi32, #tpu.memory_space<hbm>>, %arg4: memref<10112x16xf32, #tpu.memory_space<hbm>>, %arg5: memref<2x10112x16xf32, #tpu.memory_space<hbm>>, %arg6: memref<80x128xi32, #tpu.memory_space<vmem>>, %arg7: memref<80x128xi32, #tpu.memory_space<vmem>>, %arg8: memref<128x16xf32, #tpu.memory_space<vmem>>, %arg9: memref<128x16xf32, #tpu.memory_space<vmem>>, %arg10: memref<128x16xf32, #tpu.memory_space<vmem>>, %arg11: memref<128x16xf32, #tpu.memory_space<vmem>>, %arg12: memref<128x16xf32, #tpu.memory_space<vmem>>, %arg13: memref<128x16xf32, #tpu.memory_space<vmem>>, %arg14: memref<128x16xf32, #tpu.memory_space<vmem>>, %arg15: memref<128x16xf32, #tpu.memory_space<vmem>>, %arg16: memref<10112x16xf32, #tpu.memory_space<vmem_shared>>, %arg17: memref<10112x16xf32, #tpu.memory_space<vmem_shared>>, %arg18: memref<!tpu.dma_semaphore, #tpu.memory_space<semaphore_mem>>, %arg19: memref<!tpu.dma_semaphore, #tpu.memory_space<semaphore_mem>>, %arg20: memref<!tpu.dma_semaphore, #tpu.memory_space<semaphore_mem>>, %arg21: memref<!tpu.dma_semaphore, #tpu.memory_space<semaphore_mem>>, %arg22: memref<!tpu.dma_semaphore, #tpu.memory_space<semaphore_mem>>, %arg23: memref<!tpu.dma_semaphore, #tpu.memory_space<semaphore_mem>>, %arg24: memref<!tpu.dma_semaphore, #tpu.memory_space<semaphore_mem>>, %arg25: memref<!tpu.dma_semaphore, #tpu.memory_space<semaphore_mem>>) attributes {dimension_semantics = [#tpu.dimension_semantics<core_parallel>, #tpu.dimension_semantics<subcore_parallel>], iteration_bounds = array<i64: 2, 16>, scalar_prefetch = 0 : i64, scratch_operands = 20 : i64, tpu.core_type = #tpu.core_type<sc_vector_subcore>, window_params = [{transform_indices = #map}, {transform_indices = #map}, {transform_indices = #map}, {transform_indices = #map1}]} {
    %mul3A = arith.constant 2 : i32
    %mul3A_0 = arith.muli %arg1, %mul3A : i32
    %add3A = arith.addi %mul3A_0, %arg0 : i32
    %mul3A_1 = arith.constant 80 : i32
    %mul3A_2 = arith.muli %add3A, %mul3A_1 : i32
    "tpu.region"() ({
      %run_scoped3A_128 = tpu.sem_alloc : memref<!tpu.dma_semaphore, #tpu.memory_space<semaphore_mem>>
      %dma_start3A_129 = arith.constant 0 : i32
      %dma_start3A_130 = tpu.memref_slice %arg2[%mul3A_2, %dma_start3A_129] : memref<2560x128xi32, #tpu.memory_space<hbm>> -> memref<80x128xi32, #tpu.memory_space<hbm>>
      %dma_start3A_131 = arith.constant 0 : i32
      %dma_start3A_132 = tpu.memref_slice %arg2[%mul3A_2, %dma_start3A_131] : memref<2560x128xi32, #tpu.memory_space<hbm>> -> memref<80x128xi32, #tpu.memory_space<hbm>>
      tpu.enqueue_dma source(%dma_start3A_132 : memref<80x128xi32, #tpu.memory_space<hbm>>) target(%arg6 : memref<80x128xi32, #tpu.memory_space<vmem>>) target_semaphore(%run_scoped3A_128 : memref<!tpu.dma_semaphore, #tpu.memory_space<semaphore_mem>>)
      %dma_wait3A_133 = arith.constant 0 : i32
      %dma_wait3A_134 = tpu.memref_slice %arg2[%mul3A_2, %dma_wait3A_133] : memref<2560x128xi32, #tpu.memory_space<hbm>> -> memref<80x128xi32, #tpu.memory_space<hbm>>
      %dma_wait3A_135 = arith.constant 0 : i32
      %dma_wait3A_136 = tpu.memref_slice %arg2[%mul3A_2, %dma_wait3A_135] : memref<2560x128xi32, #tpu.memory_space<hbm>> -> memref<80x128xi32, #tpu.memory_space<hbm>>
      tpu.wait_dma2 semaphore(%run_scoped3A_128 : memref<!tpu.dma_semaphore, #tpu.memory_space<semaphore_mem>>) src(%dma_wait3A_136 : memref<80x128xi32, #tpu.memory_space<hbm>>) dst(%arg6 : memref<80x128xi32, #tpu.memory_space<vmem>>)
      tpu.yield
    }) : () -> ()
    "tpu.region"() ({
      %run_scoped3A_128 = tpu.sem_alloc : memref<!tpu.dma_semaphore, #tpu.memory_space<semaphore_mem>>
      %dma_start3A_129 = arith.constant 0 : i32
      %dma_start3A_130 = tpu.memref_slice %arg3[%mul3A_2, %dma_start3A_129] : memref<2560x128xi32, #tpu.memory_space<hbm>> -> memref<80x128xi32, #tpu.memory_space<hbm>>
      %dma_start3A_131 = arith.constant 0 : i32
      %dma_start3A_132 = tpu.memref_slice %arg3[%mul3A_2, %dma_start3A_131] : memref<2560x128xi32, #tpu.memory_space<hbm>> -> memref<80x128xi32, #tpu.memory_space<hbm>>
      tpu.enqueue_dma source(%dma_start3A_132 : memref<80x128xi32, #tpu.memory_space<hbm>>) target(%arg7 : memref<80x128xi32, #tpu.memory_space<vmem>>) target_semaphore(%run_scoped3A_128 : memref<!tpu.dma_semaphore, #tpu.memory_space<semaphore_mem>>)
      %dma_wait3A_133 = arith.constant 0 : i32
      %dma_wait3A_134 = tpu.memref_slice %arg3[%mul3A_2, %dma_wait3A_133] : memref<2560x128xi32, #tpu.memory_space<hbm>> -> memref<80x128xi32, #tpu.memory_space<hbm>>
      %dma_wait3A_135 = arith.constant 0 : i32
      %dma_wait3A_136 = tpu.memref_slice %arg3[%mul3A_2, %dma_wait3A_135] : memref<2560x128xi32, #tpu.memory_space<hbm>> -> memref<80x128xi32, #tpu.memory_space<hbm>>
      tpu.wait_dma2 semaphore(%run_scoped3A_128 : memref<!tpu.dma_semaphore, #tpu.memory_space<semaphore_mem>>) src(%dma_wait3A_136 : memref<80x128xi32, #tpu.memory_space<hbm>>) dst(%arg7 : memref<80x128xi32, #tpu.memory_space<vmem>>)
      tpu.yield
    }) : () -> ()
    %mul3A_3 = arith.constant 632 : i32
    %mul3A_4 = arith.muli %arg1, %mul3A_3 : i32
    "tpu.region"() ({
      %run_scoped3A_128 = tpu.sem_alloc : memref<!tpu.dma_semaphore, #tpu.memory_space<semaphore_mem>>
      %dma_start3A_129 = arith.constant 0 : i32
      %dma_start3A_130 = tpu.memref_slice %arg16[%mul3A_4, %dma_start3A_129] : memref<10112x16xf32, #tpu.memory_space<vmem_shared>> -> memref<632x16xf32, #tpu.memory_space<vmem_shared>>
      %dma_start3A_131 = arith.constant 0 : i32
      %dma_start3A_132 = tpu.memref_slice %arg4[%mul3A_4, %dma_start3A_131] : memref<10112x16xf32, #tpu.memory_space<hbm>> -> memref<632x16xf32, #tpu.memory_space<hbm>>
      tpu.enqueue_dma source(%dma_start3A_132 : memref<632x16xf32, #tpu.memory_space<hbm>>) target(%dma_start3A_130 : memref<632x16xf32, #tpu.memory_space<vmem_shared>>) target_semaphore(%run_scoped3A_128 : memref<!tpu.dma_semaphore, #tpu.memory_space<semaphore_mem>>)
      %dma_wait3A_133 = arith.constant 0 : i32
      %dma_wait3A_134 = tpu.memref_slice %arg16[%mul3A_4, %dma_wait3A_133] : memref<10112x16xf32, #tpu.memory_space<vmem_shared>> -> memref<632x16xf32, #tpu.memory_space<vmem_shared>>
      %dma_wait3A_135 = arith.constant 0 : i32
      %dma_wait3A_136 = tpu.memref_slice %arg4[%mul3A_4, %dma_wait3A_135] : memref<10112x16xf32, #tpu.memory_space<hbm>> -> memref<632x16xf32, #tpu.memory_space<hbm>>
      tpu.wait_dma2 semaphore(%run_scoped3A_128 : memref<!tpu.dma_semaphore, #tpu.memory_space<semaphore_mem>>) src(%dma_wait3A_136 : memref<632x16xf32, #tpu.memory_space<hbm>>) dst(%dma_wait3A_134 : memref<632x16xf32, #tpu.memory_space<vmem_shared>>)
      tpu.yield
    }) : () -> ()
    "tpu.region"() ({
      %run_scoped3A_128 = tpu.sem_alloc : memref<!tpu.dma_semaphore, #tpu.memory_space<semaphore_mem>>
      %dma_start3A_129 = arith.constant 0 : i32
      %dma_start3A_130 = tpu.memref_slice %arg17[%mul3A_4, %dma_start3A_129] : memref<10112x16xf32, #tpu.memory_space<vmem_shared>> -> memref<632x16xf32, #tpu.memory_space<vmem_shared>>
      %dma_start3A_131 = arith.constant 0 : i32
      %dma_start3A_132 = tpu.memref_slice %arg4[%mul3A_4, %dma_start3A_131] : memref<10112x16xf32, #tpu.memory_space<hbm>> -> memref<632x16xf32, #tpu.memory_space<hbm>>
      tpu.enqueue_dma source(%dma_start3A_132 : memref<632x16xf32, #tpu.memory_space<hbm>>) target(%dma_start3A_130 : memref<632x16xf32, #tpu.memory_space<vmem_shared>>) target_semaphore(%run_scoped3A_128 : memref<!tpu.dma_semaphore, #tpu.memory_space<semaphore_mem>>)
      %dma_wait3A_133 = arith.constant 0 : i32
      %dma_wait3A_134 = tpu.memref_slice %arg17[%mul3A_4, %dma_wait3A_133] : memref<10112x16xf32, #tpu.memory_space<vmem_shared>> -> memref<632x16xf32, #tpu.memory_space<vmem_shared>>
      %dma_wait3A_135 = arith.constant 0 : i32
      %dma_wait3A_136 = tpu.memref_slice %arg4[%mul3A_4, %dma_wait3A_135] : memref<10112x16xf32, #tpu.memory_space<hbm>> -> memref<632x16xf32, #tpu.memory_space<hbm>>
      tpu.wait_dma2 semaphore(%run_scoped3A_128 : memref<!tpu.dma_semaphore, #tpu.memory_space<semaphore_mem>>) src(%dma_wait3A_136 : memref<632x16xf32, #tpu.memory_space<hbm>>) dst(%dma_wait3A_134 : memref<632x16xf32, #tpu.memory_space<vmem_shared>>)
      tpu.yield
    }) : () -> ()
    %barrier3A = arith.constant 0 : index
    tpu.barrier barrier_id(%barrier3A)
    %dma_start3A = arith.constant 0 : i32
    %dma_start3A_5 = arith.constant 0 : i32
    %dma_start3A_6 = tpu.memref_slice %arg6[%dma_start3A, %dma_start3A_5] : memref<80x128xi32, #tpu.memory_space<vmem>> -> memref<1x128xi32, #tpu.memory_space<vmem>>
    %dma_start3A_7 = tpu.memref_squeeze %dma_start3A_6 : memref<1x128xi32, #tpu.memory_space<vmem>> -> memref<128xi32, #tpu.memory_space<vmem>>
    %dma_start3A_8 = arith.constant 0 : i32
    %dma_start3A_9 = arith.constant 0 : i32
    %dma_start3A_10 = tpu.memref_slice %arg16[%dma_start3A_8, %dma_start3A_9] : memref<10112x16xf32, #tpu.memory_space<vmem_shared>> -> memref<10112x16xf32, #tpu.memory_space<vmem_shared>>
    tpu.enqueue_indirect_dma source(%dma_start3A_10 : memref<10112x16xf32, #tpu.memory_space<vmem_shared>>) target(%arg8 : memref<128x16xf32, #tpu.memory_space<vmem>>) offsets(%dma_start3A_7 : memref<128xi32, #tpu.memory_space<vmem>>) semaphore(%arg18 : memref<!tpu.dma_semaphore, #tpu.memory_space<semaphore_mem>>)
    %dma_start3A_11 = arith.constant 1 : i32
    %dma_start3A_12 = arith.constant 0 : i32
    %dma_start3A_13 = tpu.memref_slice %arg6[%dma_start3A_11, %dma_start3A_12] : memref<80x128xi32, #tpu.memory_space<vmem>> -> memref<1x128xi32, #tpu.memory_space<vmem>>
    %dma_start3A_14 = tpu.memref_squeeze %dma_start3A_13 : memref<1x128xi32, #tpu.memory_space<vmem>> -> memref<128xi32, #tpu.memory_space<vmem>>
    %dma_start3A_15 = arith.constant 0 : i32
    %dma_start3A_16 = arith.constant 0 : i32
    %dma_start3A_17 = tpu.memref_slice %arg16[%dma_start3A_15, %dma_start3A_16] : memref<10112x16xf32, #tpu.memory_space<vmem_shared>> -> memref<10112x16xf32, #tpu.memory_space<vmem_shared>>
    tpu.enqueue_indirect_dma source(%dma_start3A_17 : memref<10112x16xf32, #tpu.memory_space<vmem_shared>>) target(%arg9 : memref<128x16xf32, #tpu.memory_space<vmem>>) offsets(%dma_start3A_14 : memref<128xi32, #tpu.memory_space<vmem>>) semaphore(%arg19 : memref<!tpu.dma_semaphore, #tpu.memory_space<semaphore_mem>>)
    %dma_start3A_18 = arith.constant 2 : i32
    %dma_start3A_19 = arith.constant 0 : i32
    %dma_start3A_20 = tpu.memref_slice %arg6[%dma_start3A_18, %dma_start3A_19] : memref<80x128xi32, #tpu.memory_space<vmem>> -> memref<1x128xi32, #tpu.memory_space<vmem>>
    %dma_start3A_21 = tpu.memref_squeeze %dma_start3A_20 : memref<1x128xi32, #tpu.memory_space<vmem>> -> memref<128xi32, #tpu.memory_space<vmem>>
    %dma_start3A_22 = arith.constant 0 : i32
    %dma_start3A_23 = arith.constant 0 : i32
    %dma_start3A_24 = tpu.memref_slice %arg16[%dma_start3A_22, %dma_start3A_23] : memref<10112x16xf32, #tpu.memory_space<vmem_shared>> -> memref<10112x16xf32, #tpu.memory_space<vmem_shared>>
    tpu.enqueue_indirect_dma source(%dma_start3A_24 : memref<10112x16xf32, #tpu.memory_space<vmem_shared>>) target(%arg10 : memref<128x16xf32, #tpu.memory_space<vmem>>) offsets(%dma_start3A_21 : memref<128xi32, #tpu.memory_space<vmem>>) semaphore(%arg20 : memref<!tpu.dma_semaphore, #tpu.memory_space<semaphore_mem>>)
    %dma_start3A_25 = arith.constant 3 : i32
    %dma_start3A_26 = arith.constant 0 : i32
    %dma_start3A_27 = tpu.memref_slice %arg6[%dma_start3A_25, %dma_start3A_26] : memref<80x128xi32, #tpu.memory_space<vmem>> -> memref<1x128xi32, #tpu.memory_space<vmem>>
    %dma_start3A_28 = tpu.memref_squeeze %dma_start3A_27 : memref<1x128xi32, #tpu.memory_space<vmem>> -> memref<128xi32, #tpu.memory_space<vmem>>
    %dma_start3A_29 = arith.constant 0 : i32
    %dma_start3A_30 = arith.constant 0 : i32
    %dma_start3A_31 = tpu.memref_slice %arg16[%dma_start3A_29, %dma_start3A_30] : memref<10112x16xf32, #tpu.memory_space<vmem_shared>> -> memref<10112x16xf32, #tpu.memory_space<vmem_shared>>
    tpu.enqueue_indirect_dma source(%dma_start3A_31 : memref<10112x16xf32, #tpu.memory_space<vmem_shared>>) target(%arg11 : memref<128x16xf32, #tpu.memory_space<vmem>>) offsets(%dma_start3A_28 : memref<128xi32, #tpu.memory_space<vmem>>) semaphore(%arg21 : memref<!tpu.dma_semaphore, #tpu.memory_space<semaphore_mem>>)
    %dma_start3A_32 = arith.constant 4 : i32
    %dma_start3A_33 = arith.constant 0 : i32
    %dma_start3A_34 = tpu.memref_slice %arg6[%dma_start3A_32, %dma_start3A_33] : memref<80x128xi32, #tpu.memory_space<vmem>> -> memref<1x128xi32, #tpu.memory_space<vmem>>
    %dma_start3A_35 = tpu.memref_squeeze %dma_start3A_34 : memref<1x128xi32, #tpu.memory_space<vmem>> -> memref<128xi32, #tpu.memory_space<vmem>>
    %dma_start3A_36 = arith.constant 0 : i32
    %dma_start3A_37 = arith.constant 0 : i32
    %dma_start3A_38 = tpu.memref_slice %arg16[%dma_start3A_36, %dma_start3A_37] : memref<10112x16xf32, #tpu.memory_space<vmem_shared>> -> memref<10112x16xf32, #tpu.memory_space<vmem_shared>>
    tpu.enqueue_indirect_dma source(%dma_start3A_38 : memref<10112x16xf32, #tpu.memory_space<vmem_shared>>) target(%arg12 : memref<128x16xf32, #tpu.memory_space<vmem>>) offsets(%dma_start3A_35 : memref<128xi32, #tpu.memory_space<vmem>>) semaphore(%arg22 : memref<!tpu.dma_semaphore, #tpu.memory_space<semaphore_mem>>)
    %dma_start3A_39 = arith.constant 5 : i32
    %dma_start3A_40 = arith.constant 0 : i32
    %dma_start3A_41 = tpu.memref_slice %arg6[%dma_start3A_39, %dma_start3A_40] : memref<80x128xi32, #tpu.memory_space<vmem>> -> memref<1x128xi32, #tpu.memory_space<vmem>>
    %dma_start3A_42 = tpu.memref_squeeze %dma_start3A_41 : memref<1x128xi32, #tpu.memory_space<vmem>> -> memref<128xi32, #tpu.memory_space<vmem>>
    %dma_start3A_43 = arith.constant 0 : i32
    %dma_start3A_44 = arith.constant 0 : i32
    %dma_start3A_45 = tpu.memref_slice %arg16[%dma_start3A_43, %dma_start3A_44] : memref<10112x16xf32, #tpu.memory_space<vmem_shared>> -> memref<10112x16xf32, #tpu.memory_space<vmem_shared>>
    tpu.enqueue_indirect_dma source(%dma_start3A_45 : memref<10112x16xf32, #tpu.memory_space<vmem_shared>>) target(%arg13 : memref<128x16xf32, #tpu.memory_space<vmem>>) offsets(%dma_start3A_42 : memref<128xi32, #tpu.memory_space<vmem>>) semaphore(%arg23 : memref<!tpu.dma_semaphore, #tpu.memory_space<semaphore_mem>>)
    %dma_start3A_46 = arith.constant 6 : i32
    %dma_start3A_47 = arith.constant 0 : i32
    %dma_start3A_48 = tpu.memref_slice %arg6[%dma_start3A_46, %dma_start3A_47] : memref<80x128xi32, #tpu.memory_space<vmem>> -> memref<1x128xi32, #tpu.memory_space<vmem>>
    %dma_start3A_49 = tpu.memref_squeeze %dma_start3A_48 : memref<1x128xi32, #tpu.memory_space<vmem>> -> memref<128xi32, #tpu.memory_space<vmem>>
    %dma_start3A_50 = arith.constant 0 : i32
    %dma_start3A_51 = arith.constant 0 : i32
    %dma_start3A_52 = tpu.memref_slice %arg16[%dma_start3A_50, %dma_start3A_51] : memref<10112x16xf32, #tpu.memory_space<vmem_shared>> -> memref<10112x16xf32, #tpu.memory_space<vmem_shared>>
    tpu.enqueue_indirect_dma source(%dma_start3A_52 : memref<10112x16xf32, #tpu.memory_space<vmem_shared>>) target(%arg14 : memref<128x16xf32, #tpu.memory_space<vmem>>) offsets(%dma_start3A_49 : memref<128xi32, #tpu.memory_space<vmem>>) semaphore(%arg24 : memref<!tpu.dma_semaphore, #tpu.memory_space<semaphore_mem>>)
    %dma_start3A_53 = arith.constant 7 : i32
    %dma_start3A_54 = arith.constant 0 : i32
    %dma_start3A_55 = tpu.memref_slice %arg6[%dma_start3A_53, %dma_start3A_54] : memref<80x128xi32, #tpu.memory_space<vmem>> -> memref<1x128xi32, #tpu.memory_space<vmem>>
    %dma_start3A_56 = tpu.memref_squeeze %dma_start3A_55 : memref<1x128xi32, #tpu.memory_space<vmem>> -> memref<128xi32, #tpu.memory_space<vmem>>
    %dma_start3A_57 = arith.constant 0 : i32
    %dma_start3A_58 = arith.constant 0 : i32
    %dma_start3A_59 = tpu.memref_slice %arg16[%dma_start3A_57, %dma_start3A_58] : memref<10112x16xf32, #tpu.memory_space<vmem_shared>> -> memref<10112x16xf32, #tpu.memory_space<vmem_shared>>
    tpu.enqueue_indirect_dma source(%dma_start3A_59 : memref<10112x16xf32, #tpu.memory_space<vmem_shared>>) target(%arg15 : memref<128x16xf32, #tpu.memory_space<vmem>>) offsets(%dma_start3A_56 : memref<128xi32, #tpu.memory_space<vmem>>) semaphore(%arg25 : memref<!tpu.dma_semaphore, #tpu.memory_space<semaphore_mem>>)
    %scan3A = arith.constant 0 : i32
    %scan3A_60 = arith.constant 0 : i32
    %scan3A_61 = arith.constant 9 : i32
    %scan3A_62 = arith.addi %scan3A_60, %scan3A_61 : i32
    %scan3A_63 = arith.constant 1 : i32
    scf.for %scan3A_128 = %scan3A_60 to %scan3A_62 step %scan3A_63  : i32 {
      %mul3A_129 = arith.constant 8 : i32
      %mul3A_130 = arith.muli %scan3A_128, %mul3A_129 : i32
      %add3A_131 = arith.constant 0 : i32
      %add3A_132 = arith.addi %mul3A_130, %add3A_131 : i32
      %dma_wait3A_133 = arith.constant 0 : i32
      %dma_wait3A_134 = tpu.memref_slice %arg6[%add3A_132, %dma_wait3A_133] : memref<80x128xi32, #tpu.memory_space<vmem>> -> memref<1x128xi32, #tpu.memory_space<vmem>>
      %dma_wait3A_135 = tpu.memref_squeeze %dma_wait3A_134 : memref<1x128xi32, #tpu.memory_space<vmem>> -> memref<128xi32, #tpu.memory_space<vmem>>
      %dma_wait3A_136 = arith.constant 0 : i32
      %dma_wait3A_137 = arith.constant 0 : i32
      %dma_wait3A_138 = tpu.memref_slice %arg16[%dma_wait3A_136, %dma_wait3A_137] : memref<10112x16xf32, #tpu.memory_space<vmem_shared>> -> memref<10112x16xf32, #tpu.memory_space<vmem_shared>>
      tpu.wait_indirect_dma semaphore(%arg18 : memref<!tpu.dma_semaphore, #tpu.memory_space<semaphore_mem>>) src(%dma_wait3A_138 : memref<10112x16xf32, #tpu.memory_space<vmem_shared>>) dst(%arg8 : memref<128x16xf32, #tpu.memory_space<vmem>>)
      "tpu.region"() ({
        %run_scoped3A_273 = tpu.sem_alloc : memref<!tpu.dma_semaphore, #tpu.memory_space<semaphore_mem>>
        %dma_start3A_274 = arith.constant 0 : i32
        %dma_start3A_275 = tpu.memref_slice %arg7[%add3A_132, %dma_start3A_274] : memref<80x128xi32, #tpu.memory_space<vmem>> -> memref<1x128xi32, #tpu.memory_space<vmem>>
        %dma_start3A_276 = tpu.memref_squeeze %dma_start3A_275 : memref<1x128xi32, #tpu.memory_space<vmem>> -> memref<128xi32, #tpu.memory_space<vmem>>
        %dma_start3A_277 = arith.constant 0 : i32
        %dma_start3A_278 = arith.constant 0 : i32
        %dma_start3A_279 = tpu.memref_slice %arg17[%dma_start3A_277, %dma_start3A_278] : memref<10112x16xf32, #tpu.memory_space<vmem_shared>> -> memref<10112x16xf32, #tpu.memory_space<vmem_shared>>
        tpu.enqueue_indirect_dma source(%arg8 : memref<128x16xf32, #tpu.memory_space<vmem>>) target(%dma_start3A_279 : memref<10112x16xf32, #tpu.memory_space<vmem_shared>>) offsets(%dma_start3A_276 : memref<128xi32, #tpu.memory_space<vmem>>) semaphore(%run_scoped3A_273 : memref<!tpu.dma_semaphore, #tpu.memory_space<semaphore_mem>>) {add = true}
        %dma_wait3A_280 = arith.constant 0 : i32
        %dma_wait3A_281 = tpu.memref_slice %arg7[%add3A_132, %dma_wait3A_280] : memref<80x128xi32, #tpu.memory_space<vmem>> -> memref<1x128xi32, #tpu.memory_space<vmem>>
        %dma_wait3A_282 = tpu.memref_squeeze %dma_wait3A_281 : memref<1x128xi32, #tpu.memory_space<vmem>> -> memref<128xi32, #tpu.memory_space<vmem>>
        %dma_wait3A_283 = arith.constant 0 : i32
        %dma_wait3A_284 = arith.constant 0 : i32
        %dma_wait3A_285 = tpu.memref_slice %arg17[%dma_wait3A_283, %dma_wait3A_284] : memref<10112x16xf32, #tpu.memory_space<vmem_shared>> -> memref<10112x16xf32, #tpu.memory_space<vmem_shared>>
        tpu.wait_indirect_dma semaphore(%run_scoped3A_273 : memref<!tpu.dma_semaphore, #tpu.memory_space<semaphore_mem>>) src(%arg8 : memref<128x16xf32, #tpu.memory_space<vmem>>) dst(%dma_wait3A_285 : memref<10112x16xf32, #tpu.memory_space<vmem_shared>>)
        tpu.yield
      }) : () -> ()
      %add3A_139 = arith.constant 8 : i32
      %add3A_140 = arith.addi %add3A_132, %add3A_139 : i32
      %dma_start3A_141 = arith.constant 0 : i32
      %dma_start3A_142 = tpu.memref_slice %arg6[%add3A_140, %dma_start3A_141] : memref<80x128xi32, #tpu.memory_space<vmem>> -> memref<1x128xi32, #tpu.memory_space<vmem>>
      %dma_start3A_143 = tpu.memref_squeeze %dma_start3A_142 : memref<1x128xi32, #tpu.memory_space<vmem>> -> memref<128xi32, #tpu.memory_space<vmem>>
      %dma_start3A_144 = arith.constant 0 : i32
      %dma_start3A_145 = arith.constant 0 : i32
      %dma_start3A_146 = tpu.memref_slice %arg16[%dma_start3A_144, %dma_start3A_145] : memref<10112x16xf32, #tpu.memory_space<vmem_shared>> -> memref<10112x16xf32, #tpu.memory_space<vmem_shared>>
      tpu.enqueue_indirect_dma source(%dma_start3A_146 : memref<10112x16xf32, #tpu.memory_space<vmem_shared>>) target(%arg8 : memref<128x16xf32, #tpu.memory_space<vmem>>) offsets(%dma_start3A_143 : memref<128xi32, #tpu.memory_space<vmem>>) semaphore(%arg18 : memref<!tpu.dma_semaphore, #tpu.memory_space<semaphore_mem>>)
      %mul3A_147 = arith.constant 8 : i32
      %mul3A_148 = arith.muli %scan3A_128, %mul3A_147 : i32
      %add3A_149 = arith.constant 1 : i32
      %add3A_150 = arith.addi %mul3A_148, %add3A_149 : i32
      %dma_wait3A_151 = arith.constant 0 : i32
      %dma_wait3A_152 = tpu.memref_slice %arg6[%add3A_150, %dma_wait3A_151] : memref<80x128xi32, #tpu.memory_space<vmem>> -> memref<1x128xi32, #tpu.memory_space<vmem>>
      %dma_wait3A_153 = tpu.memref_squeeze %dma_wait3A_152 : memref<1x128xi32, #tpu.memory_space<vmem>> -> memref<128xi32, #tpu.memory_space<vmem>>
      %dma_wait3A_154 = arith.constant 0 : i32
      %dma_wait3A_155 = arith.constant 0 : i32
      %dma_wait3A_156 = tpu.memref_slice %arg16[%dma_wait3A_154, %dma_wait3A_155] : memref<10112x16xf32, #tpu.memory_space<vmem_shared>> -> memref<10112x16xf32, #tpu.memory_space<vmem_shared>>
      tpu.wait_indirect_dma semaphore(%arg19 : memref<!tpu.dma_semaphore, #tpu.memory_space<semaphore_mem>>) src(%dma_wait3A_156 : memref<10112x16xf32, #tpu.memory_space<vmem_shared>>) dst(%arg9 : memref<128x16xf32, #tpu.memory_space<vmem>>)
      "tpu.region"() ({
        %run_scoped3A_273 = tpu.sem_alloc : memref<!tpu.dma_semaphore, #tpu.memory_space<semaphore_mem>>
        %dma_start3A_274 = arith.constant 0 : i32
        %dma_start3A_275 = tpu.memref_slice %arg7[%add3A_150, %dma_start3A_274] : memref<80x128xi32, #tpu.memory_space<vmem>> -> memref<1x128xi32, #tpu.memory_space<vmem>>
        %dma_start3A_276 = tpu.memref_squeeze %dma_start3A_275 : memref<1x128xi32, #tpu.memory_space<vmem>> -> memref<128xi32, #tpu.memory_space<vmem>>
        %dma_start3A_277 = arith.constant 0 : i32
        %dma_start3A_278 = arith.constant 0 : i32
        %dma_start3A_279 = tpu.memref_slice %arg17[%dma_start3A_277, %dma_start3A_278] : memref<10112x16xf32, #tpu.memory_space<vmem_shared>> -> memref<10112x16xf32, #tpu.memory_space<vmem_shared>>
        tpu.enqueue_indirect_dma source(%arg9 : memref<128x16xf32, #tpu.memory_space<vmem>>) target(%dma_start3A_279 : memref<10112x16xf32, #tpu.memory_space<vmem_shared>>) offsets(%dma_start3A_276 : memref<128xi32, #tpu.memory_space<vmem>>) semaphore(%run_scoped3A_273 : memref<!tpu.dma_semaphore, #tpu.memory_space<semaphore_mem>>) {add = true}
        %dma_wait3A_280 = arith.constant 0 : i32
        %dma_wait3A_281 = tpu.memref_slice %arg7[%add3A_150, %dma_wait3A_280] : memref<80x128xi32, #tpu.memory_space<vmem>> -> memref<1x128xi32, #tpu.memory_space<vmem>>
        %dma_wait3A_282 = tpu.memref_squeeze %dma_wait3A_281 : memref<1x128xi32, #tpu.memory_space<vmem>> -> memref<128xi32, #tpu.memory_space<vmem>>
        %dma_wait3A_283 = arith.constant 0 : i32
        %dma_wait3A_284 = arith.constant 0 : i32
        %dma_wait3A_285 = tpu.memref_slice %arg17[%dma_wait3A_283, %dma_wait3A_284] : memref<10112x16xf32, #tpu.memory_space<vmem_shared>> -> memref<10112x16xf32, #tpu.memory_space<vmem_shared>>
        tpu.wait_indirect_dma semaphore(%run_scoped3A_273 : memref<!tpu.dma_semaphore, #tpu.memory_space<semaphore_mem>>) src(%arg9 : memref<128x16xf32, #tpu.memory_space<vmem>>) dst(%dma_wait3A_285 : memref<10112x16xf32, #tpu.memory_space<vmem_shared>>)
        tpu.yield
      }) : () -> ()
      %add3A_157 = arith.constant 8 : i32
      %add3A_158 = arith.addi %add3A_150, %add3A_157 : i32
      %dma_start3A_159 = arith.constant 0 : i32
      %dma_start3A_160 = tpu.memref_slice %arg6[%add3A_158, %dma_start3A_159] : memref<80x128xi32, #tpu.memory_space<vmem>> -> memref<1x128xi32, #tpu.memory_space<vmem>>
      %dma_start3A_161 = tpu.memref_squeeze %dma_start3A_160 : memref<1x128xi32, #tpu.memory_space<vmem>> -> memref<128xi32, #tpu.memory_space<vmem>>
      %dma_start3A_162 = arith.constant 0 : i32
      %dma_start3A_163 = arith.constant 0 : i32
      %dma_start3A_164 = tpu.memref_slice %arg16[%dma_start3A_162, %dma_start3A_163] : memref<10112x16xf32, #tpu.memory_space<vmem_shared>> -> memref<10112x16xf32, #tpu.memory_space<vmem_shared>>
      tpu.enqueue_indirect_dma source(%dma_start3A_164 : memref<10112x16xf32, #tpu.memory_space<vmem_shared>>) target(%arg9 : memref<128x16xf32, #tpu.memory_space<vmem>>) offsets(%dma_start3A_161 : memref<128xi32, #tpu.memory_space<vmem>>) semaphore(%arg19 : memref<!tpu.dma_semaphore, #tpu.memory_space<semaphore_mem>>)
      %mul3A_165 = arith.constant 8 : i32
      %mul3A_166 = arith.muli %scan3A_128, %mul3A_165 : i32
      %add3A_167 = arith.constant 2 : i32
      %add3A_168 = arith.addi %mul3A_166, %add3A_167 : i32
      %dma_wait3A_169 = arith.constant 0 : i32
      %dma_wait3A_170 = tpu.memref_slice %arg6[%add3A_168, %dma_wait3A_169] : memref<80x128xi32, #tpu.memory_space<vmem>> -> memref<1x128xi32, #tpu.memory_space<vmem>>
      %dma_wait3A_171 = tpu.memref_squeeze %dma_wait3A_170 : memref<1x128xi32, #tpu.memory_space<vmem>> -> memref<128xi32, #tpu.memory_space<vmem>>
      %dma_wait3A_172 = arith.constant 0 : i32
      %dma_wait3A_173 = arith.constant 0 : i32
      %dma_wait3A_174 = tpu.memref_slice %arg16[%dma_wait3A_172, %dma_wait3A_173] : memref<10112x16xf32, #tpu.memory_space<vmem_shared>> -> memref<10112x16xf32, #tpu.memory_space<vmem_shared>>
      tpu.wait_indirect_dma semaphore(%arg20 : memref<!tpu.dma_semaphore, #tpu.memory_space<semaphore_mem>>) src(%dma_wait3A_174 : memref<10112x16xf32, #tpu.memory_space<vmem_shared>>) dst(%arg10 : memref<128x16xf32, #tpu.memory_space<vmem>>)
      "tpu.region"() ({
        %run_scoped3A_273 = tpu.sem_alloc : memref<!tpu.dma_semaphore, #tpu.memory_space<semaphore_mem>>
        %dma_start3A_274 = arith.constant 0 : i32
        %dma_start3A_275 = tpu.memref_slice %arg7[%add3A_168, %dma_start3A_274] : memref<80x128xi32, #tpu.memory_space<vmem>> -> memref<1x128xi32, #tpu.memory_space<vmem>>
        %dma_start3A_276 = tpu.memref_squeeze %dma_start3A_275 : memref<1x128xi32, #tpu.memory_space<vmem>> -> memref<128xi32, #tpu.memory_space<vmem>>
        %dma_start3A_277 = arith.constant 0 : i32
        %dma_start3A_278 = arith.constant 0 : i32
        %dma_start3A_279 = tpu.memref_slice %arg17[%dma_start3A_277, %dma_start3A_278] : memref<10112x16xf32, #tpu.memory_space<vmem_shared>> -> memref<10112x16xf32, #tpu.memory_space<vmem_shared>>
        tpu.enqueue_indirect_dma source(%arg10 : memref<128x16xf32, #tpu.memory_space<vmem>>) target(%dma_start3A_279 : memref<10112x16xf32, #tpu.memory_space<vmem_shared>>) offsets(%dma_start3A_276 : memref<128xi32, #tpu.memory_space<vmem>>) semaphore(%run_scoped3A_273 : memref<!tpu.dma_semaphore, #tpu.memory_space<semaphore_mem>>) {add = true}
        %dma_wait3A_280 = arith.constant 0 : i32
        %dma_wait3A_281 = tpu.memref_slice %arg7[%add3A_168, %dma_wait3A_280] : memref<80x128xi32, #tpu.memory_space<vmem>> -> memref<1x128xi32, #tpu.memory_space<vmem>>
        %dma_wait3A_282 = tpu.memref_squeeze %dma_wait3A_281 : memref<1x128xi32, #tpu.memory_space<vmem>> -> memref<128xi32, #tpu.memory_space<vmem>>
        %dma_wait3A_283 = arith.constant 0 : i32
        %dma_wait3A_284 = arith.constant 0 : i32
        %dma_wait3A_285 = tpu.memref_slice %arg17[%dma_wait3A_283, %dma_wait3A_284] : memref<10112x16xf32, #tpu.memory_space<vmem_shared>> -> memref<10112x16xf32, #tpu.memory_space<vmem_shared>>
        tpu.wait_indirect_dma semaphore(%run_scoped3A_273 : memref<!tpu.dma_semaphore, #tpu.memory_space<semaphore_mem>>) src(%arg10 : memref<128x16xf32, #tpu.memory_space<vmem>>) dst(%dma_wait3A_285 : memref<10112x16xf32, #tpu.memory_space<vmem_shared>>)
        tpu.yield
      }) : () -> ()
      %add3A_175 = arith.constant 8 : i32
      %add3A_176 = arith.addi %add3A_168, %add3A_175 : i32
      %dma_start3A_177 = arith.constant 0 : i32
      %dma_start3A_178 = tpu.memref_slice %arg6[%add3A_176, %dma_start3A_177] : memref<80x128xi32, #tpu.memory_space<vmem>> -> memref<1x128xi32, #tpu.memory_space<vmem>>
      %dma_start3A_179 = tpu.memref_squeeze %dma_start3A_178 : memref<1x128xi32, #tpu.memory_space<vmem>> -> memref<128xi32, #tpu.memory_space<vmem>>
      %dma_start3A_180 = arith.constant 0 : i32
      %dma_start3A_181 = arith.constant 0 : i32
      %dma_start3A_182 = tpu.memref_slice %arg16[%dma_start3A_180, %dma_start3A_181] : memref<10112x16xf32, #tpu.memory_space<vmem_shared>> -> memref<10112x16xf32, #tpu.memory_space<vmem_shared>>
      tpu.enqueue_indirect_dma source(%dma_start3A_182 : memref<10112x16xf32, #tpu.memory_space<vmem_shared>>) target(%arg10 : memref<128x16xf32, #tpu.memory_space<vmem>>) offsets(%dma_start3A_179 : memref<128xi32, #tpu.memory_space<vmem>>) semaphore(%arg20 : memref<!tpu.dma_semaphore, #tpu.memory_space<semaphore_mem>>)
      %mul3A_183 = arith.constant 8 : i32
      %mul3A_184 = arith.muli %scan3A_128, %mul3A_183 : i32
      %add3A_185 = arith.constant 3 : i32
      %add3A_186 = arith.addi %mul3A_184, %add3A_185 : i32
      %dma_wait3A_187 = arith.constant 0 : i32
      %dma_wait3A_188 = tpu.memref_slice %arg6[%add3A_186, %dma_wait3A_187] : memref<80x128xi32, #tpu.memory_space<vmem>> -> memref<1x128xi32, #tpu.memory_space<vmem>>
      %dma_wait3A_189 = tpu.memref_squeeze %dma_wait3A_188 : memref<1x128xi32, #tpu.memory_space<vmem>> -> memref<128xi32, #tpu.memory_space<vmem>>
      %dma_wait3A_190 = arith.constant 0 : i32
      %dma_wait3A_191 = arith.constant 0 : i32
      %dma_wait3A_192 = tpu.memref_slice %arg16[%dma_wait3A_190, %dma_wait3A_191] : memref<10112x16xf32, #tpu.memory_space<vmem_shared>> -> memref<10112x16xf32, #tpu.memory_space<vmem_shared>>
      tpu.wait_indirect_dma semaphore(%arg21 : memref<!tpu.dma_semaphore, #tpu.memory_space<semaphore_mem>>) src(%dma_wait3A_192 : memref<10112x16xf32, #tpu.memory_space<vmem_shared>>) dst(%arg11 : memref<128x16xf32, #tpu.memory_space<vmem>>)
      "tpu.region"() ({
        %run_scoped3A_273 = tpu.sem_alloc : memref<!tpu.dma_semaphore, #tpu.memory_space<semaphore_mem>>
        %dma_start3A_274 = arith.constant 0 : i32
        %dma_start3A_275 = tpu.memref_slice %arg7[%add3A_186, %dma_start3A_274] : memref<80x128xi32, #tpu.memory_space<vmem>> -> memref<1x128xi32, #tpu.memory_space<vmem>>
        %dma_start3A_276 = tpu.memref_squeeze %dma_start3A_275 : memref<1x128xi32, #tpu.memory_space<vmem>> -> memref<128xi32, #tpu.memory_space<vmem>>
        %dma_start3A_277 = arith.constant 0 : i32
        %dma_start3A_278 = arith.constant 0 : i32
        %dma_start3A_279 = tpu.memref_slice %arg17[%dma_start3A_277, %dma_start3A_278] : memref<10112x16xf32, #tpu.memory_space<vmem_shared>> -> memref<10112x16xf32, #tpu.memory_space<vmem_shared>>
        tpu.enqueue_indirect_dma source(%arg11 : memref<128x16xf32, #tpu.memory_space<vmem>>) target(%dma_start3A_279 : memref<10112x16xf32, #tpu.memory_space<vmem_shared>>) offsets(%dma_start3A_276 : memref<128xi32, #tpu.memory_space<vmem>>) semaphore(%run_scoped3A_273 : memref<!tpu.dma_semaphore, #tpu.memory_space<semaphore_mem>>) {add = true}
        %dma_wait3A_280 = arith.constant 0 : i32
        %dma_wait3A_281 = tpu.memref_slice %arg7[%add3A_186, %dma_wait3A_280] : memref<80x128xi32, #tpu.memory_space<vmem>> -> memref<1x128xi32, #tpu.memory_space<vmem>>
        %dma_wait3A_282 = tpu.memref_squeeze %dma_wait3A_281 : memref<1x128xi32, #tpu.memory_space<vmem>> -> memref<128xi32, #tpu.memory_space<vmem>>
        %dma_wait3A_283 = arith.constant 0 : i32
        %dma_wait3A_284 = arith.constant 0 : i32
        %dma_wait3A_285 = tpu.memref_slice %arg17[%dma_wait3A_283, %dma_wait3A_284] : memref<10112x16xf32, #tpu.memory_space<vmem_shared>> -> memref<10112x16xf32, #tpu.memory_space<vmem_shared>>
        tpu.wait_indirect_dma semaphore(%run_scoped3A_273 : memref<!tpu.dma_semaphore, #tpu.memory_space<semaphore_mem>>) src(%arg11 : memref<128x16xf32, #tpu.memory_space<vmem>>) dst(%dma_wait3A_285 : memref<10112x16xf32, #tpu.memory_space<vmem_shared>>)
        tpu.yield
      }) : () -> ()
      %add3A_193 = arith.constant 8 : i32
      %add3A_194 = arith.addi %add3A_186, %add3A_193 : i32
      %dma_start3A_195 = arith.constant 0 : i32
      %dma_start3A_196 = tpu.memref_slice %arg6[%add3A_194, %dma_start3A_195] : memref<80x128xi32, #tpu.memory_space<vmem>> -> memref<1x128xi32, #tpu.memory_space<vmem>>
      %dma_start3A_197 = tpu.memref_squeeze %dma_start3A_196 : memref<1x128xi32, #tpu.memory_space<vmem>> -> memref<128xi32, #tpu.memory_space<vmem>>
      %dma_start3A_198 = arith.constant 0 : i32
      %dma_start3A_199 = arith.constant 0 : i32
      %dma_start3A_200 = tpu.memref_slice %arg16[%dma_start3A_198, %dma_start3A_199] : memref<10112x16xf32, #tpu.memory_space<vmem_shared>> -> memref<10112x16xf32, #tpu.memory_space<vmem_shared>>
      tpu.enqueue_indirect_dma source(%dma_start3A_200 : memref<10112x16xf32, #tpu.memory_space<vmem_shared>>) target(%arg11 : memref<128x16xf32, #tpu.memory_space<vmem>>) offsets(%dma_start3A_197 : memref<128xi32, #tpu.memory_space<vmem>>) semaphore(%arg21 : memref<!tpu.dma_semaphore, #tpu.memory_space<semaphore_mem>>)
      %mul3A_201 = arith.constant 8 : i32
      %mul3A_202 = arith.muli %scan3A_128, %mul3A_201 : i32
      %add3A_203 = arith.constant 4 : i32
      %add3A_204 = arith.addi %mul3A_202, %add3A_203 : i32
      %dma_wait3A_205 = arith.constant 0 : i32
      %dma_wait3A_206 = tpu.memref_slice %arg6[%add3A_204, %dma_wait3A_205] : memref<80x128xi32, #tpu.memory_space<vmem>> -> memref<1x128xi32, #tpu.memory_space<vmem>>
      %dma_wait3A_207 = tpu.memref_squeeze %dma_wait3A_206 : memref<1x128xi32, #tpu.memory_space<vmem>> -> memref<128xi32, #tpu.memory_space<vmem>>
      %dma_wait3A_208 = arith.constant 0 : i32
      %dma_wait3A_209 = arith.constant 0 : i32
      %dma_wait3A_210 = tpu.memref_slice %arg16[%dma_wait3A_208, %dma_wait3A_209] : memref<10112x16xf32, #tpu.memory_space<vmem_shared>> -> memref<10112x16xf32, #tpu.memory_space<vmem_shared>>
      tpu.wait_indirect_dma semaphore(%arg22 : memref<!tpu.dma_semaphore, #tpu.memory_space<semaphore_mem>>) src(%dma_wait3A_210 : memref<10112x16xf32, #tpu.memory_space<vmem_shared>>) dst(%arg12 : memref<128x16xf32, #tpu.memory_space<vmem>>)
      "tpu.region"() ({
        %run_scoped3A_273 = tpu.sem_alloc : memref<!tpu.dma_semaphore, #tpu.memory_space<semaphore_mem>>
        %dma_start3A_274 = arith.constant 0 : i32
        %dma_start3A_275 = tpu.memref_slice %arg7[%add3A_204, %dma_start3A_274] : memref<80x128xi32, #tpu.memory_space<vmem>> -> memref<1x128xi32, #tpu.memory_space<vmem>>
        %dma_start3A_276 = tpu.memref_squeeze %dma_start3A_275 : memref<1x128xi32, #tpu.memory_space<vmem>> -> memref<128xi32, #tpu.memory_space<vmem>>
        %dma_start3A_277 = arith.constant 0 : i32
        %dma_start3A_278 = arith.constant 0 : i32
        %dma_start3A_279 = tpu.memref_slice %arg17[%dma_start3A_277, %dma_start3A_278] : memref<10112x16xf32, #tpu.memory_space<vmem_shared>> -> memref<10112x16xf32, #tpu.memory_space<vmem_shared>>
        tpu.enqueue_indirect_dma source(%arg12 : memref<128x16xf32, #tpu.memory_space<vmem>>) target(%dma_start3A_279 : memref<10112x16xf32, #tpu.memory_space<vmem_shared>>) offsets(%dma_start3A_276 : memref<128xi32, #tpu.memory_space<vmem>>) semaphore(%run_scoped3A_273 : memref<!tpu.dma_semaphore, #tpu.memory_space<semaphore_mem>>) {add = true}
        %dma_wait3A_280 = arith.constant 0 : i32
        %dma_wait3A_281 = tpu.memref_slice %arg7[%add3A_204, %dma_wait3A_280] : memref<80x128xi32, #tpu.memory_space<vmem>> -> memref<1x128xi32, #tpu.memory_space<vmem>>
        %dma_wait3A_282 = tpu.memref_squeeze %dma_wait3A_281 : memref<1x128xi32, #tpu.memory_space<vmem>> -> memref<128xi32, #tpu.memory_space<vmem>>
        %dma_wait3A_283 = arith.constant 0 : i32
        %dma_wait3A_284 = arith.constant 0 : i32
        %dma_wait3A_285 = tpu.memref_slice %arg17[%dma_wait3A_283, %dma_wait3A_284] : memref<10112x16xf32, #tpu.memory_space<vmem_shared>> -> memref<10112x16xf32, #tpu.memory_space<vmem_shared>>
        tpu.wait_indirect_dma semaphore(%run_scoped3A_273 : memref<!tpu.dma_semaphore, #tpu.memory_space<semaphore_mem>>) src(%arg12 : memref<128x16xf32, #tpu.memory_space<vmem>>) dst(%dma_wait3A_285 : memref<10112x16xf32, #tpu.memory_space<vmem_shared>>)
        tpu.yield
      }) : () -> ()
      %add3A_211 = arith.constant 8 : i32
      %add3A_212 = arith.addi %add3A_204, %add3A_211 : i32
      %dma_start3A_213 = arith.constant 0 : i32
      %dma_start3A_214 = tpu.memref_slice %arg6[%add3A_212, %dma_start3A_213] : memref<80x128xi32, #tpu.memory_space<vmem>> -> memref<1x128xi32, #tpu.memory_space<vmem>>
      %dma_start3A_215 = tpu.memref_squeeze %dma_start3A_214 : memref<1x128xi32, #tpu.memory_space<vmem>> -> memref<128xi32, #tpu.memory_space<vmem>>
      %dma_start3A_216 = arith.constant 0 : i32
      %dma_start3A_217 = arith.constant 0 : i32
      %dma_start3A_218 = tpu.memref_slice %arg16[%dma_start3A_216, %dma_start3A_217] : memref<10112x16xf32, #tpu.memory_space<vmem_shared>> -> memref<10112x16xf32, #tpu.memory_space<vmem_shared>>
      tpu.enqueue_indirect_dma source(%dma_start3A_218 : memref<10112x16xf32, #tpu.memory_space<vmem_shared>>) target(%arg12 : memref<128x16xf32, #tpu.memory_space<vmem>>) offsets(%dma_start3A_215 : memref<128xi32, #tpu.memory_space<vmem>>) semaphore(%arg22 : memref<!tpu.dma_semaphore, #tpu.memory_space<semaphore_mem>>)
      %mul3A_219 = arith.constant 8 : i32
      %mul3A_220 = arith.muli %scan3A_128, %mul3A_219 : i32
      %add3A_221 = arith.constant 5 : i32
      %add3A_222 = arith.addi %mul3A_220, %add3A_221 : i32
      %dma_wait3A_223 = arith.constant 0 : i32
      %dma_wait3A_224 = tpu.memref_slice %arg6[%add3A_222, %dma_wait3A_223] : memref<80x128xi32, #tpu.memory_space<vmem>> -> memref<1x128xi32, #tpu.memory_space<vmem>>
      %dma_wait3A_225 = tpu.memref_squeeze %dma_wait3A_224 : memref<1x128xi32, #tpu.memory_space<vmem>> -> memref<128xi32, #tpu.memory_space<vmem>>
      %dma_wait3A_226 = arith.constant 0 : i32
      %dma_wait3A_227 = arith.constant 0 : i32
      %dma_wait3A_228 = tpu.memref_slice %arg16[%dma_wait3A_226, %dma_wait3A_227] : memref<10112x16xf32, #tpu.memory_space<vmem_shared>> -> memref<10112x16xf32, #tpu.memory_space<vmem_shared>>
      tpu.wait_indirect_dma semaphore(%arg23 : memref<!tpu.dma_semaphore, #tpu.memory_space<semaphore_mem>>) src(%dma_wait3A_228 : memref<10112x16xf32, #tpu.memory_space<vmem_shared>>) dst(%arg13 : memref<128x16xf32, #tpu.memory_space<vmem>>)
      "tpu.region"() ({
        %run_scoped3A_273 = tpu.sem_alloc : memref<!tpu.dma_semaphore, #tpu.memory_space<semaphore_mem>>
        %dma_start3A_274 = arith.constant 0 : i32
        %dma_start3A_275 = tpu.memref_slice %arg7[%add3A_222, %dma_start3A_274] : memref<80x128xi32, #tpu.memory_space<vmem>> -> memref<1x128xi32, #tpu.memory_space<vmem>>
        %dma_start3A_276 = tpu.memref_squeeze %dma_start3A_275 : memref<1x128xi32, #tpu.memory_space<vmem>> -> memref<128xi32, #tpu.memory_space<vmem>>
        %dma_start3A_277 = arith.constant 0 : i32
        %dma_start3A_278 = arith.constant 0 : i32
        %dma_start3A_279 = tpu.memref_slice %arg17[%dma_start3A_277, %dma_start3A_278] : memref<10112x16xf32, #tpu.memory_space<vmem_shared>> -> memref<10112x16xf32, #tpu.memory_space<vmem_shared>>
        tpu.enqueue_indirect_dma source(%arg13 : memref<128x16xf32, #tpu.memory_space<vmem>>) target(%dma_start3A_279 : memref<10112x16xf32, #tpu.memory_space<vmem_shared>>) offsets(%dma_start3A_276 : memref<128xi32, #tpu.memory_space<vmem>>) semaphore(%run_scoped3A_273 : memref<!tpu.dma_semaphore, #tpu.memory_space<semaphore_mem>>) {add = true}
        %dma_wait3A_280 = arith.constant 0 : i32
        %dma_wait3A_281 = tpu.memref_slice %arg7[%add3A_222, %dma_wait3A_280] : memref<80x128xi32, #tpu.memory_space<vmem>> -> memref<1x128xi32, #tpu.memory_space<vmem>>
        %dma_wait3A_282 = tpu.memref_squeeze %dma_wait3A_281 : memref<1x128xi32, #tpu.memory_space<vmem>> -> memref<128xi32, #tpu.memory_space<vmem>>
        %dma_wait3A_283 = arith.constant 0 : i32
        %dma_wait3A_284 = arith.constant 0 : i32
        %dma_wait3A_285 = tpu.memref_slice %arg17[%dma_wait3A_283, %dma_wait3A_284] : memref<10112x16xf32, #tpu.memory_space<vmem_shared>> -> memref<10112x16xf32, #tpu.memory_space<vmem_shared>>
        tpu.wait_indirect_dma semaphore(%run_scoped3A_273 : memref<!tpu.dma_semaphore, #tpu.memory_space<semaphore_mem>>) src(%arg13 : memref<128x16xf32, #tpu.memory_space<vmem>>) dst(%dma_wait3A_285 : memref<10112x16xf32, #tpu.memory_space<vmem_shared>>)
        tpu.yield
      }) : () -> ()
      %add3A_229 = arith.constant 8 : i32
      %add3A_230 = arith.addi %add3A_222, %add3A_229 : i32
      %dma_start3A_231 = arith.constant 0 : i32
      %dma_start3A_232 = tpu.memref_slice %arg6[%add3A_230, %dma_start3A_231] : memref<80x128xi32, #tpu.memory_space<vmem>> -> memref<1x128xi32, #tpu.memory_space<vmem>>
      %dma_start3A_233 = tpu.memref_squeeze %dma_start3A_232 : memref<1x128xi32, #tpu.memory_space<vmem>> -> memref<128xi32, #tpu.memory_space<vmem>>
      %dma_start3A_234 = arith.constant 0 : i32
      %dma_start3A_235 = arith.constant 0 : i32
      %dma_start3A_236 = tpu.memref_slice %arg16[%dma_start3A_234, %dma_start3A_235] : memref<10112x16xf32, #tpu.memory_space<vmem_shared>> -> memref<10112x16xf32, #tpu.memory_space<vmem_shared>>
      tpu.enqueue_indirect_dma source(%dma_start3A_236 : memref<10112x16xf32, #tpu.memory_space<vmem_shared>>) target(%arg13 : memref<128x16xf32, #tpu.memory_space<vmem>>) offsets(%dma_start3A_233 : memref<128xi32, #tpu.memory_space<vmem>>) semaphore(%arg23 : memref<!tpu.dma_semaphore, #tpu.memory_space<semaphore_mem>>)
      %mul3A_237 = arith.constant 8 : i32
      %mul3A_238 = arith.muli %scan3A_128, %mul3A_237 : i32
      %add3A_239 = arith.constant 6 : i32
      %add3A_240 = arith.addi %mul3A_238, %add3A_239 : i32
      %dma_wait3A_241 = arith.constant 0 : i32
      %dma_wait3A_242 = tpu.memref_slice %arg6[%add3A_240, %dma_wait3A_241] : memref<80x128xi32, #tpu.memory_space<vmem>> -> memref<1x128xi32, #tpu.memory_space<vmem>>
      %dma_wait3A_243 = tpu.memref_squeeze %dma_wait3A_242 : memref<1x128xi32, #tpu.memory_space<vmem>> -> memref<128xi32, #tpu.memory_space<vmem>>
      %dma_wait3A_244 = arith.constant 0 : i32
      %dma_wait3A_245 = arith.constant 0 : i32
      %dma_wait3A_246 = tpu.memref_slice %arg16[%dma_wait3A_244, %dma_wait3A_245] : memref<10112x16xf32, #tpu.memory_space<vmem_shared>> -> memref<10112x16xf32, #tpu.memory_space<vmem_shared>>
      tpu.wait_indirect_dma semaphore(%arg24 : memref<!tpu.dma_semaphore, #tpu.memory_space<semaphore_mem>>) src(%dma_wait3A_246 : memref<10112x16xf32, #tpu.memory_space<vmem_shared>>) dst(%arg14 : memref<128x16xf32, #tpu.memory_space<vmem>>)
      "tpu.region"() ({
        %run_scoped3A_273 = tpu.sem_alloc : memref<!tpu.dma_semaphore, #tpu.memory_space<semaphore_mem>>
        %dma_start3A_274 = arith.constant 0 : i32
        %dma_start3A_275 = tpu.memref_slice %arg7[%add3A_240, %dma_start3A_274] : memref<80x128xi32, #tpu.memory_space<vmem>> -> memref<1x128xi32, #tpu.memory_space<vmem>>
        %dma_start3A_276 = tpu.memref_squeeze %dma_start3A_275 : memref<1x128xi32, #tpu.memory_space<vmem>> -> memref<128xi32, #tpu.memory_space<vmem>>
        %dma_start3A_277 = arith.constant 0 : i32
        %dma_start3A_278 = arith.constant 0 : i32
        %dma_start3A_279 = tpu.memref_slice %arg17[%dma_start3A_277, %dma_start3A_278] : memref<10112x16xf32, #tpu.memory_space<vmem_shared>> -> memref<10112x16xf32, #tpu.memory_space<vmem_shared>>
        tpu.enqueue_indirect_dma source(%arg14 : memref<128x16xf32, #tpu.memory_space<vmem>>) target(%dma_start3A_279 : memref<10112x16xf32, #tpu.memory_space<vmem_shared>>) offsets(%dma_start3A_276 : memref<128xi32, #tpu.memory_space<vmem>>) semaphore(%run_scoped3A_273 : memref<!tpu.dma_semaphore, #tpu.memory_space<semaphore_mem>>) {add = true}
        %dma_wait3A_280 = arith.constant 0 : i32
        %dma_wait3A_281 = tpu.memref_slice %arg7[%add3A_240, %dma_wait3A_280] : memref<80x128xi32, #tpu.memory_space<vmem>> -> memref<1x128xi32, #tpu.memory_space<vmem>>
        %dma_wait3A_282 = tpu.memref_squeeze %dma_wait3A_281 : memref<1x128xi32, #tpu.memory_space<vmem>> -> memref<128xi32, #tpu.memory_space<vmem>>
        %dma_wait3A_283 = arith.constant 0 : i32
        %dma_wait3A_284 = arith.constant 0 : i32
        %dma_wait3A_285 = tpu.memref_slice %arg17[%dma_wait3A_283, %dma_wait3A_284] : memref<10112x16xf32, #tpu.memory_space<vmem_shared>> -> memref<10112x16xf32, #tpu.memory_space<vmem_shared>>
        tpu.wait_indirect_dma semaphore(%run_scoped3A_273 : memref<!tpu.dma_semaphore, #tpu.memory_space<semaphore_mem>>) src(%arg14 : memref<128x16xf32, #tpu.memory_space<vmem>>) dst(%dma_wait3A_285 : memref<10112x16xf32, #tpu.memory_space<vmem_shared>>)
        tpu.yield
      }) : () -> ()
      %add3A_247 = arith.constant 8 : i32
      %add3A_248 = arith.addi %add3A_240, %add3A_247 : i32
      %dma_start3A_249 = arith.constant 0 : i32
      %dma_start3A_250 = tpu.memref_slice %arg6[%add3A_248, %dma_start3A_249] : memref<80x128xi32, #tpu.memory_space<vmem>> -> memref<1x128xi32, #tpu.memory_space<vmem>>
      %dma_start3A_251 = tpu.memref_squeeze %dma_start3A_250 : memref<1x128xi32, #tpu.memory_space<vmem>> -> memref<128xi32, #tpu.memory_space<vmem>>
      %dma_start3A_252 = arith.constant 0 : i32
      %dma_start3A_253 = arith.constant 0 : i32
      %dma_start3A_254 = tpu.memref_slice %arg16[%dma_start3A_252, %dma_start3A_253] : memref<10112x16xf32, #tpu.memory_space<vmem_shared>> -> memref<10112x16xf32, #tpu.memory_space<vmem_shared>>
      tpu.enqueue_indirect_dma source(%dma_start3A_254 : memref<10112x16xf32, #tpu.memory_space<vmem_shared>>) target(%arg14 : memref<128x16xf32, #tpu.memory_space<vmem>>) offsets(%dma_start3A_251 : memref<128xi32, #tpu.memory_space<vmem>>) semaphore(%arg24 : memref<!tpu.dma_semaphore, #tpu.memory_space<semaphore_mem>>)
      %mul3A_255 = arith.constant 8 : i32
      %mul3A_256 = arith.muli %scan3A_128, %mul3A_255 : i32
      %add3A_257 = arith.constant 7 : i32
      %add3A_258 = arith.addi %mul3A_256, %add3A_257 : i32
      %dma_wait3A_259 = arith.constant 0 : i32
      %dma_wait3A_260 = tpu.memref_slice %arg6[%add3A_258, %dma_wait3A_259] : memref<80x128xi32, #tpu.memory_space<vmem>> -> memref<1x128xi32, #tpu.memory_space<vmem>>
      %dma_wait3A_261 = tpu.memref_squeeze %dma_wait3A_260 : memref<1x128xi32, #tpu.memory_space<vmem>> -> memref<128xi32, #tpu.memory_space<vmem>>
      %dma_wait3A_262 = arith.constant 0 : i32
      %dma_wait3A_263 = arith.constant 0 : i32
      %dma_wait3A_264 = tpu.memref_slice %arg16[%dma_wait3A_262, %dma_wait3A_263] : memref<10112x16xf32, #tpu.memory_space<vmem_shared>> -> memref<10112x16xf32, #tpu.memory_space<vmem_shared>>
      tpu.wait_indirect_dma semaphore(%arg25 : memref<!tpu.dma_semaphore, #tpu.memory_space<semaphore_mem>>) src(%dma_wait3A_264 : memref<10112x16xf32, #tpu.memory_space<vmem_shared>>) dst(%arg15 : memref<128x16xf32, #tpu.memory_space<vmem>>)
      "tpu.region"() ({
        %run_scoped3A_273 = tpu.sem_alloc : memref<!tpu.dma_semaphore, #tpu.memory_space<semaphore_mem>>
        %dma_start3A_274 = arith.constant 0 : i32
        %dma_start3A_275 = tpu.memref_slice %arg7[%add3A_258, %dma_start3A_274] : memref<80x128xi32, #tpu.memory_space<vmem>> -> memref<1x128xi32, #tpu.memory_space<vmem>>
        %dma_start3A_276 = tpu.memref_squeeze %dma_start3A_275 : memref<1x128xi32, #tpu.memory_space<vmem>> -> memref<128xi32, #tpu.memory_space<vmem>>
        %dma_start3A_277 = arith.constant 0 : i32
        %dma_start3A_278 = arith.constant 0 : i32
        %dma_start3A_279 = tpu.memref_slice %arg17[%dma_start3A_277, %dma_start3A_278] : memref<10112x16xf32, #tpu.memory_space<vmem_shared>> -> memref<10112x16xf32, #tpu.memory_space<vmem_shared>>
        tpu.enqueue_indirect_dma source(%arg15 : memref<128x16xf32, #tpu.memory_space<vmem>>) target(%dma_start3A_279 : memref<10112x16xf32, #tpu.memory_space<vmem_shared>>) offsets(%dma_start3A_276 : memref<128xi32, #tpu.memory_space<vmem>>) semaphore(%run_scoped3A_273 : memref<!tpu.dma_semaphore, #tpu.memory_space<semaphore_mem>>) {add = true}
        %dma_wait3A_280 = arith.constant 0 : i32
        %dma_wait3A_281 = tpu.memref_slice %arg7[%add3A_258, %dma_wait3A_280] : memref<80x128xi32, #tpu.memory_space<vmem>> -> memref<1x128xi32, #tpu.memory_space<vmem>>
        %dma_wait3A_282 = tpu.memref_squeeze %dma_wait3A_281 : memref<1x128xi32, #tpu.memory_space<vmem>> -> memref<128xi32, #tpu.memory_space<vmem>>
        %dma_wait3A_283 = arith.constant 0 : i32
        %dma_wait3A_284 = arith.constant 0 : i32
        %dma_wait3A_285 = tpu.memref_slice %arg17[%dma_wait3A_283, %dma_wait3A_284] : memref<10112x16xf32, #tpu.memory_space<vmem_shared>> -> memref<10112x16xf32, #tpu.memory_space<vmem_shared>>
        tpu.wait_indirect_dma semaphore(%run_scoped3A_273 : memref<!tpu.dma_semaphore, #tpu.memory_space<semaphore_mem>>) src(%arg15 : memref<128x16xf32, #tpu.memory_space<vmem>>) dst(%dma_wait3A_285 : memref<10112x16xf32, #tpu.memory_space<vmem_shared>>)
        tpu.yield
      }) : () -> ()
      %add3A_265 = arith.constant 8 : i32
      %add3A_266 = arith.addi %add3A_258, %add3A_265 : i32
      %dma_start3A_267 = arith.constant 0 : i32
      %dma_start3A_268 = tpu.memref_slice %arg6[%add3A_266, %dma_start3A_267] : memref<80x128xi32, #tpu.memory_space<vmem>> -> memref<1x128xi32, #tpu.memory_space<vmem>>
      %dma_start3A_269 = tpu.memref_squeeze %dma_start3A_268 : memref<1x128xi32, #tpu.memory_space<vmem>> -> memref<128xi32, #tpu.memory_space<vmem>>
      %dma_start3A_270 = arith.constant 0 : i32
      %dma_start3A_271 = arith.constant 0 : i32
      %dma_start3A_272 = tpu.memref_slice %arg16[%dma_start3A_270, %dma_start3A_271] : memref<10112x16xf32, #tpu.memory_space<vmem_shared>> -> memref<10112x16xf32, #tpu.memory_space<vmem_shared>>
      tpu.enqueue_indirect_dma source(%dma_start3A_272 : memref<10112x16xf32, #tpu.memory_space<vmem_shared>>) target(%arg15 : memref<128x16xf32, #tpu.memory_space<vmem>>) offsets(%dma_start3A_269 : memref<128xi32, #tpu.memory_space<vmem>>) semaphore(%arg25 : memref<!tpu.dma_semaphore, #tpu.memory_space<semaphore_mem>>)
    }
    %scan3A_64 = arith.constant 9 : i32
    %dma_wait3A = arith.constant 72 : i32
    %dma_wait3A_65 = arith.constant 0 : i32
    %dma_wait3A_66 = tpu.memref_slice %arg6[%dma_wait3A, %dma_wait3A_65] : memref<80x128xi32, #tpu.memory_space<vmem>> -> memref<1x128xi32, #tpu.memory_space<vmem>>
    %dma_wait3A_67 = tpu.memref_squeeze %dma_wait3A_66 : memref<1x128xi32, #tpu.memory_space<vmem>> -> memref<128xi32, #tpu.memory_space<vmem>>
    %dma_wait3A_68 = arith.constant 0 : i32
    %dma_wait3A_69 = arith.constant 0 : i32
    %dma_wait3A_70 = tpu.memref_slice %arg16[%dma_wait3A_68, %dma_wait3A_69] : memref<10112x16xf32, #tpu.memory_space<vmem_shared>> -> memref<10112x16xf32, #tpu.memory_space<vmem_shared>>
    tpu.wait_indirect_dma semaphore(%arg18 : memref<!tpu.dma_semaphore, #tpu.memory_space<semaphore_mem>>) src(%dma_wait3A_70 : memref<10112x16xf32, #tpu.memory_space<vmem_shared>>) dst(%arg8 : memref<128x16xf32, #tpu.memory_space<vmem>>)
    %run_scoped3A = arith.constant 72 : i32
    "tpu.region"() ({
      %run_scoped3A_128 = tpu.sem_alloc : memref<!tpu.dma_semaphore, #tpu.memory_space<semaphore_mem>>
      %dma_start3A_129 = arith.constant 0 : i32
      %dma_start3A_130 = tpu.memref_slice %arg7[%run_scoped3A, %dma_start3A_129] : memref<80x128xi32, #tpu.memory_space<vmem>> -> memref<1x128xi32, #tpu.memory_space<vmem>>
      %dma_start3A_131 = tpu.memref_squeeze %dma_start3A_130 : memref<1x128xi32, #tpu.memory_space<vmem>> -> memref<128xi32, #tpu.memory_space<vmem>>
      %dma_start3A_132 = arith.constant 0 : i32
      %dma_start3A_133 = arith.constant 0 : i32
      %dma_start3A_134 = tpu.memref_slice %arg17[%dma_start3A_132, %dma_start3A_133] : memref<10112x16xf32, #tpu.memory_space<vmem_shared>> -> memref<10112x16xf32, #tpu.memory_space<vmem_shared>>
      tpu.enqueue_indirect_dma source(%arg8 : memref<128x16xf32, #tpu.memory_space<vmem>>) target(%dma_start3A_134 : memref<10112x16xf32, #tpu.memory_space<vmem_shared>>) offsets(%dma_start3A_131 : memref<128xi32, #tpu.memory_space<vmem>>) semaphore(%run_scoped3A_128 : memref<!tpu.dma_semaphore, #tpu.memory_space<semaphore_mem>>) {add = true}
      %dma_wait3A_135 = arith.constant 0 : i32
      %dma_wait3A_136 = tpu.memref_slice %arg7[%run_scoped3A, %dma_wait3A_135] : memref<80x128xi32, #tpu.memory_space<vmem>> -> memref<1x128xi32, #tpu.memory_space<vmem>>
      %dma_wait3A_137 = tpu.memref_squeeze %dma_wait3A_136 : memref<1x128xi32, #tpu.memory_space<vmem>> -> memref<128xi32, #tpu.memory_space<vmem>>
      %dma_wait3A_138 = arith.constant 0 : i32
      %dma_wait3A_139 = arith.constant 0 : i32
      %dma_wait3A_140 = tpu.memref_slice %arg17[%dma_wait3A_138, %dma_wait3A_139] : memref<10112x16xf32, #tpu.memory_space<vmem_shared>> -> memref<10112x16xf32, #tpu.memory_space<vmem_shared>>
      tpu.wait_indirect_dma semaphore(%run_scoped3A_128 : memref<!tpu.dma_semaphore, #tpu.memory_space<semaphore_mem>>) src(%arg8 : memref<128x16xf32, #tpu.memory_space<vmem>>) dst(%dma_wait3A_140 : memref<10112x16xf32, #tpu.memory_space<vmem_shared>>)
      tpu.yield
    }) : () -> ()
    %dma_wait3A_71 = arith.constant 73 : i32
    %dma_wait3A_72 = arith.constant 0 : i32
    %dma_wait3A_73 = tpu.memref_slice %arg6[%dma_wait3A_71, %dma_wait3A_72] : memref<80x128xi32, #tpu.memory_space<vmem>> -> memref<1x128xi32, #tpu.memory_space<vmem>>
    %dma_wait3A_74 = tpu.memref_squeeze %dma_wait3A_73 : memref<1x128xi32, #tpu.memory_space<vmem>> -> memref<128xi32, #tpu.memory_space<vmem>>
    %dma_wait3A_75 = arith.constant 0 : i32
    %dma_wait3A_76 = arith.constant 0 : i32
    %dma_wait3A_77 = tpu.memref_slice %arg16[%dma_wait3A_75, %dma_wait3A_76] : memref<10112x16xf32, #tpu.memory_space<vmem_shared>> -> memref<10112x16xf32, #tpu.memory_space<vmem_shared>>
    tpu.wait_indirect_dma semaphore(%arg19 : memref<!tpu.dma_semaphore, #tpu.memory_space<semaphore_mem>>) src(%dma_wait3A_77 : memref<10112x16xf32, #tpu.memory_space<vmem_shared>>) dst(%arg9 : memref<128x16xf32, #tpu.memory_space<vmem>>)
    %run_scoped3A_78 = arith.constant 73 : i32
    "tpu.region"() ({
      %run_scoped3A_128 = tpu.sem_alloc : memref<!tpu.dma_semaphore, #tpu.memory_space<semaphore_mem>>
      %dma_start3A_129 = arith.constant 0 : i32
      %dma_start3A_130 = tpu.memref_slice %arg7[%run_scoped3A_78, %dma_start3A_129] : memref<80x128xi32, #tpu.memory_space<vmem>> -> memref<1x128xi32, #tpu.memory_space<vmem>>
      %dma_start3A_131 = tpu.memref_squeeze %dma_start3A_130 : memref<1x128xi32, #tpu.memory_space<vmem>> -> memref<128xi32, #tpu.memory_space<vmem>>
      %dma_start3A_132 = arith.constant 0 : i32
      %dma_start3A_133 = arith.constant 0 : i32
      %dma_start3A_134 = tpu.memref_slice %arg17[%dma_start3A_132, %dma_start3A_133] : memref<10112x16xf32, #tpu.memory_space<vmem_shared>> -> memref<10112x16xf32, #tpu.memory_space<vmem_shared>>
      tpu.enqueue_indirect_dma source(%arg9 : memref<128x16xf32, #tpu.memory_space<vmem>>) target(%dma_start3A_134 : memref<10112x16xf32, #tpu.memory_space<vmem_shared>>) offsets(%dma_start3A_131 : memref<128xi32, #tpu.memory_space<vmem>>) semaphore(%run_scoped3A_128 : memref<!tpu.dma_semaphore, #tpu.memory_space<semaphore_mem>>) {add = true}
      %dma_wait3A_135 = arith.constant 0 : i32
      %dma_wait3A_136 = tpu.memref_slice %arg7[%run_scoped3A_78, %dma_wait3A_135] : memref<80x128xi32, #tpu.memory_space<vmem>> -> memref<1x128xi32, #tpu.memory_space<vmem>>
      %dma_wait3A_137 = tpu.memref_squeeze %dma_wait3A_136 : memref<1x128xi32, #tpu.memory_space<vmem>> -> memref<128xi32, #tpu.memory_space<vmem>>
      %dma_wait3A_138 = arith.constant 0 : i32
      %dma_wait3A_139 = arith.constant 0 : i32
      %dma_wait3A_140 = tpu.memref_slice %arg17[%dma_wait3A_138, %dma_wait3A_139] : memref<10112x16xf32, #tpu.memory_space<vmem_shared>> -> memref<10112x16xf32, #tpu.memory_space<vmem_shared>>
      tpu.wait_indirect_dma semaphore(%run_scoped3A_128 : memref<!tpu.dma_semaphore, #tpu.memory_space<semaphore_mem>>) src(%arg9 : memref<128x16xf32, #tpu.memory_space<vmem>>) dst(%dma_wait3A_140 : memref<10112x16xf32, #tpu.memory_space<vmem_shared>>)
      tpu.yield
    }) : () -> ()
    %dma_wait3A_79 = arith.constant 74 : i32
    %dma_wait3A_80 = arith.constant 0 : i32
    %dma_wait3A_81 = tpu.memref_slice %arg6[%dma_wait3A_79, %dma_wait3A_80] : memref<80x128xi32, #tpu.memory_space<vmem>> -> memref<1x128xi32, #tpu.memory_space<vmem>>
    %dma_wait3A_82 = tpu.memref_squeeze %dma_wait3A_81 : memref<1x128xi32, #tpu.memory_space<vmem>> -> memref<128xi32, #tpu.memory_space<vmem>>
    %dma_wait3A_83 = arith.constant 0 : i32
    %dma_wait3A_84 = arith.constant 0 : i32
    %dma_wait3A_85 = tpu.memref_slice %arg16[%dma_wait3A_83, %dma_wait3A_84] : memref<10112x16xf32, #tpu.memory_space<vmem_shared>> -> memref<10112x16xf32, #tpu.memory_space<vmem_shared>>
    tpu.wait_indirect_dma semaphore(%arg20 : memref<!tpu.dma_semaphore, #tpu.memory_space<semaphore_mem>>) src(%dma_wait3A_85 : memref<10112x16xf32, #tpu.memory_space<vmem_shared>>) dst(%arg10 : memref<128x16xf32, #tpu.memory_space<vmem>>)
    %run_scoped3A_86 = arith.constant 74 : i32
    "tpu.region"() ({
      %run_scoped3A_128 = tpu.sem_alloc : memref<!tpu.dma_semaphore, #tpu.memory_space<semaphore_mem>>
      %dma_start3A_129 = arith.constant 0 : i32
      %dma_start3A_130 = tpu.memref_slice %arg7[%run_scoped3A_86, %dma_start3A_129] : memref<80x128xi32, #tpu.memory_space<vmem>> -> memref<1x128xi32, #tpu.memory_space<vmem>>
      %dma_start3A_131 = tpu.memref_squeeze %dma_start3A_130 : memref<1x128xi32, #tpu.memory_space<vmem>> -> memref<128xi32, #tpu.memory_space<vmem>>
      %dma_start3A_132 = arith.constant 0 : i32
      %dma_start3A_133 = arith.constant 0 : i32
      %dma_start3A_134 = tpu.memref_slice %arg17[%dma_start3A_132, %dma_start3A_133] : memref<10112x16xf32, #tpu.memory_space<vmem_shared>> -> memref<10112x16xf32, #tpu.memory_space<vmem_shared>>
      tpu.enqueue_indirect_dma source(%arg10 : memref<128x16xf32, #tpu.memory_space<vmem>>) target(%dma_start3A_134 : memref<10112x16xf32, #tpu.memory_space<vmem_shared>>) offsets(%dma_start3A_131 : memref<128xi32, #tpu.memory_space<vmem>>) semaphore(%run_scoped3A_128 : memref<!tpu.dma_semaphore, #tpu.memory_space<semaphore_mem>>) {add = true}
      %dma_wait3A_135 = arith.constant 0 : i32
      %dma_wait3A_136 = tpu.memref_slice %arg7[%run_scoped3A_86, %dma_wait3A_135] : memref<80x128xi32, #tpu.memory_space<vmem>> -> memref<1x128xi32, #tpu.memory_space<vmem>>
      %dma_wait3A_137 = tpu.memref_squeeze %dma_wait3A_136 : memref<1x128xi32, #tpu.memory_space<vmem>> -> memref<128xi32, #tpu.memory_space<vmem>>
      %dma_wait3A_138 = arith.constant 0 : i32
      %dma_wait3A_139 = arith.constant 0 : i32
      %dma_wait3A_140 = tpu.memref_slice %arg17[%dma_wait3A_138, %dma_wait3A_139] : memref<10112x16xf32, #tpu.memory_space<vmem_shared>> -> memref<10112x16xf32, #tpu.memory_space<vmem_shared>>
      tpu.wait_indirect_dma semaphore(%run_scoped3A_128 : memref<!tpu.dma_semaphore, #tpu.memory_space<semaphore_mem>>) src(%arg10 : memref<128x16xf32, #tpu.memory_space<vmem>>) dst(%dma_wait3A_140 : memref<10112x16xf32, #tpu.memory_space<vmem_shared>>)
      tpu.yield
    }) : () -> ()
    %dma_wait3A_87 = arith.constant 75 : i32
    %dma_wait3A_88 = arith.constant 0 : i32
    %dma_wait3A_89 = tpu.memref_slice %arg6[%dma_wait3A_87, %dma_wait3A_88] : memref<80x128xi32, #tpu.memory_space<vmem>> -> memref<1x128xi32, #tpu.memory_space<vmem>>
    %dma_wait3A_90 = tpu.memref_squeeze %dma_wait3A_89 : memref<1x128xi32, #tpu.memory_space<vmem>> -> memref<128xi32, #tpu.memory_space<vmem>>
    %dma_wait3A_91 = arith.constant 0 : i32
    %dma_wait3A_92 = arith.constant 0 : i32
    %dma_wait3A_93 = tpu.memref_slice %arg16[%dma_wait3A_91, %dma_wait3A_92] : memref<10112x16xf32, #tpu.memory_space<vmem_shared>> -> memref<10112x16xf32, #tpu.memory_space<vmem_shared>>
    tpu.wait_indirect_dma semaphore(%arg21 : memref<!tpu.dma_semaphore, #tpu.memory_space<semaphore_mem>>) src(%dma_wait3A_93 : memref<10112x16xf32, #tpu.memory_space<vmem_shared>>) dst(%arg11 : memref<128x16xf32, #tpu.memory_space<vmem>>)
    %run_scoped3A_94 = arith.constant 75 : i32
    "tpu.region"() ({
      %run_scoped3A_128 = tpu.sem_alloc : memref<!tpu.dma_semaphore, #tpu.memory_space<semaphore_mem>>
      %dma_start3A_129 = arith.constant 0 : i32
      %dma_start3A_130 = tpu.memref_slice %arg7[%run_scoped3A_94, %dma_start3A_129] : memref<80x128xi32, #tpu.memory_space<vmem>> -> memref<1x128xi32, #tpu.memory_space<vmem>>
      %dma_start3A_131 = tpu.memref_squeeze %dma_start3A_130 : memref<1x128xi32, #tpu.memory_space<vmem>> -> memref<128xi32, #tpu.memory_space<vmem>>
      %dma_start3A_132 = arith.constant 0 : i32
      %dma_start3A_133 = arith.constant 0 : i32
      %dma_start3A_134 = tpu.memref_slice %arg17[%dma_start3A_132, %dma_start3A_133] : memref<10112x16xf32, #tpu.memory_space<vmem_shared>> -> memref<10112x16xf32, #tpu.memory_space<vmem_shared>>
      tpu.enqueue_indirect_dma source(%arg11 : memref<128x16xf32, #tpu.memory_space<vmem>>) target(%dma_start3A_134 : memref<10112x16xf32, #tpu.memory_space<vmem_shared>>) offsets(%dma_start3A_131 : memref<128xi32, #tpu.memory_space<vmem>>) semaphore(%run_scoped3A_128 : memref<!tpu.dma_semaphore, #tpu.memory_space<semaphore_mem>>) {add = true}
      %dma_wait3A_135 = arith.constant 0 : i32
      %dma_wait3A_136 = tpu.memref_slice %arg7[%run_scoped3A_94, %dma_wait3A_135] : memref<80x128xi32, #tpu.memory_space<vmem>> -> memref<1x128xi32, #tpu.memory_space<vmem>>
      %dma_wait3A_137 = tpu.memref_squeeze %dma_wait3A_136 : memref<1x128xi32, #tpu.memory_space<vmem>> -> memref<128xi32, #tpu.memory_space<vmem>>
      %dma_wait3A_138 = arith.constant 0 : i32
      %dma_wait3A_139 = arith.constant 0 : i32
      %dma_wait3A_140 = tpu.memref_slice %arg17[%dma_wait3A_138, %dma_wait3A_139] : memref<10112x16xf32, #tpu.memory_space<vmem_shared>> -> memref<10112x16xf32, #tpu.memory_space<vmem_shared>>
      tpu.wait_indirect_dma semaphore(%run_scoped3A_128 : memref<!tpu.dma_semaphore, #tpu.memory_space<semaphore_mem>>) src(%arg11 : memref<128x16xf32, #tpu.memory_space<vmem>>) dst(%dma_wait3A_140 : memref<10112x16xf32, #tpu.memory_space<vmem_shared>>)
      tpu.yield
    }) : () -> ()
    %dma_wait3A_95 = arith.constant 76 : i32
    %dma_wait3A_96 = arith.constant 0 : i32
    %dma_wait3A_97 = tpu.memref_slice %arg6[%dma_wait3A_95, %dma_wait3A_96] : memref<80x128xi32, #tpu.memory_space<vmem>> -> memref<1x128xi32, #tpu.memory_space<vmem>>
    %dma_wait3A_98 = tpu.memref_squeeze %dma_wait3A_97 : memref<1x128xi32, #tpu.memory_space<vmem>> -> memref<128xi32, #tpu.memory_space<vmem>>
    %dma_wait3A_99 = arith.constant 0 : i32
    %dma_wait3A_100 = arith.constant 0 : i32
    %dma_wait3A_101 = tpu.memref_slice %arg16[%dma_wait3A_99, %dma_wait3A_100] : memref<10112x16xf32, #tpu.memory_space<vmem_shared>> -> memref<10112x16xf32, #tpu.memory_space<vmem_shared>>
    tpu.wait_indirect_dma semaphore(%arg22 : memref<!tpu.dma_semaphore, #tpu.memory_space<semaphore_mem>>) src(%dma_wait3A_101 : memref<10112x16xf32, #tpu.memory_space<vmem_shared>>) dst(%arg12 : memref<128x16xf32, #tpu.memory_space<vmem>>)
    %run_scoped3A_102 = arith.constant 76 : i32
    "tpu.region"() ({
      %run_scoped3A_128 = tpu.sem_alloc : memref<!tpu.dma_semaphore, #tpu.memory_space<semaphore_mem>>
      %dma_start3A_129 = arith.constant 0 : i32
      %dma_start3A_130 = tpu.memref_slice %arg7[%run_scoped3A_102, %dma_start3A_129] : memref<80x128xi32, #tpu.memory_space<vmem>> -> memref<1x128xi32, #tpu.memory_space<vmem>>
      %dma_start3A_131 = tpu.memref_squeeze %dma_start3A_130 : memref<1x128xi32, #tpu.memory_space<vmem>> -> memref<128xi32, #tpu.memory_space<vmem>>
      %dma_start3A_132 = arith.constant 0 : i32
      %dma_start3A_133 = arith.constant 0 : i32
      %dma_start3A_134 = tpu.memref_slice %arg17[%dma_start3A_132, %dma_start3A_133] : memref<10112x16xf32, #tpu.memory_space<vmem_shared>> -> memref<10112x16xf32, #tpu.memory_space<vmem_shared>>
      tpu.enqueue_indirect_dma source(%arg12 : memref<128x16xf32, #tpu.memory_space<vmem>>) target(%dma_start3A_134 : memref<10112x16xf32, #tpu.memory_space<vmem_shared>>) offsets(%dma_start3A_131 : memref<128xi32, #tpu.memory_space<vmem>>) semaphore(%run_scoped3A_128 : memref<!tpu.dma_semaphore, #tpu.memory_space<semaphore_mem>>) {add = true}
      %dma_wait3A_135 = arith.constant 0 : i32
      %dma_wait3A_136 = tpu.memref_slice %arg7[%run_scoped3A_102, %dma_wait3A_135] : memref<80x128xi32, #tpu.memory_space<vmem>> -> memref<1x128xi32, #tpu.memory_space<vmem>>
      %dma_wait3A_137 = tpu.memref_squeeze %dma_wait3A_136 : memref<1x128xi32, #tpu.memory_space<vmem>> -> memref<128xi32, #tpu.memory_space<vmem>>
      %dma_wait3A_138 = arith.constant 0 : i32
      %dma_wait3A_139 = arith.constant 0 : i32
      %dma_wait3A_140 = tpu.memref_slice %arg17[%dma_wait3A_138, %dma_wait3A_139] : memref<10112x16xf32, #tpu.memory_space<vmem_shared>> -> memref<10112x16xf32, #tpu.memory_space<vmem_shared>>
      tpu.wait_indirect_dma semaphore(%run_scoped3A_128 : memref<!tpu.dma_semaphore, #tpu.memory_space<semaphore_mem>>) src(%arg12 : memref<128x16xf32, #tpu.memory_space<vmem>>) dst(%dma_wait3A_140 : memref<10112x16xf32, #tpu.memory_space<vmem_shared>>)
      tpu.yield
    }) : () -> ()
    %dma_wait3A_103 = arith.constant 77 : i32
    %dma_wait3A_104 = arith.constant 0 : i32
    %dma_wait3A_105 = tpu.memref_slice %arg6[%dma_wait3A_103, %dma_wait3A_104] : memref<80x128xi32, #tpu.memory_space<vmem>> -> memref<1x128xi32, #tpu.memory_space<vmem>>
    %dma_wait3A_106 = tpu.memref_squeeze %dma_wait3A_105 : memref<1x128xi32, #tpu.memory_space<vmem>> -> memref<128xi32, #tpu.memory_space<vmem>>
    %dma_wait3A_107 = arith.constant 0 : i32
    %dma_wait3A_108 = arith.constant 0 : i32
    %dma_wait3A_109 = tpu.memref_slice %arg16[%dma_wait3A_107, %dma_wait3A_108] : memref<10112x16xf32, #tpu.memory_space<vmem_shared>> -> memref<10112x16xf32, #tpu.memory_space<vmem_shared>>
    tpu.wait_indirect_dma semaphore(%arg23 : memref<!tpu.dma_semaphore, #tpu.memory_space<semaphore_mem>>) src(%dma_wait3A_109 : memref<10112x16xf32, #tpu.memory_space<vmem_shared>>) dst(%arg13 : memref<128x16xf32, #tpu.memory_space<vmem>>)
    %run_scoped3A_110 = arith.constant 77 : i32
    "tpu.region"() ({
      %run_scoped3A_128 = tpu.sem_alloc : memref<!tpu.dma_semaphore, #tpu.memory_space<semaphore_mem>>
      %dma_start3A_129 = arith.constant 0 : i32
      %dma_start3A_130 = tpu.memref_slice %arg7[%run_scoped3A_110, %dma_start3A_129] : memref<80x128xi32, #tpu.memory_space<vmem>> -> memref<1x128xi32, #tpu.memory_space<vmem>>
      %dma_start3A_131 = tpu.memref_squeeze %dma_start3A_130 : memref<1x128xi32, #tpu.memory_space<vmem>> -> memref<128xi32, #tpu.memory_space<vmem>>
      %dma_start3A_132 = arith.constant 0 : i32
      %dma_start3A_133 = arith.constant 0 : i32
      %dma_start3A_134 = tpu.memref_slice %arg17[%dma_start3A_132, %dma_start3A_133] : memref<10112x16xf32, #tpu.memory_space<vmem_shared>> -> memref<10112x16xf32, #tpu.memory_space<vmem_shared>>
      tpu.enqueue_indirect_dma source(%arg13 : memref<128x16xf32, #tpu.memory_space<vmem>>) target(%dma_start3A_134 : memref<10112x16xf32, #tpu.memory_space<vmem_shared>>) offsets(%dma_start3A_131 : memref<128xi32, #tpu.memory_space<vmem>>) semaphore(%run_scoped3A_128 : memref<!tpu.dma_semaphore, #tpu.memory_space<semaphore_mem>>) {add = true}
      %dma_wait3A_135 = arith.constant 0 : i32
      %dma_wait3A_136 = tpu.memref_slice %arg7[%run_scoped3A_110, %dma_wait3A_135] : memref<80x128xi32, #tpu.memory_space<vmem>> -> memref<1x128xi32, #tpu.memory_space<vmem>>
      %dma_wait3A_137 = tpu.memref_squeeze %dma_wait3A_136 : memref<1x128xi32, #tpu.memory_space<vmem>> -> memref<128xi32, #tpu.memory_space<vmem>>
      %dma_wait3A_138 = arith.constant 0 : i32
      %dma_wait3A_139 = arith.constant 0 : i32
      %dma_wait3A_140 = tpu.memref_slice %arg17[%dma_wait3A_138, %dma_wait3A_139] : memref<10112x16xf32, #tpu.memory_space<vmem_shared>> -> memref<10112x16xf32, #tpu.memory_space<vmem_shared>>
      tpu.wait_indirect_dma semaphore(%run_scoped3A_128 : memref<!tpu.dma_semaphore, #tpu.memory_space<semaphore_mem>>) src(%arg13 : memref<128x16xf32, #tpu.memory_space<vmem>>) dst(%dma_wait3A_140 : memref<10112x16xf32, #tpu.memory_space<vmem_shared>>)
      tpu.yield
    }) : () -> ()
    %dma_wait3A_111 = arith.constant 78 : i32
    %dma_wait3A_112 = arith.constant 0 : i32
    %dma_wait3A_113 = tpu.memref_slice %arg6[%dma_wait3A_111, %dma_wait3A_112] : memref<80x128xi32, #tpu.memory_space<vmem>> -> memref<1x128xi32, #tpu.memory_space<vmem>>
    %dma_wait3A_114 = tpu.memref_squeeze %dma_wait3A_113 : memref<1x128xi32, #tpu.memory_space<vmem>> -> memref<128xi32, #tpu.memory_space<vmem>>
    %dma_wait3A_115 = arith.constant 0 : i32
    %dma_wait3A_116 = arith.constant 0 : i32
    %dma_wait3A_117 = tpu.memref_slice %arg16[%dma_wait3A_115, %dma_wait3A_116] : memref<10112x16xf32, #tpu.memory_space<vmem_shared>> -> memref<10112x16xf32, #tpu.memory_space<vmem_shared>>
    tpu.wait_indirect_dma semaphore(%arg24 : memref<!tpu.dma_semaphore, #tpu.memory_space<semaphore_mem>>) src(%dma_wait3A_117 : memref<10112x16xf32, #tpu.memory_space<vmem_shared>>) dst(%arg14 : memref<128x16xf32, #tpu.memory_space<vmem>>)
    %run_scoped3A_118 = arith.constant 78 : i32
    "tpu.region"() ({
      %run_scoped3A_128 = tpu.sem_alloc : memref<!tpu.dma_semaphore, #tpu.memory_space<semaphore_mem>>
      %dma_start3A_129 = arith.constant 0 : i32
      %dma_start3A_130 = tpu.memref_slice %arg7[%run_scoped3A_118, %dma_start3A_129] : memref<80x128xi32, #tpu.memory_space<vmem>> -> memref<1x128xi32, #tpu.memory_space<vmem>>
      %dma_start3A_131 = tpu.memref_squeeze %dma_start3A_130 : memref<1x128xi32, #tpu.memory_space<vmem>> -> memref<128xi32, #tpu.memory_space<vmem>>
      %dma_start3A_132 = arith.constant 0 : i32
      %dma_start3A_133 = arith.constant 0 : i32
      %dma_start3A_134 = tpu.memref_slice %arg17[%dma_start3A_132, %dma_start3A_133] : memref<10112x16xf32, #tpu.memory_space<vmem_shared>> -> memref<10112x16xf32, #tpu.memory_space<vmem_shared>>
      tpu.enqueue_indirect_dma source(%arg14 : memref<128x16xf32, #tpu.memory_space<vmem>>) target(%dma_start3A_134 : memref<10112x16xf32, #tpu.memory_space<vmem_shared>>) offsets(%dma_start3A_131 : memref<128xi32, #tpu.memory_space<vmem>>) semaphore(%run_scoped3A_128 : memref<!tpu.dma_semaphore, #tpu.memory_space<semaphore_mem>>) {add = true}
      %dma_wait3A_135 = arith.constant 0 : i32
      %dma_wait3A_136 = tpu.memref_slice %arg7[%run_scoped3A_118, %dma_wait3A_135] : memref<80x128xi32, #tpu.memory_space<vmem>> -> memref<1x128xi32, #tpu.memory_space<vmem>>
      %dma_wait3A_137 = tpu.memref_squeeze %dma_wait3A_136 : memref<1x128xi32, #tpu.memory_space<vmem>> -> memref<128xi32, #tpu.memory_space<vmem>>
      %dma_wait3A_138 = arith.constant 0 : i32
      %dma_wait3A_139 = arith.constant 0 : i32
      %dma_wait3A_140 = tpu.memref_slice %arg17[%dma_wait3A_138, %dma_wait3A_139] : memref<10112x16xf32, #tpu.memory_space<vmem_shared>> -> memref<10112x16xf32, #tpu.memory_space<vmem_shared>>
      tpu.wait_indirect_dma semaphore(%run_scoped3A_128 : memref<!tpu.dma_semaphore, #tpu.memory_space<semaphore_mem>>) src(%arg14 : memref<128x16xf32, #tpu.memory_space<vmem>>) dst(%dma_wait3A_140 : memref<10112x16xf32, #tpu.memory_space<vmem_shared>>)
      tpu.yield
    }) : () -> ()
    %dma_wait3A_119 = arith.constant 79 : i32
    %dma_wait3A_120 = arith.constant 0 : i32
    %dma_wait3A_121 = tpu.memref_slice %arg6[%dma_wait3A_119, %dma_wait3A_120] : memref<80x128xi32, #tpu.memory_space<vmem>> -> memref<1x128xi32, #tpu.memory_space<vmem>>
    %dma_wait3A_122 = tpu.memref_squeeze %dma_wait3A_121 : memref<1x128xi32, #tpu.memory_space<vmem>> -> memref<128xi32, #tpu.memory_space<vmem>>
    %dma_wait3A_123 = arith.constant 0 : i32
    %dma_wait3A_124 = arith.constant 0 : i32
    %dma_wait3A_125 = tpu.memref_slice %arg16[%dma_wait3A_123, %dma_wait3A_124] : memref<10112x16xf32, #tpu.memory_space<vmem_shared>> -> memref<10112x16xf32, #tpu.memory_space<vmem_shared>>
    tpu.wait_indirect_dma semaphore(%arg25 : memref<!tpu.dma_semaphore, #tpu.memory_space<semaphore_mem>>) src(%dma_wait3A_125 : memref<10112x16xf32, #tpu.memory_space<vmem_shared>>) dst(%arg15 : memref<128x16xf32, #tpu.memory_space<vmem>>)
    %run_scoped3A_126 = arith.constant 79 : i32
    "tpu.region"() ({
      %run_scoped3A_128 = tpu.sem_alloc : memref<!tpu.dma_semaphore, #tpu.memory_space<semaphore_mem>>
      %dma_start3A_129 = arith.constant 0 : i32
      %dma_start3A_130 = tpu.memref_slice %arg7[%run_scoped3A_126, %dma_start3A_129] : memref<80x128xi32, #tpu.memory_space<vmem>> -> memref<1x128xi32, #tpu.memory_space<vmem>>
      %dma_start3A_131 = tpu.memref_squeeze %dma_start3A_130 : memref<1x128xi32, #tpu.memory_space<vmem>> -> memref<128xi32, #tpu.memory_space<vmem>>
      %dma_start3A_132 = arith.constant 0 : i32
      %dma_start3A_133 = arith.constant 0 : i32
      %dma_start3A_134 = tpu.memref_slice %arg17[%dma_start3A_132, %dma_start3A_133] : memref<10112x16xf32, #tpu.memory_space<vmem_shared>> -> memref<10112x16xf32, #tpu.memory_space<vmem_shared>>
      tpu.enqueue_indirect_dma source(%arg15 : memref<128x16xf32, #tpu.memory_space<vmem>>) target(%dma_start3A_134 : memref<10112x16xf32, #tpu.memory_space<vmem_shared>>) offsets(%dma_start3A_131 : memref<128xi32, #tpu.memory_space<vmem>>) semaphore(%run_scoped3A_128 : memref<!tpu.dma_semaphore, #tpu.memory_space<semaphore_mem>>) {add = true}
      %dma_wait3A_135 = arith.constant 0 : i32
      %dma_wait3A_136 = tpu.memref_slice %arg7[%run_scoped3A_126, %dma_wait3A_135] : memref<80x128xi32, #tpu.memory_space<vmem>> -> memref<1x128xi32, #tpu.memory_space<vmem>>
      %dma_wait3A_137 = tpu.memref_squeeze %dma_wait3A_136 : memref<1x128xi32, #tpu.memory_space<vmem>> -> memref<128xi32, #tpu.memory_space<vmem>>
      %dma_wait3A_138 = arith.constant 0 : i32
      %dma_wait3A_139 = arith.constant 0 : i32
      %dma_wait3A_140 = tpu.memref_slice %arg17[%dma_wait3A_138, %dma_wait3A_139] : memref<10112x16xf32, #tpu.memory_space<vmem_shared>> -> memref<10112x16xf32, #tpu.memory_space<vmem_shared>>
      tpu.wait_indirect_dma semaphore(%run_scoped3A_128 : memref<!tpu.dma_semaphore, #tpu.memory_space<semaphore_mem>>) src(%arg15 : memref<128x16xf32, #tpu.memory_space<vmem>>) dst(%dma_wait3A_140 : memref<10112x16xf32, #tpu.memory_space<vmem_shared>>)
      tpu.yield
    }) : () -> ()
    %barrier3A_127 = arith.constant 0 : index
    tpu.barrier barrier_id(%barrier3A_127)
    "tpu.region"() ({
      %run_scoped3A_128 = tpu.sem_alloc : memref<!tpu.dma_semaphore, #tpu.memory_space<semaphore_mem>>
      %dma_start3A_129 = arith.constant 0 : i32
      %dma_start3A_130 = tpu.memref_slice %arg5[%arg0, %mul3A_4, %dma_start3A_129] : memref<2x10112x16xf32, #tpu.memory_space<hbm>> -> memref<1x632x16xf32, #tpu.memory_space<hbm>>
      %dma_start3A_131 = tpu.memref_squeeze %dma_start3A_130 : memref<1x632x16xf32, #tpu.memory_space<hbm>> -> memref<632x16xf32, #tpu.memory_space<hbm>>
      %dma_start3A_132 = arith.constant 0 : i32
      %dma_start3A_133 = tpu.memref_slice %arg17[%mul3A_4, %dma_start3A_132] : memref<10112x16xf32, #tpu.memory_space<vmem_shared>> -> memref<632x16xf32, #tpu.memory_space<vmem_shared>>
      tpu.enqueue_dma source(%dma_start3A_133 : memref<632x16xf32, #tpu.memory_space<vmem_shared>>) target(%dma_start3A_131 : memref<632x16xf32, #tpu.memory_space<hbm>>) target_semaphore(%run_scoped3A_128 : memref<!tpu.dma_semaphore, #tpu.memory_space<semaphore_mem>>)
      %dma_wait3A_134 = arith.constant 0 : i32
      %dma_wait3A_135 = tpu.memref_slice %arg5[%arg0, %mul3A_4, %dma_wait3A_134] : memref<2x10112x16xf32, #tpu.memory_space<hbm>> -> memref<1x632x16xf32, #tpu.memory_space<hbm>>
      %dma_wait3A_136 = tpu.memref_squeeze %dma_wait3A_135 : memref<1x632x16xf32, #tpu.memory_space<hbm>> -> memref<632x16xf32, #tpu.memory_space<hbm>>
      %dma_wait3A_137 = arith.constant 0 : i32
      %dma_wait3A_138 = tpu.memref_slice %arg17[%mul3A_4, %dma_wait3A_137] : memref<10112x16xf32, #tpu.memory_space<vmem_shared>> -> memref<632x16xf32, #tpu.memory_space<vmem_shared>>
      tpu.wait_dma2 semaphore(%run_scoped3A_128 : memref<!tpu.dma_semaphore, #tpu.memory_space<semaphore_mem>>) src(%dma_wait3A_138 : memref<632x16xf32, #tpu.memory_space<vmem_shared>>) dst(%dma_wait3A_136 : memref<632x16xf32, #tpu.memory_space<hbm>>)
      tpu.yield
    }) : () -> ()
    return
  }
}

#map = affine_map<(d0, d1) -> (0, 0, 0)>
#map1 = affine_map<(d0, d1) -> (0, 0)>
module attributes {stable_mosaic.version = 14 : i64} {
  func.func @_deg_kernel(%arg0: i32, %arg1: i32, %arg2: memref<32x640x16xi32, #tpu.memory_space<hbm>>, %arg3: memref<32x10112xf32, #tpu.memory_space<hbm>>, %arg4: memref<640x16xi32, #tpu.memory_space<vmem>>, %arg5: memref<10112xf32, #tpu.memory_space<vmem>>) attributes {dimension_semantics = [#tpu.dimension_semantics<core_parallel>, #tpu.dimension_semantics<subcore_parallel>], iteration_bounds = array<i64: 2, 16>, scalar_prefetch = 0 : i64, scratch_operands = 2 : i64, tpu.core_type = #tpu.core_type<sc_vector_subcore>, window_params = [{transform_indices = #map}, {transform_indices = #map1}]} {
    %mul3A = arith.constant 2 : i32
    %mul3A_0 = arith.muli %arg1, %mul3A : i32
    %add3A = arith.addi %mul3A_0, %arg0 : i32
    "tpu.region"() ({
      %run_scoped3A = tpu.sem_alloc : memref<!tpu.dma_semaphore, #tpu.memory_space<semaphore_mem>>
      %dma_start3A = arith.constant 0 : i32
      %dma_start3A_15 = arith.constant 0 : i32
      %dma_start3A_16 = tpu.memref_slice %arg2[%add3A, %dma_start3A, %dma_start3A_15] : memref<32x640x16xi32, #tpu.memory_space<hbm>> -> memref<1x640x16xi32, #tpu.memory_space<hbm>>
      %dma_start3A_17 = tpu.memref_squeeze %dma_start3A_16 : memref<1x640x16xi32, #tpu.memory_space<hbm>> -> memref<640x16xi32, #tpu.memory_space<hbm>>
      %dma_start3A_18 = arith.constant 0 : i32
      %dma_start3A_19 = arith.constant 0 : i32
      %dma_start3A_20 = tpu.memref_slice %arg2[%add3A, %dma_start3A_18, %dma_start3A_19] : memref<32x640x16xi32, #tpu.memory_space<hbm>> -> memref<1x640x16xi32, #tpu.memory_space<hbm>>
      %dma_start3A_21 = tpu.memref_squeeze %dma_start3A_20 : memref<1x640x16xi32, #tpu.memory_space<hbm>> -> memref<640x16xi32, #tpu.memory_space<hbm>>
      tpu.enqueue_dma source(%dma_start3A_21 : memref<640x16xi32, #tpu.memory_space<hbm>>) target(%arg4 : memref<640x16xi32, #tpu.memory_space<vmem>>) target_semaphore(%run_scoped3A : memref<!tpu.dma_semaphore, #tpu.memory_space<semaphore_mem>>)
      %dma_wait3A = arith.constant 0 : i32
      %dma_wait3A_22 = arith.constant 0 : i32
      %dma_wait3A_23 = tpu.memref_slice %arg2[%add3A, %dma_wait3A, %dma_wait3A_22] : memref<32x640x16xi32, #tpu.memory_space<hbm>> -> memref<1x640x16xi32, #tpu.memory_space<hbm>>
      %dma_wait3A_24 = tpu.memref_squeeze %dma_wait3A_23 : memref<1x640x16xi32, #tpu.memory_space<hbm>> -> memref<640x16xi32, #tpu.memory_space<hbm>>
      %dma_wait3A_25 = arith.constant 0 : i32
      %dma_wait3A_26 = arith.constant 0 : i32
      %dma_wait3A_27 = tpu.memref_slice %arg2[%add3A, %dma_wait3A_25, %dma_wait3A_26] : memref<32x640x16xi32, #tpu.memory_space<hbm>> -> memref<1x640x16xi32, #tpu.memory_space<hbm>>
      %dma_wait3A_28 = tpu.memref_squeeze %dma_wait3A_27 : memref<1x640x16xi32, #tpu.memory_space<hbm>> -> memref<640x16xi32, #tpu.memory_space<hbm>>
      tpu.wait_dma2 semaphore(%run_scoped3A : memref<!tpu.dma_semaphore, #tpu.memory_space<semaphore_mem>>) src(%dma_wait3A_28 : memref<640x16xi32, #tpu.memory_space<hbm>>) dst(%arg4 : memref<640x16xi32, #tpu.memory_space<vmem>>)
      tpu.yield
    }) : () -> ()
    %broadcast_in_dim3A = arith.constant 0.000000e+00 : f32
    %broadcast_in_dim3A_1 = vector.broadcast %broadcast_in_dim3A : f32 to vector<16xf32>
    %scan3A = arith.constant 0 : i32
    %scan3A_2 = arith.constant 0 : i32
    %scan3A_3 = arith.constant 632 : i32
    %scan3A_4 = arith.addi %scan3A_2, %scan3A_3 : i32
    %scan3A_5 = arith.constant 1 : i32
    scf.for %scan3A_15 = %scan3A_2 to %scan3A_4 step %scan3A_5  : i32 {
      %mul3A_16 = arith.constant 16 : i32
      %mul3A_17 = arith.muli %scan3A_15, %mul3A_16 : i32
      %swap3A = arith.index_cast %mul3A_17 : i32 to index
      %swap3A_18 = tpu.vector_load %arg5[%swap3A] {strides = array<i32>} : memref<10112xf32, #tpu.memory_space<vmem>>, vector<16xf32>,
      tpu.vector_store %arg5[%swap3A], %broadcast_in_dim3A_1 {strides = array<i32>} : memref<10112xf32, #tpu.memory_space<vmem>>, vector<16xf32>,
    }
    %scan3A_6 = arith.constant 632 : i32
    %broadcast_in_dim3A_7 = arith.constant 1.000000e+00 : f32
    %broadcast_in_dim3A_8 = vector.broadcast %broadcast_in_dim3A_7 : f32 to vector<16xf32>
    %scan3A_9 = arith.constant 0 : i32
    %scan3A_10 = arith.constant 0 : i32
    %scan3A_11 = arith.constant 640 : i32
    %scan3A_12 = arith.addi %scan3A_10, %scan3A_11 : i32
    %scan3A_13 = arith.constant 1 : i32
    scf.for %scan3A_15 = %scan3A_10 to %scan3A_12 step %scan3A_13  : i32 {
      %get3A = arith.index_cast %scan3A_15 : i32 to index
      %get3A_16 = arith.constant 0 : index
      %get3A_17 = tpu.vector_load %arg4[%get3A, %get3A_16] {strides = array<i32>} : memref<640x16xi32, #tpu.memory_space<vmem>>, vector<16xi32>,
      tpu.vector_store_idx %arg5[%get3A_17], %broadcast_in_dim3A_8 {add = true} : memref<10112xf32, #tpu.memory_space<vmem>>[vector<16xi32>], vector<16xf32>,
    }
    %scan3A_14 = arith.constant 640 : i32
    "tpu.region"() ({
      %run_scoped3A = tpu.sem_alloc : memref<!tpu.dma_semaphore, #tpu.memory_space<semaphore_mem>>
      %dma_start3A = arith.constant 0 : i32
      %dma_start3A_15 = tpu.memref_slice %arg3[%add3A, %dma_start3A] : memref<32x10112xf32, #tpu.memory_space<hbm>> -> memref<1x10112xf32, #tpu.memory_space<hbm>>
      %dma_start3A_16 = tpu.memref_squeeze %dma_start3A_15 : memref<1x10112xf32, #tpu.memory_space<hbm>> -> memref<10112xf32, #tpu.memory_space<hbm>>
      %dma_start3A_17 = arith.constant 0 : i32
      %dma_start3A_18 = tpu.memref_slice %arg3[%add3A, %dma_start3A_17] : memref<32x10112xf32, #tpu.memory_space<hbm>> -> memref<1x10112xf32, #tpu.memory_space<hbm>>
      %dma_start3A_19 = tpu.memref_squeeze %dma_start3A_18 : memref<1x10112xf32, #tpu.memory_space<hbm>> -> memref<10112xf32, #tpu.memory_space<hbm>>
      tpu.enqueue_dma source(%arg5 : memref<10112xf32, #tpu.memory_space<vmem>>) target(%dma_start3A_19 : memref<10112xf32, #tpu.memory_space<hbm>>) target_semaphore(%run_scoped3A : memref<!tpu.dma_semaphore, #tpu.memory_space<semaphore_mem>>)
      %dma_wait3A = arith.constant 0 : i32
      %dma_wait3A_20 = tpu.memref_slice %arg3[%add3A, %dma_wait3A] : memref<32x10112xf32, #tpu.memory_space<hbm>> -> memref<1x10112xf32, #tpu.memory_space<hbm>>
      %dma_wait3A_21 = tpu.memref_squeeze %dma_wait3A_20 : memref<1x10112xf32, #tpu.memory_space<hbm>> -> memref<10112xf32, #tpu.memory_space<hbm>>
      %dma_wait3A_22 = arith.constant 0 : i32
      %dma_wait3A_23 = tpu.memref_slice %arg3[%add3A, %dma_wait3A_22] : memref<32x10112xf32, #tpu.memory_space<hbm>> -> memref<1x10112xf32, #tpu.memory_space<hbm>>
      %dma_wait3A_24 = tpu.memref_squeeze %dma_wait3A_23 : memref<1x10112xf32, #tpu.memory_space<hbm>> -> memref<10112xf32, #tpu.memory_space<hbm>>
      tpu.wait_dma2 semaphore(%run_scoped3A : memref<!tpu.dma_semaphore, #tpu.memory_space<semaphore_mem>>) src(%arg5 : memref<10112xf32, #tpu.memory_space<vmem>>) dst(%dma_wait3A_24 : memref<10112xf32, #tpu.memory_space<hbm>>)
      tpu.yield
    }) : () -> ()
    return
  }
}

#map = affine_map<(d0, d1) -> (0, 0)>
#map1 = affine_map<(d0, d1) -> (0, 0, 0)>
module attributes {stable_mosaic.version = 14 : i64} {
  func.func @_agg(%arg0: i32, %arg1: i32, %arg2: memref<2560x128xi32, #tpu.memory_space<hbm>>, %arg3: memref<2560x128xi32, #tpu.memory_space<hbm>>, %arg4: memref<10112x16xf32, #tpu.memory_space<hbm>>, %arg5: memref<2x10112x16xf32, #tpu.memory_space<hbm>>, %arg6: memref<80x128xi32, #tpu.memory_space<vmem>>, %arg7: memref<80x128xi32, #tpu.memory_space<vmem>>, %arg8: memref<128x16xf32, #tpu.memory_space<vmem>>, %arg9: memref<128x16xf32, #tpu.memory_space<vmem>>, %arg10: memref<128x16xf32, #tpu.memory_space<vmem>>, %arg11: memref<128x16xf32, #tpu.memory_space<vmem>>, %arg12: memref<128x16xf32, #tpu.memory_space<vmem>>, %arg13: memref<128x16xf32, #tpu.memory_space<vmem>>, %arg14: memref<128x16xf32, #tpu.memory_space<vmem>>, %arg15: memref<128x16xf32, #tpu.memory_space<vmem>>, %arg16: memref<10112x16xf32, #tpu.memory_space<vmem_shared>>, %arg17: memref<10112x16xf32, #tpu.memory_space<vmem_shared>>, %arg18: memref<!tpu.dma_semaphore, #tpu.memory_space<semaphore_mem>>, %arg19: memref<!tpu.dma_semaphore, #tpu.memory_space<semaphore_mem>>, %arg20: memref<!tpu.dma_semaphore, #tpu.memory_space<semaphore_mem>>, %arg21: memref<!tpu.dma_semaphore, #tpu.memory_space<semaphore_mem>>, %arg22: memref<!tpu.dma_semaphore, #tpu.memory_space<semaphore_mem>>, %arg23: memref<!tpu.dma_semaphore, #tpu.memory_space<semaphore_mem>>, %arg24: memref<!tpu.dma_semaphore, #tpu.memory_space<semaphore_mem>>, %arg25: memref<!tpu.dma_semaphore, #tpu.memory_space<semaphore_mem>>) attributes {dimension_semantics = [#tpu.dimension_semantics<core_parallel>, #tpu.dimension_semantics<subcore_parallel>], iteration_bounds = array<i64: 2, 16>, scalar_prefetch = 0 : i64, scratch_operands = 20 : i64, tpu.core_type = #tpu.core_type<sc_vector_subcore>, window_params = [{transform_indices = #map}, {transform_indices = #map}, {transform_indices = #map}, {transform_indices = #map1}]} {
    %mul3A = arith.constant 2 : i32
    %mul3A_0 = arith.muli %arg1, %mul3A : i32
    %add3A = arith.addi %mul3A_0, %arg0 : i32
    %mul3A_1 = arith.constant 80 : i32
    %mul3A_2 = arith.muli %add3A, %mul3A_1 : i32
    "tpu.region"() ({
      %run_scoped3A_128 = tpu.sem_alloc : memref<!tpu.dma_semaphore, #tpu.memory_space<semaphore_mem>>
      %dma_start3A_129 = arith.constant 0 : i32
      %dma_start3A_130 = tpu.memref_slice %arg2[%mul3A_2, %dma_start3A_129] : memref<2560x128xi32, #tpu.memory_space<hbm>> -> memref<80x128xi32, #tpu.memory_space<hbm>>
      %dma_start3A_131 = arith.constant 0 : i32
      %dma_start3A_132 = tpu.memref_slice %arg2[%mul3A_2, %dma_start3A_131] : memref<2560x128xi32, #tpu.memory_space<hbm>> -> memref<80x128xi32, #tpu.memory_space<hbm>>
      tpu.enqueue_dma source(%dma_start3A_132 : memref<80x128xi32, #tpu.memory_space<hbm>>) target(%arg6 : memref<80x128xi32, #tpu.memory_space<vmem>>) target_semaphore(%run_scoped3A_128 : memref<!tpu.dma_semaphore, #tpu.memory_space<semaphore_mem>>)
      %dma_wait3A_133 = arith.constant 0 : i32
      %dma_wait3A_134 = tpu.memref_slice %arg2[%mul3A_2, %dma_wait3A_133] : memref<2560x128xi32, #tpu.memory_space<hbm>> -> memref<80x128xi32, #tpu.memory_space<hbm>>
      %dma_wait3A_135 = arith.constant 0 : i32
      %dma_wait3A_136 = tpu.memref_slice %arg2[%mul3A_2, %dma_wait3A_135] : memref<2560x128xi32, #tpu.memory_space<hbm>> -> memref<80x128xi32, #tpu.memory_space<hbm>>
      tpu.wait_dma2 semaphore(%run_scoped3A_128 : memref<!tpu.dma_semaphore, #tpu.memory_space<semaphore_mem>>) src(%dma_wait3A_136 : memref<80x128xi32, #tpu.memory_space<hbm>>) dst(%arg6 : memref<80x128xi32, #tpu.memory_space<vmem>>)
      tpu.yield
    }) : () -> ()
    "tpu.region"() ({
      %run_scoped3A_128 = tpu.sem_alloc : memref<!tpu.dma_semaphore, #tpu.memory_space<semaphore_mem>>
      %dma_start3A_129 = arith.constant 0 : i32
      %dma_start3A_130 = tpu.memref_slice %arg3[%mul3A_2, %dma_start3A_129] : memref<2560x128xi32, #tpu.memory_space<hbm>> -> memref<80x128xi32, #tpu.memory_space<hbm>>
      %dma_start3A_131 = arith.constant 0 : i32
      %dma_start3A_132 = tpu.memref_slice %arg3[%mul3A_2, %dma_start3A_131] : memref<2560x128xi32, #tpu.memory_space<hbm>> -> memref<80x128xi32, #tpu.memory_space<hbm>>
      tpu.enqueue_dma source(%dma_start3A_132 : memref<80x128xi32, #tpu.memory_space<hbm>>) target(%arg7 : memref<80x128xi32, #tpu.memory_space<vmem>>) target_semaphore(%run_scoped3A_128 : memref<!tpu.dma_semaphore, #tpu.memory_space<semaphore_mem>>)
      %dma_wait3A_133 = arith.constant 0 : i32
      %dma_wait3A_134 = tpu.memref_slice %arg3[%mul3A_2, %dma_wait3A_133] : memref<2560x128xi32, #tpu.memory_space<hbm>> -> memref<80x128xi32, #tpu.memory_space<hbm>>
      %dma_wait3A_135 = arith.constant 0 : i32
      %dma_wait3A_136 = tpu.memref_slice %arg3[%mul3A_2, %dma_wait3A_135] : memref<2560x128xi32, #tpu.memory_space<hbm>> -> memref<80x128xi32, #tpu.memory_space<hbm>>
      tpu.wait_dma2 semaphore(%run_scoped3A_128 : memref<!tpu.dma_semaphore, #tpu.memory_space<semaphore_mem>>) src(%dma_wait3A_136 : memref<80x128xi32, #tpu.memory_space<hbm>>) dst(%arg7 : memref<80x128xi32, #tpu.memory_space<vmem>>)
      tpu.yield
    }) : () -> ()
    %mul3A_3 = arith.constant 632 : i32
    %mul3A_4 = arith.muli %arg1, %mul3A_3 : i32
    "tpu.region"() ({
      %run_scoped3A_128 = tpu.sem_alloc : memref<!tpu.dma_semaphore, #tpu.memory_space<semaphore_mem>>
      %dma_start3A_129 = arith.constant 0 : i32
      %dma_start3A_130 = tpu.memref_slice %arg16[%mul3A_4, %dma_start3A_129] : memref<10112x16xf32, #tpu.memory_space<vmem_shared>> -> memref<632x16xf32, #tpu.memory_space<vmem_shared>>
      %dma_start3A_131 = arith.constant 0 : i32
      %dma_start3A_132 = tpu.memref_slice %arg4[%mul3A_4, %dma_start3A_131] : memref<10112x16xf32, #tpu.memory_space<hbm>> -> memref<632x16xf32, #tpu.memory_space<hbm>>
      tpu.enqueue_dma source(%dma_start3A_132 : memref<632x16xf32, #tpu.memory_space<hbm>>) target(%dma_start3A_130 : memref<632x16xf32, #tpu.memory_space<vmem_shared>>) target_semaphore(%run_scoped3A_128 : memref<!tpu.dma_semaphore, #tpu.memory_space<semaphore_mem>>)
      %dma_wait3A_133 = arith.constant 0 : i32
      %dma_wait3A_134 = tpu.memref_slice %arg16[%mul3A_4, %dma_wait3A_133] : memref<10112x16xf32, #tpu.memory_space<vmem_shared>> -> memref<632x16xf32, #tpu.memory_space<vmem_shared>>
      %dma_wait3A_135 = arith.constant 0 : i32
      %dma_wait3A_136 = tpu.memref_slice %arg4[%mul3A_4, %dma_wait3A_135] : memref<10112x16xf32, #tpu.memory_space<hbm>> -> memref<632x16xf32, #tpu.memory_space<hbm>>
      tpu.wait_dma2 semaphore(%run_scoped3A_128 : memref<!tpu.dma_semaphore, #tpu.memory_space<semaphore_mem>>) src(%dma_wait3A_136 : memref<632x16xf32, #tpu.memory_space<hbm>>) dst(%dma_wait3A_134 : memref<632x16xf32, #tpu.memory_space<vmem_shared>>)
      tpu.yield
    }) : () -> ()
    "tpu.region"() ({
      %run_scoped3A_128 = tpu.sem_alloc : memref<!tpu.dma_semaphore, #tpu.memory_space<semaphore_mem>>
      %dma_start3A_129 = arith.constant 0 : i32
      %dma_start3A_130 = tpu.memref_slice %arg17[%mul3A_4, %dma_start3A_129] : memref<10112x16xf32, #tpu.memory_space<vmem_shared>> -> memref<632x16xf32, #tpu.memory_space<vmem_shared>>
      %dma_start3A_131 = arith.constant 0 : i32
      %dma_start3A_132 = tpu.memref_slice %arg4[%mul3A_4, %dma_start3A_131] : memref<10112x16xf32, #tpu.memory_space<hbm>> -> memref<632x16xf32, #tpu.memory_space<hbm>>
      tpu.enqueue_dma source(%dma_start3A_132 : memref<632x16xf32, #tpu.memory_space<hbm>>) target(%dma_start3A_130 : memref<632x16xf32, #tpu.memory_space<vmem_shared>>) target_semaphore(%run_scoped3A_128 : memref<!tpu.dma_semaphore, #tpu.memory_space<semaphore_mem>>)
      %dma_wait3A_133 = arith.constant 0 : i32
      %dma_wait3A_134 = tpu.memref_slice %arg17[%mul3A_4, %dma_wait3A_133] : memref<10112x16xf32, #tpu.memory_space<vmem_shared>> -> memref<632x16xf32, #tpu.memory_space<vmem_shared>>
      %dma_wait3A_135 = arith.constant 0 : i32
      %dma_wait3A_136 = tpu.memref_slice %arg4[%mul3A_4, %dma_wait3A_135] : memref<10112x16xf32, #tpu.memory_space<hbm>> -> memref<632x16xf32, #tpu.memory_space<hbm>>
      tpu.wait_dma2 semaphore(%run_scoped3A_128 : memref<!tpu.dma_semaphore, #tpu.memory_space<semaphore_mem>>) src(%dma_wait3A_136 : memref<632x16xf32, #tpu.memory_space<hbm>>) dst(%dma_wait3A_134 : memref<632x16xf32, #tpu.memory_space<vmem_shared>>)
      tpu.yield
    }) : () -> ()
    %barrier3A = arith.constant 0 : index
    tpu.barrier barrier_id(%barrier3A)
    %dma_start3A = arith.constant 0 : i32
    %dma_start3A_5 = arith.constant 0 : i32
    %dma_start3A_6 = tpu.memref_slice %arg6[%dma_start3A, %dma_start3A_5] : memref<80x128xi32, #tpu.memory_space<vmem>> -> memref<1x128xi32, #tpu.memory_space<vmem>>
    %dma_start3A_7 = tpu.memref_squeeze %dma_start3A_6 : memref<1x128xi32, #tpu.memory_space<vmem>> -> memref<128xi32, #tpu.memory_space<vmem>>
    %dma_start3A_8 = arith.constant 0 : i32
    %dma_start3A_9 = arith.constant 0 : i32
    %dma_start3A_10 = tpu.memref_slice %arg16[%dma_start3A_8, %dma_start3A_9] : memref<10112x16xf32, #tpu.memory_space<vmem_shared>> -> memref<10112x16xf32, #tpu.memory_space<vmem_shared>>
    tpu.enqueue_indirect_dma source(%dma_start3A_10 : memref<10112x16xf32, #tpu.memory_space<vmem_shared>>) target(%arg8 : memref<128x16xf32, #tpu.memory_space<vmem>>) offsets(%dma_start3A_7 : memref<128xi32, #tpu.memory_space<vmem>>) semaphore(%arg18 : memref<!tpu.dma_semaphore, #tpu.memory_space<semaphore_mem>>)
    %dma_start3A_11 = arith.constant 1 : i32
    %dma_start3A_12 = arith.constant 0 : i32
    %dma_start3A_13 = tpu.memref_slice %arg6[%dma_start3A_11, %dma_start3A_12] : memref<80x128xi32, #tpu.memory_space<vmem>> -> memref<1x128xi32, #tpu.memory_space<vmem>>
    %dma_start3A_14 = tpu.memref_squeeze %dma_start3A_13 : memref<1x128xi32, #tpu.memory_space<vmem>> -> memref<128xi32, #tpu.memory_space<vmem>>
    %dma_start3A_15 = arith.constant 0 : i32
    %dma_start3A_16 = arith.constant 0 : i32
    %dma_start3A_17 = tpu.memref_slice %arg16[%dma_start3A_15, %dma_start3A_16] : memref<10112x16xf32, #tpu.memory_space<vmem_shared>> -> memref<10112x16xf32, #tpu.memory_space<vmem_shared>>
    tpu.enqueue_indirect_dma source(%dma_start3A_17 : memref<10112x16xf32, #tpu.memory_space<vmem_shared>>) target(%arg9 : memref<128x16xf32, #tpu.memory_space<vmem>>) offsets(%dma_start3A_14 : memref<128xi32, #tpu.memory_space<vmem>>) semaphore(%arg19 : memref<!tpu.dma_semaphore, #tpu.memory_space<semaphore_mem>>)
    %dma_start3A_18 = arith.constant 2 : i32
    %dma_start3A_19 = arith.constant 0 : i32
    %dma_start3A_20 = tpu.memref_slice %arg6[%dma_start3A_18, %dma_start3A_19] : memref<80x128xi32, #tpu.memory_space<vmem>> -> memref<1x128xi32, #tpu.memory_space<vmem>>
    %dma_start3A_21 = tpu.memref_squeeze %dma_start3A_20 : memref<1x128xi32, #tpu.memory_space<vmem>> -> memref<128xi32, #tpu.memory_space<vmem>>
    %dma_start3A_22 = arith.constant 0 : i32
    %dma_start3A_23 = arith.constant 0 : i32
    %dma_start3A_24 = tpu.memref_slice %arg16[%dma_start3A_22, %dma_start3A_23] : memref<10112x16xf32, #tpu.memory_space<vmem_shared>> -> memref<10112x16xf32, #tpu.memory_space<vmem_shared>>
    tpu.enqueue_indirect_dma source(%dma_start3A_24 : memref<10112x16xf32, #tpu.memory_space<vmem_shared>>) target(%arg10 : memref<128x16xf32, #tpu.memory_space<vmem>>) offsets(%dma_start3A_21 : memref<128xi32, #tpu.memory_space<vmem>>) semaphore(%arg20 : memref<!tpu.dma_semaphore, #tpu.memory_space<semaphore_mem>>)
    %dma_start3A_25 = arith.constant 3 : i32
    %dma_start3A_26 = arith.constant 0 : i32
    %dma_start3A_27 = tpu.memref_slice %arg6[%dma_start3A_25, %dma_start3A_26] : memref<80x128xi32, #tpu.memory_space<vmem>> -> memref<1x128xi32, #tpu.memory_space<vmem>>
    %dma_start3A_28 = tpu.memref_squeeze %dma_start3A_27 : memref<1x128xi32, #tpu.memory_space<vmem>> -> memref<128xi32, #tpu.memory_space<vmem>>
    %dma_start3A_29 = arith.constant 0 : i32
    %dma_start3A_30 = arith.constant 0 : i32
    %dma_start3A_31 = tpu.memref_slice %arg16[%dma_start3A_29, %dma_start3A_30] : memref<10112x16xf32, #tpu.memory_space<vmem_shared>> -> memref<10112x16xf32, #tpu.memory_space<vmem_shared>>
    tpu.enqueue_indirect_dma source(%dma_start3A_31 : memref<10112x16xf32, #tpu.memory_space<vmem_shared>>) target(%arg11 : memref<128x16xf32, #tpu.memory_space<vmem>>) offsets(%dma_start3A_28 : memref<128xi32, #tpu.memory_space<vmem>>) semaphore(%arg21 : memref<!tpu.dma_semaphore, #tpu.memory_space<semaphore_mem>>)
    %dma_start3A_32 = arith.constant 4 : i32
    %dma_start3A_33 = arith.constant 0 : i32
    %dma_start3A_34 = tpu.memref_slice %arg6[%dma_start3A_32, %dma_start3A_33] : memref<80x128xi32, #tpu.memory_space<vmem>> -> memref<1x128xi32, #tpu.memory_space<vmem>>
    %dma_start3A_35 = tpu.memref_squeeze %dma_start3A_34 : memref<1x128xi32, #tpu.memory_space<vmem>> -> memref<128xi32, #tpu.memory_space<vmem>>
    %dma_start3A_36 = arith.constant 0 : i32
    %dma_start3A_37 = arith.constant 0 : i32
    %dma_start3A_38 = tpu.memref_slice %arg16[%dma_start3A_36, %dma_start3A_37] : memref<10112x16xf32, #tpu.memory_space<vmem_shared>> -> memref<10112x16xf32, #tpu.memory_space<vmem_shared>>
    tpu.enqueue_indirect_dma source(%dma_start3A_38 : memref<10112x16xf32, #tpu.memory_space<vmem_shared>>) target(%arg12 : memref<128x16xf32, #tpu.memory_space<vmem>>) offsets(%dma_start3A_35 : memref<128xi32, #tpu.memory_space<vmem>>) semaphore(%arg22 : memref<!tpu.dma_semaphore, #tpu.memory_space<semaphore_mem>>)
    %dma_start3A_39 = arith.constant 5 : i32
    %dma_start3A_40 = arith.constant 0 : i32
    %dma_start3A_41 = tpu.memref_slice %arg6[%dma_start3A_39, %dma_start3A_40] : memref<80x128xi32, #tpu.memory_space<vmem>> -> memref<1x128xi32, #tpu.memory_space<vmem>>
    %dma_start3A_42 = tpu.memref_squeeze %dma_start3A_41 : memref<1x128xi32, #tpu.memory_space<vmem>> -> memref<128xi32, #tpu.memory_space<vmem>>
    %dma_start3A_43 = arith.constant 0 : i32
    %dma_start3A_44 = arith.constant 0 : i32
    %dma_start3A_45 = tpu.memref_slice %arg16[%dma_start3A_43, %dma_start3A_44] : memref<10112x16xf32, #tpu.memory_space<vmem_shared>> -> memref<10112x16xf32, #tpu.memory_space<vmem_shared>>
    tpu.enqueue_indirect_dma source(%dma_start3A_45 : memref<10112x16xf32, #tpu.memory_space<vmem_shared>>) target(%arg13 : memref<128x16xf32, #tpu.memory_space<vmem>>) offsets(%dma_start3A_42 : memref<128xi32, #tpu.memory_space<vmem>>) semaphore(%arg23 : memref<!tpu.dma_semaphore, #tpu.memory_space<semaphore_mem>>)
    %dma_start3A_46 = arith.constant 6 : i32
    %dma_start3A_47 = arith.constant 0 : i32
    %dma_start3A_48 = tpu.memref_slice %arg6[%dma_start3A_46, %dma_start3A_47] : memref<80x128xi32, #tpu.memory_space<vmem>> -> memref<1x128xi32, #tpu.memory_space<vmem>>
    %dma_start3A_49 = tpu.memref_squeeze %dma_start3A_48 : memref<1x128xi32, #tpu.memory_space<vmem>> -> memref<128xi32, #tpu.memory_space<vmem>>
    %dma_start3A_50 = arith.constant 0 : i32
    %dma_start3A_51 = arith.constant 0 : i32
    %dma_start3A_52 = tpu.memref_slice %arg16[%dma_start3A_50, %dma_start3A_51] : memref<10112x16xf32, #tpu.memory_space<vmem_shared>> -> memref<10112x16xf32, #tpu.memory_space<vmem_shared>>
    tpu.enqueue_indirect_dma source(%dma_start3A_52 : memref<10112x16xf32, #tpu.memory_space<vmem_shared>>) target(%arg14 : memref<128x16xf32, #tpu.memory_space<vmem>>) offsets(%dma_start3A_49 : memref<128xi32, #tpu.memory_space<vmem>>) semaphore(%arg24 : memref<!tpu.dma_semaphore, #tpu.memory_space<semaphore_mem>>)
    %dma_start3A_53 = arith.constant 7 : i32
    %dma_start3A_54 = arith.constant 0 : i32
    %dma_start3A_55 = tpu.memref_slice %arg6[%dma_start3A_53, %dma_start3A_54] : memref<80x128xi32, #tpu.memory_space<vmem>> -> memref<1x128xi32, #tpu.memory_space<vmem>>
    %dma_start3A_56 = tpu.memref_squeeze %dma_start3A_55 : memref<1x128xi32, #tpu.memory_space<vmem>> -> memref<128xi32, #tpu.memory_space<vmem>>
    %dma_start3A_57 = arith.constant 0 : i32
    %dma_start3A_58 = arith.constant 0 : i32
    %dma_start3A_59 = tpu.memref_slice %arg16[%dma_start3A_57, %dma_start3A_58] : memref<10112x16xf32, #tpu.memory_space<vmem_shared>> -> memref<10112x16xf32, #tpu.memory_space<vmem_shared>>
    tpu.enqueue_indirect_dma source(%dma_start3A_59 : memref<10112x16xf32, #tpu.memory_space<vmem_shared>>) target(%arg15 : memref<128x16xf32, #tpu.memory_space<vmem>>) offsets(%dma_start3A_56 : memref<128xi32, #tpu.memory_space<vmem>>) semaphore(%arg25 : memref<!tpu.dma_semaphore, #tpu.memory_space<semaphore_mem>>)
    %scan3A = arith.constant 0 : i32
    %scan3A_60 = arith.constant 0 : i32
    %scan3A_61 = arith.constant 9 : i32
    %scan3A_62 = arith.addi %scan3A_60, %scan3A_61 : i32
    %scan3A_63 = arith.constant 1 : i32
    scf.for %scan3A_128 = %scan3A_60 to %scan3A_62 step %scan3A_63  : i32 {
      %mul3A_129 = arith.constant 8 : i32
      %mul3A_130 = arith.muli %scan3A_128, %mul3A_129 : i32
      %add3A_131 = arith.constant 0 : i32
      %add3A_132 = arith.addi %mul3A_130, %add3A_131 : i32
      %dma_wait3A_133 = arith.constant 0 : i32
      %dma_wait3A_134 = tpu.memref_slice %arg6[%add3A_132, %dma_wait3A_133] : memref<80x128xi32, #tpu.memory_space<vmem>> -> memref<1x128xi32, #tpu.memory_space<vmem>>
      %dma_wait3A_135 = tpu.memref_squeeze %dma_wait3A_134 : memref<1x128xi32, #tpu.memory_space<vmem>> -> memref<128xi32, #tpu.memory_space<vmem>>
      %dma_wait3A_136 = arith.constant 0 : i32
      %dma_wait3A_137 = arith.constant 0 : i32
      %dma_wait3A_138 = tpu.memref_slice %arg16[%dma_wait3A_136, %dma_wait3A_137] : memref<10112x16xf32, #tpu.memory_space<vmem_shared>> -> memref<10112x16xf32, #tpu.memory_space<vmem_shared>>
      tpu.wait_indirect_dma semaphore(%arg18 : memref<!tpu.dma_semaphore, #tpu.memory_space<semaphore_mem>>) src(%dma_wait3A_138 : memref<10112x16xf32, #tpu.memory_space<vmem_shared>>) dst(%arg8 : memref<128x16xf32, #tpu.memory_space<vmem>>)
      "tpu.region"() ({
        %run_scoped3A_273 = tpu.sem_alloc : memref<!tpu.dma_semaphore, #tpu.memory_space<semaphore_mem>>
        %dma_start3A_274 = arith.constant 0 : i32
        %dma_start3A_275 = tpu.memref_slice %arg7[%add3A_132, %dma_start3A_274] : memref<80x128xi32, #tpu.memory_space<vmem>> -> memref<1x128xi32, #tpu.memory_space<vmem>>
        %dma_start3A_276 = tpu.memref_squeeze %dma_start3A_275 : memref<1x128xi32, #tpu.memory_space<vmem>> -> memref<128xi32, #tpu.memory_space<vmem>>
        %dma_start3A_277 = arith.constant 0 : i32
        %dma_start3A_278 = arith.constant 0 : i32
        %dma_start3A_279 = tpu.memref_slice %arg17[%dma_start3A_277, %dma_start3A_278] : memref<10112x16xf32, #tpu.memory_space<vmem_shared>> -> memref<10112x16xf32, #tpu.memory_space<vmem_shared>>
        tpu.enqueue_indirect_dma source(%arg8 : memref<128x16xf32, #tpu.memory_space<vmem>>) target(%dma_start3A_279 : memref<10112x16xf32, #tpu.memory_space<vmem_shared>>) offsets(%dma_start3A_276 : memref<128xi32, #tpu.memory_space<vmem>>) semaphore(%run_scoped3A_273 : memref<!tpu.dma_semaphore, #tpu.memory_space<semaphore_mem>>) {add = true}
        %dma_wait3A_280 = arith.constant 0 : i32
        %dma_wait3A_281 = tpu.memref_slice %arg7[%add3A_132, %dma_wait3A_280] : memref<80x128xi32, #tpu.memory_space<vmem>> -> memref<1x128xi32, #tpu.memory_space<vmem>>
        %dma_wait3A_282 = tpu.memref_squeeze %dma_wait3A_281 : memref<1x128xi32, #tpu.memory_space<vmem>> -> memref<128xi32, #tpu.memory_space<vmem>>
        %dma_wait3A_283 = arith.constant 0 : i32
        %dma_wait3A_284 = arith.constant 0 : i32
        %dma_wait3A_285 = tpu.memref_slice %arg17[%dma_wait3A_283, %dma_wait3A_284] : memref<10112x16xf32, #tpu.memory_space<vmem_shared>> -> memref<10112x16xf32, #tpu.memory_space<vmem_shared>>
        tpu.wait_indirect_dma semaphore(%run_scoped3A_273 : memref<!tpu.dma_semaphore, #tpu.memory_space<semaphore_mem>>) src(%arg8 : memref<128x16xf32, #tpu.memory_space<vmem>>) dst(%dma_wait3A_285 : memref<10112x16xf32, #tpu.memory_space<vmem_shared>>)
        tpu.yield
      }) : () -> ()
      %add3A_139 = arith.constant 8 : i32
      %add3A_140 = arith.addi %add3A_132, %add3A_139 : i32
      %dma_start3A_141 = arith.constant 0 : i32
      %dma_start3A_142 = tpu.memref_slice %arg6[%add3A_140, %dma_start3A_141] : memref<80x128xi32, #tpu.memory_space<vmem>> -> memref<1x128xi32, #tpu.memory_space<vmem>>
      %dma_start3A_143 = tpu.memref_squeeze %dma_start3A_142 : memref<1x128xi32, #tpu.memory_space<vmem>> -> memref<128xi32, #tpu.memory_space<vmem>>
      %dma_start3A_144 = arith.constant 0 : i32
      %dma_start3A_145 = arith.constant 0 : i32
      %dma_start3A_146 = tpu.memref_slice %arg16[%dma_start3A_144, %dma_start3A_145] : memref<10112x16xf32, #tpu.memory_space<vmem_shared>> -> memref<10112x16xf32, #tpu.memory_space<vmem_shared>>
      tpu.enqueue_indirect_dma source(%dma_start3A_146 : memref<10112x16xf32, #tpu.memory_space<vmem_shared>>) target(%arg8 : memref<128x16xf32, #tpu.memory_space<vmem>>) offsets(%dma_start3A_143 : memref<128xi32, #tpu.memory_space<vmem>>) semaphore(%arg18 : memref<!tpu.dma_semaphore, #tpu.memory_space<semaphore_mem>>)
      %mul3A_147 = arith.constant 8 : i32
      %mul3A_148 = arith.muli %scan3A_128, %mul3A_147 : i32
      %add3A_149 = arith.constant 1 : i32
      %add3A_150 = arith.addi %mul3A_148, %add3A_149 : i32
      %dma_wait3A_151 = arith.constant 0 : i32
      %dma_wait3A_152 = tpu.memref_slice %arg6[%add3A_150, %dma_wait3A_151] : memref<80x128xi32, #tpu.memory_space<vmem>> -> memref<1x128xi32, #tpu.memory_space<vmem>>
      %dma_wait3A_153 = tpu.memref_squeeze %dma_wait3A_152 : memref<1x128xi32, #tpu.memory_space<vmem>> -> memref<128xi32, #tpu.memory_space<vmem>>
      %dma_wait3A_154 = arith.constant 0 : i32
      %dma_wait3A_155 = arith.constant 0 : i32
      %dma_wait3A_156 = tpu.memref_slice %arg16[%dma_wait3A_154, %dma_wait3A_155] : memref<10112x16xf32, #tpu.memory_space<vmem_shared>> -> memref<10112x16xf32, #tpu.memory_space<vmem_shared>>
      tpu.wait_indirect_dma semaphore(%arg19 : memref<!tpu.dma_semaphore, #tpu.memory_space<semaphore_mem>>) src(%dma_wait3A_156 : memref<10112x16xf32, #tpu.memory_space<vmem_shared>>) dst(%arg9 : memref<128x16xf32, #tpu.memory_space<vmem>>)
      "tpu.region"() ({
        %run_scoped3A_273 = tpu.sem_alloc : memref<!tpu.dma_semaphore, #tpu.memory_space<semaphore_mem>>
        %dma_start3A_274 = arith.constant 0 : i32
        %dma_start3A_275 = tpu.memref_slice %arg7[%add3A_150, %dma_start3A_274] : memref<80x128xi32, #tpu.memory_space<vmem>> -> memref<1x128xi32, #tpu.memory_space<vmem>>
        %dma_start3A_276 = tpu.memref_squeeze %dma_start3A_275 : memref<1x128xi32, #tpu.memory_space<vmem>> -> memref<128xi32, #tpu.memory_space<vmem>>
        %dma_start3A_277 = arith.constant 0 : i32
        %dma_start3A_278 = arith.constant 0 : i32
        %dma_start3A_279 = tpu.memref_slice %arg17[%dma_start3A_277, %dma_start3A_278] : memref<10112x16xf32, #tpu.memory_space<vmem_shared>> -> memref<10112x16xf32, #tpu.memory_space<vmem_shared>>
        tpu.enqueue_indirect_dma source(%arg9 : memref<128x16xf32, #tpu.memory_space<vmem>>) target(%dma_start3A_279 : memref<10112x16xf32, #tpu.memory_space<vmem_shared>>) offsets(%dma_start3A_276 : memref<128xi32, #tpu.memory_space<vmem>>) semaphore(%run_scoped3A_273 : memref<!tpu.dma_semaphore, #tpu.memory_space<semaphore_mem>>) {add = true}
        %dma_wait3A_280 = arith.constant 0 : i32
        %dma_wait3A_281 = tpu.memref_slice %arg7[%add3A_150, %dma_wait3A_280] : memref<80x128xi32, #tpu.memory_space<vmem>> -> memref<1x128xi32, #tpu.memory_space<vmem>>
        %dma_wait3A_282 = tpu.memref_squeeze %dma_wait3A_281 : memref<1x128xi32, #tpu.memory_space<vmem>> -> memref<128xi32, #tpu.memory_space<vmem>>
        %dma_wait3A_283 = arith.constant 0 : i32
        %dma_wait3A_284 = arith.constant 0 : i32
        %dma_wait3A_285 = tpu.memref_slice %arg17[%dma_wait3A_283, %dma_wait3A_284] : memref<10112x16xf32, #tpu.memory_space<vmem_shared>> -> memref<10112x16xf32, #tpu.memory_space<vmem_shared>>
        tpu.wait_indirect_dma semaphore(%run_scoped3A_273 : memref<!tpu.dma_semaphore, #tpu.memory_space<semaphore_mem>>) src(%arg9 : memref<128x16xf32, #tpu.memory_space<vmem>>) dst(%dma_wait3A_285 : memref<10112x16xf32, #tpu.memory_space<vmem_shared>>)
        tpu.yield
      }) : () -> ()
      %add3A_157 = arith.constant 8 : i32
      %add3A_158 = arith.addi %add3A_150, %add3A_157 : i32
      %dma_start3A_159 = arith.constant 0 : i32
      %dma_start3A_160 = tpu.memref_slice %arg6[%add3A_158, %dma_start3A_159] : memref<80x128xi32, #tpu.memory_space<vmem>> -> memref<1x128xi32, #tpu.memory_space<vmem>>
      %dma_start3A_161 = tpu.memref_squeeze %dma_start3A_160 : memref<1x128xi32, #tpu.memory_space<vmem>> -> memref<128xi32, #tpu.memory_space<vmem>>
      %dma_start3A_162 = arith.constant 0 : i32
      %dma_start3A_163 = arith.constant 0 : i32
      %dma_start3A_164 = tpu.memref_slice %arg16[%dma_start3A_162, %dma_start3A_163] : memref<10112x16xf32, #tpu.memory_space<vmem_shared>> -> memref<10112x16xf32, #tpu.memory_space<vmem_shared>>
      tpu.enqueue_indirect_dma source(%dma_start3A_164 : memref<10112x16xf32, #tpu.memory_space<vmem_shared>>) target(%arg9 : memref<128x16xf32, #tpu.memory_space<vmem>>) offsets(%dma_start3A_161 : memref<128xi32, #tpu.memory_space<vmem>>) semaphore(%arg19 : memref<!tpu.dma_semaphore, #tpu.memory_space<semaphore_mem>>)
      %mul3A_165 = arith.constant 8 : i32
      %mul3A_166 = arith.muli %scan3A_128, %mul3A_165 : i32
      %add3A_167 = arith.constant 2 : i32
      %add3A_168 = arith.addi %mul3A_166, %add3A_167 : i32
      %dma_wait3A_169 = arith.constant 0 : i32
      %dma_wait3A_170 = tpu.memref_slice %arg6[%add3A_168, %dma_wait3A_169] : memref<80x128xi32, #tpu.memory_space<vmem>> -> memref<1x128xi32, #tpu.memory_space<vmem>>
      %dma_wait3A_171 = tpu.memref_squeeze %dma_wait3A_170 : memref<1x128xi32, #tpu.memory_space<vmem>> -> memref<128xi32, #tpu.memory_space<vmem>>
      %dma_wait3A_172 = arith.constant 0 : i32
      %dma_wait3A_173 = arith.constant 0 : i32
      %dma_wait3A_174 = tpu.memref_slice %arg16[%dma_wait3A_172, %dma_wait3A_173] : memref<10112x16xf32, #tpu.memory_space<vmem_shared>> -> memref<10112x16xf32, #tpu.memory_space<vmem_shared>>
      tpu.wait_indirect_dma semaphore(%arg20 : memref<!tpu.dma_semaphore, #tpu.memory_space<semaphore_mem>>) src(%dma_wait3A_174 : memref<10112x16xf32, #tpu.memory_space<vmem_shared>>) dst(%arg10 : memref<128x16xf32, #tpu.memory_space<vmem>>)
      "tpu.region"() ({
        %run_scoped3A_273 = tpu.sem_alloc : memref<!tpu.dma_semaphore, #tpu.memory_space<semaphore_mem>>
        %dma_start3A_274 = arith.constant 0 : i32
        %dma_start3A_275 = tpu.memref_slice %arg7[%add3A_168, %dma_start3A_274] : memref<80x128xi32, #tpu.memory_space<vmem>> -> memref<1x128xi32, #tpu.memory_space<vmem>>
        %dma_start3A_276 = tpu.memref_squeeze %dma_start3A_275 : memref<1x128xi32, #tpu.memory_space<vmem>> -> memref<128xi32, #tpu.memory_space<vmem>>
        %dma_start3A_277 = arith.constant 0 : i32
        %dma_start3A_278 = arith.constant 0 : i32
        %dma_start3A_279 = tpu.memref_slice %arg17[%dma_start3A_277, %dma_start3A_278] : memref<10112x16xf32, #tpu.memory_space<vmem_shared>> -> memref<10112x16xf32, #tpu.memory_space<vmem_shared>>
        tpu.enqueue_indirect_dma source(%arg10 : memref<128x16xf32, #tpu.memory_space<vmem>>) target(%dma_start3A_279 : memref<10112x16xf32, #tpu.memory_space<vmem_shared>>) offsets(%dma_start3A_276 : memref<128xi32, #tpu.memory_space<vmem>>) semaphore(%run_scoped3A_273 : memref<!tpu.dma_semaphore, #tpu.memory_space<semaphore_mem>>) {add = true}
        %dma_wait3A_280 = arith.constant 0 : i32
        %dma_wait3A_281 = tpu.memref_slice %arg7[%add3A_168, %dma_wait3A_280] : memref<80x128xi32, #tpu.memory_space<vmem>> -> memref<1x128xi32, #tpu.memory_space<vmem>>
        %dma_wait3A_282 = tpu.memref_squeeze %dma_wait3A_281 : memref<1x128xi32, #tpu.memory_space<vmem>> -> memref<128xi32, #tpu.memory_space<vmem>>
        %dma_wait3A_283 = arith.constant 0 : i32
        %dma_wait3A_284 = arith.constant 0 : i32
        %dma_wait3A_285 = tpu.memref_slice %arg17[%dma_wait3A_283, %dma_wait3A_284] : memref<10112x16xf32, #tpu.memory_space<vmem_shared>> -> memref<10112x16xf32, #tpu.memory_space<vmem_shared>>
        tpu.wait_indirect_dma semaphore(%run_scoped3A_273 : memref<!tpu.dma_semaphore, #tpu.memory_space<semaphore_mem>>) src(%arg10 : memref<128x16xf32, #tpu.memory_space<vmem>>) dst(%dma_wait3A_285 : memref<10112x16xf32, #tpu.memory_space<vmem_shared>>)
        tpu.yield
      }) : () -> ()
      %add3A_175 = arith.constant 8 : i32
      %add3A_176 = arith.addi %add3A_168, %add3A_175 : i32
      %dma_start3A_177 = arith.constant 0 : i32
      %dma_start3A_178 = tpu.memref_slice %arg6[%add3A_176, %dma_start3A_177] : memref<80x128xi32, #tpu.memory_space<vmem>> -> memref<1x128xi32, #tpu.memory_space<vmem>>
      %dma_start3A_179 = tpu.memref_squeeze %dma_start3A_178 : memref<1x128xi32, #tpu.memory_space<vmem>> -> memref<128xi32, #tpu.memory_space<vmem>>
      %dma_start3A_180 = arith.constant 0 : i32
      %dma_start3A_181 = arith.constant 0 : i32
      %dma_start3A_182 = tpu.memref_slice %arg16[%dma_start3A_180, %dma_start3A_181] : memref<10112x16xf32, #tpu.memory_space<vmem_shared>> -> memref<10112x16xf32, #tpu.memory_space<vmem_shared>>
      tpu.enqueue_indirect_dma source(%dma_start3A_182 : memref<10112x16xf32, #tpu.memory_space<vmem_shared>>) target(%arg10 : memref<128x16xf32, #tpu.memory_space<vmem>>) offsets(%dma_start3A_179 : memref<128xi32, #tpu.memory_space<vmem>>) semaphore(%arg20 : memref<!tpu.dma_semaphore, #tpu.memory_space<semaphore_mem>>)
      %mul3A_183 = arith.constant 8 : i32
      %mul3A_184 = arith.muli %scan3A_128, %mul3A_183 : i32
      %add3A_185 = arith.constant 3 : i32
      %add3A_186 = arith.addi %mul3A_184, %add3A_185 : i32
      %dma_wait3A_187 = arith.constant 0 : i32
      %dma_wait3A_188 = tpu.memref_slice %arg6[%add3A_186, %dma_wait3A_187] : memref<80x128xi32, #tpu.memory_space<vmem>> -> memref<1x128xi32, #tpu.memory_space<vmem>>
      %dma_wait3A_189 = tpu.memref_squeeze %dma_wait3A_188 : memref<1x128xi32, #tpu.memory_space<vmem>> -> memref<128xi32, #tpu.memory_space<vmem>>
      %dma_wait3A_190 = arith.constant 0 : i32
      %dma_wait3A_191 = arith.constant 0 : i32
      %dma_wait3A_192 = tpu.memref_slice %arg16[%dma_wait3A_190, %dma_wait3A_191] : memref<10112x16xf32, #tpu.memory_space<vmem_shared>> -> memref<10112x16xf32, #tpu.memory_space<vmem_shared>>
      tpu.wait_indirect_dma semaphore(%arg21 : memref<!tpu.dma_semaphore, #tpu.memory_space<semaphore_mem>>) src(%dma_wait3A_192 : memref<10112x16xf32, #tpu.memory_space<vmem_shared>>) dst(%arg11 : memref<128x16xf32, #tpu.memory_space<vmem>>)
      "tpu.region"() ({
        %run_scoped3A_273 = tpu.sem_alloc : memref<!tpu.dma_semaphore, #tpu.memory_space<semaphore_mem>>
        %dma_start3A_274 = arith.constant 0 : i32
        %dma_start3A_275 = tpu.memref_slice %arg7[%add3A_186, %dma_start3A_274] : memref<80x128xi32, #tpu.memory_space<vmem>> -> memref<1x128xi32, #tpu.memory_space<vmem>>
        %dma_start3A_276 = tpu.memref_squeeze %dma_start3A_275 : memref<1x128xi32, #tpu.memory_space<vmem>> -> memref<128xi32, #tpu.memory_space<vmem>>
        %dma_start3A_277 = arith.constant 0 : i32
        %dma_start3A_278 = arith.constant 0 : i32
        %dma_start3A_279 = tpu.memref_slice %arg17[%dma_start3A_277, %dma_start3A_278] : memref<10112x16xf32, #tpu.memory_space<vmem_shared>> -> memref<10112x16xf32, #tpu.memory_space<vmem_shared>>
        tpu.enqueue_indirect_dma source(%arg11 : memref<128x16xf32, #tpu.memory_space<vmem>>) target(%dma_start3A_279 : memref<10112x16xf32, #tpu.memory_space<vmem_shared>>) offsets(%dma_start3A_276 : memref<128xi32, #tpu.memory_space<vmem>>) semaphore(%run_scoped3A_273 : memref<!tpu.dma_semaphore, #tpu.memory_space<semaphore_mem>>) {add = true}
        %dma_wait3A_280 = arith.constant 0 : i32
        %dma_wait3A_281 = tpu.memref_slice %arg7[%add3A_186, %dma_wait3A_280] : memref<80x128xi32, #tpu.memory_space<vmem>> -> memref<1x128xi32, #tpu.memory_space<vmem>>
        %dma_wait3A_282 = tpu.memref_squeeze %dma_wait3A_281 : memref<1x128xi32, #tpu.memory_space<vmem>> -> memref<128xi32, #tpu.memory_space<vmem>>
        %dma_wait3A_283 = arith.constant 0 : i32
        %dma_wait3A_284 = arith.constant 0 : i32
        %dma_wait3A_285 = tpu.memref_slice %arg17[%dma_wait3A_283, %dma_wait3A_284] : memref<10112x16xf32, #tpu.memory_space<vmem_shared>> -> memref<10112x16xf32, #tpu.memory_space<vmem_shared>>
        tpu.wait_indirect_dma semaphore(%run_scoped3A_273 : memref<!tpu.dma_semaphore, #tpu.memory_space<semaphore_mem>>) src(%arg11 : memref<128x16xf32, #tpu.memory_space<vmem>>) dst(%dma_wait3A_285 : memref<10112x16xf32, #tpu.memory_space<vmem_shared>>)
        tpu.yield
      }) : () -> ()
      %add3A_193 = arith.constant 8 : i32
      %add3A_194 = arith.addi %add3A_186, %add3A_193 : i32
      %dma_start3A_195 = arith.constant 0 : i32
      %dma_start3A_196 = tpu.memref_slice %arg6[%add3A_194, %dma_start3A_195] : memref<80x128xi32, #tpu.memory_space<vmem>> -> memref<1x128xi32, #tpu.memory_space<vmem>>
      %dma_start3A_197 = tpu.memref_squeeze %dma_start3A_196 : memref<1x128xi32, #tpu.memory_space<vmem>> -> memref<128xi32, #tpu.memory_space<vmem>>
      %dma_start3A_198 = arith.constant 0 : i32
      %dma_start3A_199 = arith.constant 0 : i32
      %dma_start3A_200 = tpu.memref_slice %arg16[%dma_start3A_198, %dma_start3A_199] : memref<10112x16xf32, #tpu.memory_space<vmem_shared>> -> memref<10112x16xf32, #tpu.memory_space<vmem_shared>>
      tpu.enqueue_indirect_dma source(%dma_start3A_200 : memref<10112x16xf32, #tpu.memory_space<vmem_shared>>) target(%arg11 : memref<128x16xf32, #tpu.memory_space<vmem>>) offsets(%dma_start3A_197 : memref<128xi32, #tpu.memory_space<vmem>>) semaphore(%arg21 : memref<!tpu.dma_semaphore, #tpu.memory_space<semaphore_mem>>)
      %mul3A_201 = arith.constant 8 : i32
      %mul3A_202 = arith.muli %scan3A_128, %mul3A_201 : i32
      %add3A_203 = arith.constant 4 : i32
      %add3A_204 = arith.addi %mul3A_202, %add3A_203 : i32
      %dma_wait3A_205 = arith.constant 0 : i32
      %dma_wait3A_206 = tpu.memref_slice %arg6[%add3A_204, %dma_wait3A_205] : memref<80x128xi32, #tpu.memory_space<vmem>> -> memref<1x128xi32, #tpu.memory_space<vmem>>
      %dma_wait3A_207 = tpu.memref_squeeze %dma_wait3A_206 : memref<1x128xi32, #tpu.memory_space<vmem>> -> memref<128xi32, #tpu.memory_space<vmem>>
      %dma_wait3A_208 = arith.constant 0 : i32
      %dma_wait3A_209 = arith.constant 0 : i32
      %dma_wait3A_210 = tpu.memref_slice %arg16[%dma_wait3A_208, %dma_wait3A_209] : memref<10112x16xf32, #tpu.memory_space<vmem_shared>> -> memref<10112x16xf32, #tpu.memory_space<vmem_shared>>
      tpu.wait_indirect_dma semaphore(%arg22 : memref<!tpu.dma_semaphore, #tpu.memory_space<semaphore_mem>>) src(%dma_wait3A_210 : memref<10112x16xf32, #tpu.memory_space<vmem_shared>>) dst(%arg12 : memref<128x16xf32, #tpu.memory_space<vmem>>)
      "tpu.region"() ({
        %run_scoped3A_273 = tpu.sem_alloc : memref<!tpu.dma_semaphore, #tpu.memory_space<semaphore_mem>>
        %dma_start3A_274 = arith.constant 0 : i32
        %dma_start3A_275 = tpu.memref_slice %arg7[%add3A_204, %dma_start3A_274] : memref<80x128xi32, #tpu.memory_space<vmem>> -> memref<1x128xi32, #tpu.memory_space<vmem>>
        %dma_start3A_276 = tpu.memref_squeeze %dma_start3A_275 : memref<1x128xi32, #tpu.memory_space<vmem>> -> memref<128xi32, #tpu.memory_space<vmem>>
        %dma_start3A_277 = arith.constant 0 : i32
        %dma_start3A_278 = arith.constant 0 : i32
        %dma_start3A_279 = tpu.memref_slice %arg17[%dma_start3A_277, %dma_start3A_278] : memref<10112x16xf32, #tpu.memory_space<vmem_shared>> -> memref<10112x16xf32, #tpu.memory_space<vmem_shared>>
        tpu.enqueue_indirect_dma source(%arg12 : memref<128x16xf32, #tpu.memory_space<vmem>>) target(%dma_start3A_279 : memref<10112x16xf32, #tpu.memory_space<vmem_shared>>) offsets(%dma_start3A_276 : memref<128xi32, #tpu.memory_space<vmem>>) semaphore(%run_scoped3A_273 : memref<!tpu.dma_semaphore, #tpu.memory_space<semaphore_mem>>) {add = true}
        %dma_wait3A_280 = arith.constant 0 : i32
        %dma_wait3A_281 = tpu.memref_slice %arg7[%add3A_204, %dma_wait3A_280] : memref<80x128xi32, #tpu.memory_space<vmem>> -> memref<1x128xi32, #tpu.memory_space<vmem>>
        %dma_wait3A_282 = tpu.memref_squeeze %dma_wait3A_281 : memref<1x128xi32, #tpu.memory_space<vmem>> -> memref<128xi32, #tpu.memory_space<vmem>>
        %dma_wait3A_283 = arith.constant 0 : i32
        %dma_wait3A_284 = arith.constant 0 : i32
        %dma_wait3A_285 = tpu.memref_slice %arg17[%dma_wait3A_283, %dma_wait3A_284] : memref<10112x16xf32, #tpu.memory_space<vmem_shared>> -> memref<10112x16xf32, #tpu.memory_space<vmem_shared>>
        tpu.wait_indirect_dma semaphore(%run_scoped3A_273 : memref<!tpu.dma_semaphore, #tpu.memory_space<semaphore_mem>>) src(%arg12 : memref<128x16xf32, #tpu.memory_space<vmem>>) dst(%dma_wait3A_285 : memref<10112x16xf32, #tpu.memory_space<vmem_shared>>)
        tpu.yield
      }) : () -> ()
      %add3A_211 = arith.constant 8 : i32
      %add3A_212 = arith.addi %add3A_204, %add3A_211 : i32
      %dma_start3A_213 = arith.constant 0 : i32
      %dma_start3A_214 = tpu.memref_slice %arg6[%add3A_212, %dma_start3A_213] : memref<80x128xi32, #tpu.memory_space<vmem>> -> memref<1x128xi32, #tpu.memory_space<vmem>>
      %dma_start3A_215 = tpu.memref_squeeze %dma_start3A_214 : memref<1x128xi32, #tpu.memory_space<vmem>> -> memref<128xi32, #tpu.memory_space<vmem>>
      %dma_start3A_216 = arith.constant 0 : i32
      %dma_start3A_217 = arith.constant 0 : i32
      %dma_start3A_218 = tpu.memref_slice %arg16[%dma_start3A_216, %dma_start3A_217] : memref<10112x16xf32, #tpu.memory_space<vmem_shared>> -> memref<10112x16xf32, #tpu.memory_space<vmem_shared>>
      tpu.enqueue_indirect_dma source(%dma_start3A_218 : memref<10112x16xf32, #tpu.memory_space<vmem_shared>>) target(%arg12 : memref<128x16xf32, #tpu.memory_space<vmem>>) offsets(%dma_start3A_215 : memref<128xi32, #tpu.memory_space<vmem>>) semaphore(%arg22 : memref<!tpu.dma_semaphore, #tpu.memory_space<semaphore_mem>>)
      %mul3A_219 = arith.constant 8 : i32
      %mul3A_220 = arith.muli %scan3A_128, %mul3A_219 : i32
      %add3A_221 = arith.constant 5 : i32
      %add3A_222 = arith.addi %mul3A_220, %add3A_221 : i32
      %dma_wait3A_223 = arith.constant 0 : i32
      %dma_wait3A_224 = tpu.memref_slice %arg6[%add3A_222, %dma_wait3A_223] : memref<80x128xi32, #tpu.memory_space<vmem>> -> memref<1x128xi32, #tpu.memory_space<vmem>>
      %dma_wait3A_225 = tpu.memref_squeeze %dma_wait3A_224 : memref<1x128xi32, #tpu.memory_space<vmem>> -> memref<128xi32, #tpu.memory_space<vmem>>
      %dma_wait3A_226 = arith.constant 0 : i32
      %dma_wait3A_227 = arith.constant 0 : i32
      %dma_wait3A_228 = tpu.memref_slice %arg16[%dma_wait3A_226, %dma_wait3A_227] : memref<10112x16xf32, #tpu.memory_space<vmem_shared>> -> memref<10112x16xf32, #tpu.memory_space<vmem_shared>>
      tpu.wait_indirect_dma semaphore(%arg23 : memref<!tpu.dma_semaphore, #tpu.memory_space<semaphore_mem>>) src(%dma_wait3A_228 : memref<10112x16xf32, #tpu.memory_space<vmem_shared>>) dst(%arg13 : memref<128x16xf32, #tpu.memory_space<vmem>>)
      "tpu.region"() ({
        %run_scoped3A_273 = tpu.sem_alloc : memref<!tpu.dma_semaphore, #tpu.memory_space<semaphore_mem>>
        %dma_start3A_274 = arith.constant 0 : i32
        %dma_start3A_275 = tpu.memref_slice %arg7[%add3A_222, %dma_start3A_274] : memref<80x128xi32, #tpu.memory_space<vmem>> -> memref<1x128xi32, #tpu.memory_space<vmem>>
        %dma_start3A_276 = tpu.memref_squeeze %dma_start3A_275 : memref<1x128xi32, #tpu.memory_space<vmem>> -> memref<128xi32, #tpu.memory_space<vmem>>
        %dma_start3A_277 = arith.constant 0 : i32
        %dma_start3A_278 = arith.constant 0 : i32
        %dma_start3A_279 = tpu.memref_slice %arg17[%dma_start3A_277, %dma_start3A_278] : memref<10112x16xf32, #tpu.memory_space<vmem_shared>> -> memref<10112x16xf32, #tpu.memory_space<vmem_shared>>
        tpu.enqueue_indirect_dma source(%arg13 : memref<128x16xf32, #tpu.memory_space<vmem>>) target(%dma_start3A_279 : memref<10112x16xf32, #tpu.memory_space<vmem_shared>>) offsets(%dma_start3A_276 : memref<128xi32, #tpu.memory_space<vmem>>) semaphore(%run_scoped3A_273 : memref<!tpu.dma_semaphore, #tpu.memory_space<semaphore_mem>>) {add = true}
        %dma_wait3A_280 = arith.constant 0 : i32
        %dma_wait3A_281 = tpu.memref_slice %arg7[%add3A_222, %dma_wait3A_280] : memref<80x128xi32, #tpu.memory_space<vmem>> -> memref<1x128xi32, #tpu.memory_space<vmem>>
        %dma_wait3A_282 = tpu.memref_squeeze %dma_wait3A_281 : memref<1x128xi32, #tpu.memory_space<vmem>> -> memref<128xi32, #tpu.memory_space<vmem>>
        %dma_wait3A_283 = arith.constant 0 : i32
        %dma_wait3A_284 = arith.constant 0 : i32
        %dma_wait3A_285 = tpu.memref_slice %arg17[%dma_wait3A_283, %dma_wait3A_284] : memref<10112x16xf32, #tpu.memory_space<vmem_shared>> -> memref<10112x16xf32, #tpu.memory_space<vmem_shared>>
        tpu.wait_indirect_dma semaphore(%run_scoped3A_273 : memref<!tpu.dma_semaphore, #tpu.memory_space<semaphore_mem>>) src(%arg13 : memref<128x16xf32, #tpu.memory_space<vmem>>) dst(%dma_wait3A_285 : memref<10112x16xf32, #tpu.memory_space<vmem_shared>>)
        tpu.yield
      }) : () -> ()
      %add3A_229 = arith.constant 8 : i32
      %add3A_230 = arith.addi %add3A_222, %add3A_229 : i32
      %dma_start3A_231 = arith.constant 0 : i32
      %dma_start3A_232 = tpu.memref_slice %arg6[%add3A_230, %dma_start3A_231] : memref<80x128xi32, #tpu.memory_space<vmem>> -> memref<1x128xi32, #tpu.memory_space<vmem>>
      %dma_start3A_233 = tpu.memref_squeeze %dma_start3A_232 : memref<1x128xi32, #tpu.memory_space<vmem>> -> memref<128xi32, #tpu.memory_space<vmem>>
      %dma_start3A_234 = arith.constant 0 : i32
      %dma_start3A_235 = arith.constant 0 : i32
      %dma_start3A_236 = tpu.memref_slice %arg16[%dma_start3A_234, %dma_start3A_235] : memref<10112x16xf32, #tpu.memory_space<vmem_shared>> -> memref<10112x16xf32, #tpu.memory_space<vmem_shared>>
      tpu.enqueue_indirect_dma source(%dma_start3A_236 : memref<10112x16xf32, #tpu.memory_space<vmem_shared>>) target(%arg13 : memref<128x16xf32, #tpu.memory_space<vmem>>) offsets(%dma_start3A_233 : memref<128xi32, #tpu.memory_space<vmem>>) semaphore(%arg23 : memref<!tpu.dma_semaphore, #tpu.memory_space<semaphore_mem>>)
      %mul3A_237 = arith.constant 8 : i32
      %mul3A_238 = arith.muli %scan3A_128, %mul3A_237 : i32
      %add3A_239 = arith.constant 6 : i32
      %add3A_240 = arith.addi %mul3A_238, %add3A_239 : i32
      %dma_wait3A_241 = arith.constant 0 : i32
      %dma_wait3A_242 = tpu.memref_slice %arg6[%add3A_240, %dma_wait3A_241] : memref<80x128xi32, #tpu.memory_space<vmem>> -> memref<1x128xi32, #tpu.memory_space<vmem>>
      %dma_wait3A_243 = tpu.memref_squeeze %dma_wait3A_242 : memref<1x128xi32, #tpu.memory_space<vmem>> -> memref<128xi32, #tpu.memory_space<vmem>>
      %dma_wait3A_244 = arith.constant 0 : i32
      %dma_wait3A_245 = arith.constant 0 : i32
      %dma_wait3A_246 = tpu.memref_slice %arg16[%dma_wait3A_244, %dma_wait3A_245] : memref<10112x16xf32, #tpu.memory_space<vmem_shared>> -> memref<10112x16xf32, #tpu.memory_space<vmem_shared>>
      tpu.wait_indirect_dma semaphore(%arg24 : memref<!tpu.dma_semaphore, #tpu.memory_space<semaphore_mem>>) src(%dma_wait3A_246 : memref<10112x16xf32, #tpu.memory_space<vmem_shared>>) dst(%arg14 : memref<128x16xf32, #tpu.memory_space<vmem>>)
      "tpu.region"() ({
        %run_scoped3A_273 = tpu.sem_alloc : memref<!tpu.dma_semaphore, #tpu.memory_space<semaphore_mem>>
        %dma_start3A_274 = arith.constant 0 : i32
        %dma_start3A_275 = tpu.memref_slice %arg7[%add3A_240, %dma_start3A_274] : memref<80x128xi32, #tpu.memory_space<vmem>> -> memref<1x128xi32, #tpu.memory_space<vmem>>
        %dma_start3A_276 = tpu.memref_squeeze %dma_start3A_275 : memref<1x128xi32, #tpu.memory_space<vmem>> -> memref<128xi32, #tpu.memory_space<vmem>>
        %dma_start3A_277 = arith.constant 0 : i32
        %dma_start3A_278 = arith.constant 0 : i32
        %dma_start3A_279 = tpu.memref_slice %arg17[%dma_start3A_277, %dma_start3A_278] : memref<10112x16xf32, #tpu.memory_space<vmem_shared>> -> memref<10112x16xf32, #tpu.memory_space<vmem_shared>>
        tpu.enqueue_indirect_dma source(%arg14 : memref<128x16xf32, #tpu.memory_space<vmem>>) target(%dma_start3A_279 : memref<10112x16xf32, #tpu.memory_space<vmem_shared>>) offsets(%dma_start3A_276 : memref<128xi32, #tpu.memory_space<vmem>>) semaphore(%run_scoped3A_273 : memref<!tpu.dma_semaphore, #tpu.memory_space<semaphore_mem>>) {add = true}
        %dma_wait3A_280 = arith.constant 0 : i32
        %dma_wait3A_281 = tpu.memref_slice %arg7[%add3A_240, %dma_wait3A_280] : memref<80x128xi32, #tpu.memory_space<vmem>> -> memref<1x128xi32, #tpu.memory_space<vmem>>
        %dma_wait3A_282 = tpu.memref_squeeze %dma_wait3A_281 : memref<1x128xi32, #tpu.memory_space<vmem>> -> memref<128xi32, #tpu.memory_space<vmem>>
        %dma_wait3A_283 = arith.constant 0 : i32
        %dma_wait3A_284 = arith.constant 0 : i32
        %dma_wait3A_285 = tpu.memref_slice %arg17[%dma_wait3A_283, %dma_wait3A_284] : memref<10112x16xf32, #tpu.memory_space<vmem_shared>> -> memref<10112x16xf32, #tpu.memory_space<vmem_shared>>
        tpu.wait_indirect_dma semaphore(%run_scoped3A_273 : memref<!tpu.dma_semaphore, #tpu.memory_space<semaphore_mem>>) src(%arg14 : memref<128x16xf32, #tpu.memory_space<vmem>>) dst(%dma_wait3A_285 : memref<10112x16xf32, #tpu.memory_space<vmem_shared>>)
        tpu.yield
      }) : () -> ()
      %add3A_247 = arith.constant 8 : i32
      %add3A_248 = arith.addi %add3A_240, %add3A_247 : i32
      %dma_start3A_249 = arith.constant 0 : i32
      %dma_start3A_250 = tpu.memref_slice %arg6[%add3A_248, %dma_start3A_249] : memref<80x128xi32, #tpu.memory_space<vmem>> -> memref<1x128xi32, #tpu.memory_space<vmem>>
      %dma_start3A_251 = tpu.memref_squeeze %dma_start3A_250 : memref<1x128xi32, #tpu.memory_space<vmem>> -> memref<128xi32, #tpu.memory_space<vmem>>
      %dma_start3A_252 = arith.constant 0 : i32
      %dma_start3A_253 = arith.constant 0 : i32
      %dma_start3A_254 = tpu.memref_slice %arg16[%dma_start3A_252, %dma_start3A_253] : memref<10112x16xf32, #tpu.memory_space<vmem_shared>> -> memref<10112x16xf32, #tpu.memory_space<vmem_shared>>
      tpu.enqueue_indirect_dma source(%dma_start3A_254 : memref<10112x16xf32, #tpu.memory_space<vmem_shared>>) target(%arg14 : memref<128x16xf32, #tpu.memory_space<vmem>>) offsets(%dma_start3A_251 : memref<128xi32, #tpu.memory_space<vmem>>) semaphore(%arg24 : memref<!tpu.dma_semaphore, #tpu.memory_space<semaphore_mem>>)
      %mul3A_255 = arith.constant 8 : i32
      %mul3A_256 = arith.muli %scan3A_128, %mul3A_255 : i32
      %add3A_257 = arith.constant 7 : i32
      %add3A_258 = arith.addi %mul3A_256, %add3A_257 : i32
      %dma_wait3A_259 = arith.constant 0 : i32
      %dma_wait3A_260 = tpu.memref_slice %arg6[%add3A_258, %dma_wait3A_259] : memref<80x128xi32, #tpu.memory_space<vmem>> -> memref<1x128xi32, #tpu.memory_space<vmem>>
      %dma_wait3A_261 = tpu.memref_squeeze %dma_wait3A_260 : memref<1x128xi32, #tpu.memory_space<vmem>> -> memref<128xi32, #tpu.memory_space<vmem>>
      %dma_wait3A_262 = arith.constant 0 : i32
      %dma_wait3A_263 = arith.constant 0 : i32
      %dma_wait3A_264 = tpu.memref_slice %arg16[%dma_wait3A_262, %dma_wait3A_263] : memref<10112x16xf32, #tpu.memory_space<vmem_shared>> -> memref<10112x16xf32, #tpu.memory_space<vmem_shared>>
      tpu.wait_indirect_dma semaphore(%arg25 : memref<!tpu.dma_semaphore, #tpu.memory_space<semaphore_mem>>) src(%dma_wait3A_264 : memref<10112x16xf32, #tpu.memory_space<vmem_shared>>) dst(%arg15 : memref<128x16xf32, #tpu.memory_space<vmem>>)
      "tpu.region"() ({
        %run_scoped3A_273 = tpu.sem_alloc : memref<!tpu.dma_semaphore, #tpu.memory_space<semaphore_mem>>
        %dma_start3A_274 = arith.constant 0 : i32
        %dma_start3A_275 = tpu.memref_slice %arg7[%add3A_258, %dma_start3A_274] : memref<80x128xi32, #tpu.memory_space<vmem>> -> memref<1x128xi32, #tpu.memory_space<vmem>>
        %dma_start3A_276 = tpu.memref_squeeze %dma_start3A_275 : memref<1x128xi32, #tpu.memory_space<vmem>> -> memref<128xi32, #tpu.memory_space<vmem>>
        %dma_start3A_277 = arith.constant 0 : i32
        %dma_start3A_278 = arith.constant 0 : i32
        %dma_start3A_279 = tpu.memref_slice %arg17[%dma_start3A_277, %dma_start3A_278] : memref<10112x16xf32, #tpu.memory_space<vmem_shared>> -> memref<10112x16xf32, #tpu.memory_space<vmem_shared>>
        tpu.enqueue_indirect_dma source(%arg15 : memref<128x16xf32, #tpu.memory_space<vmem>>) target(%dma_start3A_279 : memref<10112x16xf32, #tpu.memory_space<vmem_shared>>) offsets(%dma_start3A_276 : memref<128xi32, #tpu.memory_space<vmem>>) semaphore(%run_scoped3A_273 : memref<!tpu.dma_semaphore, #tpu.memory_space<semaphore_mem>>) {add = true}
        %dma_wait3A_280 = arith.constant 0 : i32
        %dma_wait3A_281 = tpu.memref_slice %arg7[%add3A_258, %dma_wait3A_280] : memref<80x128xi32, #tpu.memory_space<vmem>> -> memref<1x128xi32, #tpu.memory_space<vmem>>
        %dma_wait3A_282 = tpu.memref_squeeze %dma_wait3A_281 : memref<1x128xi32, #tpu.memory_space<vmem>> -> memref<128xi32, #tpu.memory_space<vmem>>
        %dma_wait3A_283 = arith.constant 0 : i32
        %dma_wait3A_284 = arith.constant 0 : i32
        %dma_wait3A_285 = tpu.memref_slice %arg17[%dma_wait3A_283, %dma_wait3A_284] : memref<10112x16xf32, #tpu.memory_space<vmem_shared>> -> memref<10112x16xf32, #tpu.memory_space<vmem_shared>>
        tpu.wait_indirect_dma semaphore(%run_scoped3A_273 : memref<!tpu.dma_semaphore, #tpu.memory_space<semaphore_mem>>) src(%arg15 : memref<128x16xf32, #tpu.memory_space<vmem>>) dst(%dma_wait3A_285 : memref<10112x16xf32, #tpu.memory_space<vmem_shared>>)
        tpu.yield
      }) : () -> ()
      %add3A_265 = arith.constant 8 : i32
      %add3A_266 = arith.addi %add3A_258, %add3A_265 : i32
      %dma_start3A_267 = arith.constant 0 : i32
      %dma_start3A_268 = tpu.memref_slice %arg6[%add3A_266, %dma_start3A_267] : memref<80x128xi32, #tpu.memory_space<vmem>> -> memref<1x128xi32, #tpu.memory_space<vmem>>
      %dma_start3A_269 = tpu.memref_squeeze %dma_start3A_268 : memref<1x128xi32, #tpu.memory_space<vmem>> -> memref<128xi32, #tpu.memory_space<vmem>>
      %dma_start3A_270 = arith.constant 0 : i32
      %dma_start3A_271 = arith.constant 0 : i32
      %dma_start3A_272 = tpu.memref_slice %arg16[%dma_start3A_270, %dma_start3A_271] : memref<10112x16xf32, #tpu.memory_space<vmem_shared>> -> memref<10112x16xf32, #tpu.memory_space<vmem_shared>>
      tpu.enqueue_indirect_dma source(%dma_start3A_272 : memref<10112x16xf32, #tpu.memory_space<vmem_shared>>) target(%arg15 : memref<128x16xf32, #tpu.memory_space<vmem>>) offsets(%dma_start3A_269 : memref<128xi32, #tpu.memory_space<vmem>>) semaphore(%arg25 : memref<!tpu.dma_semaphore, #tpu.memory_space<semaphore_mem>>)
    }
    %scan3A_64 = arith.constant 9 : i32
    %dma_wait3A = arith.constant 72 : i32
    %dma_wait3A_65 = arith.constant 0 : i32
    %dma_wait3A_66 = tpu.memref_slice %arg6[%dma_wait3A, %dma_wait3A_65] : memref<80x128xi32, #tpu.memory_space<vmem>> -> memref<1x128xi32, #tpu.memory_space<vmem>>
    %dma_wait3A_67 = tpu.memref_squeeze %dma_wait3A_66 : memref<1x128xi32, #tpu.memory_space<vmem>> -> memref<128xi32, #tpu.memory_space<vmem>>
    %dma_wait3A_68 = arith.constant 0 : i32
    %dma_wait3A_69 = arith.constant 0 : i32
    %dma_wait3A_70 = tpu.memref_slice %arg16[%dma_wait3A_68, %dma_wait3A_69] : memref<10112x16xf32, #tpu.memory_space<vmem_shared>> -> memref<10112x16xf32, #tpu.memory_space<vmem_shared>>
    tpu.wait_indirect_dma semaphore(%arg18 : memref<!tpu.dma_semaphore, #tpu.memory_space<semaphore_mem>>) src(%dma_wait3A_70 : memref<10112x16xf32, #tpu.memory_space<vmem_shared>>) dst(%arg8 : memref<128x16xf32, #tpu.memory_space<vmem>>)
    %run_scoped3A = arith.constant 72 : i32
    "tpu.region"() ({
      %run_scoped3A_128 = tpu.sem_alloc : memref<!tpu.dma_semaphore, #tpu.memory_space<semaphore_mem>>
      %dma_start3A_129 = arith.constant 0 : i32
      %dma_start3A_130 = tpu.memref_slice %arg7[%run_scoped3A, %dma_start3A_129] : memref<80x128xi32, #tpu.memory_space<vmem>> -> memref<1x128xi32, #tpu.memory_space<vmem>>
      %dma_start3A_131 = tpu.memref_squeeze %dma_start3A_130 : memref<1x128xi32, #tpu.memory_space<vmem>> -> memref<128xi32, #tpu.memory_space<vmem>>
      %dma_start3A_132 = arith.constant 0 : i32
      %dma_start3A_133 = arith.constant 0 : i32
      %dma_start3A_134 = tpu.memref_slice %arg17[%dma_start3A_132, %dma_start3A_133] : memref<10112x16xf32, #tpu.memory_space<vmem_shared>> -> memref<10112x16xf32, #tpu.memory_space<vmem_shared>>
      tpu.enqueue_indirect_dma source(%arg8 : memref<128x16xf32, #tpu.memory_space<vmem>>) target(%dma_start3A_134 : memref<10112x16xf32, #tpu.memory_space<vmem_shared>>) offsets(%dma_start3A_131 : memref<128xi32, #tpu.memory_space<vmem>>) semaphore(%run_scoped3A_128 : memref<!tpu.dma_semaphore, #tpu.memory_space<semaphore_mem>>) {add = true}
      %dma_wait3A_135 = arith.constant 0 : i32
      %dma_wait3A_136 = tpu.memref_slice %arg7[%run_scoped3A, %dma_wait3A_135] : memref<80x128xi32, #tpu.memory_space<vmem>> -> memref<1x128xi32, #tpu.memory_space<vmem>>
      %dma_wait3A_137 = tpu.memref_squeeze %dma_wait3A_136 : memref<1x128xi32, #tpu.memory_space<vmem>> -> memref<128xi32, #tpu.memory_space<vmem>>
      %dma_wait3A_138 = arith.constant 0 : i32
      %dma_wait3A_139 = arith.constant 0 : i32
      %dma_wait3A_140 = tpu.memref_slice %arg17[%dma_wait3A_138, %dma_wait3A_139] : memref<10112x16xf32, #tpu.memory_space<vmem_shared>> -> memref<10112x16xf32, #tpu.memory_space<vmem_shared>>
      tpu.wait_indirect_dma semaphore(%run_scoped3A_128 : memref<!tpu.dma_semaphore, #tpu.memory_space<semaphore_mem>>) src(%arg8 : memref<128x16xf32, #tpu.memory_space<vmem>>) dst(%dma_wait3A_140 : memref<10112x16xf32, #tpu.memory_space<vmem_shared>>)
      tpu.yield
    }) : () -> ()
    %dma_wait3A_71 = arith.constant 73 : i32
    %dma_wait3A_72 = arith.constant 0 : i32
    %dma_wait3A_73 = tpu.memref_slice %arg6[%dma_wait3A_71, %dma_wait3A_72] : memref<80x128xi32, #tpu.memory_space<vmem>> -> memref<1x128xi32, #tpu.memory_space<vmem>>
    %dma_wait3A_74 = tpu.memref_squeeze %dma_wait3A_73 : memref<1x128xi32, #tpu.memory_space<vmem>> -> memref<128xi32, #tpu.memory_space<vmem>>
    %dma_wait3A_75 = arith.constant 0 : i32
    %dma_wait3A_76 = arith.constant 0 : i32
    %dma_wait3A_77 = tpu.memref_slice %arg16[%dma_wait3A_75, %dma_wait3A_76] : memref<10112x16xf32, #tpu.memory_space<vmem_shared>> -> memref<10112x16xf32, #tpu.memory_space<vmem_shared>>
    tpu.wait_indirect_dma semaphore(%arg19 : memref<!tpu.dma_semaphore, #tpu.memory_space<semaphore_mem>>) src(%dma_wait3A_77 : memref<10112x16xf32, #tpu.memory_space<vmem_shared>>) dst(%arg9 : memref<128x16xf32, #tpu.memory_space<vmem>>)
    %run_scoped3A_78 = arith.constant 73 : i32
    "tpu.region"() ({
      %run_scoped3A_128 = tpu.sem_alloc : memref<!tpu.dma_semaphore, #tpu.memory_space<semaphore_mem>>
      %dma_start3A_129 = arith.constant 0 : i32
      %dma_start3A_130 = tpu.memref_slice %arg7[%run_scoped3A_78, %dma_start3A_129] : memref<80x128xi32, #tpu.memory_space<vmem>> -> memref<1x128xi32, #tpu.memory_space<vmem>>
      %dma_start3A_131 = tpu.memref_squeeze %dma_start3A_130 : memref<1x128xi32, #tpu.memory_space<vmem>> -> memref<128xi32, #tpu.memory_space<vmem>>
      %dma_start3A_132 = arith.constant 0 : i32
      %dma_start3A_133 = arith.constant 0 : i32
      %dma_start3A_134 = tpu.memref_slice %arg17[%dma_start3A_132, %dma_start3A_133] : memref<10112x16xf32, #tpu.memory_space<vmem_shared>> -> memref<10112x16xf32, #tpu.memory_space<vmem_shared>>
      tpu.enqueue_indirect_dma source(%arg9 : memref<128x16xf32, #tpu.memory_space<vmem>>) target(%dma_start3A_134 : memref<10112x16xf32, #tpu.memory_space<vmem_shared>>) offsets(%dma_start3A_131 : memref<128xi32, #tpu.memory_space<vmem>>) semaphore(%run_scoped3A_128 : memref<!tpu.dma_semaphore, #tpu.memory_space<semaphore_mem>>) {add = true}
      %dma_wait3A_135 = arith.constant 0 : i32
      %dma_wait3A_136 = tpu.memref_slice %arg7[%run_scoped3A_78, %dma_wait3A_135] : memref<80x128xi32, #tpu.memory_space<vmem>> -> memref<1x128xi32, #tpu.memory_space<vmem>>
      %dma_wait3A_137 = tpu.memref_squeeze %dma_wait3A_136 : memref<1x128xi32, #tpu.memory_space<vmem>> -> memref<128xi32, #tpu.memory_space<vmem>>
      %dma_wait3A_138 = arith.constant 0 : i32
      %dma_wait3A_139 = arith.constant 0 : i32
      %dma_wait3A_140 = tpu.memref_slice %arg17[%dma_wait3A_138, %dma_wait3A_139] : memref<10112x16xf32, #tpu.memory_space<vmem_shared>> -> memref<10112x16xf32, #tpu.memory_space<vmem_shared>>
      tpu.wait_indirect_dma semaphore(%run_scoped3A_128 : memref<!tpu.dma_semaphore, #tpu.memory_space<semaphore_mem>>) src(%arg9 : memref<128x16xf32, #tpu.memory_space<vmem>>) dst(%dma_wait3A_140 : memref<10112x16xf32, #tpu.memory_space<vmem_shared>>)
      tpu.yield
    }) : () -> ()
    %dma_wait3A_79 = arith.constant 74 : i32
    %dma_wait3A_80 = arith.constant 0 : i32
    %dma_wait3A_81 = tpu.memref_slice %arg6[%dma_wait3A_79, %dma_wait3A_80] : memref<80x128xi32, #tpu.memory_space<vmem>> -> memref<1x128xi32, #tpu.memory_space<vmem>>
    %dma_wait3A_82 = tpu.memref_squeeze %dma_wait3A_81 : memref<1x128xi32, #tpu.memory_space<vmem>> -> memref<128xi32, #tpu.memory_space<vmem>>
    %dma_wait3A_83 = arith.constant 0 : i32
    %dma_wait3A_84 = arith.constant 0 : i32
    %dma_wait3A_85 = tpu.memref_slice %arg16[%dma_wait3A_83, %dma_wait3A_84] : memref<10112x16xf32, #tpu.memory_space<vmem_shared>> -> memref<10112x16xf32, #tpu.memory_space<vmem_shared>>
    tpu.wait_indirect_dma semaphore(%arg20 : memref<!tpu.dma_semaphore, #tpu.memory_space<semaphore_mem>>) src(%dma_wait3A_85 : memref<10112x16xf32, #tpu.memory_space<vmem_shared>>) dst(%arg10 : memref<128x16xf32, #tpu.memory_space<vmem>>)
    %run_scoped3A_86 = arith.constant 74 : i32
    "tpu.region"() ({
      %run_scoped3A_128 = tpu.sem_alloc : memref<!tpu.dma_semaphore, #tpu.memory_space<semaphore_mem>>
      %dma_start3A_129 = arith.constant 0 : i32
      %dma_start3A_130 = tpu.memref_slice %arg7[%run_scoped3A_86, %dma_start3A_129] : memref<80x128xi32, #tpu.memory_space<vmem>> -> memref<1x128xi32, #tpu.memory_space<vmem>>
      %dma_start3A_131 = tpu.memref_squeeze %dma_start3A_130 : memref<1x128xi32, #tpu.memory_space<vmem>> -> memref<128xi32, #tpu.memory_space<vmem>>
      %dma_start3A_132 = arith.constant 0 : i32
      %dma_start3A_133 = arith.constant 0 : i32
      %dma_start3A_134 = tpu.memref_slice %arg17[%dma_start3A_132, %dma_start3A_133] : memref<10112x16xf32, #tpu.memory_space<vmem_shared>> -> memref<10112x16xf32, #tpu.memory_space<vmem_shared>>
      tpu.enqueue_indirect_dma source(%arg10 : memref<128x16xf32, #tpu.memory_space<vmem>>) target(%dma_start3A_134 : memref<10112x16xf32, #tpu.memory_space<vmem_shared>>) offsets(%dma_start3A_131 : memref<128xi32, #tpu.memory_space<vmem>>) semaphore(%run_scoped3A_128 : memref<!tpu.dma_semaphore, #tpu.memory_space<semaphore_mem>>) {add = true}
      %dma_wait3A_135 = arith.constant 0 : i32
      %dma_wait3A_136 = tpu.memref_slice %arg7[%run_scoped3A_86, %dma_wait3A_135] : memref<80x128xi32, #tpu.memory_space<vmem>> -> memref<1x128xi32, #tpu.memory_space<vmem>>
      %dma_wait3A_137 = tpu.memref_squeeze %dma_wait3A_136 : memref<1x128xi32, #tpu.memory_space<vmem>> -> memref<128xi32, #tpu.memory_space<vmem>>
      %dma_wait3A_138 = arith.constant 0 : i32
      %dma_wait3A_139 = arith.constant 0 : i32
      %dma_wait3A_140 = tpu.memref_slice %arg17[%dma_wait3A_138, %dma_wait3A_139] : memref<10112x16xf32, #tpu.memory_space<vmem_shared>> -> memref<10112x16xf32, #tpu.memory_space<vmem_shared>>
      tpu.wait_indirect_dma semaphore(%run_scoped3A_128 : memref<!tpu.dma_semaphore, #tpu.memory_space<semaphore_mem>>) src(%arg10 : memref<128x16xf32, #tpu.memory_space<vmem>>) dst(%dma_wait3A_140 : memref<10112x16xf32, #tpu.memory_space<vmem_shared>>)
      tpu.yield
    }) : () -> ()
    %dma_wait3A_87 = arith.constant 75 : i32
    %dma_wait3A_88 = arith.constant 0 : i32
    %dma_wait3A_89 = tpu.memref_slice %arg6[%dma_wait3A_87, %dma_wait3A_88] : memref<80x128xi32, #tpu.memory_space<vmem>> -> memref<1x128xi32, #tpu.memory_space<vmem>>
    %dma_wait3A_90 = tpu.memref_squeeze %dma_wait3A_89 : memref<1x128xi32, #tpu.memory_space<vmem>> -> memref<128xi32, #tpu.memory_space<vmem>>
    %dma_wait3A_91 = arith.constant 0 : i32
    %dma_wait3A_92 = arith.constant 0 : i32
    %dma_wait3A_93 = tpu.memref_slice %arg16[%dma_wait3A_91, %dma_wait3A_92] : memref<10112x16xf32, #tpu.memory_space<vmem_shared>> -> memref<10112x16xf32, #tpu.memory_space<vmem_shared>>
    tpu.wait_indirect_dma semaphore(%arg21 : memref<!tpu.dma_semaphore, #tpu.memory_space<semaphore_mem>>) src(%dma_wait3A_93 : memref<10112x16xf32, #tpu.memory_space<vmem_shared>>) dst(%arg11 : memref<128x16xf32, #tpu.memory_space<vmem>>)
    %run_scoped3A_94 = arith.constant 75 : i32
    "tpu.region"() ({
      %run_scoped3A_128 = tpu.sem_alloc : memref<!tpu.dma_semaphore, #tpu.memory_space<semaphore_mem>>
      %dma_start3A_129 = arith.constant 0 : i32
      %dma_start3A_130 = tpu.memref_slice %arg7[%run_scoped3A_94, %dma_start3A_129] : memref<80x128xi32, #tpu.memory_space<vmem>> -> memref<1x128xi32, #tpu.memory_space<vmem>>
      %dma_start3A_131 = tpu.memref_squeeze %dma_start3A_130 : memref<1x128xi32, #tpu.memory_space<vmem>> -> memref<128xi32, #tpu.memory_space<vmem>>
      %dma_start3A_132 = arith.constant 0 : i32
      %dma_start3A_133 = arith.constant 0 : i32
      %dma_start3A_134 = tpu.memref_slice %arg17[%dma_start3A_132, %dma_start3A_133] : memref<10112x16xf32, #tpu.memory_space<vmem_shared>> -> memref<10112x16xf32, #tpu.memory_space<vmem_shared>>
      tpu.enqueue_indirect_dma source(%arg11 : memref<128x16xf32, #tpu.memory_space<vmem>>) target(%dma_start3A_134 : memref<10112x16xf32, #tpu.memory_space<vmem_shared>>) offsets(%dma_start3A_131 : memref<128xi32, #tpu.memory_space<vmem>>) semaphore(%run_scoped3A_128 : memref<!tpu.dma_semaphore, #tpu.memory_space<semaphore_mem>>) {add = true}
      %dma_wait3A_135 = arith.constant 0 : i32
      %dma_wait3A_136 = tpu.memref_slice %arg7[%run_scoped3A_94, %dma_wait3A_135] : memref<80x128xi32, #tpu.memory_space<vmem>> -> memref<1x128xi32, #tpu.memory_space<vmem>>
      %dma_wait3A_137 = tpu.memref_squeeze %dma_wait3A_136 : memref<1x128xi32, #tpu.memory_space<vmem>> -> memref<128xi32, #tpu.memory_space<vmem>>
      %dma_wait3A_138 = arith.constant 0 : i32
      %dma_wait3A_139 = arith.constant 0 : i32
      %dma_wait3A_140 = tpu.memref_slice %arg17[%dma_wait3A_138, %dma_wait3A_139] : memref<10112x16xf32, #tpu.memory_space<vmem_shared>> -> memref<10112x16xf32, #tpu.memory_space<vmem_shared>>
      tpu.wait_indirect_dma semaphore(%run_scoped3A_128 : memref<!tpu.dma_semaphore, #tpu.memory_space<semaphore_mem>>) src(%arg11 : memref<128x16xf32, #tpu.memory_space<vmem>>) dst(%dma_wait3A_140 : memref<10112x16xf32, #tpu.memory_space<vmem_shared>>)
      tpu.yield
    }) : () -> ()
    %dma_wait3A_95 = arith.constant 76 : i32
    %dma_wait3A_96 = arith.constant 0 : i32
    %dma_wait3A_97 = tpu.memref_slice %arg6[%dma_wait3A_95, %dma_wait3A_96] : memref<80x128xi32, #tpu.memory_space<vmem>> -> memref<1x128xi32, #tpu.memory_space<vmem>>
    %dma_wait3A_98 = tpu.memref_squeeze %dma_wait3A_97 : memref<1x128xi32, #tpu.memory_space<vmem>> -> memref<128xi32, #tpu.memory_space<vmem>>
    %dma_wait3A_99 = arith.constant 0 : i32
    %dma_wait3A_100 = arith.constant 0 : i32
    %dma_wait3A_101 = tpu.memref_slice %arg16[%dma_wait3A_99, %dma_wait3A_100] : memref<10112x16xf32, #tpu.memory_space<vmem_shared>> -> memref<10112x16xf32, #tpu.memory_space<vmem_shared>>
    tpu.wait_indirect_dma semaphore(%arg22 : memref<!tpu.dma_semaphore, #tpu.memory_space<semaphore_mem>>) src(%dma_wait3A_101 : memref<10112x16xf32, #tpu.memory_space<vmem_shared>>) dst(%arg12 : memref<128x16xf32, #tpu.memory_space<vmem>>)
    %run_scoped3A_102 = arith.constant 76 : i32
    "tpu.region"() ({
      %run_scoped3A_128 = tpu.sem_alloc : memref<!tpu.dma_semaphore, #tpu.memory_space<semaphore_mem>>
      %dma_start3A_129 = arith.constant 0 : i32
      %dma_start3A_130 = tpu.memref_slice %arg7[%run_scoped3A_102, %dma_start3A_129] : memref<80x128xi32, #tpu.memory_space<vmem>> -> memref<1x128xi32, #tpu.memory_space<vmem>>
      %dma_start3A_131 = tpu.memref_squeeze %dma_start3A_130 : memref<1x128xi32, #tpu.memory_space<vmem>> -> memref<128xi32, #tpu.memory_space<vmem>>
      %dma_start3A_132 = arith.constant 0 : i32
      %dma_start3A_133 = arith.constant 0 : i32
      %dma_start3A_134 = tpu.memref_slice %arg17[%dma_start3A_132, %dma_start3A_133] : memref<10112x16xf32, #tpu.memory_space<vmem_shared>> -> memref<10112x16xf32, #tpu.memory_space<vmem_shared>>
      tpu.enqueue_indirect_dma source(%arg12 : memref<128x16xf32, #tpu.memory_space<vmem>>) target(%dma_start3A_134 : memref<10112x16xf32, #tpu.memory_space<vmem_shared>>) offsets(%dma_start3A_131 : memref<128xi32, #tpu.memory_space<vmem>>) semaphore(%run_scoped3A_128 : memref<!tpu.dma_semaphore, #tpu.memory_space<semaphore_mem>>) {add = true}
      %dma_wait3A_135 = arith.constant 0 : i32
      %dma_wait3A_136 = tpu.memref_slice %arg7[%run_scoped3A_102, %dma_wait3A_135] : memref<80x128xi32, #tpu.memory_space<vmem>> -> memref<1x128xi32, #tpu.memory_space<vmem>>
      %dma_wait3A_137 = tpu.memref_squeeze %dma_wait3A_136 : memref<1x128xi32, #tpu.memory_space<vmem>> -> memref<128xi32, #tpu.memory_space<vmem>>
      %dma_wait3A_138 = arith.constant 0 : i32
      %dma_wait3A_139 = arith.constant 0 : i32
      %dma_wait3A_140 = tpu.memref_slice %arg17[%dma_wait3A_138, %dma_wait3A_139] : memref<10112x16xf32, #tpu.memory_space<vmem_shared>> -> memref<10112x16xf32, #tpu.memory_space<vmem_shared>>
      tpu.wait_indirect_dma semaphore(%run_scoped3A_128 : memref<!tpu.dma_semaphore, #tpu.memory_space<semaphore_mem>>) src(%arg12 : memref<128x16xf32, #tpu.memory_space<vmem>>) dst(%dma_wait3A_140 : memref<10112x16xf32, #tpu.memory_space<vmem_shared>>)
      tpu.yield
    }) : () -> ()
    %dma_wait3A_103 = arith.constant 77 : i32
    %dma_wait3A_104 = arith.constant 0 : i32
    %dma_wait3A_105 = tpu.memref_slice %arg6[%dma_wait3A_103, %dma_wait3A_104] : memref<80x128xi32, #tpu.memory_space<vmem>> -> memref<1x128xi32, #tpu.memory_space<vmem>>
    %dma_wait3A_106 = tpu.memref_squeeze %dma_wait3A_105 : memref<1x128xi32, #tpu.memory_space<vmem>> -> memref<128xi32, #tpu.memory_space<vmem>>
    %dma_wait3A_107 = arith.constant 0 : i32
    %dma_wait3A_108 = arith.constant 0 : i32
    %dma_wait3A_109 = tpu.memref_slice %arg16[%dma_wait3A_107, %dma_wait3A_108] : memref<10112x16xf32, #tpu.memory_space<vmem_shared>> -> memref<10112x16xf32, #tpu.memory_space<vmem_shared>>
    tpu.wait_indirect_dma semaphore(%arg23 : memref<!tpu.dma_semaphore, #tpu.memory_space<semaphore_mem>>) src(%dma_wait3A_109 : memref<10112x16xf32, #tpu.memory_space<vmem_shared>>) dst(%arg13 : memref<128x16xf32, #tpu.memory_space<vmem>>)
    %run_scoped3A_110 = arith.constant 77 : i32
    "tpu.region"() ({
      %run_scoped3A_128 = tpu.sem_alloc : memref<!tpu.dma_semaphore, #tpu.memory_space<semaphore_mem>>
      %dma_start3A_129 = arith.constant 0 : i32
      %dma_start3A_130 = tpu.memref_slice %arg7[%run_scoped3A_110, %dma_start3A_129] : memref<80x128xi32, #tpu.memory_space<vmem>> -> memref<1x128xi32, #tpu.memory_space<vmem>>
      %dma_start3A_131 = tpu.memref_squeeze %dma_start3A_130 : memref<1x128xi32, #tpu.memory_space<vmem>> -> memref<128xi32, #tpu.memory_space<vmem>>
      %dma_start3A_132 = arith.constant 0 : i32
      %dma_start3A_133 = arith.constant 0 : i32
      %dma_start3A_134 = tpu.memref_slice %arg17[%dma_start3A_132, %dma_start3A_133] : memref<10112x16xf32, #tpu.memory_space<vmem_shared>> -> memref<10112x16xf32, #tpu.memory_space<vmem_shared>>
      tpu.enqueue_indirect_dma source(%arg13 : memref<128x16xf32, #tpu.memory_space<vmem>>) target(%dma_start3A_134 : memref<10112x16xf32, #tpu.memory_space<vmem_shared>>) offsets(%dma_start3A_131 : memref<128xi32, #tpu.memory_space<vmem>>) semaphore(%run_scoped3A_128 : memref<!tpu.dma_semaphore, #tpu.memory_space<semaphore_mem>>) {add = true}
      %dma_wait3A_135 = arith.constant 0 : i32
      %dma_wait3A_136 = tpu.memref_slice %arg7[%run_scoped3A_110, %dma_wait3A_135] : memref<80x128xi32, #tpu.memory_space<vmem>> -> memref<1x128xi32, #tpu.memory_space<vmem>>
      %dma_wait3A_137 = tpu.memref_squeeze %dma_wait3A_136 : memref<1x128xi32, #tpu.memory_space<vmem>> -> memref<128xi32, #tpu.memory_space<vmem>>
      %dma_wait3A_138 = arith.constant 0 : i32
      %dma_wait3A_139 = arith.constant 0 : i32
      %dma_wait3A_140 = tpu.memref_slice %arg17[%dma_wait3A_138, %dma_wait3A_139] : memref<10112x16xf32, #tpu.memory_space<vmem_shared>> -> memref<10112x16xf32, #tpu.memory_space<vmem_shared>>
      tpu.wait_indirect_dma semaphore(%run_scoped3A_128 : memref<!tpu.dma_semaphore, #tpu.memory_space<semaphore_mem>>) src(%arg13 : memref<128x16xf32, #tpu.memory_space<vmem>>) dst(%dma_wait3A_140 : memref<10112x16xf32, #tpu.memory_space<vmem_shared>>)
      tpu.yield
    }) : () -> ()
    %dma_wait3A_111 = arith.constant 78 : i32
    %dma_wait3A_112 = arith.constant 0 : i32
    %dma_wait3A_113 = tpu.memref_slice %arg6[%dma_wait3A_111, %dma_wait3A_112] : memref<80x128xi32, #tpu.memory_space<vmem>> -> memref<1x128xi32, #tpu.memory_space<vmem>>
    %dma_wait3A_114 = tpu.memref_squeeze %dma_wait3A_113 : memref<1x128xi32, #tpu.memory_space<vmem>> -> memref<128xi32, #tpu.memory_space<vmem>>
    %dma_wait3A_115 = arith.constant 0 : i32
    %dma_wait3A_116 = arith.constant 0 : i32
    %dma_wait3A_117 = tpu.memref_slice %arg16[%dma_wait3A_115, %dma_wait3A_116] : memref<10112x16xf32, #tpu.memory_space<vmem_shared>> -> memref<10112x16xf32, #tpu.memory_space<vmem_shared>>
    tpu.wait_indirect_dma semaphore(%arg24 : memref<!tpu.dma_semaphore, #tpu.memory_space<semaphore_mem>>) src(%dma_wait3A_117 : memref<10112x16xf32, #tpu.memory_space<vmem_shared>>) dst(%arg14 : memref<128x16xf32, #tpu.memory_space<vmem>>)
    %run_scoped3A_118 = arith.constant 78 : i32
    "tpu.region"() ({
      %run_scoped3A_128 = tpu.sem_alloc : memref<!tpu.dma_semaphore, #tpu.memory_space<semaphore_mem>>
      %dma_start3A_129 = arith.constant 0 : i32
      %dma_start3A_130 = tpu.memref_slice %arg7[%run_scoped3A_118, %dma_start3A_129] : memref<80x128xi32, #tpu.memory_space<vmem>> -> memref<1x128xi32, #tpu.memory_space<vmem>>
      %dma_start3A_131 = tpu.memref_squeeze %dma_start3A_130 : memref<1x128xi32, #tpu.memory_space<vmem>> -> memref<128xi32, #tpu.memory_space<vmem>>
      %dma_start3A_132 = arith.constant 0 : i32
      %dma_start3A_133 = arith.constant 0 : i32
      %dma_start3A_134 = tpu.memref_slice %arg17[%dma_start3A_132, %dma_start3A_133] : memref<10112x16xf32, #tpu.memory_space<vmem_shared>> -> memref<10112x16xf32, #tpu.memory_space<vmem_shared>>
      tpu.enqueue_indirect_dma source(%arg14 : memref<128x16xf32, #tpu.memory_space<vmem>>) target(%dma_start3A_134 : memref<10112x16xf32, #tpu.memory_space<vmem_shared>>) offsets(%dma_start3A_131 : memref<128xi32, #tpu.memory_space<vmem>>) semaphore(%run_scoped3A_128 : memref<!tpu.dma_semaphore, #tpu.memory_space<semaphore_mem>>) {add = true}
      %dma_wait3A_135 = arith.constant 0 : i32
      %dma_wait3A_136 = tpu.memref_slice %arg7[%run_scoped3A_118, %dma_wait3A_135] : memref<80x128xi32, #tpu.memory_space<vmem>> -> memref<1x128xi32, #tpu.memory_space<vmem>>
      %dma_wait3A_137 = tpu.memref_squeeze %dma_wait3A_136 : memref<1x128xi32, #tpu.memory_space<vmem>> -> memref<128xi32, #tpu.memory_space<vmem>>
      %dma_wait3A_138 = arith.constant 0 : i32
      %dma_wait3A_139 = arith.constant 0 : i32
      %dma_wait3A_140 = tpu.memref_slice %arg17[%dma_wait3A_138, %dma_wait3A_139] : memref<10112x16xf32, #tpu.memory_space<vmem_shared>> -> memref<10112x16xf32, #tpu.memory_space<vmem_shared>>
      tpu.wait_indirect_dma semaphore(%run_scoped3A_128 : memref<!tpu.dma_semaphore, #tpu.memory_space<semaphore_mem>>) src(%arg14 : memref<128x16xf32, #tpu.memory_space<vmem>>) dst(%dma_wait3A_140 : memref<10112x16xf32, #tpu.memory_space<vmem_shared>>)
      tpu.yield
    }) : () -> ()
    %dma_wait3A_119 = arith.constant 79 : i32
    %dma_wait3A_120 = arith.constant 0 : i32
    %dma_wait3A_121 = tpu.memref_slice %arg6[%dma_wait3A_119, %dma_wait3A_120] : memref<80x128xi32, #tpu.memory_space<vmem>> -> memref<1x128xi32, #tpu.memory_space<vmem>>
    %dma_wait3A_122 = tpu.memref_squeeze %dma_wait3A_121 : memref<1x128xi32, #tpu.memory_space<vmem>> -> memref<128xi32, #tpu.memory_space<vmem>>
    %dma_wait3A_123 = arith.constant 0 : i32
    %dma_wait3A_124 = arith.constant 0 : i32
    %dma_wait3A_125 = tpu.memref_slice %arg16[%dma_wait3A_123, %dma_wait3A_124] : memref<10112x16xf32, #tpu.memory_space<vmem_shared>> -> memref<10112x16xf32, #tpu.memory_space<vmem_shared>>
    tpu.wait_indirect_dma semaphore(%arg25 : memref<!tpu.dma_semaphore, #tpu.memory_space<semaphore_mem>>) src(%dma_wait3A_125 : memref<10112x16xf32, #tpu.memory_space<vmem_shared>>) dst(%arg15 : memref<128x16xf32, #tpu.memory_space<vmem>>)
    %run_scoped3A_126 = arith.constant 79 : i32
    "tpu.region"() ({
      %run_scoped3A_128 = tpu.sem_alloc : memref<!tpu.dma_semaphore, #tpu.memory_space<semaphore_mem>>
      %dma_start3A_129 = arith.constant 0 : i32
      %dma_start3A_130 = tpu.memref_slice %arg7[%run_scoped3A_126, %dma_start3A_129] : memref<80x128xi32, #tpu.memory_space<vmem>> -> memref<1x128xi32, #tpu.memory_space<vmem>>
      %dma_start3A_131 = tpu.memref_squeeze %dma_start3A_130 : memref<1x128xi32, #tpu.memory_space<vmem>> -> memref<128xi32, #tpu.memory_space<vmem>>
      %dma_start3A_132 = arith.constant 0 : i32
      %dma_start3A_133 = arith.constant 0 : i32
      %dma_start3A_134 = tpu.memref_slice %arg17[%dma_start3A_132, %dma_start3A_133] : memref<10112x16xf32, #tpu.memory_space<vmem_shared>> -> memref<10112x16xf32, #tpu.memory_space<vmem_shared>>
      tpu.enqueue_indirect_dma source(%arg15 : memref<128x16xf32, #tpu.memory_space<vmem>>) target(%dma_start3A_134 : memref<10112x16xf32, #tpu.memory_space<vmem_shared>>) offsets(%dma_start3A_131 : memref<128xi32, #tpu.memory_space<vmem>>) semaphore(%run_scoped3A_128 : memref<!tpu.dma_semaphore, #tpu.memory_space<semaphore_mem>>) {add = true}
      %dma_wait3A_135 = arith.constant 0 : i32
      %dma_wait3A_136 = tpu.memref_slice %arg7[%run_scoped3A_126, %dma_wait3A_135] : memref<80x128xi32, #tpu.memory_space<vmem>> -> memref<1x128xi32, #tpu.memory_space<vmem>>
      %dma_wait3A_137 = tpu.memref_squeeze %dma_wait3A_136 : memref<1x128xi32, #tpu.memory_space<vmem>> -> memref<128xi32, #tpu.memory_space<vmem>>
      %dma_wait3A_138 = arith.constant 0 : i32
      %dma_wait3A_139 = arith.constant 0 : i32
      %dma_wait3A_140 = tpu.memref_slice %arg17[%dma_wait3A_138, %dma_wait3A_139] : memref<10112x16xf32, #tpu.memory_space<vmem_shared>> -> memref<10112x16xf32, #tpu.memory_space<vmem_shared>>
      tpu.wait_indirect_dma semaphore(%run_scoped3A_128 : memref<!tpu.dma_semaphore, #tpu.memory_space<semaphore_mem>>) src(%arg15 : memref<128x16xf32, #tpu.memory_space<vmem>>) dst(%dma_wait3A_140 : memref<10112x16xf32, #tpu.memory_space<vmem_shared>>)
      tpu.yield
    }) : () -> ()
    %barrier3A_127 = arith.constant 0 : index
    tpu.barrier barrier_id(%barrier3A_127)
    "tpu.region"() ({
      %run_scoped3A_128 = tpu.sem_alloc : memref<!tpu.dma_semaphore, #tpu.memory_space<semaphore_mem>>
      %dma_start3A_129 = arith.constant 0 : i32
      %dma_start3A_130 = tpu.memref_slice %arg5[%arg0, %mul3A_4, %dma_start3A_129] : memref<2x10112x16xf32, #tpu.memory_space<hbm>> -> memref<1x632x16xf32, #tpu.memory_space<hbm>>
      %dma_start3A_131 = tpu.memref_squeeze %dma_start3A_130 : memref<1x632x16xf32, #tpu.memory_space<hbm>> -> memref<632x16xf32, #tpu.memory_space<hbm>>
      %dma_start3A_132 = arith.constant 0 : i32
      %dma_start3A_133 = tpu.memref_slice %arg17[%mul3A_4, %dma_start3A_132] : memref<10112x16xf32, #tpu.memory_space<vmem_shared>> -> memref<632x16xf32, #tpu.memory_space<vmem_shared>>
      tpu.enqueue_dma source(%dma_start3A_133 : memref<632x16xf32, #tpu.memory_space<vmem_shared>>) target(%dma_start3A_131 : memref<632x16xf32, #tpu.memory_space<hbm>>) target_semaphore(%run_scoped3A_128 : memref<!tpu.dma_semaphore, #tpu.memory_space<semaphore_mem>>)
      %dma_wait3A_134 = arith.constant 0 : i32
      %dma_wait3A_135 = tpu.memref_slice %arg5[%arg0, %mul3A_4, %dma_wait3A_134] : memref<2x10112x16xf32, #tpu.memory_space<hbm>> -> memref<1x632x16xf32, #tpu.memory_space<hbm>>
      %dma_wait3A_136 = tpu.memref_squeeze %dma_wait3A_135 : memref<1x632x16xf32, #tpu.memory_space<hbm>> -> memref<632x16xf32, #tpu.memory_space<hbm>>
      %dma_wait3A_137 = arith.constant 0 : i32
      %dma_wait3A_138 = tpu.memref_slice %arg17[%mul3A_4, %dma_wait3A_137] : memref<10112x16xf32, #tpu.memory_space<vmem_shared>> -> memref<632x16xf32, #tpu.memory_space<vmem_shared>>
      tpu.wait_dma2 semaphore(%run_scoped3A_128 : memref<!tpu.dma_semaphore, #tpu.memory_space<semaphore_mem>>) src(%dma_wait3A_138 : memref<632x16xf32, #tpu.memory_space<vmem_shared>>) dst(%dma_wait3A_136 : memref<632x16xf32, #tpu.memory_space<hbm>>)
      tpu.yield
    }) : () -> ()
    return
  }
}

#map = affine_map<(d0, d1) -> (0, 0)>
#map1 = affine_map<(d0, d1) -> (0, 0, 0)>
module attributes {stable_mosaic.version = 14 : i64} {
  func.func @_agg(%arg0: i32, %arg1: i32, %arg2: memref<2560x128xi32, #tpu.memory_space<hbm>>, %arg3: memref<2560x128xi32, #tpu.memory_space<hbm>>, %arg4: memref<10112x16xf32, #tpu.memory_space<hbm>>, %arg5: memref<2x10112x16xf32, #tpu.memory_space<hbm>>, %arg6: memref<80x128xi32, #tpu.memory_space<vmem>>, %arg7: memref<80x128xi32, #tpu.memory_space<vmem>>, %arg8: memref<128x16xf32, #tpu.memory_space<vmem>>, %arg9: memref<128x16xf32, #tpu.memory_space<vmem>>, %arg10: memref<128x16xf32, #tpu.memory_space<vmem>>, %arg11: memref<128x16xf32, #tpu.memory_space<vmem>>, %arg12: memref<128x16xf32, #tpu.memory_space<vmem>>, %arg13: memref<128x16xf32, #tpu.memory_space<vmem>>, %arg14: memref<128x16xf32, #tpu.memory_space<vmem>>, %arg15: memref<128x16xf32, #tpu.memory_space<vmem>>, %arg16: memref<10112x16xf32, #tpu.memory_space<vmem_shared>>, %arg17: memref<10112x16xf32, #tpu.memory_space<vmem_shared>>, %arg18: memref<!tpu.dma_semaphore, #tpu.memory_space<semaphore_mem>>, %arg19: memref<!tpu.dma_semaphore, #tpu.memory_space<semaphore_mem>>, %arg20: memref<!tpu.dma_semaphore, #tpu.memory_space<semaphore_mem>>, %arg21: memref<!tpu.dma_semaphore, #tpu.memory_space<semaphore_mem>>, %arg22: memref<!tpu.dma_semaphore, #tpu.memory_space<semaphore_mem>>, %arg23: memref<!tpu.dma_semaphore, #tpu.memory_space<semaphore_mem>>, %arg24: memref<!tpu.dma_semaphore, #tpu.memory_space<semaphore_mem>>, %arg25: memref<!tpu.dma_semaphore, #tpu.memory_space<semaphore_mem>>) attributes {dimension_semantics = [#tpu.dimension_semantics<core_parallel>, #tpu.dimension_semantics<subcore_parallel>], iteration_bounds = array<i64: 2, 16>, scalar_prefetch = 0 : i64, scratch_operands = 20 : i64, tpu.core_type = #tpu.core_type<sc_vector_subcore>, window_params = [{transform_indices = #map}, {transform_indices = #map}, {transform_indices = #map}, {transform_indices = #map1}]} {
    %mul3A = arith.constant 2 : i32
    %mul3A_0 = arith.muli %arg1, %mul3A : i32
    %add3A = arith.addi %mul3A_0, %arg0 : i32
    %mul3A_1 = arith.constant 80 : i32
    %mul3A_2 = arith.muli %add3A, %mul3A_1 : i32
    "tpu.region"() ({
      %run_scoped3A_128 = tpu.sem_alloc : memref<!tpu.dma_semaphore, #tpu.memory_space<semaphore_mem>>
      %dma_start3A_129 = arith.constant 0 : i32
      %dma_start3A_130 = tpu.memref_slice %arg2[%mul3A_2, %dma_start3A_129] : memref<2560x128xi32, #tpu.memory_space<hbm>> -> memref<80x128xi32, #tpu.memory_space<hbm>>
      %dma_start3A_131 = arith.constant 0 : i32
      %dma_start3A_132 = tpu.memref_slice %arg2[%mul3A_2, %dma_start3A_131] : memref<2560x128xi32, #tpu.memory_space<hbm>> -> memref<80x128xi32, #tpu.memory_space<hbm>>
      tpu.enqueue_dma source(%dma_start3A_132 : memref<80x128xi32, #tpu.memory_space<hbm>>) target(%arg6 : memref<80x128xi32, #tpu.memory_space<vmem>>) target_semaphore(%run_scoped3A_128 : memref<!tpu.dma_semaphore, #tpu.memory_space<semaphore_mem>>)
      %dma_wait3A_133 = arith.constant 0 : i32
      %dma_wait3A_134 = tpu.memref_slice %arg2[%mul3A_2, %dma_wait3A_133] : memref<2560x128xi32, #tpu.memory_space<hbm>> -> memref<80x128xi32, #tpu.memory_space<hbm>>
      %dma_wait3A_135 = arith.constant 0 : i32
      %dma_wait3A_136 = tpu.memref_slice %arg2[%mul3A_2, %dma_wait3A_135] : memref<2560x128xi32, #tpu.memory_space<hbm>> -> memref<80x128xi32, #tpu.memory_space<hbm>>
      tpu.wait_dma2 semaphore(%run_scoped3A_128 : memref<!tpu.dma_semaphore, #tpu.memory_space<semaphore_mem>>) src(%dma_wait3A_136 : memref<80x128xi32, #tpu.memory_space<hbm>>) dst(%arg6 : memref<80x128xi32, #tpu.memory_space<vmem>>)
      tpu.yield
    }) : () -> ()
    "tpu.region"() ({
      %run_scoped3A_128 = tpu.sem_alloc : memref<!tpu.dma_semaphore, #tpu.memory_space<semaphore_mem>>
      %dma_start3A_129 = arith.constant 0 : i32
      %dma_start3A_130 = tpu.memref_slice %arg3[%mul3A_2, %dma_start3A_129] : memref<2560x128xi32, #tpu.memory_space<hbm>> -> memref<80x128xi32, #tpu.memory_space<hbm>>
      %dma_start3A_131 = arith.constant 0 : i32
      %dma_start3A_132 = tpu.memref_slice %arg3[%mul3A_2, %dma_start3A_131] : memref<2560x128xi32, #tpu.memory_space<hbm>> -> memref<80x128xi32, #tpu.memory_space<hbm>>
      tpu.enqueue_dma source(%dma_start3A_132 : memref<80x128xi32, #tpu.memory_space<hbm>>) target(%arg7 : memref<80x128xi32, #tpu.memory_space<vmem>>) target_semaphore(%run_scoped3A_128 : memref<!tpu.dma_semaphore, #tpu.memory_space<semaphore_mem>>)
      %dma_wait3A_133 = arith.constant 0 : i32
      %dma_wait3A_134 = tpu.memref_slice %arg3[%mul3A_2, %dma_wait3A_133] : memref<2560x128xi32, #tpu.memory_space<hbm>> -> memref<80x128xi32, #tpu.memory_space<hbm>>
      %dma_wait3A_135 = arith.constant 0 : i32
      %dma_wait3A_136 = tpu.memref_slice %arg3[%mul3A_2, %dma_wait3A_135] : memref<2560x128xi32, #tpu.memory_space<hbm>> -> memref<80x128xi32, #tpu.memory_space<hbm>>
      tpu.wait_dma2 semaphore(%run_scoped3A_128 : memref<!tpu.dma_semaphore, #tpu.memory_space<semaphore_mem>>) src(%dma_wait3A_136 : memref<80x128xi32, #tpu.memory_space<hbm>>) dst(%arg7 : memref<80x128xi32, #tpu.memory_space<vmem>>)
      tpu.yield
    }) : () -> ()
    %mul3A_3 = arith.constant 632 : i32
    %mul3A_4 = arith.muli %arg1, %mul3A_3 : i32
    "tpu.region"() ({
      %run_scoped3A_128 = tpu.sem_alloc : memref<!tpu.dma_semaphore, #tpu.memory_space<semaphore_mem>>
      %dma_start3A_129 = arith.constant 0 : i32
      %dma_start3A_130 = tpu.memref_slice %arg16[%mul3A_4, %dma_start3A_129] : memref<10112x16xf32, #tpu.memory_space<vmem_shared>> -> memref<632x16xf32, #tpu.memory_space<vmem_shared>>
      %dma_start3A_131 = arith.constant 0 : i32
      %dma_start3A_132 = tpu.memref_slice %arg4[%mul3A_4, %dma_start3A_131] : memref<10112x16xf32, #tpu.memory_space<hbm>> -> memref<632x16xf32, #tpu.memory_space<hbm>>
      tpu.enqueue_dma source(%dma_start3A_132 : memref<632x16xf32, #tpu.memory_space<hbm>>) target(%dma_start3A_130 : memref<632x16xf32, #tpu.memory_space<vmem_shared>>) target_semaphore(%run_scoped3A_128 : memref<!tpu.dma_semaphore, #tpu.memory_space<semaphore_mem>>)
      %dma_wait3A_133 = arith.constant 0 : i32
      %dma_wait3A_134 = tpu.memref_slice %arg16[%mul3A_4, %dma_wait3A_133] : memref<10112x16xf32, #tpu.memory_space<vmem_shared>> -> memref<632x16xf32, #tpu.memory_space<vmem_shared>>
      %dma_wait3A_135 = arith.constant 0 : i32
      %dma_wait3A_136 = tpu.memref_slice %arg4[%mul3A_4, %dma_wait3A_135] : memref<10112x16xf32, #tpu.memory_space<hbm>> -> memref<632x16xf32, #tpu.memory_space<hbm>>
      tpu.wait_dma2 semaphore(%run_scoped3A_128 : memref<!tpu.dma_semaphore, #tpu.memory_space<semaphore_mem>>) src(%dma_wait3A_136 : memref<632x16xf32, #tpu.memory_space<hbm>>) dst(%dma_wait3A_134 : memref<632x16xf32, #tpu.memory_space<vmem_shared>>)
      tpu.yield
    }) : () -> ()
    "tpu.region"() ({
      %run_scoped3A_128 = tpu.sem_alloc : memref<!tpu.dma_semaphore, #tpu.memory_space<semaphore_mem>>
      %dma_start3A_129 = arith.constant 0 : i32
      %dma_start3A_130 = tpu.memref_slice %arg17[%mul3A_4, %dma_start3A_129] : memref<10112x16xf32, #tpu.memory_space<vmem_shared>> -> memref<632x16xf32, #tpu.memory_space<vmem_shared>>
      %dma_start3A_131 = arith.constant 0 : i32
      %dma_start3A_132 = tpu.memref_slice %arg4[%mul3A_4, %dma_start3A_131] : memref<10112x16xf32, #tpu.memory_space<hbm>> -> memref<632x16xf32, #tpu.memory_space<hbm>>
      tpu.enqueue_dma source(%dma_start3A_132 : memref<632x16xf32, #tpu.memory_space<hbm>>) target(%dma_start3A_130 : memref<632x16xf32, #tpu.memory_space<vmem_shared>>) target_semaphore(%run_scoped3A_128 : memref<!tpu.dma_semaphore, #tpu.memory_space<semaphore_mem>>)
      %dma_wait3A_133 = arith.constant 0 : i32
      %dma_wait3A_134 = tpu.memref_slice %arg17[%mul3A_4, %dma_wait3A_133] : memref<10112x16xf32, #tpu.memory_space<vmem_shared>> -> memref<632x16xf32, #tpu.memory_space<vmem_shared>>
      %dma_wait3A_135 = arith.constant 0 : i32
      %dma_wait3A_136 = tpu.memref_slice %arg4[%mul3A_4, %dma_wait3A_135] : memref<10112x16xf32, #tpu.memory_space<hbm>> -> memref<632x16xf32, #tpu.memory_space<hbm>>
      tpu.wait_dma2 semaphore(%run_scoped3A_128 : memref<!tpu.dma_semaphore, #tpu.memory_space<semaphore_mem>>) src(%dma_wait3A_136 : memref<632x16xf32, #tpu.memory_space<hbm>>) dst(%dma_wait3A_134 : memref<632x16xf32, #tpu.memory_space<vmem_shared>>)
      tpu.yield
    }) : () -> ()
    %barrier3A = arith.constant 0 : index
    tpu.barrier barrier_id(%barrier3A)
    %dma_start3A = arith.constant 0 : i32
    %dma_start3A_5 = arith.constant 0 : i32
    %dma_start3A_6 = tpu.memref_slice %arg6[%dma_start3A, %dma_start3A_5] : memref<80x128xi32, #tpu.memory_space<vmem>> -> memref<1x128xi32, #tpu.memory_space<vmem>>
    %dma_start3A_7 = tpu.memref_squeeze %dma_start3A_6 : memref<1x128xi32, #tpu.memory_space<vmem>> -> memref<128xi32, #tpu.memory_space<vmem>>
    %dma_start3A_8 = arith.constant 0 : i32
    %dma_start3A_9 = arith.constant 0 : i32
    %dma_start3A_10 = tpu.memref_slice %arg16[%dma_start3A_8, %dma_start3A_9] : memref<10112x16xf32, #tpu.memory_space<vmem_shared>> -> memref<10112x16xf32, #tpu.memory_space<vmem_shared>>
    tpu.enqueue_indirect_dma source(%dma_start3A_10 : memref<10112x16xf32, #tpu.memory_space<vmem_shared>>) target(%arg8 : memref<128x16xf32, #tpu.memory_space<vmem>>) offsets(%dma_start3A_7 : memref<128xi32, #tpu.memory_space<vmem>>) semaphore(%arg18 : memref<!tpu.dma_semaphore, #tpu.memory_space<semaphore_mem>>)
    %dma_start3A_11 = arith.constant 1 : i32
    %dma_start3A_12 = arith.constant 0 : i32
    %dma_start3A_13 = tpu.memref_slice %arg6[%dma_start3A_11, %dma_start3A_12] : memref<80x128xi32, #tpu.memory_space<vmem>> -> memref<1x128xi32, #tpu.memory_space<vmem>>
    %dma_start3A_14 = tpu.memref_squeeze %dma_start3A_13 : memref<1x128xi32, #tpu.memory_space<vmem>> -> memref<128xi32, #tpu.memory_space<vmem>>
    %dma_start3A_15 = arith.constant 0 : i32
    %dma_start3A_16 = arith.constant 0 : i32
    %dma_start3A_17 = tpu.memref_slice %arg16[%dma_start3A_15, %dma_start3A_16] : memref<10112x16xf32, #tpu.memory_space<vmem_shared>> -> memref<10112x16xf32, #tpu.memory_space<vmem_shared>>
    tpu.enqueue_indirect_dma source(%dma_start3A_17 : memref<10112x16xf32, #tpu.memory_space<vmem_shared>>) target(%arg9 : memref<128x16xf32, #tpu.memory_space<vmem>>) offsets(%dma_start3A_14 : memref<128xi32, #tpu.memory_space<vmem>>) semaphore(%arg19 : memref<!tpu.dma_semaphore, #tpu.memory_space<semaphore_mem>>)
    %dma_start3A_18 = arith.constant 2 : i32
    %dma_start3A_19 = arith.constant 0 : i32
    %dma_start3A_20 = tpu.memref_slice %arg6[%dma_start3A_18, %dma_start3A_19] : memref<80x128xi32, #tpu.memory_space<vmem>> -> memref<1x128xi32, #tpu.memory_space<vmem>>
    %dma_start3A_21 = tpu.memref_squeeze %dma_start3A_20 : memref<1x128xi32, #tpu.memory_space<vmem>> -> memref<128xi32, #tpu.memory_space<vmem>>
    %dma_start3A_22 = arith.constant 0 : i32
    %dma_start3A_23 = arith.constant 0 : i32
    %dma_start3A_24 = tpu.memref_slice %arg16[%dma_start3A_22, %dma_start3A_23] : memref<10112x16xf32, #tpu.memory_space<vmem_shared>> -> memref<10112x16xf32, #tpu.memory_space<vmem_shared>>
    tpu.enqueue_indirect_dma source(%dma_start3A_24 : memref<10112x16xf32, #tpu.memory_space<vmem_shared>>) target(%arg10 : memref<128x16xf32, #tpu.memory_space<vmem>>) offsets(%dma_start3A_21 : memref<128xi32, #tpu.memory_space<vmem>>) semaphore(%arg20 : memref<!tpu.dma_semaphore, #tpu.memory_space<semaphore_mem>>)
    %dma_start3A_25 = arith.constant 3 : i32
    %dma_start3A_26 = arith.constant 0 : i32
    %dma_start3A_27 = tpu.memref_slice %arg6[%dma_start3A_25, %dma_start3A_26] : memref<80x128xi32, #tpu.memory_space<vmem>> -> memref<1x128xi32, #tpu.memory_space<vmem>>
    %dma_start3A_28 = tpu.memref_squeeze %dma_start3A_27 : memref<1x128xi32, #tpu.memory_space<vmem>> -> memref<128xi32, #tpu.memory_space<vmem>>
    %dma_start3A_29 = arith.constant 0 : i32
    %dma_start3A_30 = arith.constant 0 : i32
    %dma_start3A_31 = tpu.memref_slice %arg16[%dma_start3A_29, %dma_start3A_30] : memref<10112x16xf32, #tpu.memory_space<vmem_shared>> -> memref<10112x16xf32, #tpu.memory_space<vmem_shared>>
    tpu.enqueue_indirect_dma source(%dma_start3A_31 : memref<10112x16xf32, #tpu.memory_space<vmem_shared>>) target(%arg11 : memref<128x16xf32, #tpu.memory_space<vmem>>) offsets(%dma_start3A_28 : memref<128xi32, #tpu.memory_space<vmem>>) semaphore(%arg21 : memref<!tpu.dma_semaphore, #tpu.memory_space<semaphore_mem>>)
    %dma_start3A_32 = arith.constant 4 : i32
    %dma_start3A_33 = arith.constant 0 : i32
    %dma_start3A_34 = tpu.memref_slice %arg6[%dma_start3A_32, %dma_start3A_33] : memref<80x128xi32, #tpu.memory_space<vmem>> -> memref<1x128xi32, #tpu.memory_space<vmem>>
    %dma_start3A_35 = tpu.memref_squeeze %dma_start3A_34 : memref<1x128xi32, #tpu.memory_space<vmem>> -> memref<128xi32, #tpu.memory_space<vmem>>
    %dma_start3A_36 = arith.constant 0 : i32
    %dma_start3A_37 = arith.constant 0 : i32
    %dma_start3A_38 = tpu.memref_slice %arg16[%dma_start3A_36, %dma_start3A_37] : memref<10112x16xf32, #tpu.memory_space<vmem_shared>> -> memref<10112x16xf32, #tpu.memory_space<vmem_shared>>
    tpu.enqueue_indirect_dma source(%dma_start3A_38 : memref<10112x16xf32, #tpu.memory_space<vmem_shared>>) target(%arg12 : memref<128x16xf32, #tpu.memory_space<vmem>>) offsets(%dma_start3A_35 : memref<128xi32, #tpu.memory_space<vmem>>) semaphore(%arg22 : memref<!tpu.dma_semaphore, #tpu.memory_space<semaphore_mem>>)
    %dma_start3A_39 = arith.constant 5 : i32
    %dma_start3A_40 = arith.constant 0 : i32
    %dma_start3A_41 = tpu.memref_slice %arg6[%dma_start3A_39, %dma_start3A_40] : memref<80x128xi32, #tpu.memory_space<vmem>> -> memref<1x128xi32, #tpu.memory_space<vmem>>
    %dma_start3A_42 = tpu.memref_squeeze %dma_start3A_41 : memref<1x128xi32, #tpu.memory_space<vmem>> -> memref<128xi32, #tpu.memory_space<vmem>>
    %dma_start3A_43 = arith.constant 0 : i32
    %dma_start3A_44 = arith.constant 0 : i32
    %dma_start3A_45 = tpu.memref_slice %arg16[%dma_start3A_43, %dma_start3A_44] : memref<10112x16xf32, #tpu.memory_space<vmem_shared>> -> memref<10112x16xf32, #tpu.memory_space<vmem_shared>>
    tpu.enqueue_indirect_dma source(%dma_start3A_45 : memref<10112x16xf32, #tpu.memory_space<vmem_shared>>) target(%arg13 : memref<128x16xf32, #tpu.memory_space<vmem>>) offsets(%dma_start3A_42 : memref<128xi32, #tpu.memory_space<vmem>>) semaphore(%arg23 : memref<!tpu.dma_semaphore, #tpu.memory_space<semaphore_mem>>)
    %dma_start3A_46 = arith.constant 6 : i32
    %dma_start3A_47 = arith.constant 0 : i32
    %dma_start3A_48 = tpu.memref_slice %arg6[%dma_start3A_46, %dma_start3A_47] : memref<80x128xi32, #tpu.memory_space<vmem>> -> memref<1x128xi32, #tpu.memory_space<vmem>>
    %dma_start3A_49 = tpu.memref_squeeze %dma_start3A_48 : memref<1x128xi32, #tpu.memory_space<vmem>> -> memref<128xi32, #tpu.memory_space<vmem>>
    %dma_start3A_50 = arith.constant 0 : i32
    %dma_start3A_51 = arith.constant 0 : i32
    %dma_start3A_52 = tpu.memref_slice %arg16[%dma_start3A_50, %dma_start3A_51] : memref<10112x16xf32, #tpu.memory_space<vmem_shared>> -> memref<10112x16xf32, #tpu.memory_space<vmem_shared>>
    tpu.enqueue_indirect_dma source(%dma_start3A_52 : memref<10112x16xf32, #tpu.memory_space<vmem_shared>>) target(%arg14 : memref<128x16xf32, #tpu.memory_space<vmem>>) offsets(%dma_start3A_49 : memref<128xi32, #tpu.memory_space<vmem>>) semaphore(%arg24 : memref<!tpu.dma_semaphore, #tpu.memory_space<semaphore_mem>>)
    %dma_start3A_53 = arith.constant 7 : i32
    %dma_start3A_54 = arith.constant 0 : i32
    %dma_start3A_55 = tpu.memref_slice %arg6[%dma_start3A_53, %dma_start3A_54] : memref<80x128xi32, #tpu.memory_space<vmem>> -> memref<1x128xi32, #tpu.memory_space<vmem>>
    %dma_start3A_56 = tpu.memref_squeeze %dma_start3A_55 : memref<1x128xi32, #tpu.memory_space<vmem>> -> memref<128xi32, #tpu.memory_space<vmem>>
    %dma_start3A_57 = arith.constant 0 : i32
    %dma_start3A_58 = arith.constant 0 : i32
    %dma_start3A_59 = tpu.memref_slice %arg16[%dma_start3A_57, %dma_start3A_58] : memref<10112x16xf32, #tpu.memory_space<vmem_shared>> -> memref<10112x16xf32, #tpu.memory_space<vmem_shared>>
    tpu.enqueue_indirect_dma source(%dma_start3A_59 : memref<10112x16xf32, #tpu.memory_space<vmem_shared>>) target(%arg15 : memref<128x16xf32, #tpu.memory_space<vmem>>) offsets(%dma_start3A_56 : memref<128xi32, #tpu.memory_space<vmem>>) semaphore(%arg25 : memref<!tpu.dma_semaphore, #tpu.memory_space<semaphore_mem>>)
    %scan3A = arith.constant 0 : i32
    %scan3A_60 = arith.constant 0 : i32
    %scan3A_61 = arith.constant 9 : i32
    %scan3A_62 = arith.addi %scan3A_60, %scan3A_61 : i32
    %scan3A_63 = arith.constant 1 : i32
    scf.for %scan3A_128 = %scan3A_60 to %scan3A_62 step %scan3A_63  : i32 {
      %mul3A_129 = arith.constant 8 : i32
      %mul3A_130 = arith.muli %scan3A_128, %mul3A_129 : i32
      %add3A_131 = arith.constant 0 : i32
      %add3A_132 = arith.addi %mul3A_130, %add3A_131 : i32
      %dma_wait3A_133 = arith.constant 0 : i32
      %dma_wait3A_134 = tpu.memref_slice %arg6[%add3A_132, %dma_wait3A_133] : memref<80x128xi32, #tpu.memory_space<vmem>> -> memref<1x128xi32, #tpu.memory_space<vmem>>
      %dma_wait3A_135 = tpu.memref_squeeze %dma_wait3A_134 : memref<1x128xi32, #tpu.memory_space<vmem>> -> memref<128xi32, #tpu.memory_space<vmem>>
      %dma_wait3A_136 = arith.constant 0 : i32
      %dma_wait3A_137 = arith.constant 0 : i32
      %dma_wait3A_138 = tpu.memref_slice %arg16[%dma_wait3A_136, %dma_wait3A_137] : memref<10112x16xf32, #tpu.memory_space<vmem_shared>> -> memref<10112x16xf32, #tpu.memory_space<vmem_shared>>
      tpu.wait_indirect_dma semaphore(%arg18 : memref<!tpu.dma_semaphore, #tpu.memory_space<semaphore_mem>>) src(%dma_wait3A_138 : memref<10112x16xf32, #tpu.memory_space<vmem_shared>>) dst(%arg8 : memref<128x16xf32, #tpu.memory_space<vmem>>)
      "tpu.region"() ({
        %run_scoped3A_273 = tpu.sem_alloc : memref<!tpu.dma_semaphore, #tpu.memory_space<semaphore_mem>>
        %dma_start3A_274 = arith.constant 0 : i32
        %dma_start3A_275 = tpu.memref_slice %arg7[%add3A_132, %dma_start3A_274] : memref<80x128xi32, #tpu.memory_space<vmem>> -> memref<1x128xi32, #tpu.memory_space<vmem>>
        %dma_start3A_276 = tpu.memref_squeeze %dma_start3A_275 : memref<1x128xi32, #tpu.memory_space<vmem>> -> memref<128xi32, #tpu.memory_space<vmem>>
        %dma_start3A_277 = arith.constant 0 : i32
        %dma_start3A_278 = arith.constant 0 : i32
        %dma_start3A_279 = tpu.memref_slice %arg17[%dma_start3A_277, %dma_start3A_278] : memref<10112x16xf32, #tpu.memory_space<vmem_shared>> -> memref<10112x16xf32, #tpu.memory_space<vmem_shared>>
        tpu.enqueue_indirect_dma source(%arg8 : memref<128x16xf32, #tpu.memory_space<vmem>>) target(%dma_start3A_279 : memref<10112x16xf32, #tpu.memory_space<vmem_shared>>) offsets(%dma_start3A_276 : memref<128xi32, #tpu.memory_space<vmem>>) semaphore(%run_scoped3A_273 : memref<!tpu.dma_semaphore, #tpu.memory_space<semaphore_mem>>) {add = true}
        %dma_wait3A_280 = arith.constant 0 : i32
        %dma_wait3A_281 = tpu.memref_slice %arg7[%add3A_132, %dma_wait3A_280] : memref<80x128xi32, #tpu.memory_space<vmem>> -> memref<1x128xi32, #tpu.memory_space<vmem>>
        %dma_wait3A_282 = tpu.memref_squeeze %dma_wait3A_281 : memref<1x128xi32, #tpu.memory_space<vmem>> -> memref<128xi32, #tpu.memory_space<vmem>>
        %dma_wait3A_283 = arith.constant 0 : i32
        %dma_wait3A_284 = arith.constant 0 : i32
        %dma_wait3A_285 = tpu.memref_slice %arg17[%dma_wait3A_283, %dma_wait3A_284] : memref<10112x16xf32, #tpu.memory_space<vmem_shared>> -> memref<10112x16xf32, #tpu.memory_space<vmem_shared>>
        tpu.wait_indirect_dma semaphore(%run_scoped3A_273 : memref<!tpu.dma_semaphore, #tpu.memory_space<semaphore_mem>>) src(%arg8 : memref<128x16xf32, #tpu.memory_space<vmem>>) dst(%dma_wait3A_285 : memref<10112x16xf32, #tpu.memory_space<vmem_shared>>)
        tpu.yield
      }) : () -> ()
      %add3A_139 = arith.constant 8 : i32
      %add3A_140 = arith.addi %add3A_132, %add3A_139 : i32
      %dma_start3A_141 = arith.constant 0 : i32
      %dma_start3A_142 = tpu.memref_slice %arg6[%add3A_140, %dma_start3A_141] : memref<80x128xi32, #tpu.memory_space<vmem>> -> memref<1x128xi32, #tpu.memory_space<vmem>>
      %dma_start3A_143 = tpu.memref_squeeze %dma_start3A_142 : memref<1x128xi32, #tpu.memory_space<vmem>> -> memref<128xi32, #tpu.memory_space<vmem>>
      %dma_start3A_144 = arith.constant 0 : i32
      %dma_start3A_145 = arith.constant 0 : i32
      %dma_start3A_146 = tpu.memref_slice %arg16[%dma_start3A_144, %dma_start3A_145] : memref<10112x16xf32, #tpu.memory_space<vmem_shared>> -> memref<10112x16xf32, #tpu.memory_space<vmem_shared>>
      tpu.enqueue_indirect_dma source(%dma_start3A_146 : memref<10112x16xf32, #tpu.memory_space<vmem_shared>>) target(%arg8 : memref<128x16xf32, #tpu.memory_space<vmem>>) offsets(%dma_start3A_143 : memref<128xi32, #tpu.memory_space<vmem>>) semaphore(%arg18 : memref<!tpu.dma_semaphore, #tpu.memory_space<semaphore_mem>>)
      %mul3A_147 = arith.constant 8 : i32
      %mul3A_148 = arith.muli %scan3A_128, %mul3A_147 : i32
      %add3A_149 = arith.constant 1 : i32
      %add3A_150 = arith.addi %mul3A_148, %add3A_149 : i32
      %dma_wait3A_151 = arith.constant 0 : i32
      %dma_wait3A_152 = tpu.memref_slice %arg6[%add3A_150, %dma_wait3A_151] : memref<80x128xi32, #tpu.memory_space<vmem>> -> memref<1x128xi32, #tpu.memory_space<vmem>>
      %dma_wait3A_153 = tpu.memref_squeeze %dma_wait3A_152 : memref<1x128xi32, #tpu.memory_space<vmem>> -> memref<128xi32, #tpu.memory_space<vmem>>
      %dma_wait3A_154 = arith.constant 0 : i32
      %dma_wait3A_155 = arith.constant 0 : i32
      %dma_wait3A_156 = tpu.memref_slice %arg16[%dma_wait3A_154, %dma_wait3A_155] : memref<10112x16xf32, #tpu.memory_space<vmem_shared>> -> memref<10112x16xf32, #tpu.memory_space<vmem_shared>>
      tpu.wait_indirect_dma semaphore(%arg19 : memref<!tpu.dma_semaphore, #tpu.memory_space<semaphore_mem>>) src(%dma_wait3A_156 : memref<10112x16xf32, #tpu.memory_space<vmem_shared>>) dst(%arg9 : memref<128x16xf32, #tpu.memory_space<vmem>>)
      "tpu.region"() ({
        %run_scoped3A_273 = tpu.sem_alloc : memref<!tpu.dma_semaphore, #tpu.memory_space<semaphore_mem>>
        %dma_start3A_274 = arith.constant 0 : i32
        %dma_start3A_275 = tpu.memref_slice %arg7[%add3A_150, %dma_start3A_274] : memref<80x128xi32, #tpu.memory_space<vmem>> -> memref<1x128xi32, #tpu.memory_space<vmem>>
        %dma_start3A_276 = tpu.memref_squeeze %dma_start3A_275 : memref<1x128xi32, #tpu.memory_space<vmem>> -> memref<128xi32, #tpu.memory_space<vmem>>
        %dma_start3A_277 = arith.constant 0 : i32
        %dma_start3A_278 = arith.constant 0 : i32
        %dma_start3A_279 = tpu.memref_slice %arg17[%dma_start3A_277, %dma_start3A_278] : memref<10112x16xf32, #tpu.memory_space<vmem_shared>> -> memref<10112x16xf32, #tpu.memory_space<vmem_shared>>
        tpu.enqueue_indirect_dma source(%arg9 : memref<128x16xf32, #tpu.memory_space<vmem>>) target(%dma_start3A_279 : memref<10112x16xf32, #tpu.memory_space<vmem_shared>>) offsets(%dma_start3A_276 : memref<128xi32, #tpu.memory_space<vmem>>) semaphore(%run_scoped3A_273 : memref<!tpu.dma_semaphore, #tpu.memory_space<semaphore_mem>>) {add = true}
        %dma_wait3A_280 = arith.constant 0 : i32
        %dma_wait3A_281 = tpu.memref_slice %arg7[%add3A_150, %dma_wait3A_280] : memref<80x128xi32, #tpu.memory_space<vmem>> -> memref<1x128xi32, #tpu.memory_space<vmem>>
        %dma_wait3A_282 = tpu.memref_squeeze %dma_wait3A_281 : memref<1x128xi32, #tpu.memory_space<vmem>> -> memref<128xi32, #tpu.memory_space<vmem>>
        %dma_wait3A_283 = arith.constant 0 : i32
        %dma_wait3A_284 = arith.constant 0 : i32
        %dma_wait3A_285 = tpu.memref_slice %arg17[%dma_wait3A_283, %dma_wait3A_284] : memref<10112x16xf32, #tpu.memory_space<vmem_shared>> -> memref<10112x16xf32, #tpu.memory_space<vmem_shared>>
        tpu.wait_indirect_dma semaphore(%run_scoped3A_273 : memref<!tpu.dma_semaphore, #tpu.memory_space<semaphore_mem>>) src(%arg9 : memref<128x16xf32, #tpu.memory_space<vmem>>) dst(%dma_wait3A_285 : memref<10112x16xf32, #tpu.memory_space<vmem_shared>>)
        tpu.yield
      }) : () -> ()
      %add3A_157 = arith.constant 8 : i32
      %add3A_158 = arith.addi %add3A_150, %add3A_157 : i32
      %dma_start3A_159 = arith.constant 0 : i32
      %dma_start3A_160 = tpu.memref_slice %arg6[%add3A_158, %dma_start3A_159] : memref<80x128xi32, #tpu.memory_space<vmem>> -> memref<1x128xi32, #tpu.memory_space<vmem>>
      %dma_start3A_161 = tpu.memref_squeeze %dma_start3A_160 : memref<1x128xi32, #tpu.memory_space<vmem>> -> memref<128xi32, #tpu.memory_space<vmem>>
      %dma_start3A_162 = arith.constant 0 : i32
      %dma_start3A_163 = arith.constant 0 : i32
      %dma_start3A_164 = tpu.memref_slice %arg16[%dma_start3A_162, %dma_start3A_163] : memref<10112x16xf32, #tpu.memory_space<vmem_shared>> -> memref<10112x16xf32, #tpu.memory_space<vmem_shared>>
      tpu.enqueue_indirect_dma source(%dma_start3A_164 : memref<10112x16xf32, #tpu.memory_space<vmem_shared>>) target(%arg9 : memref<128x16xf32, #tpu.memory_space<vmem>>) offsets(%dma_start3A_161 : memref<128xi32, #tpu.memory_space<vmem>>) semaphore(%arg19 : memref<!tpu.dma_semaphore, #tpu.memory_space<semaphore_mem>>)
      %mul3A_165 = arith.constant 8 : i32
      %mul3A_166 = arith.muli %scan3A_128, %mul3A_165 : i32
      %add3A_167 = arith.constant 2 : i32
      %add3A_168 = arith.addi %mul3A_166, %add3A_167 : i32
      %dma_wait3A_169 = arith.constant 0 : i32
      %dma_wait3A_170 = tpu.memref_slice %arg6[%add3A_168, %dma_wait3A_169] : memref<80x128xi32, #tpu.memory_space<vmem>> -> memref<1x128xi32, #tpu.memory_space<vmem>>
      %dma_wait3A_171 = tpu.memref_squeeze %dma_wait3A_170 : memref<1x128xi32, #tpu.memory_space<vmem>> -> memref<128xi32, #tpu.memory_space<vmem>>
      %dma_wait3A_172 = arith.constant 0 : i32
      %dma_wait3A_173 = arith.constant 0 : i32
      %dma_wait3A_174 = tpu.memref_slice %arg16[%dma_wait3A_172, %dma_wait3A_173] : memref<10112x16xf32, #tpu.memory_space<vmem_shared>> -> memref<10112x16xf32, #tpu.memory_space<vmem_shared>>
      tpu.wait_indirect_dma semaphore(%arg20 : memref<!tpu.dma_semaphore, #tpu.memory_space<semaphore_mem>>) src(%dma_wait3A_174 : memref<10112x16xf32, #tpu.memory_space<vmem_shared>>) dst(%arg10 : memref<128x16xf32, #tpu.memory_space<vmem>>)
      "tpu.region"() ({
        %run_scoped3A_273 = tpu.sem_alloc : memref<!tpu.dma_semaphore, #tpu.memory_space<semaphore_mem>>
        %dma_start3A_274 = arith.constant 0 : i32
        %dma_start3A_275 = tpu.memref_slice %arg7[%add3A_168, %dma_start3A_274] : memref<80x128xi32, #tpu.memory_space<vmem>> -> memref<1x128xi32, #tpu.memory_space<vmem>>
        %dma_start3A_276 = tpu.memref_squeeze %dma_start3A_275 : memref<1x128xi32, #tpu.memory_space<vmem>> -> memref<128xi32, #tpu.memory_space<vmem>>
        %dma_start3A_277 = arith.constant 0 : i32
        %dma_start3A_278 = arith.constant 0 : i32
        %dma_start3A_279 = tpu.memref_slice %arg17[%dma_start3A_277, %dma_start3A_278] : memref<10112x16xf32, #tpu.memory_space<vmem_shared>> -> memref<10112x16xf32, #tpu.memory_space<vmem_shared>>
        tpu.enqueue_indirect_dma source(%arg10 : memref<128x16xf32, #tpu.memory_space<vmem>>) target(%dma_start3A_279 : memref<10112x16xf32, #tpu.memory_space<vmem_shared>>) offsets(%dma_start3A_276 : memref<128xi32, #tpu.memory_space<vmem>>) semaphore(%run_scoped3A_273 : memref<!tpu.dma_semaphore, #tpu.memory_space<semaphore_mem>>) {add = true}
        %dma_wait3A_280 = arith.constant 0 : i32
        %dma_wait3A_281 = tpu.memref_slice %arg7[%add3A_168, %dma_wait3A_280] : memref<80x128xi32, #tpu.memory_space<vmem>> -> memref<1x128xi32, #tpu.memory_space<vmem>>
        %dma_wait3A_282 = tpu.memref_squeeze %dma_wait3A_281 : memref<1x128xi32, #tpu.memory_space<vmem>> -> memref<128xi32, #tpu.memory_space<vmem>>
        %dma_wait3A_283 = arith.constant 0 : i32
        %dma_wait3A_284 = arith.constant 0 : i32
        %dma_wait3A_285 = tpu.memref_slice %arg17[%dma_wait3A_283, %dma_wait3A_284] : memref<10112x16xf32, #tpu.memory_space<vmem_shared>> -> memref<10112x16xf32, #tpu.memory_space<vmem_shared>>
        tpu.wait_indirect_dma semaphore(%run_scoped3A_273 : memref<!tpu.dma_semaphore, #tpu.memory_space<semaphore_mem>>) src(%arg10 : memref<128x16xf32, #tpu.memory_space<vmem>>) dst(%dma_wait3A_285 : memref<10112x16xf32, #tpu.memory_space<vmem_shared>>)
        tpu.yield
      }) : () -> ()
      %add3A_175 = arith.constant 8 : i32
      %add3A_176 = arith.addi %add3A_168, %add3A_175 : i32
      %dma_start3A_177 = arith.constant 0 : i32
      %dma_start3A_178 = tpu.memref_slice %arg6[%add3A_176, %dma_start3A_177] : memref<80x128xi32, #tpu.memory_space<vmem>> -> memref<1x128xi32, #tpu.memory_space<vmem>>
      %dma_start3A_179 = tpu.memref_squeeze %dma_start3A_178 : memref<1x128xi32, #tpu.memory_space<vmem>> -> memref<128xi32, #tpu.memory_space<vmem>>
      %dma_start3A_180 = arith.constant 0 : i32
      %dma_start3A_181 = arith.constant 0 : i32
      %dma_start3A_182 = tpu.memref_slice %arg16[%dma_start3A_180, %dma_start3A_181] : memref<10112x16xf32, #tpu.memory_space<vmem_shared>> -> memref<10112x16xf32, #tpu.memory_space<vmem_shared>>
      tpu.enqueue_indirect_dma source(%dma_start3A_182 : memref<10112x16xf32, #tpu.memory_space<vmem_shared>>) target(%arg10 : memref<128x16xf32, #tpu.memory_space<vmem>>) offsets(%dma_start3A_179 : memref<128xi32, #tpu.memory_space<vmem>>) semaphore(%arg20 : memref<!tpu.dma_semaphore, #tpu.memory_space<semaphore_mem>>)
      %mul3A_183 = arith.constant 8 : i32
      %mul3A_184 = arith.muli %scan3A_128, %mul3A_183 : i32
      %add3A_185 = arith.constant 3 : i32
      %add3A_186 = arith.addi %mul3A_184, %add3A_185 : i32
      %dma_wait3A_187 = arith.constant 0 : i32
      %dma_wait3A_188 = tpu.memref_slice %arg6[%add3A_186, %dma_wait3A_187] : memref<80x128xi32, #tpu.memory_space<vmem>> -> memref<1x128xi32, #tpu.memory_space<vmem>>
      %dma_wait3A_189 = tpu.memref_squeeze %dma_wait3A_188 : memref<1x128xi32, #tpu.memory_space<vmem>> -> memref<128xi32, #tpu.memory_space<vmem>>
      %dma_wait3A_190 = arith.constant 0 : i32
      %dma_wait3A_191 = arith.constant 0 : i32
      %dma_wait3A_192 = tpu.memref_slice %arg16[%dma_wait3A_190, %dma_wait3A_191] : memref<10112x16xf32, #tpu.memory_space<vmem_shared>> -> memref<10112x16xf32, #tpu.memory_space<vmem_shared>>
      tpu.wait_indirect_dma semaphore(%arg21 : memref<!tpu.dma_semaphore, #tpu.memory_space<semaphore_mem>>) src(%dma_wait3A_192 : memref<10112x16xf32, #tpu.memory_space<vmem_shared>>) dst(%arg11 : memref<128x16xf32, #tpu.memory_space<vmem>>)
      "tpu.region"() ({
        %run_scoped3A_273 = tpu.sem_alloc : memref<!tpu.dma_semaphore, #tpu.memory_space<semaphore_mem>>
        %dma_start3A_274 = arith.constant 0 : i32
        %dma_start3A_275 = tpu.memref_slice %arg7[%add3A_186, %dma_start3A_274] : memref<80x128xi32, #tpu.memory_space<vmem>> -> memref<1x128xi32, #tpu.memory_space<vmem>>
        %dma_start3A_276 = tpu.memref_squeeze %dma_start3A_275 : memref<1x128xi32, #tpu.memory_space<vmem>> -> memref<128xi32, #tpu.memory_space<vmem>>
        %dma_start3A_277 = arith.constant 0 : i32
        %dma_start3A_278 = arith.constant 0 : i32
        %dma_start3A_279 = tpu.memref_slice %arg17[%dma_start3A_277, %dma_start3A_278] : memref<10112x16xf32, #tpu.memory_space<vmem_shared>> -> memref<10112x16xf32, #tpu.memory_space<vmem_shared>>
        tpu.enqueue_indirect_dma source(%arg11 : memref<128x16xf32, #tpu.memory_space<vmem>>) target(%dma_start3A_279 : memref<10112x16xf32, #tpu.memory_space<vmem_shared>>) offsets(%dma_start3A_276 : memref<128xi32, #tpu.memory_space<vmem>>) semaphore(%run_scoped3A_273 : memref<!tpu.dma_semaphore, #tpu.memory_space<semaphore_mem>>) {add = true}
        %dma_wait3A_280 = arith.constant 0 : i32
        %dma_wait3A_281 = tpu.memref_slice %arg7[%add3A_186, %dma_wait3A_280] : memref<80x128xi32, #tpu.memory_space<vmem>> -> memref<1x128xi32, #tpu.memory_space<vmem>>
        %dma_wait3A_282 = tpu.memref_squeeze %dma_wait3A_281 : memref<1x128xi32, #tpu.memory_space<vmem>> -> memref<128xi32, #tpu.memory_space<vmem>>
        %dma_wait3A_283 = arith.constant 0 : i32
        %dma_wait3A_284 = arith.constant 0 : i32
        %dma_wait3A_285 = tpu.memref_slice %arg17[%dma_wait3A_283, %dma_wait3A_284] : memref<10112x16xf32, #tpu.memory_space<vmem_shared>> -> memref<10112x16xf32, #tpu.memory_space<vmem_shared>>
        tpu.wait_indirect_dma semaphore(%run_scoped3A_273 : memref<!tpu.dma_semaphore, #tpu.memory_space<semaphore_mem>>) src(%arg11 : memref<128x16xf32, #tpu.memory_space<vmem>>) dst(%dma_wait3A_285 : memref<10112x16xf32, #tpu.memory_space<vmem_shared>>)
        tpu.yield
      }) : () -> ()
      %add3A_193 = arith.constant 8 : i32
      %add3A_194 = arith.addi %add3A_186, %add3A_193 : i32
      %dma_start3A_195 = arith.constant 0 : i32
      %dma_start3A_196 = tpu.memref_slice %arg6[%add3A_194, %dma_start3A_195] : memref<80x128xi32, #tpu.memory_space<vmem>> -> memref<1x128xi32, #tpu.memory_space<vmem>>
      %dma_start3A_197 = tpu.memref_squeeze %dma_start3A_196 : memref<1x128xi32, #tpu.memory_space<vmem>> -> memref<128xi32, #tpu.memory_space<vmem>>
      %dma_start3A_198 = arith.constant 0 : i32
      %dma_start3A_199 = arith.constant 0 : i32
      %dma_start3A_200 = tpu.memref_slice %arg16[%dma_start3A_198, %dma_start3A_199] : memref<10112x16xf32, #tpu.memory_space<vmem_shared>> -> memref<10112x16xf32, #tpu.memory_space<vmem_shared>>
      tpu.enqueue_indirect_dma source(%dma_start3A_200 : memref<10112x16xf32, #tpu.memory_space<vmem_shared>>) target(%arg11 : memref<128x16xf32, #tpu.memory_space<vmem>>) offsets(%dma_start3A_197 : memref<128xi32, #tpu.memory_space<vmem>>) semaphore(%arg21 : memref<!tpu.dma_semaphore, #tpu.memory_space<semaphore_mem>>)
      %mul3A_201 = arith.constant 8 : i32
      %mul3A_202 = arith.muli %scan3A_128, %mul3A_201 : i32
      %add3A_203 = arith.constant 4 : i32
      %add3A_204 = arith.addi %mul3A_202, %add3A_203 : i32
      %dma_wait3A_205 = arith.constant 0 : i32
      %dma_wait3A_206 = tpu.memref_slice %arg6[%add3A_204, %dma_wait3A_205] : memref<80x128xi32, #tpu.memory_space<vmem>> -> memref<1x128xi32, #tpu.memory_space<vmem>>
      %dma_wait3A_207 = tpu.memref_squeeze %dma_wait3A_206 : memref<1x128xi32, #tpu.memory_space<vmem>> -> memref<128xi32, #tpu.memory_space<vmem>>
      %dma_wait3A_208 = arith.constant 0 : i32
      %dma_wait3A_209 = arith.constant 0 : i32
      %dma_wait3A_210 = tpu.memref_slice %arg16[%dma_wait3A_208, %dma_wait3A_209] : memref<10112x16xf32, #tpu.memory_space<vmem_shared>> -> memref<10112x16xf32, #tpu.memory_space<vmem_shared>>
      tpu.wait_indirect_dma semaphore(%arg22 : memref<!tpu.dma_semaphore, #tpu.memory_space<semaphore_mem>>) src(%dma_wait3A_210 : memref<10112x16xf32, #tpu.memory_space<vmem_shared>>) dst(%arg12 : memref<128x16xf32, #tpu.memory_space<vmem>>)
      "tpu.region"() ({
        %run_scoped3A_273 = tpu.sem_alloc : memref<!tpu.dma_semaphore, #tpu.memory_space<semaphore_mem>>
        %dma_start3A_274 = arith.constant 0 : i32
        %dma_start3A_275 = tpu.memref_slice %arg7[%add3A_204, %dma_start3A_274] : memref<80x128xi32, #tpu.memory_space<vmem>> -> memref<1x128xi32, #tpu.memory_space<vmem>>
        %dma_start3A_276 = tpu.memref_squeeze %dma_start3A_275 : memref<1x128xi32, #tpu.memory_space<vmem>> -> memref<128xi32, #tpu.memory_space<vmem>>
        %dma_start3A_277 = arith.constant 0 : i32
        %dma_start3A_278 = arith.constant 0 : i32
        %dma_start3A_279 = tpu.memref_slice %arg17[%dma_start3A_277, %dma_start3A_278] : memref<10112x16xf32, #tpu.memory_space<vmem_shared>> -> memref<10112x16xf32, #tpu.memory_space<vmem_shared>>
        tpu.enqueue_indirect_dma source(%arg12 : memref<128x16xf32, #tpu.memory_space<vmem>>) target(%dma_start3A_279 : memref<10112x16xf32, #tpu.memory_space<vmem_shared>>) offsets(%dma_start3A_276 : memref<128xi32, #tpu.memory_space<vmem>>) semaphore(%run_scoped3A_273 : memref<!tpu.dma_semaphore, #tpu.memory_space<semaphore_mem>>) {add = true}
        %dma_wait3A_280 = arith.constant 0 : i32
        %dma_wait3A_281 = tpu.memref_slice %arg7[%add3A_204, %dma_wait3A_280] : memref<80x128xi32, #tpu.memory_space<vmem>> -> memref<1x128xi32, #tpu.memory_space<vmem>>
        %dma_wait3A_282 = tpu.memref_squeeze %dma_wait3A_281 : memref<1x128xi32, #tpu.memory_space<vmem>> -> memref<128xi32, #tpu.memory_space<vmem>>
        %dma_wait3A_283 = arith.constant 0 : i32
        %dma_wait3A_284 = arith.constant 0 : i32
        %dma_wait3A_285 = tpu.memref_slice %arg17[%dma_wait3A_283, %dma_wait3A_284] : memref<10112x16xf32, #tpu.memory_space<vmem_shared>> -> memref<10112x16xf32, #tpu.memory_space<vmem_shared>>
        tpu.wait_indirect_dma semaphore(%run_scoped3A_273 : memref<!tpu.dma_semaphore, #tpu.memory_space<semaphore_mem>>) src(%arg12 : memref<128x16xf32, #tpu.memory_space<vmem>>) dst(%dma_wait3A_285 : memref<10112x16xf32, #tpu.memory_space<vmem_shared>>)
        tpu.yield
      }) : () -> ()
      %add3A_211 = arith.constant 8 : i32
      %add3A_212 = arith.addi %add3A_204, %add3A_211 : i32
      %dma_start3A_213 = arith.constant 0 : i32
      %dma_start3A_214 = tpu.memref_slice %arg6[%add3A_212, %dma_start3A_213] : memref<80x128xi32, #tpu.memory_space<vmem>> -> memref<1x128xi32, #tpu.memory_space<vmem>>
      %dma_start3A_215 = tpu.memref_squeeze %dma_start3A_214 : memref<1x128xi32, #tpu.memory_space<vmem>> -> memref<128xi32, #tpu.memory_space<vmem>>
      %dma_start3A_216 = arith.constant 0 : i32
      %dma_start3A_217 = arith.constant 0 : i32
      %dma_start3A_218 = tpu.memref_slice %arg16[%dma_start3A_216, %dma_start3A_217] : memref<10112x16xf32, #tpu.memory_space<vmem_shared>> -> memref<10112x16xf32, #tpu.memory_space<vmem_shared>>
      tpu.enqueue_indirect_dma source(%dma_start3A_218 : memref<10112x16xf32, #tpu.memory_space<vmem_shared>>) target(%arg12 : memref<128x16xf32, #tpu.memory_space<vmem>>) offsets(%dma_start3A_215 : memref<128xi32, #tpu.memory_space<vmem>>) semaphore(%arg22 : memref<!tpu.dma_semaphore, #tpu.memory_space<semaphore_mem>>)
      %mul3A_219 = arith.constant 8 : i32
      %mul3A_220 = arith.muli %scan3A_128, %mul3A_219 : i32
      %add3A_221 = arith.constant 5 : i32
      %add3A_222 = arith.addi %mul3A_220, %add3A_221 : i32
      %dma_wait3A_223 = arith.constant 0 : i32
      %dma_wait3A_224 = tpu.memref_slice %arg6[%add3A_222, %dma_wait3A_223] : memref<80x128xi32, #tpu.memory_space<vmem>> -> memref<1x128xi32, #tpu.memory_space<vmem>>
      %dma_wait3A_225 = tpu.memref_squeeze %dma_wait3A_224 : memref<1x128xi32, #tpu.memory_space<vmem>> -> memref<128xi32, #tpu.memory_space<vmem>>
      %dma_wait3A_226 = arith.constant 0 : i32
      %dma_wait3A_227 = arith.constant 0 : i32
      %dma_wait3A_228 = tpu.memref_slice %arg16[%dma_wait3A_226, %dma_wait3A_227] : memref<10112x16xf32, #tpu.memory_space<vmem_shared>> -> memref<10112x16xf32, #tpu.memory_space<vmem_shared>>
      tpu.wait_indirect_dma semaphore(%arg23 : memref<!tpu.dma_semaphore, #tpu.memory_space<semaphore_mem>>) src(%dma_wait3A_228 : memref<10112x16xf32, #tpu.memory_space<vmem_shared>>) dst(%arg13 : memref<128x16xf32, #tpu.memory_space<vmem>>)
      "tpu.region"() ({
        %run_scoped3A_273 = tpu.sem_alloc : memref<!tpu.dma_semaphore, #tpu.memory_space<semaphore_mem>>
        %dma_start3A_274 = arith.constant 0 : i32
        %dma_start3A_275 = tpu.memref_slice %arg7[%add3A_222, %dma_start3A_274] : memref<80x128xi32, #tpu.memory_space<vmem>> -> memref<1x128xi32, #tpu.memory_space<vmem>>
        %dma_start3A_276 = tpu.memref_squeeze %dma_start3A_275 : memref<1x128xi32, #tpu.memory_space<vmem>> -> memref<128xi32, #tpu.memory_space<vmem>>
        %dma_start3A_277 = arith.constant 0 : i32
        %dma_start3A_278 = arith.constant 0 : i32
        %dma_start3A_279 = tpu.memref_slice %arg17[%dma_start3A_277, %dma_start3A_278] : memref<10112x16xf32, #tpu.memory_space<vmem_shared>> -> memref<10112x16xf32, #tpu.memory_space<vmem_shared>>
        tpu.enqueue_indirect_dma source(%arg13 : memref<128x16xf32, #tpu.memory_space<vmem>>) target(%dma_start3A_279 : memref<10112x16xf32, #tpu.memory_space<vmem_shared>>) offsets(%dma_start3A_276 : memref<128xi32, #tpu.memory_space<vmem>>) semaphore(%run_scoped3A_273 : memref<!tpu.dma_semaphore, #tpu.memory_space<semaphore_mem>>) {add = true}
        %dma_wait3A_280 = arith.constant 0 : i32
        %dma_wait3A_281 = tpu.memref_slice %arg7[%add3A_222, %dma_wait3A_280] : memref<80x128xi32, #tpu.memory_space<vmem>> -> memref<1x128xi32, #tpu.memory_space<vmem>>
        %dma_wait3A_282 = tpu.memref_squeeze %dma_wait3A_281 : memref<1x128xi32, #tpu.memory_space<vmem>> -> memref<128xi32, #tpu.memory_space<vmem>>
        %dma_wait3A_283 = arith.constant 0 : i32
        %dma_wait3A_284 = arith.constant 0 : i32
        %dma_wait3A_285 = tpu.memref_slice %arg17[%dma_wait3A_283, %dma_wait3A_284] : memref<10112x16xf32, #tpu.memory_space<vmem_shared>> -> memref<10112x16xf32, #tpu.memory_space<vmem_shared>>
        tpu.wait_indirect_dma semaphore(%run_scoped3A_273 : memref<!tpu.dma_semaphore, #tpu.memory_space<semaphore_mem>>) src(%arg13 : memref<128x16xf32, #tpu.memory_space<vmem>>) dst(%dma_wait3A_285 : memref<10112x16xf32, #tpu.memory_space<vmem_shared>>)
        tpu.yield
      }) : () -> ()
      %add3A_229 = arith.constant 8 : i32
      %add3A_230 = arith.addi %add3A_222, %add3A_229 : i32
      %dma_start3A_231 = arith.constant 0 : i32
      %dma_start3A_232 = tpu.memref_slice %arg6[%add3A_230, %dma_start3A_231] : memref<80x128xi32, #tpu.memory_space<vmem>> -> memref<1x128xi32, #tpu.memory_space<vmem>>
      %dma_start3A_233 = tpu.memref_squeeze %dma_start3A_232 : memref<1x128xi32, #tpu.memory_space<vmem>> -> memref<128xi32, #tpu.memory_space<vmem>>
      %dma_start3A_234 = arith.constant 0 : i32
      %dma_start3A_235 = arith.constant 0 : i32
      %dma_start3A_236 = tpu.memref_slice %arg16[%dma_start3A_234, %dma_start3A_235] : memref<10112x16xf32, #tpu.memory_space<vmem_shared>> -> memref<10112x16xf32, #tpu.memory_space<vmem_shared>>
      tpu.enqueue_indirect_dma source(%dma_start3A_236 : memref<10112x16xf32, #tpu.memory_space<vmem_shared>>) target(%arg13 : memref<128x16xf32, #tpu.memory_space<vmem>>) offsets(%dma_start3A_233 : memref<128xi32, #tpu.memory_space<vmem>>) semaphore(%arg23 : memref<!tpu.dma_semaphore, #tpu.memory_space<semaphore_mem>>)
      %mul3A_237 = arith.constant 8 : i32
      %mul3A_238 = arith.muli %scan3A_128, %mul3A_237 : i32
      %add3A_239 = arith.constant 6 : i32
      %add3A_240 = arith.addi %mul3A_238, %add3A_239 : i32
      %dma_wait3A_241 = arith.constant 0 : i32
      %dma_wait3A_242 = tpu.memref_slice %arg6[%add3A_240, %dma_wait3A_241] : memref<80x128xi32, #tpu.memory_space<vmem>> -> memref<1x128xi32, #tpu.memory_space<vmem>>
      %dma_wait3A_243 = tpu.memref_squeeze %dma_wait3A_242 : memref<1x128xi32, #tpu.memory_space<vmem>> -> memref<128xi32, #tpu.memory_space<vmem>>
      %dma_wait3A_244 = arith.constant 0 : i32
      %dma_wait3A_245 = arith.constant 0 : i32
      %dma_wait3A_246 = tpu.memref_slice %arg16[%dma_wait3A_244, %dma_wait3A_245] : memref<10112x16xf32, #tpu.memory_space<vmem_shared>> -> memref<10112x16xf32, #tpu.memory_space<vmem_shared>>
      tpu.wait_indirect_dma semaphore(%arg24 : memref<!tpu.dma_semaphore, #tpu.memory_space<semaphore_mem>>) src(%dma_wait3A_246 : memref<10112x16xf32, #tpu.memory_space<vmem_shared>>) dst(%arg14 : memref<128x16xf32, #tpu.memory_space<vmem>>)
      "tpu.region"() ({
        %run_scoped3A_273 = tpu.sem_alloc : memref<!tpu.dma_semaphore, #tpu.memory_space<semaphore_mem>>
        %dma_start3A_274 = arith.constant 0 : i32
        %dma_start3A_275 = tpu.memref_slice %arg7[%add3A_240, %dma_start3A_274] : memref<80x128xi32, #tpu.memory_space<vmem>> -> memref<1x128xi32, #tpu.memory_space<vmem>>
        %dma_start3A_276 = tpu.memref_squeeze %dma_start3A_275 : memref<1x128xi32, #tpu.memory_space<vmem>> -> memref<128xi32, #tpu.memory_space<vmem>>
        %dma_start3A_277 = arith.constant 0 : i32
        %dma_start3A_278 = arith.constant 0 : i32
        %dma_start3A_279 = tpu.memref_slice %arg17[%dma_start3A_277, %dma_start3A_278] : memref<10112x16xf32, #tpu.memory_space<vmem_shared>> -> memref<10112x16xf32, #tpu.memory_space<vmem_shared>>
        tpu.enqueue_indirect_dma source(%arg14 : memref<128x16xf32, #tpu.memory_space<vmem>>) target(%dma_start3A_279 : memref<10112x16xf32, #tpu.memory_space<vmem_shared>>) offsets(%dma_start3A_276 : memref<128xi32, #tpu.memory_space<vmem>>) semaphore(%run_scoped3A_273 : memref<!tpu.dma_semaphore, #tpu.memory_space<semaphore_mem>>) {add = true}
        %dma_wait3A_280 = arith.constant 0 : i32
        %dma_wait3A_281 = tpu.memref_slice %arg7[%add3A_240, %dma_wait3A_280] : memref<80x128xi32, #tpu.memory_space<vmem>> -> memref<1x128xi32, #tpu.memory_space<vmem>>
        %dma_wait3A_282 = tpu.memref_squeeze %dma_wait3A_281 : memref<1x128xi32, #tpu.memory_space<vmem>> -> memref<128xi32, #tpu.memory_space<vmem>>
        %dma_wait3A_283 = arith.constant 0 : i32
        %dma_wait3A_284 = arith.constant 0 : i32
        %dma_wait3A_285 = tpu.memref_slice %arg17[%dma_wait3A_283, %dma_wait3A_284] : memref<10112x16xf32, #tpu.memory_space<vmem_shared>> -> memref<10112x16xf32, #tpu.memory_space<vmem_shared>>
        tpu.wait_indirect_dma semaphore(%run_scoped3A_273 : memref<!tpu.dma_semaphore, #tpu.memory_space<semaphore_mem>>) src(%arg14 : memref<128x16xf32, #tpu.memory_space<vmem>>) dst(%dma_wait3A_285 : memref<10112x16xf32, #tpu.memory_space<vmem_shared>>)
        tpu.yield
      }) : () -> ()
      %add3A_247 = arith.constant 8 : i32
      %add3A_248 = arith.addi %add3A_240, %add3A_247 : i32
      %dma_start3A_249 = arith.constant 0 : i32
      %dma_start3A_250 = tpu.memref_slice %arg6[%add3A_248, %dma_start3A_249] : memref<80x128xi32, #tpu.memory_space<vmem>> -> memref<1x128xi32, #tpu.memory_space<vmem>>
      %dma_start3A_251 = tpu.memref_squeeze %dma_start3A_250 : memref<1x128xi32, #tpu.memory_space<vmem>> -> memref<128xi32, #tpu.memory_space<vmem>>
      %dma_start3A_252 = arith.constant 0 : i32
      %dma_start3A_253 = arith.constant 0 : i32
      %dma_start3A_254 = tpu.memref_slice %arg16[%dma_start3A_252, %dma_start3A_253] : memref<10112x16xf32, #tpu.memory_space<vmem_shared>> -> memref<10112x16xf32, #tpu.memory_space<vmem_shared>>
      tpu.enqueue_indirect_dma source(%dma_start3A_254 : memref<10112x16xf32, #tpu.memory_space<vmem_shared>>) target(%arg14 : memref<128x16xf32, #tpu.memory_space<vmem>>) offsets(%dma_start3A_251 : memref<128xi32, #tpu.memory_space<vmem>>) semaphore(%arg24 : memref<!tpu.dma_semaphore, #tpu.memory_space<semaphore_mem>>)
      %mul3A_255 = arith.constant 8 : i32
      %mul3A_256 = arith.muli %scan3A_128, %mul3A_255 : i32
      %add3A_257 = arith.constant 7 : i32
      %add3A_258 = arith.addi %mul3A_256, %add3A_257 : i32
      %dma_wait3A_259 = arith.constant 0 : i32
      %dma_wait3A_260 = tpu.memref_slice %arg6[%add3A_258, %dma_wait3A_259] : memref<80x128xi32, #tpu.memory_space<vmem>> -> memref<1x128xi32, #tpu.memory_space<vmem>>
      %dma_wait3A_261 = tpu.memref_squeeze %dma_wait3A_260 : memref<1x128xi32, #tpu.memory_space<vmem>> -> memref<128xi32, #tpu.memory_space<vmem>>
      %dma_wait3A_262 = arith.constant 0 : i32
      %dma_wait3A_263 = arith.constant 0 : i32
      %dma_wait3A_264 = tpu.memref_slice %arg16[%dma_wait3A_262, %dma_wait3A_263] : memref<10112x16xf32, #tpu.memory_space<vmem_shared>> -> memref<10112x16xf32, #tpu.memory_space<vmem_shared>>
      tpu.wait_indirect_dma semaphore(%arg25 : memref<!tpu.dma_semaphore, #tpu.memory_space<semaphore_mem>>) src(%dma_wait3A_264 : memref<10112x16xf32, #tpu.memory_space<vmem_shared>>) dst(%arg15 : memref<128x16xf32, #tpu.memory_space<vmem>>)
      "tpu.region"() ({
        %run_scoped3A_273 = tpu.sem_alloc : memref<!tpu.dma_semaphore, #tpu.memory_space<semaphore_mem>>
        %dma_start3A_274 = arith.constant 0 : i32
        %dma_start3A_275 = tpu.memref_slice %arg7[%add3A_258, %dma_start3A_274] : memref<80x128xi32, #tpu.memory_space<vmem>> -> memref<1x128xi32, #tpu.memory_space<vmem>>
        %dma_start3A_276 = tpu.memref_squeeze %dma_start3A_275 : memref<1x128xi32, #tpu.memory_space<vmem>> -> memref<128xi32, #tpu.memory_space<vmem>>
        %dma_start3A_277 = arith.constant 0 : i32
        %dma_start3A_278 = arith.constant 0 : i32
        %dma_start3A_279 = tpu.memref_slice %arg17[%dma_start3A_277, %dma_start3A_278] : memref<10112x16xf32, #tpu.memory_space<vmem_shared>> -> memref<10112x16xf32, #tpu.memory_space<vmem_shared>>
        tpu.enqueue_indirect_dma source(%arg15 : memref<128x16xf32, #tpu.memory_space<vmem>>) target(%dma_start3A_279 : memref<10112x16xf32, #tpu.memory_space<vmem_shared>>) offsets(%dma_start3A_276 : memref<128xi32, #tpu.memory_space<vmem>>) semaphore(%run_scoped3A_273 : memref<!tpu.dma_semaphore, #tpu.memory_space<semaphore_mem>>) {add = true}
        %dma_wait3A_280 = arith.constant 0 : i32
        %dma_wait3A_281 = tpu.memref_slice %arg7[%add3A_258, %dma_wait3A_280] : memref<80x128xi32, #tpu.memory_space<vmem>> -> memref<1x128xi32, #tpu.memory_space<vmem>>
        %dma_wait3A_282 = tpu.memref_squeeze %dma_wait3A_281 : memref<1x128xi32, #tpu.memory_space<vmem>> -> memref<128xi32, #tpu.memory_space<vmem>>
        %dma_wait3A_283 = arith.constant 0 : i32
        %dma_wait3A_284 = arith.constant 0 : i32
        %dma_wait3A_285 = tpu.memref_slice %arg17[%dma_wait3A_283, %dma_wait3A_284] : memref<10112x16xf32, #tpu.memory_space<vmem_shared>> -> memref<10112x16xf32, #tpu.memory_space<vmem_shared>>
        tpu.wait_indirect_dma semaphore(%run_scoped3A_273 : memref<!tpu.dma_semaphore, #tpu.memory_space<semaphore_mem>>) src(%arg15 : memref<128x16xf32, #tpu.memory_space<vmem>>) dst(%dma_wait3A_285 : memref<10112x16xf32, #tpu.memory_space<vmem_shared>>)
        tpu.yield
      }) : () -> ()
      %add3A_265 = arith.constant 8 : i32
      %add3A_266 = arith.addi %add3A_258, %add3A_265 : i32
      %dma_start3A_267 = arith.constant 0 : i32
      %dma_start3A_268 = tpu.memref_slice %arg6[%add3A_266, %dma_start3A_267] : memref<80x128xi32, #tpu.memory_space<vmem>> -> memref<1x128xi32, #tpu.memory_space<vmem>>
      %dma_start3A_269 = tpu.memref_squeeze %dma_start3A_268 : memref<1x128xi32, #tpu.memory_space<vmem>> -> memref<128xi32, #tpu.memory_space<vmem>>
      %dma_start3A_270 = arith.constant 0 : i32
      %dma_start3A_271 = arith.constant 0 : i32
      %dma_start3A_272 = tpu.memref_slice %arg16[%dma_start3A_270, %dma_start3A_271] : memref<10112x16xf32, #tpu.memory_space<vmem_shared>> -> memref<10112x16xf32, #tpu.memory_space<vmem_shared>>
      tpu.enqueue_indirect_dma source(%dma_start3A_272 : memref<10112x16xf32, #tpu.memory_space<vmem_shared>>) target(%arg15 : memref<128x16xf32, #tpu.memory_space<vmem>>) offsets(%dma_start3A_269 : memref<128xi32, #tpu.memory_space<vmem>>) semaphore(%arg25 : memref<!tpu.dma_semaphore, #tpu.memory_space<semaphore_mem>>)
    }
    %scan3A_64 = arith.constant 9 : i32
    %dma_wait3A = arith.constant 72 : i32
    %dma_wait3A_65 = arith.constant 0 : i32
    %dma_wait3A_66 = tpu.memref_slice %arg6[%dma_wait3A, %dma_wait3A_65] : memref<80x128xi32, #tpu.memory_space<vmem>> -> memref<1x128xi32, #tpu.memory_space<vmem>>
    %dma_wait3A_67 = tpu.memref_squeeze %dma_wait3A_66 : memref<1x128xi32, #tpu.memory_space<vmem>> -> memref<128xi32, #tpu.memory_space<vmem>>
    %dma_wait3A_68 = arith.constant 0 : i32
    %dma_wait3A_69 = arith.constant 0 : i32
    %dma_wait3A_70 = tpu.memref_slice %arg16[%dma_wait3A_68, %dma_wait3A_69] : memref<10112x16xf32, #tpu.memory_space<vmem_shared>> -> memref<10112x16xf32, #tpu.memory_space<vmem_shared>>
    tpu.wait_indirect_dma semaphore(%arg18 : memref<!tpu.dma_semaphore, #tpu.memory_space<semaphore_mem>>) src(%dma_wait3A_70 : memref<10112x16xf32, #tpu.memory_space<vmem_shared>>) dst(%arg8 : memref<128x16xf32, #tpu.memory_space<vmem>>)
    %run_scoped3A = arith.constant 72 : i32
    "tpu.region"() ({
      %run_scoped3A_128 = tpu.sem_alloc : memref<!tpu.dma_semaphore, #tpu.memory_space<semaphore_mem>>
      %dma_start3A_129 = arith.constant 0 : i32
      %dma_start3A_130 = tpu.memref_slice %arg7[%run_scoped3A, %dma_start3A_129] : memref<80x128xi32, #tpu.memory_space<vmem>> -> memref<1x128xi32, #tpu.memory_space<vmem>>
      %dma_start3A_131 = tpu.memref_squeeze %dma_start3A_130 : memref<1x128xi32, #tpu.memory_space<vmem>> -> memref<128xi32, #tpu.memory_space<vmem>>
      %dma_start3A_132 = arith.constant 0 : i32
      %dma_start3A_133 = arith.constant 0 : i32
      %dma_start3A_134 = tpu.memref_slice %arg17[%dma_start3A_132, %dma_start3A_133] : memref<10112x16xf32, #tpu.memory_space<vmem_shared>> -> memref<10112x16xf32, #tpu.memory_space<vmem_shared>>
      tpu.enqueue_indirect_dma source(%arg8 : memref<128x16xf32, #tpu.memory_space<vmem>>) target(%dma_start3A_134 : memref<10112x16xf32, #tpu.memory_space<vmem_shared>>) offsets(%dma_start3A_131 : memref<128xi32, #tpu.memory_space<vmem>>) semaphore(%run_scoped3A_128 : memref<!tpu.dma_semaphore, #tpu.memory_space<semaphore_mem>>) {add = true}
      %dma_wait3A_135 = arith.constant 0 : i32
      %dma_wait3A_136 = tpu.memref_slice %arg7[%run_scoped3A, %dma_wait3A_135] : memref<80x128xi32, #tpu.memory_space<vmem>> -> memref<1x128xi32, #tpu.memory_space<vmem>>
      %dma_wait3A_137 = tpu.memref_squeeze %dma_wait3A_136 : memref<1x128xi32, #tpu.memory_space<vmem>> -> memref<128xi32, #tpu.memory_space<vmem>>
      %dma_wait3A_138 = arith.constant 0 : i32
      %dma_wait3A_139 = arith.constant 0 : i32
      %dma_wait3A_140 = tpu.memref_slice %arg17[%dma_wait3A_138, %dma_wait3A_139] : memref<10112x16xf32, #tpu.memory_space<vmem_shared>> -> memref<10112x16xf32, #tpu.memory_space<vmem_shared>>
      tpu.wait_indirect_dma semaphore(%run_scoped3A_128 : memref<!tpu.dma_semaphore, #tpu.memory_space<semaphore_mem>>) src(%arg8 : memref<128x16xf32, #tpu.memory_space<vmem>>) dst(%dma_wait3A_140 : memref<10112x16xf32, #tpu.memory_space<vmem_shared>>)
      tpu.yield
    }) : () -> ()
    %dma_wait3A_71 = arith.constant 73 : i32
    %dma_wait3A_72 = arith.constant 0 : i32
    %dma_wait3A_73 = tpu.memref_slice %arg6[%dma_wait3A_71, %dma_wait3A_72] : memref<80x128xi32, #tpu.memory_space<vmem>> -> memref<1x128xi32, #tpu.memory_space<vmem>>
    %dma_wait3A_74 = tpu.memref_squeeze %dma_wait3A_73 : memref<1x128xi32, #tpu.memory_space<vmem>> -> memref<128xi32, #tpu.memory_space<vmem>>
    %dma_wait3A_75 = arith.constant 0 : i32
    %dma_wait3A_76 = arith.constant 0 : i32
    %dma_wait3A_77 = tpu.memref_slice %arg16[%dma_wait3A_75, %dma_wait3A_76] : memref<10112x16xf32, #tpu.memory_space<vmem_shared>> -> memref<10112x16xf32, #tpu.memory_space<vmem_shared>>
    tpu.wait_indirect_dma semaphore(%arg19 : memref<!tpu.dma_semaphore, #tpu.memory_space<semaphore_mem>>) src(%dma_wait3A_77 : memref<10112x16xf32, #tpu.memory_space<vmem_shared>>) dst(%arg9 : memref<128x16xf32, #tpu.memory_space<vmem>>)
    %run_scoped3A_78 = arith.constant 73 : i32
    "tpu.region"() ({
      %run_scoped3A_128 = tpu.sem_alloc : memref<!tpu.dma_semaphore, #tpu.memory_space<semaphore_mem>>
      %dma_start3A_129 = arith.constant 0 : i32
      %dma_start3A_130 = tpu.memref_slice %arg7[%run_scoped3A_78, %dma_start3A_129] : memref<80x128xi32, #tpu.memory_space<vmem>> -> memref<1x128xi32, #tpu.memory_space<vmem>>
      %dma_start3A_131 = tpu.memref_squeeze %dma_start3A_130 : memref<1x128xi32, #tpu.memory_space<vmem>> -> memref<128xi32, #tpu.memory_space<vmem>>
      %dma_start3A_132 = arith.constant 0 : i32
      %dma_start3A_133 = arith.constant 0 : i32
      %dma_start3A_134 = tpu.memref_slice %arg17[%dma_start3A_132, %dma_start3A_133] : memref<10112x16xf32, #tpu.memory_space<vmem_shared>> -> memref<10112x16xf32, #tpu.memory_space<vmem_shared>>
      tpu.enqueue_indirect_dma source(%arg9 : memref<128x16xf32, #tpu.memory_space<vmem>>) target(%dma_start3A_134 : memref<10112x16xf32, #tpu.memory_space<vmem_shared>>) offsets(%dma_start3A_131 : memref<128xi32, #tpu.memory_space<vmem>>) semaphore(%run_scoped3A_128 : memref<!tpu.dma_semaphore, #tpu.memory_space<semaphore_mem>>) {add = true}
      %dma_wait3A_135 = arith.constant 0 : i32
      %dma_wait3A_136 = tpu.memref_slice %arg7[%run_scoped3A_78, %dma_wait3A_135] : memref<80x128xi32, #tpu.memory_space<vmem>> -> memref<1x128xi32, #tpu.memory_space<vmem>>
      %dma_wait3A_137 = tpu.memref_squeeze %dma_wait3A_136 : memref<1x128xi32, #tpu.memory_space<vmem>> -> memref<128xi32, #tpu.memory_space<vmem>>
      %dma_wait3A_138 = arith.constant 0 : i32
      %dma_wait3A_139 = arith.constant 0 : i32
      %dma_wait3A_140 = tpu.memref_slice %arg17[%dma_wait3A_138, %dma_wait3A_139] : memref<10112x16xf32, #tpu.memory_space<vmem_shared>> -> memref<10112x16xf32, #tpu.memory_space<vmem_shared>>
      tpu.wait_indirect_dma semaphore(%run_scoped3A_128 : memref<!tpu.dma_semaphore, #tpu.memory_space<semaphore_mem>>) src(%arg9 : memref<128x16xf32, #tpu.memory_space<vmem>>) dst(%dma_wait3A_140 : memref<10112x16xf32, #tpu.memory_space<vmem_shared>>)
      tpu.yield
    }) : () -> ()
    %dma_wait3A_79 = arith.constant 74 : i32
    %dma_wait3A_80 = arith.constant 0 : i32
    %dma_wait3A_81 = tpu.memref_slice %arg6[%dma_wait3A_79, %dma_wait3A_80] : memref<80x128xi32, #tpu.memory_space<vmem>> -> memref<1x128xi32, #tpu.memory_space<vmem>>
    %dma_wait3A_82 = tpu.memref_squeeze %dma_wait3A_81 : memref<1x128xi32, #tpu.memory_space<vmem>> -> memref<128xi32, #tpu.memory_space<vmem>>
    %dma_wait3A_83 = arith.constant 0 : i32
    %dma_wait3A_84 = arith.constant 0 : i32
    %dma_wait3A_85 = tpu.memref_slice %arg16[%dma_wait3A_83, %dma_wait3A_84] : memref<10112x16xf32, #tpu.memory_space<vmem_shared>> -> memref<10112x16xf32, #tpu.memory_space<vmem_shared>>
    tpu.wait_indirect_dma semaphore(%arg20 : memref<!tpu.dma_semaphore, #tpu.memory_space<semaphore_mem>>) src(%dma_wait3A_85 : memref<10112x16xf32, #tpu.memory_space<vmem_shared>>) dst(%arg10 : memref<128x16xf32, #tpu.memory_space<vmem>>)
    %run_scoped3A_86 = arith.constant 74 : i32
    "tpu.region"() ({
      %run_scoped3A_128 = tpu.sem_alloc : memref<!tpu.dma_semaphore, #tpu.memory_space<semaphore_mem>>
      %dma_start3A_129 = arith.constant 0 : i32
      %dma_start3A_130 = tpu.memref_slice %arg7[%run_scoped3A_86, %dma_start3A_129] : memref<80x128xi32, #tpu.memory_space<vmem>> -> memref<1x128xi32, #tpu.memory_space<vmem>>
      %dma_start3A_131 = tpu.memref_squeeze %dma_start3A_130 : memref<1x128xi32, #tpu.memory_space<vmem>> -> memref<128xi32, #tpu.memory_space<vmem>>
      %dma_start3A_132 = arith.constant 0 : i32
      %dma_start3A_133 = arith.constant 0 : i32
      %dma_start3A_134 = tpu.memref_slice %arg17[%dma_start3A_132, %dma_start3A_133] : memref<10112x16xf32, #tpu.memory_space<vmem_shared>> -> memref<10112x16xf32, #tpu.memory_space<vmem_shared>>
      tpu.enqueue_indirect_dma source(%arg10 : memref<128x16xf32, #tpu.memory_space<vmem>>) target(%dma_start3A_134 : memref<10112x16xf32, #tpu.memory_space<vmem_shared>>) offsets(%dma_start3A_131 : memref<128xi32, #tpu.memory_space<vmem>>) semaphore(%run_scoped3A_128 : memref<!tpu.dma_semaphore, #tpu.memory_space<semaphore_mem>>) {add = true}
      %dma_wait3A_135 = arith.constant 0 : i32
      %dma_wait3A_136 = tpu.memref_slice %arg7[%run_scoped3A_86, %dma_wait3A_135] : memref<80x128xi32, #tpu.memory_space<vmem>> -> memref<1x128xi32, #tpu.memory_space<vmem>>
      %dma_wait3A_137 = tpu.memref_squeeze %dma_wait3A_136 : memref<1x128xi32, #tpu.memory_space<vmem>> -> memref<128xi32, #tpu.memory_space<vmem>>
      %dma_wait3A_138 = arith.constant 0 : i32
      %dma_wait3A_139 = arith.constant 0 : i32
      %dma_wait3A_140 = tpu.memref_slice %arg17[%dma_wait3A_138, %dma_wait3A_139] : memref<10112x16xf32, #tpu.memory_space<vmem_shared>> -> memref<10112x16xf32, #tpu.memory_space<vmem_shared>>
      tpu.wait_indirect_dma semaphore(%run_scoped3A_128 : memref<!tpu.dma_semaphore, #tpu.memory_space<semaphore_mem>>) src(%arg10 : memref<128x16xf32, #tpu.memory_space<vmem>>) dst(%dma_wait3A_140 : memref<10112x16xf32, #tpu.memory_space<vmem_shared>>)
      tpu.yield
    }) : () -> ()
    %dma_wait3A_87 = arith.constant 75 : i32
    %dma_wait3A_88 = arith.constant 0 : i32
    %dma_wait3A_89 = tpu.memref_slice %arg6[%dma_wait3A_87, %dma_wait3A_88] : memref<80x128xi32, #tpu.memory_space<vmem>> -> memref<1x128xi32, #tpu.memory_space<vmem>>
    %dma_wait3A_90 = tpu.memref_squeeze %dma_wait3A_89 : memref<1x128xi32, #tpu.memory_space<vmem>> -> memref<128xi32, #tpu.memory_space<vmem>>
    %dma_wait3A_91 = arith.constant 0 : i32
    %dma_wait3A_92 = arith.constant 0 : i32
    %dma_wait3A_93 = tpu.memref_slice %arg16[%dma_wait3A_91, %dma_wait3A_92] : memref<10112x16xf32, #tpu.memory_space<vmem_shared>> -> memref<10112x16xf32, #tpu.memory_space<vmem_shared>>
    tpu.wait_indirect_dma semaphore(%arg21 : memref<!tpu.dma_semaphore, #tpu.memory_space<semaphore_mem>>) src(%dma_wait3A_93 : memref<10112x16xf32, #tpu.memory_space<vmem_shared>>) dst(%arg11 : memref<128x16xf32, #tpu.memory_space<vmem>>)
    %run_scoped3A_94 = arith.constant 75 : i32
    "tpu.region"() ({
      %run_scoped3A_128 = tpu.sem_alloc : memref<!tpu.dma_semaphore, #tpu.memory_space<semaphore_mem>>
      %dma_start3A_129 = arith.constant 0 : i32
      %dma_start3A_130 = tpu.memref_slice %arg7[%run_scoped3A_94, %dma_start3A_129] : memref<80x128xi32, #tpu.memory_space<vmem>> -> memref<1x128xi32, #tpu.memory_space<vmem>>
      %dma_start3A_131 = tpu.memref_squeeze %dma_start3A_130 : memref<1x128xi32, #tpu.memory_space<vmem>> -> memref<128xi32, #tpu.memory_space<vmem>>
      %dma_start3A_132 = arith.constant 0 : i32
      %dma_start3A_133 = arith.constant 0 : i32
      %dma_start3A_134 = tpu.memref_slice %arg17[%dma_start3A_132, %dma_start3A_133] : memref<10112x16xf32, #tpu.memory_space<vmem_shared>> -> memref<10112x16xf32, #tpu.memory_space<vmem_shared>>
      tpu.enqueue_indirect_dma source(%arg11 : memref<128x16xf32, #tpu.memory_space<vmem>>) target(%dma_start3A_134 : memref<10112x16xf32, #tpu.memory_space<vmem_shared>>) offsets(%dma_start3A_131 : memref<128xi32, #tpu.memory_space<vmem>>) semaphore(%run_scoped3A_128 : memref<!tpu.dma_semaphore, #tpu.memory_space<semaphore_mem>>) {add = true}
      %dma_wait3A_135 = arith.constant 0 : i32
      %dma_wait3A_136 = tpu.memref_slice %arg7[%run_scoped3A_94, %dma_wait3A_135] : memref<80x128xi32, #tpu.memory_space<vmem>> -> memref<1x128xi32, #tpu.memory_space<vmem>>
      %dma_wait3A_137 = tpu.memref_squeeze %dma_wait3A_136 : memref<1x128xi32, #tpu.memory_space<vmem>> -> memref<128xi32, #tpu.memory_space<vmem>>
      %dma_wait3A_138 = arith.constant 0 : i32
      %dma_wait3A_139 = arith.constant 0 : i32
      %dma_wait3A_140 = tpu.memref_slice %arg17[%dma_wait3A_138, %dma_wait3A_139] : memref<10112x16xf32, #tpu.memory_space<vmem_shared>> -> memref<10112x16xf32, #tpu.memory_space<vmem_shared>>
      tpu.wait_indirect_dma semaphore(%run_scoped3A_128 : memref<!tpu.dma_semaphore, #tpu.memory_space<semaphore_mem>>) src(%arg11 : memref<128x16xf32, #tpu.memory_space<vmem>>) dst(%dma_wait3A_140 : memref<10112x16xf32, #tpu.memory_space<vmem_shared>>)
      tpu.yield
    }) : () -> ()
    %dma_wait3A_95 = arith.constant 76 : i32
    %dma_wait3A_96 = arith.constant 0 : i32
    %dma_wait3A_97 = tpu.memref_slice %arg6[%dma_wait3A_95, %dma_wait3A_96] : memref<80x128xi32, #tpu.memory_space<vmem>> -> memref<1x128xi32, #tpu.memory_space<vmem>>
    %dma_wait3A_98 = tpu.memref_squeeze %dma_wait3A_97 : memref<1x128xi32, #tpu.memory_space<vmem>> -> memref<128xi32, #tpu.memory_space<vmem>>
    %dma_wait3A_99 = arith.constant 0 : i32
    %dma_wait3A_100 = arith.constant 0 : i32
    %dma_wait3A_101 = tpu.memref_slice %arg16[%dma_wait3A_99, %dma_wait3A_100] : memref<10112x16xf32, #tpu.memory_space<vmem_shared>> -> memref<10112x16xf32, #tpu.memory_space<vmem_shared>>
    tpu.wait_indirect_dma semaphore(%arg22 : memref<!tpu.dma_semaphore, #tpu.memory_space<semaphore_mem>>) src(%dma_wait3A_101 : memref<10112x16xf32, #tpu.memory_space<vmem_shared>>) dst(%arg12 : memref<128x16xf32, #tpu.memory_space<vmem>>)
    %run_scoped3A_102 = arith.constant 76 : i32
    "tpu.region"() ({
      %run_scoped3A_128 = tpu.sem_alloc : memref<!tpu.dma_semaphore, #tpu.memory_space<semaphore_mem>>
      %dma_start3A_129 = arith.constant 0 : i32
      %dma_start3A_130 = tpu.memref_slice %arg7[%run_scoped3A_102, %dma_start3A_129] : memref<80x128xi32, #tpu.memory_space<vmem>> -> memref<1x128xi32, #tpu.memory_space<vmem>>
      %dma_start3A_131 = tpu.memref_squeeze %dma_start3A_130 : memref<1x128xi32, #tpu.memory_space<vmem>> -> memref<128xi32, #tpu.memory_space<vmem>>
      %dma_start3A_132 = arith.constant 0 : i32
      %dma_start3A_133 = arith.constant 0 : i32
      %dma_start3A_134 = tpu.memref_slice %arg17[%dma_start3A_132, %dma_start3A_133] : memref<10112x16xf32, #tpu.memory_space<vmem_shared>> -> memref<10112x16xf32, #tpu.memory_space<vmem_shared>>
      tpu.enqueue_indirect_dma source(%arg12 : memref<128x16xf32, #tpu.memory_space<vmem>>) target(%dma_start3A_134 : memref<10112x16xf32, #tpu.memory_space<vmem_shared>>) offsets(%dma_start3A_131 : memref<128xi32, #tpu.memory_space<vmem>>) semaphore(%run_scoped3A_128 : memref<!tpu.dma_semaphore, #tpu.memory_space<semaphore_mem>>) {add = true}
      %dma_wait3A_135 = arith.constant 0 : i32
      %dma_wait3A_136 = tpu.memref_slice %arg7[%run_scoped3A_102, %dma_wait3A_135] : memref<80x128xi32, #tpu.memory_space<vmem>> -> memref<1x128xi32, #tpu.memory_space<vmem>>
      %dma_wait3A_137 = tpu.memref_squeeze %dma_wait3A_136 : memref<1x128xi32, #tpu.memory_space<vmem>> -> memref<128xi32, #tpu.memory_space<vmem>>
      %dma_wait3A_138 = arith.constant 0 : i32
      %dma_wait3A_139 = arith.constant 0 : i32
      %dma_wait3A_140 = tpu.memref_slice %arg17[%dma_wait3A_138, %dma_wait3A_139] : memref<10112x16xf32, #tpu.memory_space<vmem_shared>> -> memref<10112x16xf32, #tpu.memory_space<vmem_shared>>
      tpu.wait_indirect_dma semaphore(%run_scoped3A_128 : memref<!tpu.dma_semaphore, #tpu.memory_space<semaphore_mem>>) src(%arg12 : memref<128x16xf32, #tpu.memory_space<vmem>>) dst(%dma_wait3A_140 : memref<10112x16xf32, #tpu.memory_space<vmem_shared>>)
      tpu.yield
    }) : () -> ()
    %dma_wait3A_103 = arith.constant 77 : i32
    %dma_wait3A_104 = arith.constant 0 : i32
    %dma_wait3A_105 = tpu.memref_slice %arg6[%dma_wait3A_103, %dma_wait3A_104] : memref<80x128xi32, #tpu.memory_space<vmem>> -> memref<1x128xi32, #tpu.memory_space<vmem>>
    %dma_wait3A_106 = tpu.memref_squeeze %dma_wait3A_105 : memref<1x128xi32, #tpu.memory_space<vmem>> -> memref<128xi32, #tpu.memory_space<vmem>>
    %dma_wait3A_107 = arith.constant 0 : i32
    %dma_wait3A_108 = arith.constant 0 : i32
    %dma_wait3A_109 = tpu.memref_slice %arg16[%dma_wait3A_107, %dma_wait3A_108] : memref<10112x16xf32, #tpu.memory_space<vmem_shared>> -> memref<10112x16xf32, #tpu.memory_space<vmem_shared>>
    tpu.wait_indirect_dma semaphore(%arg23 : memref<!tpu.dma_semaphore, #tpu.memory_space<semaphore_mem>>) src(%dma_wait3A_109 : memref<10112x16xf32, #tpu.memory_space<vmem_shared>>) dst(%arg13 : memref<128x16xf32, #tpu.memory_space<vmem>>)
    %run_scoped3A_110 = arith.constant 77 : i32
    "tpu.region"() ({
      %run_scoped3A_128 = tpu.sem_alloc : memref<!tpu.dma_semaphore, #tpu.memory_space<semaphore_mem>>
      %dma_start3A_129 = arith.constant 0 : i32
      %dma_start3A_130 = tpu.memref_slice %arg7[%run_scoped3A_110, %dma_start3A_129] : memref<80x128xi32, #tpu.memory_space<vmem>> -> memref<1x128xi32, #tpu.memory_space<vmem>>
      %dma_start3A_131 = tpu.memref_squeeze %dma_start3A_130 : memref<1x128xi32, #tpu.memory_space<vmem>> -> memref<128xi32, #tpu.memory_space<vmem>>
      %dma_start3A_132 = arith.constant 0 : i32
      %dma_start3A_133 = arith.constant 0 : i32
      %dma_start3A_134 = tpu.memref_slice %arg17[%dma_start3A_132, %dma_start3A_133] : memref<10112x16xf32, #tpu.memory_space<vmem_shared>> -> memref<10112x16xf32, #tpu.memory_space<vmem_shared>>
      tpu.enqueue_indirect_dma source(%arg13 : memref<128x16xf32, #tpu.memory_space<vmem>>) target(%dma_start3A_134 : memref<10112x16xf32, #tpu.memory_space<vmem_shared>>) offsets(%dma_start3A_131 : memref<128xi32, #tpu.memory_space<vmem>>) semaphore(%run_scoped3A_128 : memref<!tpu.dma_semaphore, #tpu.memory_space<semaphore_mem>>) {add = true}
      %dma_wait3A_135 = arith.constant 0 : i32
      %dma_wait3A_136 = tpu.memref_slice %arg7[%run_scoped3A_110, %dma_wait3A_135] : memref<80x128xi32, #tpu.memory_space<vmem>> -> memref<1x128xi32, #tpu.memory_space<vmem>>
      %dma_wait3A_137 = tpu.memref_squeeze %dma_wait3A_136 : memref<1x128xi32, #tpu.memory_space<vmem>> -> memref<128xi32, #tpu.memory_space<vmem>>
      %dma_wait3A_138 = arith.constant 0 : i32
      %dma_wait3A_139 = arith.constant 0 : i32
      %dma_wait3A_140 = tpu.memref_slice %arg17[%dma_wait3A_138, %dma_wait3A_139] : memref<10112x16xf32, #tpu.memory_space<vmem_shared>> -> memref<10112x16xf32, #tpu.memory_space<vmem_shared>>
      tpu.wait_indirect_dma semaphore(%run_scoped3A_128 : memref<!tpu.dma_semaphore, #tpu.memory_space<semaphore_mem>>) src(%arg13 : memref<128x16xf32, #tpu.memory_space<vmem>>) dst(%dma_wait3A_140 : memref<10112x16xf32, #tpu.memory_space<vmem_shared>>)
      tpu.yield
    }) : () -> ()
    %dma_wait3A_111 = arith.constant 78 : i32
    %dma_wait3A_112 = arith.constant 0 : i32
    %dma_wait3A_113 = tpu.memref_slice %arg6[%dma_wait3A_111, %dma_wait3A_112] : memref<80x128xi32, #tpu.memory_space<vmem>> -> memref<1x128xi32, #tpu.memory_space<vmem>>
    %dma_wait3A_114 = tpu.memref_squeeze %dma_wait3A_113 : memref<1x128xi32, #tpu.memory_space<vmem>> -> memref<128xi32, #tpu.memory_space<vmem>>
    %dma_wait3A_115 = arith.constant 0 : i32
    %dma_wait3A_116 = arith.constant 0 : i32
    %dma_wait3A_117 = tpu.memref_slice %arg16[%dma_wait3A_115, %dma_wait3A_116] : memref<10112x16xf32, #tpu.memory_space<vmem_shared>> -> memref<10112x16xf32, #tpu.memory_space<vmem_shared>>
    tpu.wait_indirect_dma semaphore(%arg24 : memref<!tpu.dma_semaphore, #tpu.memory_space<semaphore_mem>>) src(%dma_wait3A_117 : memref<10112x16xf32, #tpu.memory_space<vmem_shared>>) dst(%arg14 : memref<128x16xf32, #tpu.memory_space<vmem>>)
    %run_scoped3A_118 = arith.constant 78 : i32
    "tpu.region"() ({
      %run_scoped3A_128 = tpu.sem_alloc : memref<!tpu.dma_semaphore, #tpu.memory_space<semaphore_mem>>
      %dma_start3A_129 = arith.constant 0 : i32
      %dma_start3A_130 = tpu.memref_slice %arg7[%run_scoped3A_118, %dma_start3A_129] : memref<80x128xi32, #tpu.memory_space<vmem>> -> memref<1x128xi32, #tpu.memory_space<vmem>>
      %dma_start3A_131 = tpu.memref_squeeze %dma_start3A_130 : memref<1x128xi32, #tpu.memory_space<vmem>> -> memref<128xi32, #tpu.memory_space<vmem>>
      %dma_start3A_132 = arith.constant 0 : i32
      %dma_start3A_133 = arith.constant 0 : i32
      %dma_start3A_134 = tpu.memref_slice %arg17[%dma_start3A_132, %dma_start3A_133] : memref<10112x16xf32, #tpu.memory_space<vmem_shared>> -> memref<10112x16xf32, #tpu.memory_space<vmem_shared>>
      tpu.enqueue_indirect_dma source(%arg14 : memref<128x16xf32, #tpu.memory_space<vmem>>) target(%dma_start3A_134 : memref<10112x16xf32, #tpu.memory_space<vmem_shared>>) offsets(%dma_start3A_131 : memref<128xi32, #tpu.memory_space<vmem>>) semaphore(%run_scoped3A_128 : memref<!tpu.dma_semaphore, #tpu.memory_space<semaphore_mem>>) {add = true}
      %dma_wait3A_135 = arith.constant 0 : i32
      %dma_wait3A_136 = tpu.memref_slice %arg7[%run_scoped3A_118, %dma_wait3A_135] : memref<80x128xi32, #tpu.memory_space<vmem>> -> memref<1x128xi32, #tpu.memory_space<vmem>>
      %dma_wait3A_137 = tpu.memref_squeeze %dma_wait3A_136 : memref<1x128xi32, #tpu.memory_space<vmem>> -> memref<128xi32, #tpu.memory_space<vmem>>
      %dma_wait3A_138 = arith.constant 0 : i32
      %dma_wait3A_139 = arith.constant 0 : i32
      %dma_wait3A_140 = tpu.memref_slice %arg17[%dma_wait3A_138, %dma_wait3A_139] : memref<10112x16xf32, #tpu.memory_space<vmem_shared>> -> memref<10112x16xf32, #tpu.memory_space<vmem_shared>>
      tpu.wait_indirect_dma semaphore(%run_scoped3A_128 : memref<!tpu.dma_semaphore, #tpu.memory_space<semaphore_mem>>) src(%arg14 : memref<128x16xf32, #tpu.memory_space<vmem>>) dst(%dma_wait3A_140 : memref<10112x16xf32, #tpu.memory_space<vmem_shared>>)
      tpu.yield
    }) : () -> ()
    %dma_wait3A_119 = arith.constant 79 : i32
    %dma_wait3A_120 = arith.constant 0 : i32
    %dma_wait3A_121 = tpu.memref_slice %arg6[%dma_wait3A_119, %dma_wait3A_120] : memref<80x128xi32, #tpu.memory_space<vmem>> -> memref<1x128xi32, #tpu.memory_space<vmem>>
    %dma_wait3A_122 = tpu.memref_squeeze %dma_wait3A_121 : memref<1x128xi32, #tpu.memory_space<vmem>> -> memref<128xi32, #tpu.memory_space<vmem>>
    %dma_wait3A_123 = arith.constant 0 : i32
    %dma_wait3A_124 = arith.constant 0 : i32
    %dma_wait3A_125 = tpu.memref_slice %arg16[%dma_wait3A_123, %dma_wait3A_124] : memref<10112x16xf32, #tpu.memory_space<vmem_shared>> -> memref<10112x16xf32, #tpu.memory_space<vmem_shared>>
    tpu.wait_indirect_dma semaphore(%arg25 : memref<!tpu.dma_semaphore, #tpu.memory_space<semaphore_mem>>) src(%dma_wait3A_125 : memref<10112x16xf32, #tpu.memory_space<vmem_shared>>) dst(%arg15 : memref<128x16xf32, #tpu.memory_space<vmem>>)
    %run_scoped3A_126 = arith.constant 79 : i32
    "tpu.region"() ({
      %run_scoped3A_128 = tpu.sem_alloc : memref<!tpu.dma_semaphore, #tpu.memory_space<semaphore_mem>>
      %dma_start3A_129 = arith.constant 0 : i32
      %dma_start3A_130 = tpu.memref_slice %arg7[%run_scoped3A_126, %dma_start3A_129] : memref<80x128xi32, #tpu.memory_space<vmem>> -> memref<1x128xi32, #tpu.memory_space<vmem>>
      %dma_start3A_131 = tpu.memref_squeeze %dma_start3A_130 : memref<1x128xi32, #tpu.memory_space<vmem>> -> memref<128xi32, #tpu.memory_space<vmem>>
      %dma_start3A_132 = arith.constant 0 : i32
      %dma_start3A_133 = arith.constant 0 : i32
      %dma_start3A_134 = tpu.memref_slice %arg17[%dma_start3A_132, %dma_start3A_133] : memref<10112x16xf32, #tpu.memory_space<vmem_shared>> -> memref<10112x16xf32, #tpu.memory_space<vmem_shared>>
      tpu.enqueue_indirect_dma source(%arg15 : memref<128x16xf32, #tpu.memory_space<vmem>>) target(%dma_start3A_134 : memref<10112x16xf32, #tpu.memory_space<vmem_shared>>) offsets(%dma_start3A_131 : memref<128xi32, #tpu.memory_space<vmem>>) semaphore(%run_scoped3A_128 : memref<!tpu.dma_semaphore, #tpu.memory_space<semaphore_mem>>) {add = true}
      %dma_wait3A_135 = arith.constant 0 : i32
      %dma_wait3A_136 = tpu.memref_slice %arg7[%run_scoped3A_126, %dma_wait3A_135] : memref<80x128xi32, #tpu.memory_space<vmem>> -> memref<1x128xi32, #tpu.memory_space<vmem>>
      %dma_wait3A_137 = tpu.memref_squeeze %dma_wait3A_136 : memref<1x128xi32, #tpu.memory_space<vmem>> -> memref<128xi32, #tpu.memory_space<vmem>>
      %dma_wait3A_138 = arith.constant 0 : i32
      %dma_wait3A_139 = arith.constant 0 : i32
      %dma_wait3A_140 = tpu.memref_slice %arg17[%dma_wait3A_138, %dma_wait3A_139] : memref<10112x16xf32, #tpu.memory_space<vmem_shared>> -> memref<10112x16xf32, #tpu.memory_space<vmem_shared>>
      tpu.wait_indirect_dma semaphore(%run_scoped3A_128 : memref<!tpu.dma_semaphore, #tpu.memory_space<semaphore_mem>>) src(%arg15 : memref<128x16xf32, #tpu.memory_space<vmem>>) dst(%dma_wait3A_140 : memref<10112x16xf32, #tpu.memory_space<vmem_shared>>)
      tpu.yield
    }) : () -> ()
    %barrier3A_127 = arith.constant 0 : index
    tpu.barrier barrier_id(%barrier3A_127)
    "tpu.region"() ({
      %run_scoped3A_128 = tpu.sem_alloc : memref<!tpu.dma_semaphore, #tpu.memory_space<semaphore_mem>>
      %dma_start3A_129 = arith.constant 0 : i32
      %dma_start3A_130 = tpu.memref_slice %arg5[%arg0, %mul3A_4, %dma_start3A_129] : memref<2x10112x16xf32, #tpu.memory_space<hbm>> -> memref<1x632x16xf32, #tpu.memory_space<hbm>>
      %dma_start3A_131 = tpu.memref_squeeze %dma_start3A_130 : memref<1x632x16xf32, #tpu.memory_space<hbm>> -> memref<632x16xf32, #tpu.memory_space<hbm>>
      %dma_start3A_132 = arith.constant 0 : i32
      %dma_start3A_133 = tpu.memref_slice %arg17[%mul3A_4, %dma_start3A_132] : memref<10112x16xf32, #tpu.memory_space<vmem_shared>> -> memref<632x16xf32, #tpu.memory_space<vmem_shared>>
      tpu.enqueue_dma source(%dma_start3A_133 : memref<632x16xf32, #tpu.memory_space<vmem_shared>>) target(%dma_start3A_131 : memref<632x16xf32, #tpu.memory_space<hbm>>) target_semaphore(%run_scoped3A_128 : memref<!tpu.dma_semaphore, #tpu.memory_space<semaphore_mem>>)
      %dma_wait3A_134 = arith.constant 0 : i32
      %dma_wait3A_135 = tpu.memref_slice %arg5[%arg0, %mul3A_4, %dma_wait3A_134] : memref<2x10112x16xf32, #tpu.memory_space<hbm>> -> memref<1x632x16xf32, #tpu.memory_space<hbm>>
      %dma_wait3A_136 = tpu.memref_squeeze %dma_wait3A_135 : memref<1x632x16xf32, #tpu.memory_space<hbm>> -> memref<632x16xf32, #tpu.memory_space<hbm>>
      %dma_wait3A_137 = arith.constant 0 : i32
      %dma_wait3A_138 = tpu.memref_slice %arg17[%mul3A_4, %dma_wait3A_137] : memref<10112x16xf32, #tpu.memory_space<vmem_shared>> -> memref<632x16xf32, #tpu.memory_space<vmem_shared>>
      tpu.wait_dma2 semaphore(%run_scoped3A_128 : memref<!tpu.dma_semaphore, #tpu.memory_space<semaphore_mem>>) src(%dma_wait3A_138 : memref<632x16xf32, #tpu.memory_space<vmem_shared>>) dst(%dma_wait3A_136 : memref<632x16xf32, #tpu.memory_space<hbm>>)
      tpu.yield
    }) : () -> ()
    return
  }
}

module attributes {stable_mosaic.version = 14 : i64} {
  func.func @_tc1_body(%arg0: memref<10112x32xf32, #tpu.memory_space<vmem>>, %arg1: memref<10112x128xf32, #tpu.memory_space<vmem>>, %arg2: memref<128x16xf32, #tpu.memory_space<vmem>>, %arg3: memref<10112x1xf32, #tpu.memory_space<vmem>>, %arg4: memref<10112x16xf32, #tpu.memory_space<vmem>>) attributes {dimension_semantics = [], scalar_prefetch = 0 : i64, scratch_operands = 0 : i64, tpu.core_type = #tpu.core_type<tc>} {
    %get3A = arith.constant 0 : index
    %get3A_0 = arith.constant 0 : index
    %get3A_1 = vector.load %arg0[%get3A, %get3A_0] : memref<10112x32xf32, #tpu.memory_space<vmem>>, vector<10112x32xf32>
    %reduce_sum3A = arith.constant dense<0.000000e+00> : vector<10112xf32>
    %reduce_sum3A_2 = vector.multi_reduction <add>, %get3A_1, %reduce_sum3A [1] : vector<10112x32xf32> to vector<10112xf32>
    %broadcast_in_dim3A = vector.shape_cast %reduce_sum3A_2 : vector<10112xf32> to vector<10112x1xf32>
    %add3A = arith.constant 1.000000e+00 : f32
    %add3A_3 = vector.broadcast %add3A : f32 to vector<10112x1xf32>
    %add3A_4 = arith.addf %broadcast_in_dim3A, %add3A_3 : vector<10112x1xf32>
    %rsqrt3A = math.rsqrt %add3A_4 : vector<10112x1xf32>
    %iota3A = tpu.iota {dimensions = array<i32: 0>} : vector<10112x1xi32>
    %lt3A = arith.constant 10000 : i32
    %lt3A_5 = vector.broadcast %lt3A : i32 to vector<10112x1xi32>
    %lt3A_6 = arith.cmpi slt, %iota3A, %lt3A_5 : vector<10112x1xi32>
    %jit3A = arith.constant 0.000000e+00 : f32
    %broadcast_in_dim3A_7 = vector.broadcast %jit3A : f32 to vector<10112x1xf32>
    %select_n3A = arith.select %lt3A_6, %rsqrt3A, %broadcast_in_dim3A_7 : vector<10112x1xi1>, vector<10112x1xf32>
    %swap3A = arith.constant 0 : index
    %swap3A_8 = arith.constant 0 : index
    %swap3A_9 = vector.load %arg3[%swap3A, %swap3A_8] : memref<10112x1xf32, #tpu.memory_space<vmem>>, vector<10112x1xf32>
    tpu.vector_store %arg3[%swap3A, %swap3A_8], %select_n3A {strides = array<i32>} : memref<10112x1xf32, #tpu.memory_space<vmem>>, vector<10112x1xf32>,
    %get3A_10 = arith.constant 0 : index
    %get3A_11 = arith.constant 0 : index
    %get3A_12 = vector.load %arg1[%get3A_10, %get3A_11] : memref<10112x128xf32, #tpu.memory_space<vmem>>, vector<10112x128xf32>
    %get3A_13 = arith.constant 0 : index
    %get3A_14 = arith.constant 0 : index
    %get3A_15 = vector.load %arg2[%get3A_13, %get3A_14] : memref<128x16xf32, #tpu.memory_space<vmem>>, vector<128x16xf32>
    %dot_general3A = arith.constant dense<0.000000e+00> : vector<10112x16xf32>
    %dot_general3A_16 = tpu.matmul %get3A_12, %get3A_15, %dot_general3A {dimension_numbers = #tpu.dot_dimension_numbers<[1], [0], [0], [1], [0, 0, 1, 1], [], []>, transpose_lhs_hint = false} : vector<10112x128xf32>, vector<128x16xf32>, vector<10112x16xf32> -> vector<10112x16xf32>
    %mul3A = vector.broadcast %select_n3A : vector<10112x1xf32> to vector<10112x16xf32>
    %mul3A_17 = arith.mulf %dot_general3A_16, %mul3A : vector<10112x16xf32>
    %swap3A_18 = arith.constant 0 : index
    %swap3A_19 = arith.constant 0 : index
    %swap3A_20 = vector.load %arg4[%swap3A_18, %swap3A_19] : memref<10112x16xf32, #tpu.memory_space<vmem>>, vector<10112x16xf32>
    tpu.vector_store %arg4[%swap3A_18, %swap3A_19], %mul3A_17 {strides = array<i32>} : memref<10112x16xf32, #tpu.memory_space<vmem>>, vector<10112x16xf32>,
    return
  }
}

module attributes {stable_mosaic.version = 14 : i64} {
  func.func @_tcmid_body(%arg0: memref<2x10112x16xf32, #tpu.memory_space<vmem>>, %arg1: memref<10112x16xf32, #tpu.memory_space<vmem>>, %arg2: memref<10112x1xf32, #tpu.memory_space<vmem>>, %arg3: memref<1x16xf32, #tpu.memory_space<vmem>>, %arg4: memref<16x16xf32, #tpu.memory_space<vmem>>, %arg5: memref<10112x16xf32, #tpu.memory_space<vmem>>) attributes {dimension_semantics = [], scalar_prefetch = 0 : i64, scratch_operands = 0 : i64, tpu.core_type = #tpu.core_type<tc>} {
    %get3A = arith.constant 0 : index
    %get3A_0 = arith.constant 0 : index
    %get3A_1 = vector.load %arg2[%get3A, %get3A_0] : memref<10112x1xf32, #tpu.memory_space<vmem>>, vector<10112x1xf32>
    %get3A_2 = arith.constant 0 : index
    %get3A_3 = arith.constant 0 : index
    %get3A_4 = arith.constant 0 : index
    %get3A_5 = vector.load %arg0[%get3A_2, %get3A_3, %get3A_4] : memref<2x10112x16xf32, #tpu.memory_space<vmem>>, vector<1x10112x16xf32>
    %get3A_6 = vector.shape_cast %get3A_5 : vector<1x10112x16xf32> to vector<10112x16xf32>
    %get3A_7 = arith.constant 1 : index
    %get3A_8 = arith.constant 0 : index
    %get3A_9 = arith.constant 0 : index
    %get3A_10 = vector.load %arg0[%get3A_7, %get3A_8, %get3A_9] : memref<2x10112x16xf32, #tpu.memory_space<vmem>>, vector<1x10112x16xf32>
    %get3A_11 = vector.shape_cast %get3A_10 : vector<1x10112x16xf32> to vector<10112x16xf32>
    %add3A = arith.addf %get3A_6, %get3A_11 : vector<10112x16xf32>
    %get3A_12 = arith.constant 0 : index
    %get3A_13 = arith.constant 0 : index
    %get3A_14 = vector.load %arg1[%get3A_12, %get3A_13] : memref<10112x16xf32, #tpu.memory_space<vmem>>, vector<10112x16xf32>
    %sub3A = arith.subf %add3A, %get3A_14 : vector<10112x16xf32>
    %mul3A = vector.broadcast %get3A_1 : vector<10112x1xf32> to vector<10112x16xf32>
    %mul3A_15 = arith.mulf %sub3A, %mul3A : vector<10112x16xf32>
    %get3A_16 = arith.constant 0 : index
    %get3A_17 = arith.constant 0 : index
    %get3A_18 = vector.load %arg3[%get3A_16, %get3A_17] : memref<1x16xf32, #tpu.memory_space<vmem>>, vector<1x16xf32>
    %add3A_19 = vector.broadcast %get3A_18 : vector<1x16xf32> to vector<10112x16xf32>
    %add3A_20 = arith.addf %mul3A_15, %add3A_19 : vector<10112x16xf32>
    %max3A = arith.constant 0.000000e+00 : f32
    %max3A_21 = vector.broadcast %max3A : f32 to vector<10112x16xf32>
    %max3A_22 = arith.maximumf %add3A_20, %max3A_21 : vector<10112x16xf32>
    %get3A_23 = arith.constant 0 : index
    %get3A_24 = arith.constant 0 : index
    %get3A_25 = vector.load %arg4[%get3A_23, %get3A_24] : memref<16x16xf32, #tpu.memory_space<vmem>>, vector<16x16xf32>
    %dot_general3A = arith.constant dense<0.000000e+00> : vector<10112x16xf32>
    %dot_general3A_26 = tpu.matmul %max3A_22, %get3A_25, %dot_general3A {dimension_numbers = #tpu.dot_dimension_numbers<[1], [0], [0], [1], [0, 0, 1, 1], [], []>, transpose_lhs_hint = false} : vector<10112x16xf32>, vector<16x16xf32>, vector<10112x16xf32> -> vector<10112x16xf32>
    %mul3A_27 = vector.broadcast %get3A_1 : vector<10112x1xf32> to vector<10112x16xf32>
    %mul3A_28 = arith.mulf %dot_general3A_26, %mul3A_27 : vector<10112x16xf32>
    %swap3A = arith.constant 0 : index
    %swap3A_29 = arith.constant 0 : index
    %swap3A_30 = vector.load %arg5[%swap3A, %swap3A_29] : memref<10112x16xf32, #tpu.memory_space<vmem>>, vector<10112x16xf32>
    tpu.vector_store %arg5[%swap3A, %swap3A_29], %mul3A_28 {strides = array<i32>} : memref<10112x16xf32, #tpu.memory_space<vmem>>, vector<10112x16xf32>,
    return
  }
}

module attributes {stable_mosaic.version = 14 : i64} {
  func.func @_tc4_body(%arg0: memref<2x10112x16xf32, #tpu.memory_space<vmem>>, %arg1: memref<10112x16xf32, #tpu.memory_space<vmem>>, %arg2: memref<10112x1xf32, #tpu.memory_space<vmem>>, %arg3: memref<1x16xf32, #tpu.memory_space<vmem>>, %arg4: memref<10112x16xf32, #tpu.memory_space<vmem>>) attributes {dimension_semantics = [], scalar_prefetch = 0 : i64, scratch_operands = 0 : i64, tpu.core_type = #tpu.core_type<tc>} {
    %get3A = arith.constant 0 : index
    %get3A_0 = arith.constant 0 : index
    %get3A_1 = arith.constant 0 : index
    %get3A_2 = vector.load %arg0[%get3A, %get3A_0, %get3A_1] : memref<2x10112x16xf32, #tpu.memory_space<vmem>>, vector<1x10112x16xf32>
    %get3A_3 = vector.shape_cast %get3A_2 : vector<1x10112x16xf32> to vector<10112x16xf32>
    %get3A_4 = arith.constant 1 : index
    %get3A_5 = arith.constant 0 : index
    %get3A_6 = arith.constant 0 : index
    %get3A_7 = vector.load %arg0[%get3A_4, %get3A_5, %get3A_6] : memref<2x10112x16xf32, #tpu.memory_space<vmem>>, vector<1x10112x16xf32>
    %get3A_8 = vector.shape_cast %get3A_7 : vector<1x10112x16xf32> to vector<10112x16xf32>
    %add3A = arith.addf %get3A_3, %get3A_8 : vector<10112x16xf32>
    %get3A_9 = arith.constant 0 : index
    %get3A_10 = arith.constant 0 : index
    %get3A_11 = vector.load %arg1[%get3A_9, %get3A_10] : memref<10112x16xf32, #tpu.memory_space<vmem>>, vector<10112x16xf32>
    %sub3A = arith.subf %add3A, %get3A_11 : vector<10112x16xf32>
    %get3A_12 = arith.constant 0 : index
    %get3A_13 = arith.constant 0 : index
    %get3A_14 = vector.load %arg2[%get3A_12, %get3A_13] : memref<10112x1xf32, #tpu.memory_space<vmem>>, vector<10112x1xf32>
    %mul3A = vector.broadcast %get3A_14 : vector<10112x1xf32> to vector<10112x16xf32>
    %mul3A_15 = arith.mulf %sub3A, %mul3A : vector<10112x16xf32>
    %get3A_16 = arith.constant 0 : index
    %get3A_17 = arith.constant 0 : index
    %get3A_18 = vector.load %arg3[%get3A_16, %get3A_17] : memref<1x16xf32, #tpu.memory_space<vmem>>, vector<1x16xf32>
    %add3A_19 = vector.broadcast %get3A_18 : vector<1x16xf32> to vector<10112x16xf32>
    %add3A_20 = arith.addf %mul3A_15, %add3A_19 : vector<10112x16xf32>
    %swap3A = arith.constant 0 : index
    %swap3A_21 = arith.constant 0 : index
    %swap3A_22 = vector.load %arg4[%swap3A, %swap3A_21] : memref<10112x16xf32, #tpu.memory_space<vmem>>, vector<10112x16xf32>
    tpu.vector_store %arg4[%swap3A, %swap3A_21], %add3A_20 {strides = array<i32>} : memref<10112x16xf32, #tpu.memory_space<vmem>>, vector<10112x16xf32>,
    return
  }
}

</mosaic_0001>

<sc_bundles>
// kernel: kernel.10.cloned.1.call-start
scs
__scs_entry_jumppad:
0x0: {  	(pc) =	sbr.rel $0x88, $3  }
0x1: {  	(tag) =	ssettag $0x0;
	lr =	simm.s32 $0x1  }
0x2: {  	[smem:$0x3F99] =	sst lr;
	_ =	strace $0xD0000000  }
0x3: {  	_ = 	snop  }
0x4: {  	_ = 	snop  }
0x5: {  	_ = 	snop  }
0x6: {  	_ = 	snop  }
0x7: {  	_ = 	snop  }
__scs_overlays_trampoline_lowered:
0x8: {  	[smem:$0x3FA8] =	sst s0  }
0x9: {  	[smem:$0x3FA9] =	sst s1  }
0xa: {  	[smem:$0x3FAA] =	sst s2  }
0xb: {  	[smem:$0x3FAB] =	sst s3  }
0xc: {  	[smem:$0x3FAC] =	sst s4  }
0xd: {  	[smem:$0x3FAD] =	sst s5  }
0xe: {  	[smem:$0x3FAE] =	sst s6  }
0xf: {  	[smem:$0x3FAF] =	sst s7  }
0x10: {  	[smem:$0x3FB0] =	sst s8  }
0x11: {  	[smem:$0x3FB1] =	sst s9;
	s0 =	simm.s32 @!p0 $0x0  }
0x12: {  	s1 =	sld [smem:$0x3F97];
	s0 =	simm.s32 @p0 $0x1  }
0x13: {  	[smem:$0x3FB2] =	sst s0;
	s0 =	simm.s32 @!p1 $0x0  }
0x14: {  	s2 =	sld [smem:$0x3F96];
	s0 =	simm.s32 @p1 $0x1  }
0x15: {  	[smem:$0x3FB3] =	sst s0;
	s0 =	simm.s32 @!p2 $0x0  }
0x16: {  	s3 =	sld [smem:$0x3FDB];
	s0 =	simm.s32 @p2 $0x1  }
0x17: {  	s4 =	simm.s32 $0x1BF5;
	[smem:$0x3FB5] =	sst s0  }
0x18: {  	s0 =	sld [smem:$0x3F98];
	_ =	swait.ge [sflag:s4], $0x0  }
0x19: {  	s7 =	sld [smem:$0x3F99]  }
0x1a: {  	s8 =	sadd.s32 $0xFFFFE003, lr  }
0x1b: {  	s9 =	sadd.s32 $0xFFFFFEF7, lr;
	s5 =	simm.s32 $0xFFFFFFFF;
	p2 =	slt.u32 s8, $0xFFFFF086  }
0x1c: {  	p1 =	slt.u32 s9, $0xF7A;
	s5 =	simm.s32 @!p2 $0x0  }
0x1d: {  	s5 =	simm.s32 @p1 $0x1;
	p0 =	seq.s32 s7, s2  }
0x1e: {  	s7 =	smul.u32 @!p0 $0xF7A, s2;
	p2 =	seq.s32 @!p0 s5, $0x0  }
0x1f: {  	s9 =	smul.u32 $0xF7A, s1;
	s8 =	simm.s32 @!p0 $0x1BF5;
	p2 =	por !p2, p0  }
0x20: {  	[sflag:s8] =	ssyncset.s32 @!p0 $0xFFFFF086;
	s6 =	sadd.s32 @!p0 s3, s7;
	s7 =	simm.s32 @!p0 $0x108  }
0x21: {  	s3 =	sadd.s32 s3, s9;
	s6 =	sadd.s32 @!p0 $0x88, s6;
	s7 =	simm.s32 @p2 $0x1082  }
0x22: {  	[simem:s7], [sflag:s8] =	dma.local @!p0 [hbm:s6], $0xF7A  }
0x23: {  	s9 =	sor.u32 $0xD0000000, s2;
	s6 =	simm.s32 $0x108;
	_ =	swait.ge @!p0 [sflag:s8], $0x0  }
0x24: {  	s3 =	sadd.s32 $0x88, s3;
	s6 =	simm.s32 @!p1 $0x1082;
	[sflag:s4] =	ssyncset.s32 $0xFFFFF086  }
0x25: {  	[simem:s6], [sflag:s4] =	dma.local [hbm:s3], $0xF7A  }
0x26: {  	[smem:$0x3F99] =	sst s1;
	(tag) =	ssettag s2;
	_ =	strace s9  }
0x27: {  	s1 =	sld [smem:$0x3FA9]  }
0x28: {  	s2 =	sld [smem:$0x3FAA]  }
0x29: {  	s4 =	sld [smem:$0x3FAC]  }
0x2a: {  	p0 =	seq.s32 s5, $0x0;
	s5 =	sld [smem:$0x3FAD]  }
0x2b: {  	s6 =	sld [smem:$0x3FAE]  }
0x2c: {  	s7 =	sld [smem:$0x3FAF]  }
0x2d: {  	s3 =	simm.s32 $0x108;
	s8 =	sld [smem:$0x3FB0]  }
0x2e: {  	s3 =	simm.s32 @!p0 $0x1082;
	s9 =	sld [smem:$0x3FB1]  }
0x2f: {  	lr =	sadd.s32 s0, s3;
	s0 =	sld [smem:$0x3FA8]  }
0x30: {  	s3 =	sld [smem:$0x3FAB]  }
0x31: {  	[smem:$0x3FB4] =	sst s10  }
0x32: {  	s10 =	sld [smem:$0x3FB2];
	_ =	sdelay $0x3  }
0x33: {  	p0 =	seq.s32 s10, $0x1;
	s10 =	sld [smem:$0x3FB4];
	_ =	sdelay $0x3  }
0x34: {  	[smem:$0x3FB4] =	sst s10  }
0x35: {  	s10 =	sld [smem:$0x3FB3];
	_ =	sdelay $0x3  }
0x36: {  	p1 =	seq.s32 s10, $0x1;
	s10 =	sld [smem:$0x3FB4];
	_ =	sdelay $0x3  }
0x37: {  	[smem:$0x3FB4] =	sst s10  }
0x38: {  	s10 =	sld [smem:$0x3FB5]  }
0x39: {  	_ = 	snop;
	(pc) =	sbr.ind lr, $3  }
0x3a: {  	_ = 	snop  }
0x3b: {  	_ = 	snop  }
0x3c: {  	p2 =	seq.s32 s10, $0x1;
	s10 =	sld [smem:$0x3FB4]  }
0x3d: {  	_ =	shalt  }
0x3e: {  	_ =	shalt  }
0x3f: {  	_ =	shalt  }
0x40: {  	_ =	shalt  }
0x41: {  	_ =	shalt  }
0x42: {  	_ =	shalt  }
0x43: {  	_ =	shalt  }
0x44: {  	_ =	shalt  }
0x45: {  	_ =	shalt  }
0x46: {  	_ =	shalt  }
0x47: {  	_ =	shalt  }
0x48: {  	_ =	shalt  }
0x49: {  	_ =	shalt  }
0x4a: {  	_ =	shalt  }
0x4b: {  	_ =	shalt  }
0x4c: {  	_ =	shalt  }
0x4d: {  	_ =	shalt  }
0x4e: {  	_ =	shalt  }
0x4f: {  	_ =	shalt  }
0x50: {  	_ =	shalt  }
0x51: {  	_ =	shalt  }
0x52: {  	_ =	shalt  }
0x53: {  	_ =	shalt  }
0x54: {  	_ =	shalt  }
0x55: {  	_ =	shalt  }
0x56: {  	_ =	shalt  }
0x57: {  	_ =	shalt  }
0x58: {  	_ =	shalt  }
0x59: {  	_ =	shalt  }
0x5a: {  	_ =	shalt  }
0x5b: {  	_ =	shalt  }
0x5c: {  	_ =	shalt  }
0x5d: {  	_ =	shalt  }
0x5e: {  	_ =	shalt  }
0x5f: {  	_ =	shalt  }
0x60: {  	_ =	shalt  }
0x61: {  	_ =	shalt  }
0x62: {  	_ =	shalt  }
0x63: {  	_ =	shalt  }
0x64: {  	_ =	shalt  }
0x65: {  	_ =	shalt  }
0x66: {  	_ =	shalt  }
0x67: {  	_ =	shalt  }
0x68: {  	_ =	shalt  }
0x69: {  	_ =	shalt  }
0x6a: {  	_ =	shalt  }
0x6b: {  	_ =	shalt  }
0x6c: {  	_ =	shalt  }
0x6d: {  	_ =	shalt  }
0x6e: {  	_ =	shalt  }
0x6f: {  	_ =	shalt  }
0x70: {  	_ =	shalt  }
0x71: {  	_ =	shalt  }
0x72: {  	_ =	shalt  }
0x73: {  	_ =	shalt  }
0x74: {  	_ =	shalt  }
0x75: {  	_ =	shalt  }
0x76: {  	_ =	shalt  }
0x77: {  	_ =	shalt  }
0x78: {  	_ =	shalt  }
0x79: {  	_ =	shalt  }
0x7a: {  	_ =	shalt  }
0x7b: {  	_ =	shalt  }
0x7c: {  	_ =	shalt  }
0x7d: {  	_ =	shalt  }
0x7e: {  	_ =	shalt  }
0x7f: {  	_ =	shalt  }
0x80: {  	_ =	shalt  }
0x81: {  	_ =	shalt  }
0x82: {  	_ =	shalt  }
0x83: {  	_ =	shalt  }
0x84: {  	_ =	shalt  }
0x85: {  	_ =	shalt  }
0x86: {  	_ =	shalt  }
0x87: {  	_ =	shalt  }
.Lfunc_end0:
.L_simem_size_0:
called_computation_lowered:
.L_overlay_start_0:
0x88: {  	s2 =	sld [smem:$0x3FD9]  }
0x89: {  	s3 =	sld [smem:$0x3FFE];
	_ =	sdelay $0x1  }
0x8a: {  	s1 =	srdreg.scid  }
0x8b: {  	s0 =	sand.u32 $0x1, s1  }
0x8c: {  	s16 =	sshll.u32 s0, $0xA;
	s2 =	sadd.s32 s3, s2  }
0x8d: {  	s2 =	sadd.s32 s2, s16  }
0x8e: {  	[smem:$0x3FC0] =	sst s2  }
0x8f: {  	_ = 	snop  }
0x90: {  	(tm) =	ssettm $0x1  }
0x91: {  	s17 =	sld [smem:$0x3FFB];
	_ =	sdelay $0x3  }
0x92: {  	_ =	strace s17  }
0x93: {  	s2 =	sld [smem:$0x3FFC];
	_ =	sdelay $0x3  }
0x94: {  	_ =	strace s2  }
0x95: {  	s2 =	sld [smem:$0x3FFD];
	_ =	sdelay $0x3  }
0x96: {  	_ =	strace s2  }
0x97: {  	_ =	strace $0x8FFFFFFF  }
0x98: {  	s18 =	sld [smem:$0x3FDB];
	_ =	sdelay $0x1  }
0x99: {  	s19 =	simm.s32 $_scs_section_size  }
0x9a: {  	s4 =	simm.s32 $_size__tile_overlayer_lowered;
	s5 =	simm.s32 $_tile_overlayer_lowered  }
0x9b: {  	s22 =	simm.s32 $0x1BFF;
	s21 =	sshll.u32 s5, $0x1;
	s2 =	sadd.s32 s19, s18  }
0x9c: {  	s6 =	simm.s32 $0x0;
	s20 =	sshll.u32 s4, $0x1;
	s4 =	sadd.s32 s21, s2  }
0x9d: {  	[timem:s6], [sflag:s22] =	dma.local [hbm:s4], s20  }
0x9e: {  	_ =	swait.ge [sflag:s22], s20  }
0x9f: {  	s3 =	ssub.s32 $0x0, s20;
	[sflag:s22] =	ssyncset.done $0x0  }
0xa0: {  	[sflag:s22] =	ssyncadd.s32 s3;
	_ =	sdelay $0x1  }
0xa1: {  	s23 =	simm.s32 $0x1B8B  }
0xa2: {  	_ =	swait.ge [sflag:s23], $0x1  }
0xa3: {  	[sflag:s23] =	ssyncset.done $0x0  }
0xa4: {  	s25 =	simm.s32 $0x1B8E;
	s24 =	sld [smem:$0x3FFE];
	[sflag:s23] =	ssyncadd.s32 $0xFFFFFFFF  }
0xa5: {  	s26 =	simm.s32 $execute0_lowered;
	[smem:$0x3FD2] =	sst s25  }
0xa6: {  	s4 =	sshll.u32 s26, $0x1;
	_ =	strace $0x80000046;
	[dreg:$0x1] =	wrdreg $0xFFFFFFFF  }
0xa7: {  	s28 =	simm.s32 $_size_execute0_lowered;
	s2 =	sadd.s32 s2, s4;
	[dreg:$0x0] =	wrdreg $0x0  }
0xa8: {  	s4 =	sshll.u32 s28, $0x1;
	[dreg:$0x2] =	wrdreg s2  }
0xa9: {  	[dreg:$0x3] =	wrdreg s4  }
0xaa: {  	[dreg:$0x4] =	wrdreg $0xC0  }
0xab: {  	_ =	task [dreg:s6], $0x5FFFF  }
0xac: {  	[dreg:$0x1] =	wrdreg $0xFFFFFFFF  }
0xad: {  	[dreg:$0x0] =	wrdreg $0x60  }
0xae: {  	[dreg:$0x2] =	wrdreg s24  }
0xaf: {  	[dreg:$0x3] =	wrdreg $0x9  }
0xb0: {  	_ =	task.clear_ibuf [dreg:s6], $0x4FFFF;
	_ =	strace $0x90000046  }
0xb1: {  	s29 =	simm.s32 $0x9;
	_ =	strace $0x80000048  }
0xb2: {  	_ =	swait.ge [sflag:s29], $0x1  }
0xb3: {  	[sflag:s29] =	ssyncadd.s32 $0xFFFFFFFF  }
0xb4: {  	_ =	strace $0x90000048  }
0xb5: {  	_ =	sfence  }
0xb6: {  	s30 =	sld [smem:$0x0];
	_ =	sdelay $0x2  }
0xb7: {  	s31 =	sshll.u32 s1, $0xD;
	s1 =	sshrl.u32 s1, $0x2  }
0xb8: {  	s3 =	sand.u32 $0x4000, s31;
	s1 =	sadd.s32 s1, s30  }
0xb9: {  	s0 =	sor.u32 s3, s0;
	s1 =	sshll.u32 s1, $0x11  }
0xba: {  	s0 =	sor.u32 s1, s0  }
0xbb: {  	s0 =	sadd.s32 $0x8F2B, s0  }
0xbc: {  	[sflag:s0] =	ssyncadd.remote.s32 $0x1  }
0xbd: {  	_ =	sfence.sel $0xFFFF  }
0xbe: {  	[dreg:$0x0] =	wrdreg $0xFFFFFFFF;
	(pc) =	sbr.abs _section_cstart, $3  }
0xbf: {  	[dreg:$0x1] =	wrdreg $0xFFFFFFFF  }
0xc0: {  	_ =	task.clear_ibuf [dreg:s6], $0x2FFFF;
	_ =	strace $0x9FFFFFFF  }
0xc1: {  	(tm) =	ssettm $0x7FFFFFFF  }
tec
execute0_lowered:
.L_overlay_start_1:
0x0: {  	(tag) =	ssettag $0x1  }
0x1: {  	s1 =	srdreg.scid  }
0x2: {  	s0 =	stileid.u32;
	s5 =	rddreg [dreg:$0x0]  }
0x3: {  	s2 =	simm.s32 $0x0;
	s8 =	simm.s32 $0x80;
	s9 =	simm.s32 $0x400  }
0x4: {  	s10 =	simm.s32 $0x0;
	s3 =	sand.u32 $0x1, s1;
	s29 =	sshll.u32 s0, $0x1  }
0x5: {  	s30 =	sshrl.u32 s0, $0x2;
	s1 =	rddreg [dreg:$0x1];
	s4 =	sor.u32 s3, s29  }
0x6: {  	[smem:$0x7FF] =	sst s2;
	s6 =	smul.u32 $0x13C00, s30;
	s7 =	sshll.u32 s4, $0x7  }
0x7: {  	s3 =	ssub.s32 $0x2, s3;
	s4 =	smul.u32 $0x2800, s4;
	s7 =	sand.u32 $0x380, s7  }
0x8: {  	_ =	strace $0x80000047;
	s31 =	sshrl.u32 s3, $0x1;
	s6 =	sor.u32 s6, s7  }
0x9: {  	s4 =	sadd.s32 s4, s5;
	s7 =	simm.s32 $0x14000;
	s6 =	sshrl.u32 s6, $0x3  }
0xa: {  	s5 =	sadd.s32 s6, s5;
	s6 =	ssub.s32 s3, s31;
	s3 =	sadd.s32 $0xB400, s4  }
0xb: {  	v0 =	vimm.f32 $0.0e+00;
	v1 =	vimm.f32 $1.000000000e+00;
	s4 =	sadd.s32 $0x5B400, s5;
	s5 =	smax.u32 s6, $0x1;
	s6 =	simm.s32 $0x1  }
.LBB2_1:
0xc: {  	[tilespmem:s2], [sflag:$0x1] =	stream.linear.gather [hbm4b:s3+s2], $0x14000, $0x38;
	[tilespmem:$0x16780] =	vst v63  }
0xd: {  	_ =	swait.ge [sflag:s6], $0x14000  }
0xe: {  	[sflag:s6] =	ssyncset.done $0x0  }
0xf: {  	s11 =	simm.s32 $0x0;
	[sflag:s6] =	ssyncadd.s32 $0xFFFEC000  }
.LBB2_2:
0x10: {  	p0 =	sne.s32 s11, $0x9DC0  }
.Ltmp0:
0x11: {  	_ = 	snop;
	(pc) =	sbr.rel @p0 .LBB2_2-.Ltmp0, $3  }
0x12: {  	_ =	sdelay $0x1  }
0x13: {  	s12 =	sshra.s32 s11, $0x2  }
0x14: {  	s11 =	sadd.s32 $0x40, s11;
	[tilespmem:s12+$0x14000] =	vst v0  }
0x15: {  	s12 =	simm.s32 $0x0;
	s11 =	simm.s32 $0x200  }
.LBB2_4:
0x16: {  	p0 =	sne.s32 s11, $0x4FE00;
	v2 =	vld [tilespmem:s12+$0x0];
	_ =	sdelay $0x3  }
.Ltmp1:
0x17: {  	(pc) =	sbr.rel @p0 .LBB2_4-.Ltmp1, $2  }
0x18: {  	_ =	sdelay $0x2  }
0x19: {  	s12 =	sshra.s32 s11, $0x2;
	s11 =	sadd.s32 $0x200, s11;
	[tilespmem:v2+s7+$0x0] =	vst.idx.add.f32.msk $0xffff, v1  }
0x1a: {  	v2 =	vld [tilespmem:s12+$0x0];
	_ =	sdelay $0x5  }
0x1b: {  	s10 =	sadd.s32 $0x1, s10  }
0x1c: {  	p0 =	sne.s32 s10, s5  }
.Ltmp2:
0x1d: {  	[tilespmem:v2+s7+$0x0] =	vst.idx.add.f32.msk $0xffff, v1;
	(pc) =	sbr.rel @p0 .LBB2_1-.Ltmp2, $4  }
0x1e: {  	[hbm4b:s4+s8] =	stream.strided.scatter [tilespmem:s7], [sflag:$0x1], $0x2780, s9, s8, $0x38;
	[tilespmem:$0x16780] =	vst v63  }
0x1f: {  	_ =	swait.ge [sflag:s6], $0x2780  }
0x20: {  	[sflag:s6] =	ssyncset.done $0x0  }
0x21: {  	[sflag:s6] =	ssyncadd.s32 $0xFFFFD880  }
0x22: {  	_ =	sfence.sel $0x180000  }
0x23: {  	[bflag:$0x0] =	sbarrier.arrive $0xFFFF  }
0x24: {  	p0 =	sne.s32 s0, $0x0;
	_ =	strace $0x90000047  }
0x25: {  	s0 =	sadd.s32 @!p0 $0x100000, s1;
	[bflag:$0x2] =	sbarrier.arrive $0xFFFF  }
0x26: {  	[sflag:s0] =	ssyncadd.tile.s32 @!p0 $0x1;
	_ =	shalt  }
.Lfunc_end2:
_tile_overlayer_lowered:
.L_overlay_start_2:
0x27: {  	(tag) =	ssettag $0x2  }
0x28: {  	s0 =	rddreg [dreg:$0x0];
	s2 =	stileid.u32  }
0x29: {  	s1 =	rddreg [dreg:$0x1];
	p0 =	sne.s32 s2, $0x0  }
0x2a: {  	s3 =	rddreg [dreg:$0x2];
	[bflag:$0x3] =	sbarrier.arrive $0xFFFF;
	s2 =	simm.s32 @!p0 $0x1C01  }
0x2b: {  	[timem:s3], [sflag:s2] =	dma.local @!p0 [hbm:s0], s1  }
0x2c: {  	s0 =	simm.s32 @!p0 $0x1  }
0x2d: {  	_ =	swait.ge @!p0 [sflag:s0], s1  }
0x2e: {  	s1 =	ssub.s32 @!p0 $0x0, s1;
	[sflag:s0] =	ssyncset.done @!p0 $0x0  }
0x2f: {  	[sflag:s0] =	ssyncadd.s32 @!p0 s1  }
0x30: {  	[bflag:$0x3] =	sbarrier.arrive $0xFFFF  }
0x31: {  	_ =	shalt  }

// kernel: kernel.13.cloned.1.call-start
scs
__scs_entry_jumppad:
0x0: {  	(pc) =	sbr.rel $0x88, $3  }
0x1: {  	(tag) =	ssettag $0x0;
	lr =	simm.s32 $0x1  }
0x2: {  	[smem:$0x3F99] =	sst lr;
	_ =	strace $0xD0000000  }
0x3: {  	_ = 	snop  }
0x4: {  	_ = 	snop  }
0x5: {  	_ = 	snop  }
0x6: {  	_ = 	snop  }
0x7: {  	_ = 	snop  }
__scs_overlays_trampoline_lowered:
0x8: {  	[smem:$0x3FA8] =	sst s0  }
0x9: {  	[smem:$0x3FA9] =	sst s1  }
0xa: {  	[smem:$0x3FAA] =	sst s2  }
0xb: {  	[smem:$0x3FAB] =	sst s3  }
0xc: {  	[smem:$0x3FAC] =	sst s4  }
0xd: {  	[smem:$0x3FAD] =	sst s5  }
0xe: {  	[smem:$0x3FAE] =	sst s6  }
0xf: {  	[smem:$0x3FAF] =	sst s7  }
0x10: {  	[smem:$0x3FB0] =	sst s8  }
0x11: {  	[smem:$0x3FB1] =	sst s9;
	s0 =	simm.s32 @!p0 $0x0  }
0x12: {  	s1 =	sld [smem:$0x3F97];
	s0 =	simm.s32 @p0 $0x1  }
0x13: {  	[smem:$0x3FB2] =	sst s0;
	s0 =	simm.s32 @!p1 $0x0  }
0x14: {  	s2 =	sld [smem:$0x3F96];
	s0 =	simm.s32 @p1 $0x1  }
0x15: {  	[smem:$0x3FB3] =	sst s0;
	s0 =	simm.s32 @!p2 $0x0  }
0x16: {  	s3 =	sld [smem:$0x3FDB];
	s0 =	simm.s32 @p2 $0x1  }
0x17: {  	s4 =	simm.s32 $0x1BF5;
	[smem:$0x3FB5] =	sst s0  }
0x18: {  	s0 =	sld [smem:$0x3F98];
	_ =	swait.ge [sflag:s4], $0x0  }
0x19: {  	s7 =	sld [smem:$0x3F99]  }
0x1a: {  	s8 =	sadd.s32 $0xFFFFE003, lr  }
0x1b: {  	s9 =	sadd.s32 $0xFFFFFEF7, lr;
	s5 =	simm.s32 $0xFFFFFFFF;
	p2 =	slt.u32 s8, $0xFFFFF086  }
0x1c: {  	p1 =	slt.u32 s9, $0xF7A;
	s5 =	simm.s32 @!p2 $0x0  }
0x1d: {  	s5 =	simm.s32 @p1 $0x1;
	p0 =	seq.s32 s7, s2  }
0x1e: {  	s7 =	smul.u32 @!p0 $0xF7A, s2;
	p2 =	seq.s32 @!p0 s5, $0x0  }
0x1f: {  	s9 =	smul.u32 $0xF7A, s1;
	s8 =	simm.s32 @!p0 $0x1BF5;
	p2 =	por !p2, p0  }
0x20: {  	[sflag:s8] =	ssyncset.s32 @!p0 $0xFFFFF086;
	s6 =	sadd.s32 @!p0 s3, s7;
	s7 =	simm.s32 @!p0 $0x108  }
0x21: {  	s3 =	sadd.s32 s3, s9;
	s6 =	sadd.s32 @!p0 $0x88, s6;
	s7 =	simm.s32 @p2 $0x1082  }
0x22: {  	[simem:s7], [sflag:s8] =	dma.local @!p0 [hbm:s6], $0xF7A  }
0x23: {  	s9 =	sor.u32 $0xD0000000, s2;
	s6 =	simm.s32 $0x108;
	_ =	swait.ge @!p0 [sflag:s8], $0x0  }
0x24: {  	s3 =	sadd.s32 $0x88, s3;
	s6 =	simm.s32 @!p1 $0x1082;
	[sflag:s4] =	ssyncset.s32 $0xFFFFF086  }
0x25: {  	[simem:s6], [sflag:s4] =	dma.local [hbm:s3], $0xF7A  }
0x26: {  	[smem:$0x3F99] =	sst s1;
	(tag) =	ssettag s2;
	_ =	strace s9  }
0x27: {  	s1 =	sld [smem:$0x3FA9]  }
0x28: {  	s2 =	sld [smem:$0x3FAA]  }
0x29: {  	s4 =	sld [smem:$0x3FAC]  }
0x2a: {  	p0 =	seq.s32 s5, $0x0;
	s5 =	sld [smem:$0x3FAD]  }
0x2b: {  	s6 =	sld [smem:$0x3FAE]  }
0x2c: {  	s7 =	sld [smem:$0x3FAF]  }
0x2d: {  	s3 =	simm.s32 $0x108;
	s8 =	sld [smem:$0x3FB0]  }
0x2e: {  	s3 =	simm.s32 @!p0 $0x1082;
	s9 =	sld [smem:$0x3FB1]  }
0x2f: {  	lr =	sadd.s32 s0, s3;
	s0 =	sld [smem:$0x3FA8]  }
0x30: {  	s3 =	sld [smem:$0x3FAB]  }
0x31: {  	[smem:$0x3FB4] =	sst s10  }
0x32: {  	s10 =	sld [smem:$0x3FB2];
	_ =	sdelay $0x3  }
0x33: {  	p0 =	seq.s32 s10, $0x1;
	s10 =	sld [smem:$0x3FB4];
	_ =	sdelay $0x3  }
0x34: {  	[smem:$0x3FB4] =	sst s10  }
0x35: {  	s10 =	sld [smem:$0x3FB3];
	_ =	sdelay $0x3  }
0x36: {  	p1 =	seq.s32 s10, $0x1;
	s10 =	sld [smem:$0x3FB4];
	_ =	sdelay $0x3  }
0x37: {  	[smem:$0x3FB4] =	sst s10  }
0x38: {  	s10 =	sld [smem:$0x3FB5]  }
0x39: {  	_ = 	snop;
	(pc) =	sbr.ind lr, $3  }
0x3a: {  	_ = 	snop  }
0x3b: {  	_ = 	snop  }
0x3c: {  	p2 =	seq.s32 s10, $0x1;
	s10 =	sld [smem:$0x3FB4]  }
0x3d: {  	_ =	shalt  }
0x3e: {  	_ =	shalt  }
0x3f: {  	_ =	shalt  }
0x40: {  	_ =	shalt  }
0x41: {  	_ =	shalt  }
0x42: {  	_ =	shalt  }
0x43: {  	_ =	shalt  }
0x44: {  	_ =	shalt  }
0x45: {  	_ =	shalt  }
0x46: {  	_ =	shalt  }
0x47: {  	_ =	shalt  }
0x48: {  	_ =	shalt  }
0x49: {  	_ =	shalt  }
0x4a: {  	_ =	shalt  }
0x4b: {  	_ =	shalt  }
0x4c: {  	_ =	shalt  }
0x4d: {  	_ =	shalt  }
0x4e: {  	_ =	shalt  }
0x4f: {  	_ =	shalt  }
0x50: {  	_ =	shalt  }
0x51: {  	_ =	shalt  }
0x52: {  	_ =	shalt  }
0x53: {  	_ =	shalt  }
0x54: {  	_ =	shalt  }
0x55: {  	_ =	shalt  }
0x56: {  	_ =	shalt  }
0x57: {  	_ =	shalt  }
0x58: {  	_ =	shalt  }
0x59: {  	_ =	shalt  }
0x5a: {  	_ =	shalt  }
0x5b: {  	_ =	shalt  }
0x5c: {  	_ =	shalt  }
0x5d: {  	_ =	shalt  }
0x5e: {  	_ =	shalt  }
0x5f: {  	_ =	shalt  }
0x60: {  	_ =	shalt  }
0x61: {  	_ =	shalt  }
0x62: {  	_ =	shalt  }
0x63: {  	_ =	shalt  }
0x64: {  	_ =	shalt  }
0x65: {  	_ =	shalt  }
0x66: {  	_ =	shalt  }
0x67: {  	_ =	shalt  }
0x68: {  	_ =	shalt  }
0x69: {  	_ =	shalt  }
0x6a: {  	_ =	shalt  }
0x6b: {  	_ =	shalt  }
0x6c: {  	_ =	shalt  }
0x6d: {  	_ =	shalt  }
0x6e: {  	_ =	shalt  }
0x6f: {  	_ =	shalt  }
0x70: {  	_ =	shalt  }
0x71: {  	_ =	shalt  }
0x72: {  	_ =	shalt  }
0x73: {  	_ =	shalt  }
0x74: {  	_ =	shalt  }
0x75: {  	_ =	shalt  }
0x76: {  	_ =	shalt  }
0x77: {  	_ =	shalt  }
0x78: {  	_ =	shalt  }
0x79: {  	_ =	shalt  }
0x7a: {  	_ =	shalt  }
0x7b: {  	_ =	shalt  }
0x7c: {  	_ =	shalt  }
0x7d: {  	_ =	shalt  }
0x7e: {  	_ =	shalt  }
0x7f: {  	_ =	shalt  }
0x80: {  	_ =	shalt  }
0x81: {  	_ =	shalt  }
0x82: {  	_ =	shalt  }
0x83: {  	_ =	shalt  }
0x84: {  	_ =	shalt  }
0x85: {  	_ =	shalt  }
0x86: {  	_ =	shalt  }
0x87: {  	_ =	shalt  }
.Lfunc_end0:
.L_simem_size_0:
called_computation.1_lowered:
.L_overlay_start_0:
0x88: {  	s2 =	sld [smem:$0x3FD9]  }
0x89: {  	s3 =	sld [smem:$0x3FFE];
	_ =	sdelay $0x1  }
0x8a: {  	s1 =	srdreg.scid  }
0x8b: {  	s0 =	sand.u32 $0x1, s1  }
0x8c: {  	s16 =	sshll.u32 s0, $0xA;
	s2 =	sadd.s32 s3, s2  }
0x8d: {  	s2 =	sadd.s32 s2, s16  }
0x8e: {  	[smem:$0x3FC0] =	sst s2  }
0x8f: {  	_ = 	snop  }
0x90: {  	(tm) =	ssettm $0x1  }
0x91: {  	s17 =	sld [smem:$0x3FFB];
	_ =	sdelay $0x3  }
0x92: {  	_ =	strace s17  }
0x93: {  	s2 =	sld [smem:$0x3FFC];
	_ =	sdelay $0x3  }
0x94: {  	_ =	strace s2  }
0x95: {  	s2 =	sld [smem:$0x3FFD];
	_ =	sdelay $0x3  }
0x96: {  	_ =	strace s2  }
0x97: {  	_ =	strace $0x8FFFFFFF  }
0x98: {  	s18 =	sld [smem:$0x3FDB];
	_ =	sdelay $0x1  }
0x99: {  	s19 =	simm.s32 $_scs_section_size  }
0x9a: {  	s4 =	simm.s32 $_size__tile_overlayer_lowered;
	s5 =	simm.s32 $_tile_overlayer_lowered  }
0x9b: {  	s22 =	simm.s32 $0x1BFF;
	s21 =	sshll.u32 s5, $0x1;
	s2 =	sadd.s32 s19, s18  }
0x9c: {  	s6 =	simm.s32 $0x0;
	s20 =	sshll.u32 s4, $0x1;
	s4 =	sadd.s32 s21, s2  }
0x9d: {  	[timem:s6], [sflag:s22] =	dma.local [hbm:s4], s20  }
0x9e: {  	_ =	swait.ge [sflag:s22], s20  }
0x9f: {  	s3 =	ssub.s32 $0x0, s20;
	[sflag:s22] =	ssyncset.done $0x0  }
0xa0: {  	[sflag:s22] =	ssyncadd.s32 s3;
	_ =	sdelay $0x1  }
0xa1: {  	s23 =	simm.s32 $0x1B8B  }
0xa2: {  	_ =	swait.ge [sflag:s23], $0x1  }
0xa3: {  	[sflag:s23] =	ssyncset.done $0x0  }
0xa4: {  	s25 =	simm.s32 $0x1B8E;
	s24 =	sld [smem:$0x3FFE];
	[sflag:s23] =	ssyncadd.s32 $0xFFFFFFFF  }
0xa5: {  	s26 =	simm.s32 $execute0_lowered;
	[smem:$0x3FD2] =	sst s25  }
0xa6: {  	s4 =	sshll.u32 s26, $0x1;
	_ =	strace $0x80000049;
	[dreg:$0x1] =	wrdreg $0xFFFFFFFF  }
0xa7: {  	s28 =	simm.s32 $_size_execute0_lowered;
	s2 =	sadd.s32 s2, s4;
	[dreg:$0x0] =	wrdreg $0x0  }
0xa8: {  	s4 =	sshll.u32 s28, $0x1;
	[dreg:$0x2] =	wrdreg s2  }
0xa9: {  	[dreg:$0x3] =	wrdreg s4  }
0xaa: {  	[dreg:$0x4] =	wrdreg $0xC0  }
0xab: {  	_ =	task [dreg:s6], $0x5FFFF  }
0xac: {  	[dreg:$0x1] =	wrdreg $0xFFFFFFFF  }
0xad: {  	[dreg:$0x0] =	wrdreg $0x60  }
0xae: {  	[dreg:$0x2] =	wrdreg s24  }
0xaf: {  	[dreg:$0x3] =	wrdreg $0x90000  }
0xb0: {  	[dreg:$0x4] =	wrdreg $0xB7800  }
0xb1: {  	[dreg:$0x5] =	wrdreg $0x9  }
0xb2: {  	_ =	task.clear_ibuf [dreg:s6], $0x6FFFF;
	_ =	strace $0x90000049  }
0xb3: {  	s29 =	simm.s32 $0x9;
	_ =	strace $0x8000004B  }
0xb4: {  	_ =	swait.ge [sflag:s29], $0x1  }
0xb5: {  	[sflag:s29] =	ssyncadd.s32 $0xFFFFFFFF  }
0xb6: {  	_ =	strace $0x9000004B  }
0xb7: {  	_ =	sfence  }
0xb8: {  	s30 =	sld [smem:$0x0];
	_ =	sdelay $0x2  }
0xb9: {  	s31 =	sshll.u32 s1, $0xD;
	s1 =	sshrl.u32 s1, $0x2  }
0xba: {  	s3 =	sand.u32 $0x4000, s31;
	s1 =	sadd.s32 s1, s30  }
0xbb: {  	s0 =	sor.u32 s3, s0;
	s1 =	sshll.u32 s1, $0x11  }
0xbc: {  	s0 =	sor.u32 s1, s0  }
0xbd: {  	s0 =	sadd.s32 $0x8F2B, s0  }
0xbe: {  	[sflag:s0] =	ssyncadd.remote.s32 $0x1  }
0xbf: {  	_ =	sfence.sel $0xFFFF  }
0xc0: {  	[dreg:$0x0] =	wrdreg $0xFFFFFFFF;
	(pc) =	sbr.abs _section_cstart, $3  }
0xc1: {  	[dreg:$0x1] =	wrdreg $0xFFFFFFFF  }
0xc2: {  	_ =	task.clear_ibuf [dreg:s6], $0x2FFFF;
	_ =	strace $0x9FFFFFFF  }
0xc3: {  	(tm) =	ssettm $0x7FFFFFFF  }
tec
execute0_lowered:
.L_overlay_start_1:
0x0: {  	(tag) =	ssettag $0x1  }
0x1: {  	s0 =	srdreg.scid;
	s1 =	rddreg [dreg:$0x0]  }
0x2: {  	s12 =	stileid.u32;
	s2 =	rddreg [dreg:$0x1]  }
0x3: {  	s10 =	simm.s32 $0x9;
	s15 =	simm.s32 $0x80;
	s16 =	simm.s32 $0x5000  }
0x4: {  	s17 =	simm.s32 $0x5800;
	s19 =	simm.s32 $0x6000;
	s21 =	simm.s32 $0x6800  }
0x5: {  	s23 =	simm.s32 $0x7000;
	s28 =	simm.s32 $0x8000;
	s30 =	simm.s32 $0x8800  }
0x6: {  	s31 =	simm.s32 $0x1;
	s18 =	simm.s32 $0x5;
	s20 =	simm.s32 $0x6  }
0x7: {  	s22 =	simm.s32 $0x7;
	s24 =	simm.s32 $0x8;
	s0 =	sand.u32 $0x1, s0  }
0x8: {  	s3 =	sshll.u32 s12, $0x1;
	s8 =	smul.u32 $0x2780, s12;
	s29 =	sshll.u32 s12, $0x6  }
0x9: {  	s4 =	sor.u32 s0, s3;
	s3 =	rddreg [dreg:$0x2];
	s6 =	smul.u32 $0x27800, s0  }
0xa: {  	s0 =	ssub.s32 $0x2, s0;
	s12 =	sor.u32 $0x1C09, s29;
	s5 =	smul.u32 $0x500, s4  }
0xb: {  	s4 =	simm.s32 $0x0;
	s7 =	sshrl.u32 s8, $0x3;
	s9 =	sshrl.u32 s0, $0x1  }
0xc: {  	s26 =	sadd.s32 s8, s2;
	s11 =	sadd.s32 s8, s3;
	[smem:$0x7FF] =	sst s4  }
0xd: {  	s6 =	sadd.s32 s8, s6;
	s7 =	sadd.s32 s7, s1;
	s0 =	ssub.s32 s0, s9  }
0xe: {  	s13 =	sshrl.u32 s26, $0x3;
	s14 =	sshrl.u32 s11, $0x3;
	s11 =	simm.s32 $0x4  }
0xf: {  	s26 =	simm.s32 $0x0;
	_ =	strace $0x8000004A;
	s5 =	sadd.s32 s5, s1  }
0x10: {  	s6 =	sshrl.u32 s6, $0x3;
	s7 =	sadd.s32 $0xB400, s7;
	s25 =	sadd.s32 $0x65200, s5  }
0x11: {  	s9 =	smax.u32 s0, $0x1;
	s5 =	sadd.s32 $0x1400, s5;
	[dreg:$0x4] =	wrdreg s25  }
0x12: {  	s0 =	simm.s32 $0x3;
	s1 =	sadd.s32 s6, s1;
	[dreg:$0x5] =	wrdreg s5  }
0x13: {  	s8 =	sadd.s32 $0x10400, s1;
	s25 =	simm.s32 $0x7800;
	s1 =	simm.s32 $0x2  }
.LBB2_1:
0x14: {  	s5 =	rddreg [dreg:$0x4]  }
0x15: {  	[tilespmem:s4], [sflag:$0x9] =	stream.linear.gather [hbm4b:s5+s4], $0x2800, $0x38;
	[tilespmem:$0xDF00] =	vst v63  }
0x16: {  	_ =	swait.ge [sflag:s10], $0x2800  }
0x17: {  	[sflag:s10] =	ssyncset.done $0x0  }
0x18: {  	s6 =	simm.s32 $0x2800;
	s5 =	rddreg [dreg:$0x5];
	[sflag:s10] =	ssyncadd.s32 $0xFFFFD800  }
0x19: {  	[tilespmem:s6], [sflag:$0x9] =	stream.linear.gather [hbm4b:s5+s4], $0x2800, $0x38;
	[tilespmem:$0xDF00] =	vst v63  }
0x1a: {  	_ =	swait.ge [sflag:s10], $0x2800  }
0x1b: {  	[sflag:s10] =	ssyncset.done $0x0  }
0x1c: {  	[sflag:s10] =	ssyncadd.s32 $0xFFFFD800  }
0x1d: {  	[spmem:s13], [sflag:s12] =	dma.local [hbm:s7], $0x4F0  }
0x1e: {  	_ =	swait.ge [sflag:s10], $0x4F0  }
0x1f: {  	[sflag:s10] =	ssyncset.done $0x0  }
0x20: {  	[sflag:s10] =	ssyncadd.s32 $0xFFFFFB10  }
0x21: {  	[spmem:s14], [sflag:s12] =	dma.local [hbm:s7], $0x4F0  }
0x22: {  	_ =	swait.ge [sflag:s10], $0x4F0  }
0x23: {  	[sflag:s10] =	ssyncset.done $0x0  }
0x24: {  	[sflag:s10] =	ssyncadd.s32 $0xFFFFFB10  }
0x25: {  	[bflag:$0x0] =	sbarrier.arrive $0xFFFF  }
0x26: {  	[tilespmem:s16], [sflag:$0x1] =	stream.indirect.gather [spmem:s2], $0x10, s4, s15, $0xb8;
	[tilespmem:$0xDF00] =	vst v63  }
0x27: {  	_ = 	snop  }
0x28: {  	[tilespmem:s17], [sflag:$0x2] =	stream.indirect.gather [spmem:s2], $0x10, s15, s15, $0xb8;
	[tilespmem:$0xDF00] =	vst v63  }
0x29: {  	s6 =	simm.s32 $0x100  }
0x2a: {  	[tilespmem:s19], [sflag:$0x3] =	stream.indirect.gather [spmem:s2], $0x10, s6, s15, $0xb8;
	[tilespmem:$0xDF00] =	vst v63  }
0x2b: {  	s6 =	simm.s32 $0x180  }
0x2c: {  	[tilespmem:s21], [sflag:$0x4] =	stream.indirect.gather [spmem:s2], $0x10, s6, s15, $0xb8;
	[tilespmem:$0xDF00] =	vst v63  }
0x2d: {  	s6 =	simm.s32 $0x200  }
0x2e: {  	[tilespmem:s23], [sflag:$0x5] =	stream.indirect.gather [spmem:s2], $0x10, s6, s15, $0xb8;
	[tilespmem:$0xDF00] =	vst v63  }
0x2f: {  	s6 =	simm.s32 $0x280  }
0x30: {  	[tilespmem:s25], [sflag:$0x6] =	stream.indirect.gather [spmem:s2], $0x10, s6, s15, $0xb8;
	[tilespmem:$0xDF00] =	vst v63  }
0x31: {  	s6 =	simm.s32 $0x300  }
0x32: {  	[tilespmem:s28], [sflag:$0x7] =	stream.indirect.gather [spmem:s2], $0x10, s6, s15, $0xb8;
	[tilespmem:$0xDF00] =	vst v63  }
0x33: {  	s6 =	simm.s32 $0x380  }
0x34: {  	[tilespmem:s30], [sflag:$0x8] =	stream.indirect.gather [spmem:s2], $0x10, s6, s15, $0xb8;
	[tilespmem:$0xDF00] =	vst v63  }
0x35: {  	_ =	swait.ge [sflag:s31], $0x800  }
0x36: {  	[sflag:s31] =	ssyncset.done $0x0  }
0x37: {  	s6 =	simm.s32 $0x2800;
	[sflag:s31] =	ssyncadd.s32 $0xFFFFF800  }
0x38: {  	[spmem:s3] =	stream.indirect.scatter.add.f32 [tilespmem:s16], [sflag:$0x9], $0x10, s6, s15, $0xb8;
	[tilespmem:$0xDF00] =	vst v63  }
0x39: {  	_ =	swait.ge [sflag:s10], $0x800  }
0x3a: {  	[sflag:s10] =	ssyncset.done $0x0  }
0x3b: {  	s6 =	simm.s32 $0x400;
	[sflag:s10] =	ssyncadd.s32 $0xFFFFF800  }
0x3c: {  	[tilespmem:s16], [sflag:$0x1] =	stream.indirect.gather [spmem:s2], $0x10, s6, s15, $0xb8;
	[tilespmem:$0xDF00] =	vst v63  }
0x3d: {  	_ =	swait.ge [sflag:s1], $0x800  }
0x3e: {  	[sflag:s1] =	ssyncset.done $0x0  }
0x3f: {  	s6 =	simm.s32 $0x2880;
	[sflag:s1] =	ssyncadd.s32 $0xFFFFF800  }
0x40: {  	[spmem:s3] =	stream.indirect.scatter.add.f32 [tilespmem:s17], [sflag:$0x9], $0x10, s6, s15, $0xb8;
	[tilespmem:$0xDF00] =	vst v63  }
0x41: {  	_ =	swait.ge [sflag:s10], $0x800  }
0x42: {  	[sflag:s10] =	ssyncset.done $0x0  }
0x43: {  	s6 =	simm.s32 $0x480;
	[sflag:s10] =	ssyncadd.s32 $0xFFFFF800  }
0x44: {  	[tilespmem:s17], [sflag:$0x2] =	stream.indirect.gather [spmem:s2], $0x10, s6, s15, $0xb8;
	[tilespmem:$0xDF00] =	vst v63  }
0x45: {  	_ =	swait.ge [sflag:s0], $0x800  }
0x46: {  	[sflag:s0] =	ssyncset.done $0x0  }
0x47: {  	s6 =	simm.s32 $0x2900;
	[sflag:s0] =	ssyncadd.s32 $0xFFFFF800  }
0x48: {  	[spmem:s3] =	stream.indirect.scatter.add.f32 [tilespmem:s19], [sflag:$0x9], $0x10, s6, s15, $0xb8;
	[tilespmem:$0xDF00] =	vst v63  }
0x49: {  	_ =	swait.ge [sflag:s10], $0x800  }
0x4a: {  	[sflag:s10] =	ssyncset.done $0x0  }
0x4b: {  	s6 =	simm.s32 $0x500;
	[sflag:s10] =	ssyncadd.s32 $0xFFFFF800  }
0x4c: {  	[tilespmem:s19], [sflag:$0x3] =	stream.indirect.gather [spmem:s2], $0x10, s6, s15, $0xb8;
	[tilespmem:$0xDF00] =	vst v63  }
0x4d: {  	_ =	swait.ge [sflag:s11], $0x800  }
0x4e: {  	[sflag:s11] =	ssyncset.done $0x0  }
0x4f: {  	s6 =	simm.s32 $0x2980;
	[sflag:s11] =	ssyncadd.s32 $0xFFFFF800  }
0x50: {  	[spmem:s3] =	stream.indirect.scatter.add.f32 [tilespmem:s21], [sflag:$0x9], $0x10, s6, s15, $0xb8;
	[tilespmem:$0xDF00] =	vst v63  }
0x51: {  	_ =	swait.ge [sflag:s10], $0x800  }
0x52: {  	[sflag:s10] =	ssyncset.done $0x0  }
0x53: {  	s6 =	simm.s32 $0x580;
	[sflag:s10] =	ssyncadd.s32 $0xFFFFF800  }
0x54: {  	[tilespmem:s21], [sflag:$0x4] =	stream.indirect.gather [spmem:s2], $0x10, s6, s15, $0xb8;
	[tilespmem:$0xDF00] =	vst v63  }
0x55: {  	_ =	swait.ge [sflag:s18], $0x800  }
0x56: {  	[sflag:s18] =	ssyncset.done $0x0  }
0x57: {  	s6 =	simm.s32 $0x2A00;
	[sflag:s18] =	ssyncadd.s32 $0xFFFFF800  }
0x58: {  	[spmem:s3] =	stream.indirect.scatter.add.f32 [tilespmem:s23], [sflag:$0x9], $0x10, s6, s15, $0xb8;
	[tilespmem:$0xDF00] =	vst v63  }
0x59: {  	_ =	swait.ge [sflag:s10], $0x800  }
0x5a: {  	[sflag:s10] =	ssyncset.done $0x0  }
0x5b: {  	s6 =	simm.s32 $0x600;
	[sflag:s10] =	ssyncadd.s32 $0xFFFFF800  }
0x5c: {  	[tilespmem:s23], [sflag:$0x5] =	stream.indirect.gather [spmem:s2], $0x10, s6, s15, $0xb8;
	[tilespmem:$0xDF00] =	vst v63  }
0x5d: {  	_ =	swait.ge [sflag:s20], $0x800  }
0x5e: {  	[sflag:s20] =	ssyncset.done $0x0  }
0x5f: {  	s6 =	simm.s32 $0x2A80;
	[sflag:s20] =	ssyncadd.s32 $0xFFFFF800  }
0x60: {  	[spmem:s3] =	stream.indirect.scatter.add.f32 [tilespmem:s25], [sflag:$0x9], $0x10, s6, s15, $0xb8;
	[tilespmem:$0xDF00] =	vst v63  }
0x61: {  	_ =	swait.ge [sflag:s10], $0x800  }
0x62: {  	[sflag:s10] =	ssyncset.done $0x0  }
0x63: {  	s6 =	simm.s32 $0x680;
	[sflag:s10] =	ssyncadd.s32 $0xFFFFF800  }
0x64: {  	[tilespmem:s25], [sflag:$0x6] =	stream.indirect.gather [spmem:s2], $0x10, s6, s15, $0xb8;
	[tilespmem:$0xDF00] =	vst v63  }
0x65: {  	_ =	swait.ge [sflag:s22], $0x800  }
0x66: {  	[sflag:s22] =	ssyncset.done $0x0  }
0x67: {  	s6 =	simm.s32 $0x2B00;
	[sflag:s22] =	ssyncadd.s32 $0xFFFFF800  }
0x68: {  	[spmem:s3] =	stream.indirect.scatter.add.f32 [tilespmem:s28], [sflag:$0x9], $0x10, s6, s15, $0xb8;
	[tilespmem:$0xDF00] =	vst v63  }
0x69: {  	_ =	swait.ge [sflag:s10], $0x800  }
0x6a: {  	[sflag:s10] =	ssyncset.done $0x0  }
0x6b: {  	s6 =	simm.s32 $0x700;
	[sflag:s10] =	ssyncadd.s32 $0xFFFFF800  }
0x6c: {  	[tilespmem:s28], [sflag:$0x7] =	stream.indirect.gather [spmem:s2], $0x10, s6, s15, $0xb8;
	[tilespmem:$0xDF00] =	vst v63  }
0x6d: {  	_ =	swait.ge [sflag:s24], $0x800  }
0x6e: {  	[sflag:s24] =	ssyncset.done $0x0  }
0x6f: {  	s6 =	simm.s32 $0x2B80;
	[sflag:s24] =	ssyncadd.s32 $0xFFFFF800  }
0x70: {  	[spmem:s3] =	stream.indirect.scatter.add.f32 [tilespmem:s30], [sflag:$0x9], $0x10, s6, s15, $0xb8;
	[tilespmem:$0xDF00] =	vst v63  }
0x71: {  	_ =	swait.ge [sflag:s10], $0x800  }
0x72: {  	[sflag:s10] =	ssyncset.done $0x0  }
0x73: {  	s29 =	simm.s32 $0x1000;
	s5 =	simm.s32 $0x780;
	[sflag:s10] =	ssyncadd.s32 $0xFFFFF800  }
.LBB2_2:
0x74: {  	[tilespmem:s30], [sflag:$0x8] =	stream.indirect.gather [spmem:s2], $0x10, s5, s15, $0xb8;
	[tilespmem:$0xDF00] =	vst v63  }
0x75: {  	s5 =	smov.u32 s29  }
0x76: {  	p0 =	sne.s32 s29, $0x8000;
	s29 =	sadd.s32 $0x1000, s29;
	_ =	swait.ge [sflag:s31], $0x800  }
0x77: {  	s5 =	sshra.s32 s5, $0x2;
	[sflag:s31] =	ssyncset.done $0x0  }
0x78: {  	s6 =	sadd.s32 $0x2800, s5;
	[sflag:s31] =	ssyncadd.s32 $0xFFFFF800  }
0x79: {  	[spmem:s3] =	stream.indirect.scatter.add.f32 [tilespmem:s16], [sflag:$0x9], $0x10, s6, s15, $0xb8;
	[tilespmem:$0xDF00] =	vst v63  }
0x7a: {  	_ =	swait.ge [sflag:s10], $0x800  }
0x7b: {  	[sflag:s10] =	ssyncset.done $0x0  }
0x7c: {  	s6 =	sadd.s32 $0x400, s5;
	[sflag:s10] =	ssyncadd.s32 $0xFFFFF800  }
0x7d: {  	[tilespmem:s16], [sflag:$0x1] =	stream.indirect.gather [spmem:s2], $0x10, s6, s15, $0xb8;
	[tilespmem:$0xDF00] =	vst v63  }
0x7e: {  	_ =	swait.ge [sflag:s1], $0x800  }
0x7f: {  	[sflag:s1] =	ssyncset.done $0x0  }
0x80: {  	s6 =	sadd.s32 $0x2880, s5;
	[sflag:s1] =	ssyncadd.s32 $0xFFFFF800  }
0x81: {  	[spmem:s3] =	stream.indirect.scatter.add.f32 [tilespmem:s17], [sflag:$0x9], $0x10, s6, s15, $0xb8;
	[tilespmem:$0xDF00] =	vst v63  }
0x82: {  	_ =	swait.ge [sflag:s10], $0x800  }
0x83: {  	[sflag:s10] =	ssyncset.done $0x0  }
0x84: {  	s6 =	sadd.s32 $0x480, s5;
	[sflag:s10] =	ssyncadd.s32 $0xFFFFF800  }
0x85: {  	[tilespmem:s17], [sflag:$0x2] =	stream.indirect.gather [spmem:s2], $0x10, s6, s15, $0xb8;
	[tilespmem:$0xDF00] =	vst v63  }
0x86: {  	_ =	swait.ge [sflag:s0], $0x800  }
0x87: {  	[sflag:s0] =	ssyncset.done $0x0  }
0x88: {  	s6 =	sadd.s32 $0x2900, s5;
	[sflag:s0] =	ssyncadd.s32 $0xFFFFF800  }
0x89: {  	[spmem:s3] =	stream.indirect.scatter.add.f32 [tilespmem:s19], [sflag:$0x9], $0x10, s6, s15, $0xb8;
	[tilespmem:$0xDF00] =	vst v63  }
0x8a: {  	_ =	swait.ge [sflag:s10], $0x800  }
0x8b: {  	[sflag:s10] =	ssyncset.done $0x0  }
0x8c: {  	s6 =	sadd.s32 $0x500, s5;
	[sflag:s10] =	ssyncadd.s32 $0xFFFFF800  }
0x8d: {  	[tilespmem:s19], [sflag:$0x3] =	stream.indirect.gather [spmem:s2], $0x10, s6, s15, $0xb8;
	[tilespmem:$0xDF00] =	vst v63  }
0x8e: {  	_ =	swait.ge [sflag:s11], $0x800  }
0x8f: {  	[sflag:s11] =	ssyncset.done $0x0  }
0x90: {  	s6 =	sadd.s32 $0x2980, s5;
	[sflag:s11] =	ssyncadd.s32 $0xFFFFF800  }
0x91: {  	[spmem:s3] =	stream.indirect.scatter.add.f32 [tilespmem:s21], [sflag:$0x9], $0x10, s6, s15, $0xb8;
	[tilespmem:$0xDF00] =	vst v63  }
0x92: {  	_ =	swait.ge [sflag:s10], $0x800  }
0x93: {  	[sflag:s10] =	ssyncset.done $0x0  }
0x94: {  	s6 =	sadd.s32 $0x580, s5;
	[sflag:s10] =	ssyncadd.s32 $0xFFFFF800  }
0x95: {  	[tilespmem:s21], [sflag:$0x4] =	stream.indirect.gather [spmem:s2], $0x10, s6, s15, $0xb8;
	[tilespmem:$0xDF00] =	vst v63  }
0x96: {  	_ =	swait.ge [sflag:s18], $0x800  }
0x97: {  	[sflag:s18] =	ssyncset.done $0x0  }
0x98: {  	s6 =	sadd.s32 $0x2A00, s5;
	[sflag:s18] =	ssyncadd.s32 $0xFFFFF800  }
0x99: {  	[spmem:s3] =	stream.indirect.scatter.add.f32 [tilespmem:s23], [sflag:$0x9], $0x10, s6, s15, $0xb8;
	[tilespmem:$0xDF00] =	vst v63  }
0x9a: {  	_ =	swait.ge [sflag:s10], $0x800  }
0x9b: {  	[sflag:s10] =	ssyncset.done $0x0  }
0x9c: {  	s6 =	sadd.s32 $0x600, s5;
	[sflag:s10] =	ssyncadd.s32 $0xFFFFF800  }
0x9d: {  	[tilespmem:s23], [sflag:$0x5] =	stream.indirect.gather [spmem:s2], $0x10, s6, s15, $0xb8;
	[tilespmem:$0xDF00] =	vst v63  }
0x9e: {  	_ =	swait.ge [sflag:s20], $0x800  }
0x9f: {  	[sflag:s20] =	ssyncset.done $0x0  }
0xa0: {  	s6 =	sadd.s32 $0x2A80, s5;
	[sflag:s20] =	ssyncadd.s32 $0xFFFFF800  }
0xa1: {  	[spmem:s3] =	stream.indirect.scatter.add.f32 [tilespmem:s25], [sflag:$0x9], $0x10, s6, s15, $0xb8;
	[tilespmem:$0xDF00] =	vst v63  }
0xa2: {  	_ =	swait.ge [sflag:s10], $0x800  }
0xa3: {  	[sflag:s10] =	ssyncset.done $0x0  }
0xa4: {  	s6 =	sadd.s32 $0x680, s5;
	[sflag:s10] =	ssyncadd.s32 $0xFFFFF800  }
0xa5: {  	[tilespmem:s25], [sflag:$0x6] =	stream.indirect.gather [spmem:s2], $0x10, s6, s15, $0xb8;
	[tilespmem:$0xDF00] =	vst v63  }
0xa6: {  	_ =	swait.ge [sflag:s22], $0x800  }
0xa7: {  	[sflag:s22] =	ssyncset.done $0x0  }
0xa8: {  	s6 =	sadd.s32 $0x2B00, s5;
	[sflag:s22] =	ssyncadd.s32 $0xFFFFF800  }
0xa9: {  	[spmem:s3] =	stream.indirect.scatter.add.f32 [tilespmem:s28], [sflag:$0x9], $0x10, s6, s15, $0xb8;
	[tilespmem:$0xDF00] =	vst v63  }
0xaa: {  	_ =	swait.ge [sflag:s10], $0x800  }
0xab: {  	[sflag:s10] =	ssyncset.done $0x0  }
0xac: {  	s6 =	sadd.s32 $0x700, s5;
	[sflag:s10] =	ssyncadd.s32 $0xFFFFF800  }
0xad: {  	[tilespmem:s28], [sflag:$0x7] =	stream.indirect.gather [spmem:s2], $0x10, s6, s15, $0xb8;
	[tilespmem:$0xDF00] =	vst v63  }
0xae: {  	_ =	swait.ge [sflag:s24], $0x800  }
0xaf: {  	[sflag:s24] =	ssyncset.done $0x0  }
.Ltmp0:
0xb0: {  	s6 =	sadd.s32 $0x2B80, s5;
	[sflag:s24] =	ssyncadd.s32 $0xFFFFF800;
	(pc) =	sbr.rel @p0 .LBB2_2-.Ltmp0, $4  }
0xb1: {  	[spmem:s3] =	stream.indirect.scatter.add.f32 [tilespmem:s30], [sflag:$0x9], $0x10, s6, s15, $0xb8;
	[tilespmem:$0xDF00] =	vst v63  }
0xb2: {  	_ =	swait.ge [sflag:s10], $0x800  }
0xb3: {  	[sflag:s10] =	ssyncset.done $0x0  }
0xb4: {  	s5 =	sadd.s32 $0x780, s5;
	[sflag:s10] =	ssyncadd.s32 $0xFFFFF800  }
0xb5: {  	[tilespmem:s30], [sflag:$0x8] =	stream.indirect.gather [spmem:s2], $0x10, s5, s15, $0xb8;
	[tilespmem:$0xDF00] =	vst v63  }
0xb6: {  	_ =	swait.ge [sflag:s31], $0x800  }
0xb7: {  	[sflag:s31] =	ssyncset.done $0x0  }
0xb8: {  	s6 =	simm.s32 $0x4C00;
	[sflag:s31] =	ssyncadd.s32 $0xFFFFF800  }
0xb9: {  	[spmem:s3] =	stream.indirect.scatter.add.f32 [tilespmem:s16], [sflag:$0x9], $0x10, s6, s15, $0xb8;
	[tilespmem:$0xDF00] =	vst v63  }
0xba: {  	_ =	swait.ge [sflag:s10], $0x800  }
0xbb: {  	[sflag:s10] =	ssyncset.done $0x0  }
0xbc: {  	[sflag:s10] =	ssyncadd.s32 $0xFFFFF800  }
0xbd: {  	_ =	swait.ge [sflag:s1], $0x800  }
0xbe: {  	[sflag:s1] =	ssyncset.done $0x0  }
0xbf: {  	s29 =	simm.s32 $0x4C80;
	[sflag:s1] =	ssyncadd.s32 $0xFFFFF800  }
0xc0: {  	[spmem:s3] =	stream.indirect.scatter.add.f32 [tilespmem:s17], [sflag:$0x9], $0x10, s29, s15, $0xb8;
	[tilespmem:$0xDF00] =	vst v63  }
0xc1: {  	_ =	swait.ge [sflag:s10], $0x800  }
0xc2: {  	[sflag:s10] =	ssyncset.done $0x0  }
0xc3: {  	[sflag:s10] =	ssyncadd.s32 $0xFFFFF800  }
0xc4: {  	_ =	swait.ge [sflag:s0], $0x800  }
0xc5: {  	[sflag:s0] =	ssyncset.done $0x0  }
0xc6: {  	s6 =	simm.s32 $0x4D00;
	[sflag:s0] =	ssyncadd.s32 $0xFFFFF800  }
0xc7: {  	[spmem:s3] =	stream.indirect.scatter.add.f32 [tilespmem:s19], [sflag:$0x9], $0x10, s6, s15, $0xb8;
	[tilespmem:$0xDF00] =	vst v63  }
0xc8: {  	_ =	swait.ge [sflag:s10], $0x800  }
0xc9: {  	[sflag:s10] =	ssyncset.done $0x0  }
0xca: {  	[sflag:s10] =	ssyncadd.s32 $0xFFFFF800  }
0xcb: {  	_ =	swait.ge [sflag:s11], $0x800  }
0xcc: {  	[sflag:s11] =	ssyncset.done $0x0  }
0xcd: {  	s29 =	simm.s32 $0x4D80;
	[sflag:s11] =	ssyncadd.s32 $0xFFFFF800  }
0xce: {  	[spmem:s3] =	stream.indirect.scatter.add.f32 [tilespmem:s21], [sflag:$0x9], $0x10, s29, s15, $0xb8;
	[tilespmem:$0xDF00] =	vst v63  }
0xcf: {  	_ =	swait.ge [sflag:s10], $0x800  }
0xd0: {  	[sflag:s10] =	ssyncset.done $0x0  }
0xd1: {  	[sflag:s10] =	ssyncadd.s32 $0xFFFFF800  }
0xd2: {  	_ =	swait.ge [sflag:s18], $0x800  }
0xd3: {  	[sflag:s18] =	ssyncset.done $0x0  }
0xd4: {  	s6 =	simm.s32 $0x4E00;
	[sflag:s18] =	ssyncadd.s32 $0xFFFFF800  }
0xd5: {  	[spmem:s3] =	stream.indirect.scatter.add.f32 [tilespmem:s23], [sflag:$0x9], $0x10, s6, s15, $0xb8;
	[tilespmem:$0xDF00] =	vst v63  }
0xd6: {  	_ =	swait.ge [sflag:s10], $0x800  }
0xd7: {  	[sflag:s10] =	ssyncset.done $0x0  }
0xd8: {  	[sflag:s10] =	ssyncadd.s32 $0xFFFFF800  }
0xd9: {  	_ =	swait.ge [sflag:s20], $0x800  }
0xda: {  	[sflag:s20] =	ssyncset.done $0x0  }
0xdb: {  	s29 =	simm.s32 $0x4E80;
	[sflag:s20] =	ssyncadd.s32 $0xFFFFF800  }
0xdc: {  	[spmem:s3] =	stream.indirect.scatter.add.f32 [tilespmem:s25], [sflag:$0x9], $0x10, s29, s15, $0xb8;
	[tilespmem:$0xDF00] =	vst v63  }
0xdd: {  	_ =	swait.ge [sflag:s10], $0x800  }
0xde: {  	[sflag:s10] =	ssyncset.done $0x0  }
0xdf: {  	[sflag:s10] =	ssyncadd.s32 $0xFFFFF800  }
0xe0: {  	_ =	swait.ge [sflag:s22], $0x800  }
0xe1: {  	[sflag:s22] =	ssyncset.done $0x0  }
0xe2: {  	s6 =	simm.s32 $0x4F00;
	[sflag:s22] =	ssyncadd.s32 $0xFFFFF800  }
0xe3: {  	[spmem:s3] =	stream.indirect.scatter.add.f32 [tilespmem:s28], [sflag:$0x9], $0x10, s6, s15, $0xb8;
	[tilespmem:$0xDF00] =	vst v63  }
0xe4: {  	_ =	swait.ge [sflag:s10], $0x800  }
0xe5: {  	[sflag:s10] =	ssyncset.done $0x0  }
0xe6: {  	[sflag:s10] =	ssyncadd.s32 $0xFFFFF800  }
0xe7: {  	_ =	swait.ge [sflag:s24], $0x800  }
0xe8: {  	[sflag:s24] =	ssyncset.done $0x0  }
0xe9: {  	s29 =	simm.s32 $0x4F80;
	[sflag:s24] =	ssyncadd.s32 $0xFFFFF800  }
0xea: {  	[spmem:s3] =	stream.indirect.scatter.add.f32 [tilespmem:s30], [sflag:$0x9], $0x10, s29, s15, $0xb8;
	[tilespmem:$0xDF00] =	vst v63  }
0xeb: {  	_ =	swait.ge [sflag:s10], $0x800  }
0xec: {  	s26 =	sadd.s32 $0x1, s26;
	[sflag:s10] =	ssyncset.done $0x0  }
0xed: {  	p0 =	sne.s32 s26, s9;
	[sflag:s10] =	ssyncadd.s32 $0xFFFFF800  }
.Ltmp1:
0xee: {  	[bflag:$0x0] =	sbarrier.arrive $0xFFFF;
	(pc) =	sbr.rel @p0 .LBB2_1-.Ltmp1, $4  }
0xef: {  	[hbm:s8], [sflag:s12] =	dma.local [spmem:s14], $0x4F0  }
0xf0: {  	_ =	swait.ge [sflag:s10], $0x4F0  }
0xf1: {  	[sflag:s10] =	ssyncset.done $0x0  }
0xf2: {  	[sflag:s10] =	ssyncadd.s32 $0xFFFFFB10  }
0xf3: {  	_ =	sfence.sel $0x180000  }
0xf4: {  	[bflag:$0x0] =	sbarrier.arrive $0xFFFF  }
0xf5: {  	_ =	strace $0x9000004A  }
0xf6: {  	s0 =	stileid.u32;
	[bflag:$0x2] =	sbarrier.arrive $0xFFFF  }
0xf7: {  	p0 =	sne.s32 s0, $0x0;
	s0 =	rddreg [dreg:$0x3]  }
0xf8: {  	s0 =	sadd.s32 @!p0 $0x100000, s0  }
0xf9: {  	[sflag:s0] =	ssyncadd.tile.s32 @!p0 $0x1;
	_ =	shalt  }
.Lfunc_end2:
_tile_overlayer_lowered:
.L_overlay_start_2:
0xfa: {  	(tag) =	ssettag $0x2  }
0xfb: {  	s0 =	rddreg [dreg:$0x0];
	s2 =	stileid.u32  }
0xfc: {  	s1 =	rddreg [dreg:$0x1];
	p0 =	sne.s32 s2, $0x0  }
0xfd: {  	s3 =	rddreg [dreg:$0x2];
	[bflag:$0x3] =	sbarrier.arrive $0xFFFF;
	s2 =	simm.s32 @!p0 $0x1C09  }
0xfe: {  	[timem:s3], [sflag:s2] =	dma.local @!p0 [hbm:s0], s1  }
0xff: {  	s0 =	simm.s32 @!p0 $0x9  }
0x100: {  	_ =	swait.ge @!p0 [sflag:s0], s1  }
0x101: {  	s1 =	ssub.s32 @!p0 $0x0, s1;
	[sflag:s0] =	ssyncset.done @!p0 $0x0  }
0x102: {  	[sflag:s0] =	ssyncadd.s32 @!p0 s1  }
0x103: {  	[bflag:$0x3] =	sbarrier.arrive $0xFFFF  }
0x104: {  	_ =	shalt  }

// kernel: kernel.16.cloned.1.call-start
scs
__scs_entry_jumppad:
0x0: {  	(pc) =	sbr.rel $0x88, $3  }
0x1: {  	(tag) =	ssettag $0x0;
	lr =	simm.s32 $0x1  }
0x2: {  	[smem:$0x3F99] =	sst lr;
	_ =	strace $0xD0000000  }
0x3: {  	_ = 	snop  }
0x4: {  	_ = 	snop  }
0x5: {  	_ = 	snop  }
0x6: {  	_ = 	snop  }
0x7: {  	_ = 	snop  }
__scs_overlays_trampoline_lowered:
0x8: {  	[smem:$0x3FA8] =	sst s0  }
0x9: {  	[smem:$0x3FA9] =	sst s1  }
0xa: {  	[smem:$0x3FAA] =	sst s2  }
0xb: {  	[smem:$0x3FAB] =	sst s3  }
0xc: {  	[smem:$0x3FAC] =	sst s4  }
0xd: {  	[smem:$0x3FAD] =	sst s5  }
0xe: {  	[smem:$0x3FAE] =	sst s6  }
0xf: {  	[smem:$0x3FAF] =	sst s7  }
0x10: {  	[smem:$0x3FB0] =	sst s8  }
0x11: {  	[smem:$0x3FB1] =	sst s9;
	s0 =	simm.s32 @!p0 $0x0  }
0x12: {  	s1 =	sld [smem:$0x3F97];
	s0 =	simm.s32 @p0 $0x1  }
0x13: {  	[smem:$0x3FB2] =	sst s0;
	s0 =	simm.s32 @!p1 $0x0  }
0x14: {  	s2 =	sld [smem:$0x3F96];
	s0 =	simm.s32 @p1 $0x1  }
0x15: {  	[smem:$0x3FB3] =	sst s0;
	s0 =	simm.s32 @!p2 $0x0  }
0x16: {  	s3 =	sld [smem:$0x3FDB];
	s0 =	simm.s32 @p2 $0x1  }
0x17: {  	s4 =	simm.s32 $0x1BF5;
	[smem:$0x3FB5] =	sst s0  }
0x18: {  	s0 =	sld [smem:$0x3F98];
	_ =	swait.ge [sflag:s4], $0x0  }
0x19: {  	s7 =	sld [smem:$0x3F99]  }
0x1a: {  	s8 =	sadd.s32 $0xFFFFE003, lr  }
0x1b: {  	s9 =	sadd.s32 $0xFFFFFEF7, lr;
	s5 =	simm.s32 $0xFFFFFFFF;
	p2 =	slt.u32 s8, $0xFFFFF086  }
0x1c: {  	p1 =	slt.u32 s9, $0xF7A;
	s5 =	simm.s32 @!p2 $0x0  }
0x1d: {  	s5 =	simm.s32 @p1 $0x1;
	p0 =	seq.s32 s7, s2  }
0x1e: {  	s7 =	smul.u32 @!p0 $0xF7A, s2;
	p2 =	seq.s32 @!p0 s5, $0x0  }
0x1f: {  	s9 =	smul.u32 $0xF7A, s1;
	s8 =	simm.s32 @!p0 $0x1BF5;
	p2 =	por !p2, p0  }
0x20: {  	[sflag:s8] =	ssyncset.s32 @!p0 $0xFFFFF086;
	s6 =	sadd.s32 @!p0 s3, s7;
	s7 =	simm.s32 @!p0 $0x108  }
0x21: {  	s3 =	sadd.s32 s3, s9;
	s6 =	sadd.s32 @!p0 $0x88, s6;
	s7 =	simm.s32 @p2 $0x1082  }
0x22: {  	[simem:s7], [sflag:s8] =	dma.local @!p0 [hbm:s6], $0xF7A  }
0x23: {  	s9 =	sor.u32 $0xD0000000, s2;
	s6 =	simm.s32 $0x108;
	_ =	swait.ge @!p0 [sflag:s8], $0x0  }
0x24: {  	s3 =	sadd.s32 $0x88, s3;
	s6 =	simm.s32 @!p1 $0x1082;
	[sflag:s4] =	ssyncset.s32 $0xFFFFF086  }
0x25: {  	[simem:s6], [sflag:s4] =	dma.local [hbm:s3], $0xF7A  }
0x26: {  	[smem:$0x3F99] =	sst s1;
	(tag) =	ssettag s2;
	_ =	strace s9  }
0x27: {  	s1 =	sld [smem:$0x3FA9]  }
0x28: {  	s2 =	sld [smem:$0x3FAA]  }
0x29: {  	s4 =	sld [smem:$0x3FAC]  }
0x2a: {  	p0 =	seq.s32 s5, $0x0;
	s5 =	sld [smem:$0x3FAD]  }
0x2b: {  	s6 =	sld [smem:$0x3FAE]  }
0x2c: {  	s7 =	sld [smem:$0x3FAF]  }
0x2d: {  	s3 =	simm.s32 $0x108;
	s8 =	sld [smem:$0x3FB0]  }
0x2e: {  	s3 =	simm.s32 @!p0 $0x1082;
	s9 =	sld [smem:$0x3FB1]  }
0x2f: {  	lr =	sadd.s32 s0, s3;
	s0 =	sld [smem:$0x3FA8]  }
0x30: {  	s3 =	sld [smem:$0x3FAB]  }
0x31: {  	[smem:$0x3FB4] =	sst s10  }
0x32: {  	s10 =	sld [smem:$0x3FB2];
	_ =	sdelay $0x3  }
0x33: {  	p0 =	seq.s32 s10, $0x1;
	s10 =	sld [smem:$0x3FB4];
	_ =	sdelay $0x3  }
0x34: {  	[smem:$0x3FB4] =	sst s10  }
0x35: {  	s10 =	sld [smem:$0x3FB3];
	_ =	sdelay $0x3  }
0x36: {  	p1 =	seq.s32 s10, $0x1;
	s10 =	sld [smem:$0x3FB4];
	_ =	sdelay $0x3  }
0x37: {  	[smem:$0x3FB4] =	sst s10  }
0x38: {  	s10 =	sld [smem:$0x3FB5]  }
0x39: {  	_ = 	snop;
	(pc) =	sbr.ind lr, $3  }
0x3a: {  	_ = 	snop  }
0x3b: {  	_ = 	snop  }
0x3c: {  	p2 =	seq.s32 s10, $0x1;
	s10 =	sld [smem:$0x3FB4]  }
0x3d: {  	_ =	shalt  }
0x3e: {  	_ =	shalt  }
0x3f: {  	_ =	shalt  }
0x40: {  	_ =	shalt  }
0x41: {  	_ =	shalt  }
0x42: {  	_ =	shalt  }
0x43: {  	_ =	shalt  }
0x44: {  	_ =	shalt  }
0x45: {  	_ =	shalt  }
0x46: {  	_ =	shalt  }
0x47: {  	_ =	shalt  }
0x48: {  	_ =	shalt  }
0x49: {  	_ =	shalt  }
0x4a: {  	_ =	shalt  }
0x4b: {  	_ =	shalt  }
0x4c: {  	_ =	shalt  }
0x4d: {  	_ =	shalt  }
0x4e: {  	_ =	shalt  }
0x4f: {  	_ =	shalt  }
0x50: {  	_ =	shalt  }
0x51: {  	_ =	shalt  }
0x52: {  	_ =	shalt  }
0x53: {  	_ =	shalt  }
0x54: {  	_ =	shalt  }
0x55: {  	_ =	shalt  }
0x56: {  	_ =	shalt  }
0x57: {  	_ =	shalt  }
0x58: {  	_ =	shalt  }
0x59: {  	_ =	shalt  }
0x5a: {  	_ =	shalt  }
0x5b: {  	_ =	shalt  }
0x5c: {  	_ =	shalt  }
0x5d: {  	_ =	shalt  }
0x5e: {  	_ =	shalt  }
0x5f: {  	_ =	shalt  }
0x60: {  	_ =	shalt  }
0x61: {  	_ =	shalt  }
0x62: {  	_ =	shalt  }
0x63: {  	_ =	shalt  }
0x64: {  	_ =	shalt  }
0x65: {  	_ =	shalt  }
0x66: {  	_ =	shalt  }
0x67: {  	_ =	shalt  }
0x68: {  	_ =	shalt  }
0x69: {  	_ =	shalt  }
0x6a: {  	_ =	shalt  }
0x6b: {  	_ =	shalt  }
0x6c: {  	_ =	shalt  }
0x6d: {  	_ =	shalt  }
0x6e: {  	_ =	shalt  }
0x6f: {  	_ =	shalt  }
0x70: {  	_ =	shalt  }
0x71: {  	_ =	shalt  }
0x72: {  	_ =	shalt  }
0x73: {  	_ =	shalt  }
0x74: {  	_ =	shalt  }
0x75: {  	_ =	shalt  }
0x76: {  	_ =	shalt  }
0x77: {  	_ =	shalt  }
0x78: {  	_ =	shalt  }
0x79: {  	_ =	shalt  }
0x7a: {  	_ =	shalt  }
0x7b: {  	_ =	shalt  }
0x7c: {  	_ =	shalt  }
0x7d: {  	_ =	shalt  }
0x7e: {  	_ =	shalt  }
0x7f: {  	_ =	shalt  }
0x80: {  	_ =	shalt  }
0x81: {  	_ =	shalt  }
0x82: {  	_ =	shalt  }
0x83: {  	_ =	shalt  }
0x84: {  	_ =	shalt  }
0x85: {  	_ =	shalt  }
0x86: {  	_ =	shalt  }
0x87: {  	_ =	shalt  }
.Lfunc_end0:
.L_simem_size_0:
called_computation.2_lowered:
.L_overlay_start_0:
0x88: {  	s2 =	sld [smem:$0x3FD9]  }
0x89: {  	s3 =	sld [smem:$0x3FFE];
	_ =	sdelay $0x1  }
0x8a: {  	s1 =	srdreg.scid  }
0x8b: {  	s0 =	sand.u32 $0x1, s1  }
0x8c: {  	s16 =	sshll.u32 s0, $0xA;
	s2 =	sadd.s32 s3, s2  }
0x8d: {  	s2 =	sadd.s32 s2, s16  }
0x8e: {  	[smem:$0x3FC0] =	sst s2  }
0x8f: {  	_ = 	snop  }
0x90: {  	(tm) =	ssettm $0x1  }
0x91: {  	s17 =	sld [smem:$0x3FFB];
	_ =	sdelay $0x3  }
0x92: {  	_ =	strace s17  }
0x93: {  	s2 =	sld [smem:$0x3FFC];
	_ =	sdelay $0x3  }
0x94: {  	_ =	strace s2  }
0x95: {  	s2 =	sld [smem:$0x3FFD];
	_ =	sdelay $0x3  }
0x96: {  	_ =	strace s2  }
0x97: {  	_ =	strace $0x8FFFFFFF  }
0x98: {  	s18 =	sld [smem:$0x3FDB];
	_ =	sdelay $0x1  }
0x99: {  	s19 =	simm.s32 $_scs_section_size  }
0x9a: {  	s4 =	simm.s32 $_size__tile_overlayer_lowered;
	s5 =	simm.s32 $_tile_overlayer_lowered  }
0x9b: {  	s22 =	simm.s32 $0x1BFF;
	s21 =	sshll.u32 s5, $0x1;
	s2 =	sadd.s32 s19, s18  }
0x9c: {  	s6 =	simm.s32 $0x0;
	s20 =	sshll.u32 s4, $0x1;
	s4 =	sadd.s32 s21, s2  }
0x9d: {  	[timem:s6], [sflag:s22] =	dma.local [hbm:s4], s20  }
0x9e: {  	_ =	swait.ge [sflag:s22], s20  }
0x9f: {  	s3 =	ssub.s32 $0x0, s20;
	[sflag:s22] =	ssyncset.done $0x0  }
0xa0: {  	[sflag:s22] =	ssyncadd.s32 s3;
	_ =	sdelay $0x1  }
0xa1: {  	s23 =	simm.s32 $0x1B8B  }
0xa2: {  	_ =	swait.ge [sflag:s23], $0x1  }
0xa3: {  	[sflag:s23] =	ssyncset.done $0x0  }
0xa4: {  	s25 =	simm.s32 $0x1B8E;
	s24 =	sld [smem:$0x3FFE];
	[sflag:s23] =	ssyncadd.s32 $0xFFFFFFFF  }
0xa5: {  	s26 =	simm.s32 $execute0_lowered;
	[smem:$0x3FD2] =	sst s25  }
0xa6: {  	s4 =	sshll.u32 s26, $0x1;
	_ =	strace $0x8000004C;
	[dreg:$0x1] =	wrdreg $0xFFFFFFFF  }
0xa7: {  	s28 =	simm.s32 $_size_execute0_lowered;
	s2 =	sadd.s32 s2, s4;
	[dreg:$0x0] =	wrdreg $0x0  }
0xa8: {  	s4 =	sshll.u32 s28, $0x1;
	[dreg:$0x2] =	wrdreg s2  }
0xa9: {  	[dreg:$0x3] =	wrdreg s4  }
0xaa: {  	[dreg:$0x4] =	wrdreg $0xC0  }
0xab: {  	_ =	task [dreg:s6], $0x5FFFF  }
0xac: {  	[dreg:$0x1] =	wrdreg $0xFFFFFFFF  }
0xad: {  	[dreg:$0x0] =	wrdreg $0x60  }
0xae: {  	[dreg:$0x2] =	wrdreg s24  }
0xaf: {  	[dreg:$0x3] =	wrdreg $0x90000  }
0xb0: {  	[dreg:$0x4] =	wrdreg $0xB7800  }
0xb1: {  	[dreg:$0x5] =	wrdreg $0x9  }
0xb2: {  	_ =	task.clear_ibuf [dreg:s6], $0x6FFFF;
	_ =	strace $0x9000004C  }
0xb3: {  	s29 =	simm.s32 $0x9;
	_ =	strace $0x8000004E  }
0xb4: {  	_ =	swait.ge [sflag:s29], $0x1  }
0xb5: {  	[sflag:s29] =	ssyncadd.s32 $0xFFFFFFFF  }
0xb6: {  	_ =	strace $0x9000004E  }
0xb7: {  	_ =	sfence  }
0xb8: {  	s30 =	sld [smem:$0x0];
	_ =	sdelay $0x2  }
0xb9: {  	s31 =	sshll.u32 s1, $0xD;
	s1 =	sshrl.u32 s1, $0x2  }
0xba: {  	s3 =	sand.u32 $0x4000, s31;
	s1 =	sadd.s32 s1, s30  }
0xbb: {  	s0 =	sor.u32 s3, s0;
	s1 =	sshll.u32 s1, $0x11  }
0xbc: {  	s0 =	sor.u32 s1, s0  }
0xbd: {  	s0 =	sadd.s32 $0x8F2B, s0  }
0xbe: {  	[sflag:s0] =	ssyncadd.remote.s32 $0x1  }
0xbf: {  	_ =	sfence.sel $0xFFFF  }
0xc0: {  	[dreg:$0x0] =	wrdreg $0xFFFFFFFF;
	(pc) =	sbr.abs _section_cstart, $3  }
0xc1: {  	[dreg:$0x1] =	wrdreg $0xFFFFFFFF  }
0xc2: {  	_ =	task.clear_ibuf [dreg:s6], $0x2FFFF;
	_ =	strace $0x9FFFFFFF  }
0xc3: {  	(tm) =	ssettm $0x7FFFFFFF  }
tec
execute0_lowered:
.L_overlay_start_1:
0x0: {  	(tag) =	ssettag $0x1  }
0x1: {  	s0 =	srdreg.scid;
	s1 =	rddreg [dreg:$0x0]  }
0x2: {  	s12 =	stileid.u32;
	s2 =	rddreg [dreg:$0x1]  }
0x3: {  	s10 =	simm.s32 $0x9;
	s15 =	simm.s32 $0x80;
	s16 =	simm.s32 $0x5000  }
0x4: {  	s17 =	simm.s32 $0x5800;
	s19 =	simm.s32 $0x6000;
	s21 =	simm.s32 $0x6800  }
0x5: {  	s23 =	simm.s32 $0x7000;
	s28 =	simm.s32 $0x8000;
	s30 =	simm.s32 $0x8800  }
0x6: {  	s31 =	simm.s32 $0x1;
	s18 =	simm.s32 $0x5;
	s20 =	simm.s32 $0x6  }
0x7: {  	s22 =	simm.s32 $0x7;
	s24 =	simm.s32 $0x8;
	s0 =	sand.u32 $0x1, s0  }
0x8: {  	s3 =	sshll.u32 s12, $0x1;
	s8 =	smul.u32 $0x2780, s12;
	s29 =	sshll.u32 s12, $0x6  }
0x9: {  	s4 =	sor.u32 s0, s3;
	s3 =	rddreg [dreg:$0x2];
	s6 =	smul.u32 $0x27800, s0  }
0xa: {  	s0 =	ssub.s32 $0x2, s0;
	s12 =	sor.u32 $0x1C09, s29;
	s5 =	smul.u32 $0x500, s4  }
0xb: {  	s4 =	simm.s32 $0x0;
	s7 =	sshrl.u32 s8, $0x3;
	s9 =	sshrl.u32 s0, $0x1  }
0xc: {  	s26 =	sadd.s32 s8, s2;
	s11 =	sadd.s32 s8, s3;
	[smem:$0x7FF] =	sst s4  }
0xd: {  	s6 =	sadd.s32 s8, s6;
	s7 =	sadd.s32 s7, s1;
	s0 =	ssub.s32 s0, s9  }
0xe: {  	s13 =	sshrl.u32 s26, $0x3;
	s14 =	sshrl.u32 s11, $0x3;
	s11 =	simm.s32 $0x4  }
0xf: {  	s26 =	simm.s32 $0x0;
	_ =	strace $0x8000004D;
	s5 =	sadd.s32 s5, s1  }
0x10: {  	s6 =	sshrl.u32 s6, $0x3;
	s7 =	sadd.s32 $0xB400, s7;
	s25 =	sadd.s32 $0x65200, s5  }
0x11: {  	s9 =	smax.u32 s0, $0x1;
	s5 =	sadd.s32 $0x1400, s5;
	[dreg:$0x4] =	wrdreg s25  }
0x12: {  	s0 =	simm.s32 $0x3;
	s1 =	sadd.s32 s6, s1;
	[dreg:$0x5] =	wrdreg s5  }
0x13: {  	s8 =	sadd.s32 $0x10400, s1;
	s25 =	simm.s32 $0x7800;
	s1 =	simm.s32 $0x2  }
.LBB2_1:
0x14: {  	s5 =	rddreg [dreg:$0x4]  }
0x15: {  	[tilespmem:s4], [sflag:$0x9] =	stream.linear.gather [hbm4b:s5+s4], $0x2800, $0x38;
	[tilespmem:$0xDF00] =	vst v63  }
0x16: {  	_ =	swait.ge [sflag:s10], $0x2800  }
0x17: {  	[sflag:s10] =	ssyncset.done $0x0  }
0x18: {  	s6 =	simm.s32 $0x2800;
	s5 =	rddreg [dreg:$0x5];
	[sflag:s10] =	ssyncadd.s32 $0xFFFFD800  }
0x19: {  	[tilespmem:s6], [sflag:$0x9] =	stream.linear.gather [hbm4b:s5+s4], $0x2800, $0x38;
	[tilespmem:$0xDF00] =	vst v63  }
0x1a: {  	_ =	swait.ge [sflag:s10], $0x2800  }
0x1b: {  	[sflag:s10] =	ssyncset.done $0x0  }
0x1c: {  	[sflag:s10] =	ssyncadd.s32 $0xFFFFD800  }
0x1d: {  	[spmem:s13], [sflag:s12] =	dma.local [hbm:s7], $0x4F0  }
0x1e: {  	_ =	swait.ge [sflag:s10], $0x4F0  }
0x1f: {  	[sflag:s10] =	ssyncset.done $0x0  }
0x20: {  	[sflag:s10] =	ssyncadd.s32 $0xFFFFFB10  }
0x21: {  	[spmem:s14], [sflag:s12] =	dma.local [hbm:s7], $0x4F0  }
0x22: {  	_ =	swait.ge [sflag:s10], $0x4F0  }
0x23: {  	[sflag:s10] =	ssyncset.done $0x0  }
0x24: {  	[sflag:s10] =	ssyncadd.s32 $0xFFFFFB10  }
0x25: {  	[bflag:$0x0] =	sbarrier.arrive $0xFFFF  }
0x26: {  	[tilespmem:s16], [sflag:$0x1] =	stream.indirect.gather [spmem:s2], $0x10, s4, s15, $0xb8;
	[tilespmem:$0xDF00] =	vst v63  }
0x27: {  	_ = 	snop  }
0x28: {  	[tilespmem:s17], [sflag:$0x2] =	stream.indirect.gather [spmem:s2], $0x10, s15, s15, $0xb8;
	[tilespmem:$0xDF00] =	vst v63  }
0x29: {  	s6 =	simm.s32 $0x100  }
0x2a: {  	[tilespmem:s19], [sflag:$0x3] =	stream.indirect.gather [spmem:s2], $0x10, s6, s15, $0xb8;
	[tilespmem:$0xDF00] =	vst v63  }
0x2b: {  	s6 =	simm.s32 $0x180  }
0x2c: {  	[tilespmem:s21], [sflag:$0x4] =	stream.indirect.gather [spmem:s2], $0x10, s6, s15, $0xb8;
	[tilespmem:$0xDF00] =	vst v63  }
0x2d: {  	s6 =	simm.s32 $0x200  }
0x2e: {  	[tilespmem:s23], [sflag:$0x5] =	stream.indirect.gather [spmem:s2], $0x10, s6, s15, $0xb8;
	[tilespmem:$0xDF00] =	vst v63  }
0x2f: {  	s6 =	simm.s32 $0x280  }
0x30: {  	[tilespmem:s25], [sflag:$0x6] =	stream.indirect.gather [spmem:s2], $0x10, s6, s15, $0xb8;
	[tilespmem:$0xDF00] =	vst v63  }
0x31: {  	s6 =	simm.s32 $0x300  }
0x32: {  	[tilespmem:s28], [sflag:$0x7] =	stream.indirect.gather [spmem:s2], $0x10, s6, s15, $0xb8;
	[tilespmem:$0xDF00] =	vst v63  }
0x33: {  	s6 =	simm.s32 $0x380  }
0x34: {  	[tilespmem:s30], [sflag:$0x8] =	stream.indirect.gather [spmem:s2], $0x10, s6, s15, $0xb8;
	[tilespmem:$0xDF00] =	vst v63  }
0x35: {  	_ =	swait.ge [sflag:s31], $0x800  }
0x36: {  	[sflag:s31] =	ssyncset.done $0x0  }
0x37: {  	s6 =	simm.s32 $0x2800;
	[sflag:s31] =	ssyncadd.s32 $0xFFFFF800  }
0x38: {  	[spmem:s3] =	stream.indirect.scatter.add.f32 [tilespmem:s16], [sflag:$0x9], $0x10, s6, s15, $0xb8;
	[tilespmem:$0xDF00] =	vst v63  }
0x39: {  	_ =	swait.ge [sflag:s10], $0x800  }
0x3a: {  	[sflag:s10] =	ssyncset.done $0x0  }
0x3b: {  	s6 =	simm.s32 $0x400;
	[sflag:s10] =	ssyncadd.s32 $0xFFFFF800  }
0x3c: {  	[tilespmem:s16], [sflag:$0x1] =	stream.indirect.gather [spmem:s2], $0x10, s6, s15, $0xb8;
	[tilespmem:$0xDF00] =	vst v63  }
0x3d: {  	_ =	swait.ge [sflag:s1], $0x800  }
0x3e: {  	[sflag:s1] =	ssyncset.done $0x0  }
0x3f: {  	s6 =	simm.s32 $0x2880;
	[sflag:s1] =	ssyncadd.s32 $0xFFFFF800  }
0x40: {  	[spmem:s3] =	stream.indirect.scatter.add.f32 [tilespmem:s17], [sflag:$0x9], $0x10, s6, s15, $0xb8;
	[tilespmem:$0xDF00] =	vst v63  }
0x41: {  	_ =	swait.ge [sflag:s10], $0x800  }
0x42: {  	[sflag:s10] =	ssyncset.done $0x0  }
0x43: {  	s6 =	simm.s32 $0x480;
	[sflag:s10] =	ssyncadd.s32 $0xFFFFF800  }
0x44: {  	[tilespmem:s17], [sflag:$0x2] =	stream.indirect.gather [spmem:s2], $0x10, s6, s15, $0xb8;
	[tilespmem:$0xDF00] =	vst v63  }
0x45: {  	_ =	swait.ge [sflag:s0], $0x800  }
0x46: {  	[sflag:s0] =	ssyncset.done $0x0  }
0x47: {  	s6 =	simm.s32 $0x2900;
	[sflag:s0] =	ssyncadd.s32 $0xFFFFF800  }
0x48: {  	[spmem:s3] =	stream.indirect.scatter.add.f32 [tilespmem:s19], [sflag:$0x9], $0x10, s6, s15, $0xb8;
	[tilespmem:$0xDF00] =	vst v63  }
0x49: {  	_ =	swait.ge [sflag:s10], $0x800  }
0x4a: {  	[sflag:s10] =	ssyncset.done $0x0  }
0x4b: {  	s6 =	simm.s32 $0x500;
	[sflag:s10] =	ssyncadd.s32 $0xFFFFF800  }
0x4c: {  	[tilespmem:s19], [sflag:$0x3] =	stream.indirect.gather [spmem:s2], $0x10, s6, s15, $0xb8;
	[tilespmem:$0xDF00] =	vst v63  }
0x4d: {  	_ =	swait.ge [sflag:s11], $0x800  }
0x4e: {  	[sflag:s11] =	ssyncset.done $0x0  }
0x4f: {  	s6 =	simm.s32 $0x2980;
	[sflag:s11] =	ssyncadd.s32 $0xFFFFF800  }
0x50: {  	[spmem:s3] =	stream.indirect.scatter.add.f32 [tilespmem:s21], [sflag:$0x9], $0x10, s6, s15, $0xb8;
	[tilespmem:$0xDF00] =	vst v63  }
0x51: {  	_ =	swait.ge [sflag:s10], $0x800  }
0x52: {  	[sflag:s10] =	ssyncset.done $0x0  }
0x53: {  	s6 =	simm.s32 $0x580;
	[sflag:s10] =	ssyncadd.s32 $0xFFFFF800  }
0x54: {  	[tilespmem:s21], [sflag:$0x4] =	stream.indirect.gather [spmem:s2], $0x10, s6, s15, $0xb8;
	[tilespmem:$0xDF00] =	vst v63  }
0x55: {  	_ =	swait.ge [sflag:s18], $0x800  }
0x56: {  	[sflag:s18] =	ssyncset.done $0x0  }
0x57: {  	s6 =	simm.s32 $0x2A00;
	[sflag:s18] =	ssyncadd.s32 $0xFFFFF800  }
0x58: {  	[spmem:s3] =	stream.indirect.scatter.add.f32 [tilespmem:s23], [sflag:$0x9], $0x10, s6, s15, $0xb8;
	[tilespmem:$0xDF00] =	vst v63  }
0x59: {  	_ =	swait.ge [sflag:s10], $0x800  }
0x5a: {  	[sflag:s10] =	ssyncset.done $0x0  }
0x5b: {  	s6 =	simm.s32 $0x600;
	[sflag:s10] =	ssyncadd.s32 $0xFFFFF800  }
0x5c: {  	[tilespmem:s23], [sflag:$0x5] =	stream.indirect.gather [spmem:s2], $0x10, s6, s15, $0xb8;
	[tilespmem:$0xDF00] =	vst v63  }
0x5d: {  	_ =	swait.ge [sflag:s20], $0x800  }
0x5e: {  	[sflag:s20] =	ssyncset.done $0x0  }
0x5f: {  	s6 =	simm.s32 $0x2A80;
	[sflag:s20] =	ssyncadd.s32 $0xFFFFF800  }
0x60: {  	[spmem:s3] =	stream.indirect.scatter.add.f32 [tilespmem:s25], [sflag:$0x9], $0x10, s6, s15, $0xb8;
	[tilespmem:$0xDF00] =	vst v63  }
0x61: {  	_ =	swait.ge [sflag:s10], $0x800  }
0x62: {  	[sflag:s10] =	ssyncset.done $0x0  }
0x63: {  	s6 =	simm.s32 $0x680;
	[sflag:s10] =	ssyncadd.s32 $0xFFFFF800  }
0x64: {  	[tilespmem:s25], [sflag:$0x6] =	stream.indirect.gather [spmem:s2], $0x10, s6, s15, $0xb8;
	[tilespmem:$0xDF00] =	vst v63  }
0x65: {  	_ =	swait.ge [sflag:s22], $0x800  }
0x66: {  	[sflag:s22] =	ssyncset.done $0x0  }
0x67: {  	s6 =	simm.s32 $0x2B00;
	[sflag:s22] =	ssyncadd.s32 $0xFFFFF800  }
0x68: {  	[spmem:s3] =	stream.indirect.scatter.add.f32 [tilespmem:s28], [sflag:$0x9], $0x10, s6, s15, $0xb8;
	[tilespmem:$0xDF00] =	vst v63  }
0x69: {  	_ =	swait.ge [sflag:s10], $0x800  }
0x6a: {  	[sflag:s10] =	ssyncset.done $0x0  }
0x6b: {  	s6 =	simm.s32 $0x700;
	[sflag:s10] =	ssyncadd.s32 $0xFFFFF800  }
0x6c: {  	[tilespmem:s28], [sflag:$0x7] =	stream.indirect.gather [spmem:s2], $0x10, s6, s15, $0xb8;
	[tilespmem:$0xDF00] =	vst v63  }
0x6d: {  	_ =	swait.ge [sflag:s24], $0x800  }
0x6e: {  	[sflag:s24] =	ssyncset.done $0x0  }
0x6f: {  	s6 =	simm.s32 $0x2B80;
	[sflag:s24] =	ssyncadd.s32 $0xFFFFF800  }
0x70: {  	[spmem:s3] =	stream.indirect.scatter.add.f32 [tilespmem:s30], [sflag:$0x9], $0x10, s6, s15, $0xb8;
	[tilespmem:$0xDF00] =	vst v63  }
0x71: {  	_ =	swait.ge [sflag:s10], $0x800  }
0x72: {  	[sflag:s10] =	ssyncset.done $0x0  }
0x73: {  	s29 =	simm.s32 $0x1000;
	s5 =	simm.s32 $0x780;
	[sflag:s10] =	ssyncadd.s32 $0xFFFFF800  }
.LBB2_2:
0x74: {  	[tilespmem:s30], [sflag:$0x8] =	stream.indirect.gather [spmem:s2], $0x10, s5, s15, $0xb8;
	[tilespmem:$0xDF00] =	vst v63  }
0x75: {  	s5 =	smov.u32 s29  }
0x76: {  	p0 =	sne.s32 s29, $0x8000;
	s29 =	sadd.s32 $0x1000, s29;
	_ =	swait.ge [sflag:s31], $0x800  }
0x77: {  	s5 =	sshra.s32 s5, $0x2;
	[sflag:s31] =	ssyncset.done $0x0  }
0x78: {  	s6 =	sadd.s32 $0x2800, s5;
	[sflag:s31] =	ssyncadd.s32 $0xFFFFF800  }
0x79: {  	[spmem:s3] =	stream.indirect.scatter.add.f32 [tilespmem:s16], [sflag:$0x9], $0x10, s6, s15, $0xb8;
	[tilespmem:$0xDF00] =	vst v63  }
0x7a: {  	_ =	swait.ge [sflag:s10], $0x800  }
0x7b: {  	[sflag:s10] =	ssyncset.done $0x0  }
0x7c: {  	s6 =	sadd.s32 $0x400, s5;
	[sflag:s10] =	ssyncadd.s32 $0xFFFFF800  }
0x7d: {  	[tilespmem:s16], [sflag:$0x1] =	stream.indirect.gather [spmem:s2], $0x10, s6, s15, $0xb8;
	[tilespmem:$0xDF00] =	vst v63  }
0x7e: {  	_ =	swait.ge [sflag:s1], $0x800  }
0x7f: {  	[sflag:s1] =	ssyncset.done $0x0  }
0x80: {  	s6 =	sadd.s32 $0x2880, s5;
	[sflag:s1] =	ssyncadd.s32 $0xFFFFF800  }
0x81: {  	[spmem:s3] =	stream.indirect.scatter.add.f32 [tilespmem:s17], [sflag:$0x9], $0x10, s6, s15, $0xb8;
	[tilespmem:$0xDF00] =	vst v63  }
0x82: {  	_ =	swait.ge [sflag:s10], $0x800  }
0x83: {  	[sflag:s10] =	ssyncset.done $0x0  }
0x84: {  	s6 =	sadd.s32 $0x480, s5;
	[sflag:s10] =	ssyncadd.s32 $0xFFFFF800  }
0x85: {  	[tilespmem:s17], [sflag:$0x2] =	stream.indirect.gather [spmem:s2], $0x10, s6, s15, $0xb8;
	[tilespmem:$0xDF00] =	vst v63  }
0x86: {  	_ =	swait.ge [sflag:s0], $0x800  }
0x87: {  	[sflag:s0] =	ssyncset.done $0x0  }
0x88: {  	s6 =	sadd.s32 $0x2900, s5;
	[sflag:s0] =	ssyncadd.s32 $0xFFFFF800  }
0x89: {  	[spmem:s3] =	stream.indirect.scatter.add.f32 [tilespmem:s19], [sflag:$0x9], $0x10, s6, s15, $0xb8;
	[tilespmem:$0xDF00] =	vst v63  }
0x8a: {  	_ =	swait.ge [sflag:s10], $0x800  }
0x8b: {  	[sflag:s10] =	ssyncset.done $0x0  }
0x8c: {  	s6 =	sadd.s32 $0x500, s5;
	[sflag:s10] =	ssyncadd.s32 $0xFFFFF800  }
0x8d: {  	[tilespmem:s19], [sflag:$0x3] =	stream.indirect.gather [spmem:s2], $0x10, s6, s15, $0xb8;
	[tilespmem:$0xDF00] =	vst v63  }
0x8e: {  	_ =	swait.ge [sflag:s11], $0x800  }
0x8f: {  	[sflag:s11] =	ssyncset.done $0x0  }
0x90: {  	s6 =	sadd.s32 $0x2980, s5;
	[sflag:s11] =	ssyncadd.s32 $0xFFFFF800  }
0x91: {  	[spmem:s3] =	stream.indirect.scatter.add.f32 [tilespmem:s21], [sflag:$0x9], $0x10, s6, s15, $0xb8;
	[tilespmem:$0xDF00] =	vst v63  }
0x92: {  	_ =	swait.ge [sflag:s10], $0x800  }
0x93: {  	[sflag:s10] =	ssyncset.done $0x0  }
0x94: {  	s6 =	sadd.s32 $0x580, s5;
	[sflag:s10] =	ssyncadd.s32 $0xFFFFF800  }
0x95: {  	[tilespmem:s21], [sflag:$0x4] =	stream.indirect.gather [spmem:s2], $0x10, s6, s15, $0xb8;
	[tilespmem:$0xDF00] =	vst v63  }
0x96: {  	_ =	swait.ge [sflag:s18], $0x800  }
0x97: {  	[sflag:s18] =	ssyncset.done $0x0  }
0x98: {  	s6 =	sadd.s32 $0x2A00, s5;
	[sflag:s18] =	ssyncadd.s32 $0xFFFFF800  }
0x99: {  	[spmem:s3] =	stream.indirect.scatter.add.f32 [tilespmem:s23], [sflag:$0x9], $0x10, s6, s15, $0xb8;
	[tilespmem:$0xDF00] =	vst v63  }
0x9a: {  	_ =	swait.ge [sflag:s10], $0x800  }
0x9b: {  	[sflag:s10] =	ssyncset.done $0x0  }
0x9c: {  	s6 =	sadd.s32 $0x600, s5;
	[sflag:s10] =	ssyncadd.s32 $0xFFFFF800  }
0x9d: {  	[tilespmem:s23], [sflag:$0x5] =	stream.indirect.gather [spmem:s2], $0x10, s6, s15, $0xb8;
	[tilespmem:$0xDF00] =	vst v63  }
0x9e: {  	_ =	swait.ge [sflag:s20], $0x800  }
0x9f: {  	[sflag:s20] =	ssyncset.done $0x0  }
0xa0: {  	s6 =	sadd.s32 $0x2A80, s5;
	[sflag:s20] =	ssyncadd.s32 $0xFFFFF800  }
0xa1: {  	[spmem:s3] =	stream.indirect.scatter.add.f32 [tilespmem:s25], [sflag:$0x9], $0x10, s6, s15, $0xb8;
	[tilespmem:$0xDF00] =	vst v63  }
0xa2: {  	_ =	swait.ge [sflag:s10], $0x800  }
0xa3: {  	[sflag:s10] =	ssyncset.done $0x0  }
0xa4: {  	s6 =	sadd.s32 $0x680, s5;
	[sflag:s10] =	ssyncadd.s32 $0xFFFFF800  }
0xa5: {  	[tilespmem:s25], [sflag:$0x6] =	stream.indirect.gather [spmem:s2], $0x10, s6, s15, $0xb8;
	[tilespmem:$0xDF00] =	vst v63  }
0xa6: {  	_ =	swait.ge [sflag:s22], $0x800  }
0xa7: {  	[sflag:s22] =	ssyncset.done $0x0  }
0xa8: {  	s6 =	sadd.s32 $0x2B00, s5;
	[sflag:s22] =	ssyncadd.s32 $0xFFFFF800  }
0xa9: {  	[spmem:s3] =	stream.indirect.scatter.add.f32 [tilespmem:s28], [sflag:$0x9], $0x10, s6, s15, $0xb8;
	[tilespmem:$0xDF00] =	vst v63  }
0xaa: {  	_ =	swait.ge [sflag:s10], $0x800  }
0xab: {  	[sflag:s10] =	ssyncset.done $0x0  }
0xac: {  	s6 =	sadd.s32 $0x700, s5;
	[sflag:s10] =	ssyncadd.s32 $0xFFFFF800  }
0xad: {  	[tilespmem:s28], [sflag:$0x7] =	stream.indirect.gather [spmem:s2], $0x10, s6, s15, $0xb8;
	[tilespmem:$0xDF00] =	vst v63  }
0xae: {  	_ =	swait.ge [sflag:s24], $0x800  }
0xaf: {  	[sflag:s24] =	ssyncset.done $0x0  }
.Ltmp0:
0xb0: {  	s6 =	sadd.s32 $0x2B80, s5;
	[sflag:s24] =	ssyncadd.s32 $0xFFFFF800;
	(pc) =	sbr.rel @p0 .LBB2_2-.Ltmp0, $4  }
0xb1: {  	[spmem:s3] =	stream.indirect.scatter.add.f32 [tilespmem:s30], [sflag:$0x9], $0x10, s6, s15, $0xb8;
	[tilespmem:$0xDF00] =	vst v63  }
0xb2: {  	_ =	swait.ge [sflag:s10], $0x800  }
0xb3: {  	[sflag:s10] =	ssyncset.done $0x0  }
0xb4: {  	s5 =	sadd.s32 $0x780, s5;
	[sflag:s10] =	ssyncadd.s32 $0xFFFFF800  }
0xb5: {  	[tilespmem:s30], [sflag:$0x8] =	stream.indirect.gather [spmem:s2], $0x10, s5, s15, $0xb8;
	[tilespmem:$0xDF00] =	vst v63  }
0xb6: {  	_ =	swait.ge [sflag:s31], $0x800  }
0xb7: {  	[sflag:s31] =	ssyncset.done $0x0  }
0xb8: {  	s6 =	simm.s32 $0x4C00;
	[sflag:s31] =	ssyncadd.s32 $0xFFFFF800  }
0xb9: {  	[spmem:s3] =	stream.indirect.scatter.add.f32 [tilespmem:s16], [sflag:$0x9], $0x10, s6, s15, $0xb8;
	[tilespmem:$0xDF00] =	vst v63  }
0xba: {  	_ =	swait.ge [sflag:s10], $0x800  }
0xbb: {  	[sflag:s10] =	ssyncset.done $0x0  }
0xbc: {  	[sflag:s10] =	ssyncadd.s32 $0xFFFFF800  }
0xbd: {  	_ =	swait.ge [sflag:s1], $0x800  }
0xbe: {  	[sflag:s1] =	ssyncset.done $0x0  }
0xbf: {  	s29 =	simm.s32 $0x4C80;
	[sflag:s1] =	ssyncadd.s32 $0xFFFFF800  }
0xc0: {  	[spmem:s3] =	stream.indirect.scatter.add.f32 [tilespmem:s17], [sflag:$0x9], $0x10, s29, s15, $0xb8;
	[tilespmem:$0xDF00] =	vst v63  }
0xc1: {  	_ =	swait.ge [sflag:s10], $0x800  }
0xc2: {  	[sflag:s10] =	ssyncset.done $0x0  }
0xc3: {  	[sflag:s10] =	ssyncadd.s32 $0xFFFFF800  }
0xc4: {  	_ =	swait.ge [sflag:s0], $0x800  }
0xc5: {  	[sflag:s0] =	ssyncset.done $0x0  }
0xc6: {  	s6 =	simm.s32 $0x4D00;
	[sflag:s0] =	ssyncadd.s32 $0xFFFFF800  }
0xc7: {  	[spmem:s3] =	stream.indirect.scatter.add.f32 [tilespmem:s19], [sflag:$0x9], $0x10, s6, s15, $0xb8;
	[tilespmem:$0xDF00] =	vst v63  }
0xc8: {  	_ =	swait.ge [sflag:s10], $0x800  }
0xc9: {  	[sflag:s10] =	ssyncset.done $0x0  }
0xca: {  	[sflag:s10] =	ssyncadd.s32 $0xFFFFF800  }
0xcb: {  	_ =	swait.ge [sflag:s11], $0x800  }
0xcc: {  	[sflag:s11] =	ssyncset.done $0x0  }
0xcd: {  	s29 =	simm.s32 $0x4D80;
	[sflag:s11] =	ssyncadd.s32 $0xFFFFF800  }
0xce: {  	[spmem:s3] =	stream.indirect.scatter.add.f32 [tilespmem:s21], [sflag:$0x9], $0x10, s29, s15, $0xb8;
	[tilespmem:$0xDF00] =	vst v63  }
0xcf: {  	_ =	swait.ge [sflag:s10], $0x800  }
0xd0: {  	[sflag:s10] =	ssyncset.done $0x0  }
0xd1: {  	[sflag:s10] =	ssyncadd.s32 $0xFFFFF800  }
0xd2: {  	_ =	swait.ge [sflag:s18], $0x800  }
0xd3: {  	[sflag:s18] =	ssyncset.done $0x0  }
0xd4: {  	s6 =	simm.s32 $0x4E00;
	[sflag:s18] =	ssyncadd.s32 $0xFFFFF800  }
0xd5: {  	[spmem:s3] =	stream.indirect.scatter.add.f32 [tilespmem:s23], [sflag:$0x9], $0x10, s6, s15, $0xb8;
	[tilespmem:$0xDF00] =	vst v63  }
0xd6: {  	_ =	swait.ge [sflag:s10], $0x800  }
0xd7: {  	[sflag:s10] =	ssyncset.done $0x0  }
0xd8: {  	[sflag:s10] =	ssyncadd.s32 $0xFFFFF800  }
0xd9: {  	_ =	swait.ge [sflag:s20], $0x800  }
0xda: {  	[sflag:s20] =	ssyncset.done $0x0  }
0xdb: {  	s29 =	simm.s32 $0x4E80;
	[sflag:s20] =	ssyncadd.s32 $0xFFFFF800  }
0xdc: {  	[spmem:s3] =	stream.indirect.scatter.add.f32 [tilespmem:s25], [sflag:$0x9], $0x10, s29, s15, $0xb8;
	[tilespmem:$0xDF00] =	vst v63  }
0xdd: {  	_ =	swait.ge [sflag:s10], $0x800  }
0xde: {  	[sflag:s10] =	ssyncset.done $0x0  }
0xdf: {  	[sflag:s10] =	ssyncadd.s32 $0xFFFFF800  }
0xe0: {  	_ =	swait.ge [sflag:s22], $0x800  }
0xe1: {  	[sflag:s22] =	ssyncset.done $0x0  }
0xe2: {  	s6 =	simm.s32 $0x4F00;
	[sflag:s22] =	ssyncadd.s32 $0xFFFFF800  }
0xe3: {  	[spmem:s3] =	stream.indirect.scatter.add.f32 [tilespmem:s28], [sflag:$0x9], $0x10, s6, s15, $0xb8;
	[tilespmem:$0xDF00] =	vst v63  }
0xe4: {  	_ =	swait.ge [sflag:s10], $0x800  }
0xe5: {  	[sflag:s10] =	ssyncset.done $0x0  }
0xe6: {  	[sflag:s10] =	ssyncadd.s32 $0xFFFFF800  }
0xe7: {  	_ =	swait.ge [sflag:s24], $0x800  }
0xe8: {  	[sflag:s24] =	ssyncset.done $0x0  }
0xe9: {  	s29 =	simm.s32 $0x4F80;
	[sflag:s24] =	ssyncadd.s32 $0xFFFFF800  }
0xea: {  	[spmem:s3] =	stream.indirect.scatter.add.f32 [tilespmem:s30], [sflag:$0x9], $0x10, s29, s15, $0xb8;
	[tilespmem:$0xDF00] =	vst v63  }
0xeb: {  	_ =	swait.ge [sflag:s10], $0x800  }
0xec: {  	s26 =	sadd.s32 $0x1, s26;
	[sflag:s10] =	ssyncset.done $0x0  }
0xed: {  	p0 =	sne.s32 s26, s9;
	[sflag:s10] =	ssyncadd.s32 $0xFFFFF800  }
.Ltmp1:
0xee: {  	[bflag:$0x0] =	sbarrier.arrive $0xFFFF;
	(pc) =	sbr.rel @p0 .LBB2_1-.Ltmp1, $4  }
0xef: {  	[hbm:s8], [sflag:s12] =	dma.local [spmem:s14], $0x4F0  }
0xf0: {  	_ =	swait.ge [sflag:s10], $0x4F0  }
0xf1: {  	[sflag:s10] =	ssyncset.done $0x0  }
0xf2: {  	[sflag:s10] =	ssyncadd.s32 $0xFFFFFB10  }
0xf3: {  	_ =	sfence.sel $0x180000  }
0xf4: {  	[bflag:$0x0] =	sbarrier.arrive $0xFFFF  }
0xf5: {  	_ =	strace $0x9000004D  }
0xf6: {  	s0 =	stileid.u32;
	[bflag:$0x2] =	sbarrier.arrive $0xFFFF  }
0xf7: {  	p0 =	sne.s32 s0, $0x0;
	s0 =	rddreg [dreg:$0x3]  }
0xf8: {  	s0 =	sadd.s32 @!p0 $0x100000, s0  }
0xf9: {  	[sflag:s0] =	ssyncadd.tile.s32 @!p0 $0x1;
	_ =	shalt  }
.Lfunc_end2:
_tile_overlayer_lowered:
.L_overlay_start_2:
0xfa: {  	(tag) =	ssettag $0x2  }
0xfb: {  	s0 =	rddreg [dreg:$0x0];
	s2 =	stileid.u32  }
0xfc: {  	s1 =	rddreg [dreg:$0x1];
	p0 =	sne.s32 s2, $0x0  }
0xfd: {  	s3 =	rddreg [dreg:$0x2];
	[bflag:$0x3] =	sbarrier.arrive $0xFFFF;
	s2 =	simm.s32 @!p0 $0x1C09  }
0xfe: {  	[timem:s3], [sflag:s2] =	dma.local @!p0 [hbm:s0], s1  }
0xff: {  	s0 =	simm.s32 @!p0 $0x9  }
0x100: {  	_ =	swait.ge @!p0 [sflag:s0], s1  }
0x101: {  	s1 =	ssub.s32 @!p0 $0x0, s1;
	[sflag:s0] =	ssyncset.done @!p0 $0x0  }
0x102: {  	[sflag:s0] =	ssyncadd.s32 @!p0 s1  }
0x103: {  	[bflag:$0x3] =	sbarrier.arrive $0xFFFF  }
0x104: {  	_ =	shalt  }

// kernel: kernel.19.cloned.1.call-start
scs
__scs_entry_jumppad:
0x0: {  	(pc) =	sbr.rel $0x88, $3  }
0x1: {  	(tag) =	ssettag $0x0;
	lr =	simm.s32 $0x1  }
0x2: {  	[smem:$0x3F99] =	sst lr;
	_ =	strace $0xD0000000  }
0x3: {  	_ = 	snop  }
0x4: {  	_ = 	snop  }
0x5: {  	_ = 	snop  }
0x6: {  	_ = 	snop  }
0x7: {  	_ = 	snop  }
__scs_overlays_trampoline_lowered:
0x8: {  	[smem:$0x3FA8] =	sst s0  }
0x9: {  	[smem:$0x3FA9] =	sst s1  }
0xa: {  	[smem:$0x3FAA] =	sst s2  }
0xb: {  	[smem:$0x3FAB] =	sst s3  }
0xc: {  	[smem:$0x3FAC] =	sst s4  }
0xd: {  	[smem:$0x3FAD] =	sst s5  }
0xe: {  	[smem:$0x3FAE] =	sst s6  }
0xf: {  	[smem:$0x3FAF] =	sst s7  }
0x10: {  	[smem:$0x3FB0] =	sst s8  }
0x11: {  	[smem:$0x3FB1] =	sst s9;
	s0 =	simm.s32 @!p0 $0x0  }
0x12: {  	s1 =	sld [smem:$0x3F97];
	s0 =	simm.s32 @p0 $0x1  }
0x13: {  	[smem:$0x3FB2] =	sst s0;
	s0 =	simm.s32 @!p1 $0x0  }
0x14: {  	s2 =	sld [smem:$0x3F96];
	s0 =	simm.s32 @p1 $0x1  }
0x15: {  	[smem:$0x3FB3] =	sst s0;
	s0 =	simm.s32 @!p2 $0x0  }
0x16: {  	s3 =	sld [smem:$0x3FDB];
	s0 =	simm.s32 @p2 $0x1  }
0x17: {  	s4 =	simm.s32 $0x1BF5;
	[smem:$0x3FB5] =	sst s0  }
0x18: {  	s0 =	sld [smem:$0x3F98];
	_ =	swait.ge [sflag:s4], $0x0  }
0x19: {  	s7 =	sld [smem:$0x3F99]  }
0x1a: {  	s8 =	sadd.s32 $0xFFFFE003, lr  }
0x1b: {  	s9 =	sadd.s32 $0xFFFFFEF7, lr;
	s5 =	simm.s32 $0xFFFFFFFF;
	p2 =	slt.u32 s8, $0xFFFFF086  }
0x1c: {  	p1 =	slt.u32 s9, $0xF7A;
	s5 =	simm.s32 @!p2 $0x0  }
0x1d: {  	s5 =	simm.s32 @p1 $0x1;
	p0 =	seq.s32 s7, s2  }
0x1e: {  	s7 =	smul.u32 @!p0 $0xF7A, s2;
	p2 =	seq.s32 @!p0 s5, $0x0  }
0x1f: {  	s9 =	smul.u32 $0xF7A, s1;
	s8 =	simm.s32 @!p0 $0x1BF5;
	p2 =	por !p2, p0  }
0x20: {  	[sflag:s8] =	ssyncset.s32 @!p0 $0xFFFFF086;
	s6 =	sadd.s32 @!p0 s3, s7;
	s7 =	simm.s32 @!p0 $0x108  }
0x21: {  	s3 =	sadd.s32 s3, s9;
	s6 =	sadd.s32 @!p0 $0x88, s6;
	s7 =	simm.s32 @p2 $0x1082  }
0x22: {  	[simem:s7], [sflag:s8] =	dma.local @!p0 [hbm:s6], $0xF7A  }
0x23: {  	s9 =	sor.u32 $0xD0000000, s2;
	s6 =	simm.s32 $0x108;
	_ =	swait.ge @!p0 [sflag:s8], $0x0  }
0x24: {  	s3 =	sadd.s32 $0x88, s3;
	s6 =	simm.s32 @!p1 $0x1082;
	[sflag:s4] =	ssyncset.s32 $0xFFFFF086  }
0x25: {  	[simem:s6], [sflag:s4] =	dma.local [hbm:s3], $0xF7A  }
0x26: {  	[smem:$0x3F99] =	sst s1;
	(tag) =	ssettag s2;
	_ =	strace s9  }
0x27: {  	s1 =	sld [smem:$0x3FA9]  }
0x28: {  	s2 =	sld [smem:$0x3FAA]  }
0x29: {  	s4 =	sld [smem:$0x3FAC]  }
0x2a: {  	p0 =	seq.s32 s5, $0x0;
	s5 =	sld [smem:$0x3FAD]  }
0x2b: {  	s6 =	sld [smem:$0x3FAE]  }
0x2c: {  	s7 =	sld [smem:$0x3FAF]  }
0x2d: {  	s3 =	simm.s32 $0x108;
	s8 =	sld [smem:$0x3FB0]  }
0x2e: {  	s3 =	simm.s32 @!p0 $0x1082;
	s9 =	sld [smem:$0x3FB1]  }
0x2f: {  	lr =	sadd.s32 s0, s3;
	s0 =	sld [smem:$0x3FA8]  }
0x30: {  	s3 =	sld [smem:$0x3FAB]  }
0x31: {  	[smem:$0x3FB4] =	sst s10  }
0x32: {  	s10 =	sld [smem:$0x3FB2];
	_ =	sdelay $0x3  }
0x33: {  	p0 =	seq.s32 s10, $0x1;
	s10 =	sld [smem:$0x3FB4];
	_ =	sdelay $0x3  }
0x34: {  	[smem:$0x3FB4] =	sst s10  }
0x35: {  	s10 =	sld [smem:$0x3FB3];
	_ =	sdelay $0x3  }
0x36: {  	p1 =	seq.s32 s10, $0x1;
	s10 =	sld [smem:$0x3FB4];
	_ =	sdelay $0x3  }
0x37: {  	[smem:$0x3FB4] =	sst s10  }
0x38: {  	s10 =	sld [smem:$0x3FB5]  }
0x39: {  	_ = 	snop;
	(pc) =	sbr.ind lr, $3  }
0x3a: {  	_ = 	snop  }
0x3b: {  	_ = 	snop  }
0x3c: {  	p2 =	seq.s32 s10, $0x1;
	s10 =	sld [smem:$0x3FB4]  }
0x3d: {  	_ =	shalt  }
0x3e: {  	_ =	shalt  }
0x3f: {  	_ =	shalt  }
0x40: {  	_ =	shalt  }
0x41: {  	_ =	shalt  }
0x42: {  	_ =	shalt  }
0x43: {  	_ =	shalt  }
0x44: {  	_ =	shalt  }
0x45: {  	_ =	shalt  }
0x46: {  	_ =	shalt  }
0x47: {  	_ =	shalt  }
0x48: {  	_ =	shalt  }
0x49: {  	_ =	shalt  }
0x4a: {  	_ =	shalt  }
0x4b: {  	_ =	shalt  }
0x4c: {  	_ =	shalt  }
0x4d: {  	_ =	shalt  }
0x4e: {  	_ =	shalt  }
0x4f: {  	_ =	shalt  }
0x50: {  	_ =	shalt  }
0x51: {  	_ =	shalt  }
0x52: {  	_ =	shalt  }
0x53: {  	_ =	shalt  }
0x54: {  	_ =	shalt  }
0x55: {  	_ =	shalt  }
0x56: {  	_ =	shalt  }
0x57: {  	_ =	shalt  }
0x58: {  	_ =	shalt  }
0x59: {  	_ =	shalt  }
0x5a: {  	_ =	shalt  }
0x5b: {  	_ =	shalt  }
0x5c: {  	_ =	shalt  }
0x5d: {  	_ =	shalt  }
0x5e: {  	_ =	shalt  }
0x5f: {  	_ =	shalt  }
0x60: {  	_ =	shalt  }
0x61: {  	_ =	shalt  }
0x62: {  	_ =	shalt  }
0x63: {  	_ =	shalt  }
0x64: {  	_ =	shalt  }
0x65: {  	_ =	shalt  }
0x66: {  	_ =	shalt  }
0x67: {  	_ =	shalt  }
0x68: {  	_ =	shalt  }
0x69: {  	_ =	shalt  }
0x6a: {  	_ =	shalt  }
0x6b: {  	_ =	shalt  }
0x6c: {  	_ =	shalt  }
0x6d: {  	_ =	shalt  }
0x6e: {  	_ =	shalt  }
0x6f: {  	_ =	shalt  }
0x70: {  	_ =	shalt  }
0x71: {  	_ =	shalt  }
0x72: {  	_ =	shalt  }
0x73: {  	_ =	shalt  }
0x74: {  	_ =	shalt  }
0x75: {  	_ =	shalt  }
0x76: {  	_ =	shalt  }
0x77: {  	_ =	shalt  }
0x78: {  	_ =	shalt  }
0x79: {  	_ =	shalt  }
0x7a: {  	_ =	shalt  }
0x7b: {  	_ =	shalt  }
0x7c: {  	_ =	shalt  }
0x7d: {  	_ =	shalt  }
0x7e: {  	_ =	shalt  }
0x7f: {  	_ =	shalt  }
0x80: {  	_ =	shalt  }
0x81: {  	_ =	shalt  }
0x82: {  	_ =	shalt  }
0x83: {  	_ =	shalt  }
0x84: {  	_ =	shalt  }
0x85: {  	_ =	shalt  }
0x86: {  	_ =	shalt  }
0x87: {  	_ =	shalt  }
.Lfunc_end0:
.L_simem_size_0:
called_computation.3_lowered:
.L_overlay_start_0:
0x88: {  	s2 =	sld [smem:$0x3FD9]  }
0x89: {  	s3 =	sld [smem:$0x3FFE];
	_ =	sdelay $0x1  }
0x8a: {  	s1 =	srdreg.scid  }
0x8b: {  	s0 =	sand.u32 $0x1, s1  }
0x8c: {  	s16 =	sshll.u32 s0, $0xA;
	s2 =	sadd.s32 s3, s2  }
0x8d: {  	s2 =	sadd.s32 s2, s16  }
0x8e: {  	[smem:$0x3FC0] =	sst s2  }
0x8f: {  	_ = 	snop  }
0x90: {  	(tm) =	ssettm $0x1  }
0x91: {  	s17 =	sld [smem:$0x3FFB];
	_ =	sdelay $0x3  }
0x92: {  	_ =	strace s17  }
0x93: {  	s2 =	sld [smem:$0x3FFC];
	_ =	sdelay $0x3  }
0x94: {  	_ =	strace s2  }
0x95: {  	s2 =	sld [smem:$0x3FFD];
	_ =	sdelay $0x3  }
0x96: {  	_ =	strace s2  }
0x97: {  	_ =	strace $0x8FFFFFFF  }
0x98: {  	s18 =	sld [smem:$0x3FDB];
	_ =	sdelay $0x1  }
0x99: {  	s19 =	simm.s32 $_scs_section_size  }
0x9a: {  	s4 =	simm.s32 $_size__tile_overlayer_lowered;
	s5 =	simm.s32 $_tile_overlayer_lowered  }
0x9b: {  	s22 =	simm.s32 $0x1BFF;
	s21 =	sshll.u32 s5, $0x1;
	s2 =	sadd.s32 s19, s18  }
0x9c: {  	s6 =	simm.s32 $0x0;
	s20 =	sshll.u32 s4, $0x1;
	s4 =	sadd.s32 s21, s2  }
0x9d: {  	[timem:s6], [sflag:s22] =	dma.local [hbm:s4], s20  }
0x9e: {  	_ =	swait.ge [sflag:s22], s20  }
0x9f: {  	s3 =	ssub.s32 $0x0, s20;
	[sflag:s22] =	ssyncset.done $0x0  }
0xa0: {  	[sflag:s22] =	ssyncadd.s32 s3;
	_ =	sdelay $0x1  }
0xa1: {  	s23 =	simm.s32 $0x1B8B  }
0xa2: {  	_ =	swait.ge [sflag:s23], $0x1  }
0xa3: {  	[sflag:s23] =	ssyncset.done $0x0  }
0xa4: {  	s25 =	simm.s32 $0x1B8E;
	s24 =	sld [smem:$0x3FFE];
	[sflag:s23] =	ssyncadd.s32 $0xFFFFFFFF  }
0xa5: {  	s26 =	simm.s32 $execute0_lowered;
	[smem:$0x3FD2] =	sst s25  }
0xa6: {  	s4 =	sshll.u32 s26, $0x1;
	_ =	strace $0x8000004F;
	[dreg:$0x1] =	wrdreg $0xFFFFFFFF  }
0xa7: {  	s28 =	simm.s32 $_size_execute0_lowered;
	s2 =	sadd.s32 s2, s4;
	[dreg:$0x0] =	wrdreg $0x0  }
0xa8: {  	s4 =	sshll.u32 s28, $0x1;
	[dreg:$0x2] =	wrdreg s2  }
0xa9: {  	[dreg:$0x3] =	wrdreg s4  }
0xaa: {  	[dreg:$0x4] =	wrdreg $0xC0  }
0xab: {  	_ =	task [dreg:s6], $0x5FFFF  }
0xac: {  	[dreg:$0x1] =	wrdreg $0xFFFFFFFF  }
0xad: {  	[dreg:$0x0] =	wrdreg $0x60  }
0xae: {  	[dreg:$0x2] =	wrdreg s24  }
0xaf: {  	[dreg:$0x3] =	wrdreg $0x90000  }
0xb0: {  	[dreg:$0x4] =	wrdreg $0xB7800  }
0xb1: {  	[dreg:$0x5] =	wrdreg $0x9  }
0xb2: {  	_ =	task.clear_ibuf [dreg:s6], $0x6FFFF;
	_ =	strace $0x9000004F  }
0xb3: {  	s29 =	simm.s32 $0x9;
	_ =	strace $0x80000051  }
0xb4: {  	_ =	swait.ge [sflag:s29], $0x1  }
0xb5: {  	[sflag:s29] =	ssyncadd.s32 $0xFFFFFFFF  }
0xb6: {  	_ =	strace $0x90000051  }
0xb7: {  	_ =	sfence  }
0xb8: {  	s30 =	sld [smem:$0x0];
	_ =	sdelay $0x2  }
0xb9: {  	s31 =	sshll.u32 s1, $0xD;
	s1 =	sshrl.u32 s1, $0x2  }
0xba: {  	s3 =	sand.u32 $0x4000, s31;
	s1 =	sadd.s32 s1, s30  }
0xbb: {  	s0 =	sor.u32 s3, s0;
	s1 =	sshll.u32 s1, $0x11  }
0xbc: {  	s0 =	sor.u32 s1, s0  }
0xbd: {  	s0 =	sadd.s32 $0x8F2B, s0  }
0xbe: {  	[sflag:s0] =	ssyncadd.remote.s32 $0x1  }
0xbf: {  	_ =	sfence.sel $0xFFFF  }
0xc0: {  	[dreg:$0x0] =	wrdreg $0xFFFFFFFF;
	(pc) =	sbr.abs _section_cstart, $3  }
0xc1: {  	[dreg:$0x1] =	wrdreg $0xFFFFFFFF  }
0xc2: {  	_ =	task.clear_ibuf [dreg:s6], $0x2FFFF;
	_ =	strace $0x9FFFFFFF  }
0xc3: {  	(tm) =	ssettm $0x7FFFFFFF  }
tec
execute0_lowered:
.L_overlay_start_1:
0x0: {  	(tag) =	ssettag $0x1  }
0x1: {  	s0 =	srdreg.scid;
	s1 =	rddreg [dreg:$0x0]  }
0x2: {  	s12 =	stileid.u32;
	s2 =	rddreg [dreg:$0x1]  }
0x3: {  	s10 =	simm.s32 $0x9;
	s15 =	simm.s32 $0x80;
	s16 =	simm.s32 $0x5000  }
0x4: {  	s17 =	simm.s32 $0x5800;
	s19 =	simm.s32 $0x6000;
	s21 =	simm.s32 $0x6800  }
0x5: {  	s23 =	simm.s32 $0x7000;
	s28 =	simm.s32 $0x8000;
	s30 =	simm.s32 $0x8800  }
0x6: {  	s31 =	simm.s32 $0x1;
	s18 =	simm.s32 $0x5;
	s20 =	simm.s32 $0x6  }
0x7: {  	s22 =	simm.s32 $0x7;
	s24 =	simm.s32 $0x8;
	s0 =	sand.u32 $0x1, s0  }
0x8: {  	s3 =	sshll.u32 s12, $0x1;
	s8 =	smul.u32 $0x2780, s12;
	s29 =	sshll.u32 s12, $0x6  }
0x9: {  	s4 =	sor.u32 s0, s3;
	s3 =	rddreg [dreg:$0x2];
	s6 =	smul.u32 $0x27800, s0  }
0xa: {  	s0 =	ssub.s32 $0x2, s0;
	s12 =	sor.u32 $0x1C09, s29;
	s5 =	smul.u32 $0x500, s4  }
0xb: {  	s4 =	simm.s32 $0x0;
	s7 =	sshrl.u32 s8, $0x3;
	s9 =	sshrl.u32 s0, $0x1  }
0xc: {  	s26 =	sadd.s32 s8, s2;
	s11 =	sadd.s32 s8, s3;
	[smem:$0x7FF] =	sst s4  }
0xd: {  	s6 =	sadd.s32 s8, s6;
	s7 =	sadd.s32 s7, s1;
	s0 =	ssub.s32 s0, s9  }
0xe: {  	s13 =	sshrl.u32 s26, $0x3;
	s14 =	sshrl.u32 s11, $0x3;
	s11 =	simm.s32 $0x4  }
0xf: {  	s26 =	simm.s32 $0x0;
	_ =	strace $0x80000050;
	s5 =	sadd.s32 s5, s1  }
0x10: {  	s6 =	sshrl.u32 s6, $0x3;
	s7 =	sadd.s32 $0xB400, s7;
	s25 =	sadd.s32 $0x65200, s5  }
0x11: {  	s9 =	smax.u32 s0, $0x1;
	s5 =	sadd.s32 $0x1400, s5;
	[dreg:$0x4] =	wrdreg s25  }
0x12: {  	s0 =	simm.s32 $0x3;
	s1 =	sadd.s32 s6, s1;
	[dreg:$0x5] =	wrdreg s5  }
0x13: {  	s8 =	sadd.s32 $0x10400, s1;
	s25 =	simm.s32 $0x7800;
	s1 =	simm.s32 $0x2  }
.LBB2_1:
0x14: {  	s5 =	rddreg [dreg:$0x4]  }
0x15: {  	[tilespmem:s4], [sflag:$0x9] =	stream.linear.gather [hbm4b:s5+s4], $0x2800, $0x38;
	[tilespmem:$0xDF00] =	vst v63  }
0x16: {  	_ =	swait.ge [sflag:s10], $0x2800  }
0x17: {  	[sflag:s10] =	ssyncset.done $0x0  }
0x18: {  	s6 =	simm.s32 $0x2800;
	s5 =	rddreg [dreg:$0x5];
	[sflag:s10] =	ssyncadd.s32 $0xFFFFD800  }
0x19: {  	[tilespmem:s6], [sflag:$0x9] =	stream.linear.gather [hbm4b:s5+s4], $0x2800, $0x38;
	[tilespmem:$0xDF00] =	vst v63  }
0x1a: {  	_ =	swait.ge [sflag:s10], $0x2800  }
0x1b: {  	[sflag:s10] =	ssyncset.done $0x0  }
0x1c: {  	[sflag:s10] =	ssyncadd.s32 $0xFFFFD800  }
0x1d: {  	[spmem:s13], [sflag:s12] =	dma.local [hbm:s7], $0x4F0  }
0x1e: {  	_ =	swait.ge [sflag:s10], $0x4F0  }
0x1f: {  	[sflag:s10] =	ssyncset.done $0x0  }
0x20: {  	[sflag:s10] =	ssyncadd.s32 $0xFFFFFB10  }
0x21: {  	[spmem:s14], [sflag:s12] =	dma.local [hbm:s7], $0x4F0  }
0x22: {  	_ =	swait.ge [sflag:s10], $0x4F0  }
0x23: {  	[sflag:s10] =	ssyncset.done $0x0  }
0x24: {  	[sflag:s10] =	ssyncadd.s32 $0xFFFFFB10  }
0x25: {  	[bflag:$0x0] =	sbarrier.arrive $0xFFFF  }
0x26: {  	[tilespmem:s16], [sflag:$0x1] =	stream.indirect.gather [spmem:s2], $0x10, s4, s15, $0xb8;
	[tilespmem:$0xDF00] =	vst v63  }
0x27: {  	_ = 	snop  }
0x28: {  	[tilespmem:s17], [sflag:$0x2] =	stream.indirect.gather [spmem:s2], $0x10, s15, s15, $0xb8;
	[tilespmem:$0xDF00] =	vst v63  }
0x29: {  	s6 =	simm.s32 $0x100  }
0x2a: {  	[tilespmem:s19], [sflag:$0x3] =	stream.indirect.gather [spmem:s2], $0x10, s6, s15, $0xb8;
	[tilespmem:$0xDF00] =	vst v63  }
0x2b: {  	s6 =	simm.s32 $0x180  }
0x2c: {  	[tilespmem:s21], [sflag:$0x4] =	stream.indirect.gather [spmem:s2], $0x10, s6, s15, $0xb8;
	[tilespmem:$0xDF00] =	vst v63  }
0x2d: {  	s6 =	simm.s32 $0x200  }
0x2e: {  	[tilespmem:s23], [sflag:$0x5] =	stream.indirect.gather [spmem:s2], $0x10, s6, s15, $0xb8;
	[tilespmem:$0xDF00] =	vst v63  }
0x2f: {  	s6 =	simm.s32 $0x280  }
0x30: {  	[tilespmem:s25], [sflag:$0x6] =	stream.indirect.gather [spmem:s2], $0x10, s6, s15, $0xb8;
	[tilespmem:$0xDF00] =	vst v63  }
0x31: {  	s6 =	simm.s32 $0x300  }
0x32: {  	[tilespmem:s28], [sflag:$0x7] =	stream.indirect.gather [spmem:s2], $0x10, s6, s15, $0xb8;
	[tilespmem:$0xDF00] =	vst v63  }
0x33: {  	s6 =	simm.s32 $0x380  }
0x34: {  	[tilespmem:s30], [sflag:$0x8] =	stream.indirect.gather [spmem:s2], $0x10, s6, s15, $0xb8;
	[tilespmem:$0xDF00] =	vst v63  }
0x35: {  	_ =	swait.ge [sflag:s31], $0x800  }
0x36: {  	[sflag:s31] =	ssyncset.done $0x0  }
0x37: {  	s6 =	simm.s32 $0x2800;
	[sflag:s31] =	ssyncadd.s32 $0xFFFFF800  }
0x38: {  	[spmem:s3] =	stream.indirect.scatter.add.f32 [tilespmem:s16], [sflag:$0x9], $0x10, s6, s15, $0xb8;
	[tilespmem:$0xDF00] =	vst v63  }
0x39: {  	_ =	swait.ge [sflag:s10], $0x800  }
0x3a: {  	[sflag:s10] =	ssyncset.done $0x0  }
0x3b: {  	s6 =	simm.s32 $0x400;
	[sflag:s10] =	ssyncadd.s32 $0xFFFFF800  }
0x3c: {  	[tilespmem:s16], [sflag:$0x1] =	stream.indirect.gather [spmem:s2], $0x10, s6, s15, $0xb8;
	[tilespmem:$0xDF00] =	vst v63  }
0x3d: {  	_ =	swait.ge [sflag:s1], $0x800  }
0x3e: {  	[sflag:s1] =	ssyncset.done $0x0  }
0x3f: {  	s6 =	simm.s32 $0x2880;
	[sflag:s1] =	ssyncadd.s32 $0xFFFFF800  }
0x40: {  	[spmem:s3] =	stream.indirect.scatter.add.f32 [tilespmem:s17], [sflag:$0x9], $0x10, s6, s15, $0xb8;
	[tilespmem:$0xDF00] =	vst v63  }
0x41: {  	_ =	swait.ge [sflag:s10], $0x800  }
0x42: {  	[sflag:s10] =	ssyncset.done $0x0  }
0x43: {  	s6 =	simm.s32 $0x480;
	[sflag:s10] =	ssyncadd.s32 $0xFFFFF800  }
0x44: {  	[tilespmem:s17], [sflag:$0x2] =	stream.indirect.gather [spmem:s2], $0x10, s6, s15, $0xb8;
	[tilespmem:$0xDF00] =	vst v63  }
0x45: {  	_ =	swait.ge [sflag:s0], $0x800  }
0x46: {  	[sflag:s0] =	ssyncset.done $0x0  }
0x47: {  	s6 =	simm.s32 $0x2900;
	[sflag:s0] =	ssyncadd.s32 $0xFFFFF800  }
0x48: {  	[spmem:s3] =	stream.indirect.scatter.add.f32 [tilespmem:s19], [sflag:$0x9], $0x10, s6, s15, $0xb8;
	[tilespmem:$0xDF00] =	vst v63  }
0x49: {  	_ =	swait.ge [sflag:s10], $0x800  }
0x4a: {  	[sflag:s10] =	ssyncset.done $0x0  }
0x4b: {  	s6 =	simm.s32 $0x500;
	[sflag:s10] =	ssyncadd.s32 $0xFFFFF800  }
0x4c: {  	[tilespmem:s19], [sflag:$0x3] =	stream.indirect.gather [spmem:s2], $0x10, s6, s15, $0xb8;
	[tilespmem:$0xDF00] =	vst v63  }
0x4d: {  	_ =	swait.ge [sflag:s11], $0x800  }
0x4e: {  	[sflag:s11] =	ssyncset.done $0x0  }
0x4f: {  	s6 =	simm.s32 $0x2980;
	[sflag:s11] =	ssyncadd.s32 $0xFFFFF800  }
0x50: {  	[spmem:s3] =	stream.indirect.scatter.add.f32 [tilespmem:s21], [sflag:$0x9], $0x10, s6, s15, $0xb8;
	[tilespmem:$0xDF00] =	vst v63  }
0x51: {  	_ =	swait.ge [sflag:s10], $0x800  }
0x52: {  	[sflag:s10] =	ssyncset.done $0x0  }
0x53: {  	s6 =	simm.s32 $0x580;
	[sflag:s10] =	ssyncadd.s32 $0xFFFFF800  }
0x54: {  	[tilespmem:s21], [sflag:$0x4] =	stream.indirect.gather [spmem:s2], $0x10, s6, s15, $0xb8;
	[tilespmem:$0xDF00] =	vst v63  }
0x55: {  	_ =	swait.ge [sflag:s18], $0x800  }
0x56: {  	[sflag:s18] =	ssyncset.done $0x0  }
0x57: {  	s6 =	simm.s32 $0x2A00;
	[sflag:s18] =	ssyncadd.s32 $0xFFFFF800  }
0x58: {  	[spmem:s3] =	stream.indirect.scatter.add.f32 [tilespmem:s23], [sflag:$0x9], $0x10, s6, s15, $0xb8;
	[tilespmem:$0xDF00] =	vst v63  }
0x59: {  	_ =	swait.ge [sflag:s10], $0x800  }
0x5a: {  	[sflag:s10] =	ssyncset.done $0x0  }
0x5b: {  	s6 =	simm.s32 $0x600;
	[sflag:s10] =	ssyncadd.s32 $0xFFFFF800  }
0x5c: {  	[tilespmem:s23], [sflag:$0x5] =	stream.indirect.gather [spmem:s2], $0x10, s6, s15, $0xb8;
	[tilespmem:$0xDF00] =	vst v63  }
0x5d: {  	_ =	swait.ge [sflag:s20], $0x800  }
0x5e: {  	[sflag:s20] =	ssyncset.done $0x0  }
0x5f: {  	s6 =	simm.s32 $0x2A80;
	[sflag:s20] =	ssyncadd.s32 $0xFFFFF800  }
0x60: {  	[spmem:s3] =	stream.indirect.scatter.add.f32 [tilespmem:s25], [sflag:$0x9], $0x10, s6, s15, $0xb8;
	[tilespmem:$0xDF00] =	vst v63  }
0x61: {  	_ =	swait.ge [sflag:s10], $0x800  }
0x62: {  	[sflag:s10] =	ssyncset.done $0x0  }
0x63: {  	s6 =	simm.s32 $0x680;
	[sflag:s10] =	ssyncadd.s32 $0xFFFFF800  }
0x64: {  	[tilespmem:s25], [sflag:$0x6] =	stream.indirect.gather [spmem:s2], $0x10, s6, s15, $0xb8;
	[tilespmem:$0xDF00] =	vst v63  }
0x65: {  	_ =	swait.ge [sflag:s22], $0x800  }
0x66: {  	[sflag:s22] =	ssyncset.done $0x0  }
0x67: {  	s6 =	simm.s32 $0x2B00;
	[sflag:s22] =	ssyncadd.s32 $0xFFFFF800  }
0x68: {  	[spmem:s3] =	stream.indirect.scatter.add.f32 [tilespmem:s28], [sflag:$0x9], $0x10, s6, s15, $0xb8;
	[tilespmem:$0xDF00] =	vst v63  }
0x69: {  	_ =	swait.ge [sflag:s10], $0x800  }
0x6a: {  	[sflag:s10] =	ssyncset.done $0x0  }
0x6b: {  	s6 =	simm.s32 $0x700;
	[sflag:s10] =	ssyncadd.s32 $0xFFFFF800  }
0x6c: {  	[tilespmem:s28], [sflag:$0x7] =	stream.indirect.gather [spmem:s2], $0x10, s6, s15, $0xb8;
	[tilespmem:$0xDF00] =	vst v63  }
0x6d: {  	_ =	swait.ge [sflag:s24], $0x800  }
0x6e: {  	[sflag:s24] =	ssyncset.done $0x0  }
0x6f: {  	s6 =	simm.s32 $0x2B80;
	[sflag:s24] =	ssyncadd.s32 $0xFFFFF800  }
0x70: {  	[spmem:s3] =	stream.indirect.scatter.add.f32 [tilespmem:s30], [sflag:$0x9], $0x10, s6, s15, $0xb8;
	[tilespmem:$0xDF00] =	vst v63  }
0x71: {  	_ =	swait.ge [sflag:s10], $0x800  }
0x72: {  	[sflag:s10] =	ssyncset.done $0x0  }
0x73: {  	s29 =	simm.s32 $0x1000;
	s5 =	simm.s32 $0x780;
	[sflag:s10] =	ssyncadd.s32 $0xFFFFF800  }
.LBB2_2:
0x74: {  	[tilespmem:s30], [sflag:$0x8] =	stream.indirect.gather [spmem:s2], $0x10, s5, s15, $0xb8;
	[tilespmem:$0xDF00] =	vst v63  }
0x75: {  	s5 =	smov.u32 s29  }
0x76: {  	p0 =	sne.s32 s29, $0x8000;
	s29 =	sadd.s32 $0x1000, s29;
	_ =	swait.ge [sflag:s31], $0x800  }
0x77: {  	s5 =	sshra.s32 s5, $0x2;
	[sflag:s31] =	ssyncset.done $0x0  }
0x78: {  	s6 =	sadd.s32 $0x2800, s5;
	[sflag:s31] =	ssyncadd.s32 $0xFFFFF800  }
0x79: {  	[spmem:s3] =	stream.indirect.scatter.add.f32 [tilespmem:s16], [sflag:$0x9], $0x10, s6, s15, $0xb8;
	[tilespmem:$0xDF00] =	vst v63  }
0x7a: {  	_ =	swait.ge [sflag:s10], $0x800  }
0x7b: {  	[sflag:s10] =	ssyncset.done $0x0  }
0x7c: {  	s6 =	sadd.s32 $0x400, s5;
	[sflag:s10] =	ssyncadd.s32 $0xFFFFF800  }
0x7d: {  	[tilespmem:s16], [sflag:$0x1] =	stream.indirect.gather [spmem:s2], $0x10, s6, s15, $0xb8;
	[tilespmem:$0xDF00] =	vst v63  }
0x7e: {  	_ =	swait.ge [sflag:s1], $0x800  }
0x7f: {  	[sflag:s1] =	ssyncset.done $0x0  }
0x80: {  	s6 =	sadd.s32 $0x2880, s5;
	[sflag:s1] =	ssyncadd.s32 $0xFFFFF800  }
0x81: {  	[spmem:s3] =	stream.indirect.scatter.add.f32 [tilespmem:s17], [sflag:$0x9], $0x10, s6, s15, $0xb8;
	[tilespmem:$0xDF00] =	vst v63  }
0x82: {  	_ =	swait.ge [sflag:s10], $0x800  }
0x83: {  	[sflag:s10] =	ssyncset.done $0x0  }
0x84: {  	s6 =	sadd.s32 $0x480, s5;
	[sflag:s10] =	ssyncadd.s32 $0xFFFFF800  }
0x85: {  	[tilespmem:s17], [sflag:$0x2] =	stream.indirect.gather [spmem:s2], $0x10, s6, s15, $0xb8;
	[tilespmem:$0xDF00] =	vst v63  }
0x86: {  	_ =	swait.ge [sflag:s0], $0x800  }
0x87: {  	[sflag:s0] =	ssyncset.done $0x0  }
0x88: {  	s6 =	sadd.s32 $0x2900, s5;
	[sflag:s0] =	ssyncadd.s32 $0xFFFFF800  }
0x89: {  	[spmem:s3] =	stream.indirect.scatter.add.f32 [tilespmem:s19], [sflag:$0x9], $0x10, s6, s15, $0xb8;
	[tilespmem:$0xDF00] =	vst v63  }
0x8a: {  	_ =	swait.ge [sflag:s10], $0x800  }
0x8b: {  	[sflag:s10] =	ssyncset.done $0x0  }
0x8c: {  	s6 =	sadd.s32 $0x500, s5;
	[sflag:s10] =	ssyncadd.s32 $0xFFFFF800  }
0x8d: {  	[tilespmem:s19], [sflag:$0x3] =	stream.indirect.gather [spmem:s2], $0x10, s6, s15, $0xb8;
	[tilespmem:$0xDF00] =	vst v63  }
0x8e: {  	_ =	swait.ge [sflag:s11], $0x800  }
0x8f: {  	[sflag:s11] =	ssyncset.done $0x0  }
0x90: {  	s6 =	sadd.s32 $0x2980, s5;
	[sflag:s11] =	ssyncadd.s32 $0xFFFFF800  }
0x91: {  	[spmem:s3] =	stream.indirect.scatter.add.f32 [tilespmem:s21], [sflag:$0x9], $0x10, s6, s15, $0xb8;
	[tilespmem:$0xDF00] =	vst v63  }
0x92: {  	_ =	swait.ge [sflag:s10], $0x800  }
0x93: {  	[sflag:s10] =	ssyncset.done $0x0  }
0x94: {  	s6 =	sadd.s32 $0x580, s5;
	[sflag:s10] =	ssyncadd.s32 $0xFFFFF800  }
0x95: {  	[tilespmem:s21], [sflag:$0x4] =	stream.indirect.gather [spmem:s2], $0x10, s6, s15, $0xb8;
	[tilespmem:$0xDF00] =	vst v63  }
0x96: {  	_ =	swait.ge [sflag:s18], $0x800  }
0x97: {  	[sflag:s18] =	ssyncset.done $0x0  }
0x98: {  	s6 =	sadd.s32 $0x2A00, s5;
	[sflag:s18] =	ssyncadd.s32 $0xFFFFF800  }
0x99: {  	[spmem:s3] =	stream.indirect.scatter.add.f32 [tilespmem:s23], [sflag:$0x9], $0x10, s6, s15, $0xb8;
	[tilespmem:$0xDF00] =	vst v63  }
0x9a: {  	_ =	swait.ge [sflag:s10], $0x800  }
0x9b: {  	[sflag:s10] =	ssyncset.done $0x0  }
0x9c: {  	s6 =	sadd.s32 $0x600, s5;
	[sflag:s10] =	ssyncadd.s32 $0xFFFFF800  }
0x9d: {  	[tilespmem:s23], [sflag:$0x5] =	stream.indirect.gather [spmem:s2], $0x10, s6, s15, $0xb8;
	[tilespmem:$0xDF00] =	vst v63  }
0x9e: {  	_ =	swait.ge [sflag:s20], $0x800  }
0x9f: {  	[sflag:s20] =	ssyncset.done $0x0  }
0xa0: {  	s6 =	sadd.s32 $0x2A80, s5;
	[sflag:s20] =	ssyncadd.s32 $0xFFFFF800  }
0xa1: {  	[spmem:s3] =	stream.indirect.scatter.add.f32 [tilespmem:s25], [sflag:$0x9], $0x10, s6, s15, $0xb8;
	[tilespmem:$0xDF00] =	vst v63  }
0xa2: {  	_ =	swait.ge [sflag:s10], $0x800  }
0xa3: {  	[sflag:s10] =	ssyncset.done $0x0  }
0xa4: {  	s6 =	sadd.s32 $0x680, s5;
	[sflag:s10] =	ssyncadd.s32 $0xFFFFF800  }
0xa5: {  	[tilespmem:s25], [sflag:$0x6] =	stream.indirect.gather [spmem:s2], $0x10, s6, s15, $0xb8;
	[tilespmem:$0xDF00] =	vst v63  }
0xa6: {  	_ =	swait.ge [sflag:s22], $0x800  }
0xa7: {  	[sflag:s22] =	ssyncset.done $0x0  }
0xa8: {  	s6 =	sadd.s32 $0x2B00, s5;
	[sflag:s22] =	ssyncadd.s32 $0xFFFFF800  }
0xa9: {  	[spmem:s3] =	stream.indirect.scatter.add.f32 [tilespmem:s28], [sflag:$0x9], $0x10, s6, s15, $0xb8;
	[tilespmem:$0xDF00] =	vst v63  }
0xaa: {  	_ =	swait.ge [sflag:s10], $0x800  }
0xab: {  	[sflag:s10] =	ssyncset.done $0x0  }
0xac: {  	s6 =	sadd.s32 $0x700, s5;
	[sflag:s10] =	ssyncadd.s32 $0xFFFFF800  }
0xad: {  	[tilespmem:s28], [sflag:$0x7] =	stream.indirect.gather [spmem:s2], $0x10, s6, s15, $0xb8;
	[tilespmem:$0xDF00] =	vst v63  }
0xae: {  	_ =	swait.ge [sflag:s24], $0x800  }
0xaf: {  	[sflag:s24] =	ssyncset.done $0x0  }
.Ltmp0:
0xb0: {  	s6 =	sadd.s32 $0x2B80, s5;
	[sflag:s24] =	ssyncadd.s32 $0xFFFFF800;
	(pc) =	sbr.rel @p0 .LBB2_2-.Ltmp0, $4  }
0xb1: {  	[spmem:s3] =	stream.indirect.scatter.add.f32 [tilespmem:s30], [sflag:$0x9], $0x10, s6, s15, $0xb8;
	[tilespmem:$0xDF00] =	vst v63  }
0xb2: {  	_ =	swait.ge [sflag:s10], $0x800  }
0xb3: {  	[sflag:s10] =	ssyncset.done $0x0  }
0xb4: {  	s5 =	sadd.s32 $0x780, s5;
	[sflag:s10] =	ssyncadd.s32 $0xFFFFF800  }
0xb5: {  	[tilespmem:s30], [sflag:$0x8] =	stream.indirect.gather [spmem:s2], $0x10, s5, s15, $0xb8;
	[tilespmem:$0xDF00] =	vst v63  }
0xb6: {  	_ =	swait.ge [sflag:s31], $0x800  }
0xb7: {  	[sflag:s31] =	ssyncset.done $0x0  }
0xb8: {  	s6 =	simm.s32 $0x4C00;
	[sflag:s31] =	ssyncadd.s32 $0xFFFFF800  }
0xb9: {  	[spmem:s3] =	stream.indirect.scatter.add.f32 [tilespmem:s16], [sflag:$0x9], $0x10, s6, s15, $0xb8;
	[tilespmem:$0xDF00] =	vst v63  }
0xba: {  	_ =	swait.ge [sflag:s10], $0x800  }
0xbb: {  	[sflag:s10] =	ssyncset.done $0x0  }
0xbc: {  	[sflag:s10] =	ssyncadd.s32 $0xFFFFF800  }
0xbd: {  	_ =	swait.ge [sflag:s1], $0x800  }
0xbe: {  	[sflag:s1] =	ssyncset.done $0x0  }
0xbf: {  	s29 =	simm.s32 $0x4C80;
	[sflag:s1] =	ssyncadd.s32 $0xFFFFF800  }
0xc0: {  	[spmem:s3] =	stream.indirect.scatter.add.f32 [tilespmem:s17], [sflag:$0x9], $0x10, s29, s15, $0xb8;
	[tilespmem:$0xDF00] =	vst v63  }
0xc1: {  	_ =	swait.ge [sflag:s10], $0x800  }
0xc2: {  	[sflag:s10] =	ssyncset.done $0x0  }
0xc3: {  	[sflag:s10] =	ssyncadd.s32 $0xFFFFF800  }
0xc4: {  	_ =	swait.ge [sflag:s0], $0x800  }
0xc5: {  	[sflag:s0] =	ssyncset.done $0x0  }
0xc6: {  	s6 =	simm.s32 $0x4D00;
	[sflag:s0] =	ssyncadd.s32 $0xFFFFF800  }
0xc7: {  	[spmem:s3] =	stream.indirect.scatter.add.f32 [tilespmem:s19], [sflag:$0x9], $0x10, s6, s15, $0xb8;
	[tilespmem:$0xDF00] =	vst v63  }
0xc8: {  	_ =	swait.ge [sflag:s10], $0x800  }
0xc9: {  	[sflag:s10] =	ssyncset.done $0x0  }
0xca: {  	[sflag:s10] =	ssyncadd.s32 $0xFFFFF800  }
0xcb: {  	_ =	swait.ge [sflag:s11], $0x800  }
0xcc: {  	[sflag:s11] =	ssyncset.done $0x0  }
0xcd: {  	s29 =	simm.s32 $0x4D80;
	[sflag:s11] =	ssyncadd.s32 $0xFFFFF800  }
0xce: {  	[spmem:s3] =	stream.indirect.scatter.add.f32 [tilespmem:s21], [sflag:$0x9], $0x10, s29, s15, $0xb8;
	[tilespmem:$0xDF00] =	vst v63  }
0xcf: {  	_ =	swait.ge [sflag:s10], $0x800  }
0xd0: {  	[sflag:s10] =	ssyncset.done $0x0  }
0xd1: {  	[sflag:s10] =	ssyncadd.s32 $0xFFFFF800  }
0xd2: {  	_ =	swait.ge [sflag:s18], $0x800  }
0xd3: {  	[sflag:s18] =	ssyncset.done $0x0  }
0xd4: {  	s6 =	simm.s32 $0x4E00;
	[sflag:s18] =	ssyncadd.s32 $0xFFFFF800  }
0xd5: {  	[spmem:s3] =	stream.indirect.scatter.add.f32 [tilespmem:s23], [sflag:$0x9], $0x10, s6, s15, $0xb8;
	[tilespmem:$0xDF00] =	vst v63  }
0xd6: {  	_ =	swait.ge [sflag:s10], $0x800  }
0xd7: {  	[sflag:s10] =	ssyncset.done $0x0  }
0xd8: {  	[sflag:s10] =	ssyncadd.s32 $0xFFFFF800  }
0xd9: {  	_ =	swait.ge [sflag:s20], $0x800  }
0xda: {  	[sflag:s20] =	ssyncset.done $0x0  }
0xdb: {  	s29 =	simm.s32 $0x4E80;
	[sflag:s20] =	ssyncadd.s32 $0xFFFFF800  }
0xdc: {  	[spmem:s3] =	stream.indirect.scatter.add.f32 [tilespmem:s25], [sflag:$0x9], $0x10, s29, s15, $0xb8;
	[tilespmem:$0xDF00] =	vst v63  }
0xdd: {  	_ =	swait.ge [sflag:s10], $0x800  }
0xde: {  	[sflag:s10] =	ssyncset.done $0x0  }
0xdf: {  	[sflag:s10] =	ssyncadd.s32 $0xFFFFF800  }
0xe0: {  	_ =	swait.ge [sflag:s22], $0x800  }
0xe1: {  	[sflag:s22] =	ssyncset.done $0x0  }
0xe2: {  	s6 =	simm.s32 $0x4F00;
	[sflag:s22] =	ssyncadd.s32 $0xFFFFF800  }
0xe3: {  	[spmem:s3] =	stream.indirect.scatter.add.f32 [tilespmem:s28], [sflag:$0x9], $0x10, s6, s15, $0xb8;
	[tilespmem:$0xDF00] =	vst v63  }
0xe4: {  	_ =	swait.ge [sflag:s10], $0x800  }
0xe5: {  	[sflag:s10] =	ssyncset.done $0x0  }
0xe6: {  	[sflag:s10] =	ssyncadd.s32 $0xFFFFF800  }
0xe7: {  	_ =	swait.ge [sflag:s24], $0x800  }
0xe8: {  	[sflag:s24] =	ssyncset.done $0x0  }
0xe9: {  	s29 =	simm.s32 $0x4F80;
	[sflag:s24] =	ssyncadd.s32 $0xFFFFF800  }
0xea: {  	[spmem:s3] =	stream.indirect.scatter.add.f32 [tilespmem:s30], [sflag:$0x9], $0x10, s29, s15, $0xb8;
	[tilespmem:$0xDF00] =	vst v63  }
0xeb: {  	_ =	swait.ge [sflag:s10], $0x800  }
0xec: {  	s26 =	sadd.s32 $0x1, s26;
	[sflag:s10] =	ssyncset.done $0x0  }
0xed: {  	p0 =	sne.s32 s26, s9;
	[sflag:s10] =	ssyncadd.s32 $0xFFFFF800  }
.Ltmp1:
0xee: {  	[bflag:$0x0] =	sbarrier.arrive $0xFFFF;
	(pc) =	sbr.rel @p0 .LBB2_1-.Ltmp1, $4  }
0xef: {  	[hbm:s8], [sflag:s12] =	dma.local [spmem:s14], $0x4F0  }
0xf0: {  	_ =	swait.ge [sflag:s10], $0x4F0  }
0xf1: {  	[sflag:s10] =	ssyncset.done $0x0  }
0xf2: {  	[sflag:s10] =	ssyncadd.s32 $0xFFFFFB10  }
0xf3: {  	_ =	sfence.sel $0x180000  }
0xf4: {  	[bflag:$0x0] =	sbarrier.arrive $0xFFFF  }
0xf5: {  	_ =	strace $0x90000050  }
0xf6: {  	s0 =	stileid.u32;
	[bflag:$0x2] =	sbarrier.arrive $0xFFFF  }
0xf7: {  	p0 =	sne.s32 s0, $0x0;
	s0 =	rddreg [dreg:$0x3]  }
0xf8: {  	s0 =	sadd.s32 @!p0 $0x100000, s0  }
0xf9: {  	[sflag:s0] =	ssyncadd.tile.s32 @!p0 $0x1;
	_ =	shalt  }
.Lfunc_end2:
_tile_overlayer_lowered:
.L_overlay_start_2:
0xfa: {  	(tag) =	ssettag $0x2  }
0xfb: {  	s0 =	rddreg [dreg:$0x0];
	s2 =	stileid.u32  }
0xfc: {  	s1 =	rddreg [dreg:$0x1];
	p0 =	sne.s32 s2, $0x0  }
0xfd: {  	s3 =	rddreg [dreg:$0x2];
	[bflag:$0x3] =	sbarrier.arrive $0xFFFF;
	s2 =	simm.s32 @!p0 $0x1C09  }
0xfe: {  	[timem:s3], [sflag:s2] =	dma.local @!p0 [hbm:s0], s1  }
0xff: {  	s0 =	simm.s32 @!p0 $0x9  }
0x100: {  	_ =	swait.ge @!p0 [sflag:s0], s1  }
0x101: {  	s1 =	ssub.s32 @!p0 $0x0, s1;
	[sflag:s0] =	ssyncset.done @!p0 $0x0  }
0x102: {  	[sflag:s0] =	ssyncadd.s32 @!p0 s1  }
0x103: {  	[bflag:$0x3] =	sbarrier.arrive $0xFFFF  }
0x104: {  	_ =	shalt  }

</sc_bundles>
